<compile_context>
chip_gen: v7x
topology: tpu7x:2x2x1
jax: 0.10.2.dev20260603
libtpu: 0.0.44.dev20260713+nightly
codegen_flags: <defaults>
</compile_context>

<pallas_src>
import functools

import jax
import jax.numpy as jnp
from jax import lax
from jax.experimental import pallas as pl
from jax.experimental.pallas import tpu as pltpu
from jax.experimental.pallas import tpu_sc as plsc

N = 10000
E = 320000
R = 8
NB_BASES = 30

NSC = 2
NT = 16
L = 16

CH = 1024
NCHUNK = 10
CPS = NCHUNK // NSC
NPAD = NCHUNK * CH
CHR = CH * R
TRASH = CHR
ROWS_PT = CHR // NT
CROWS = CHR // 128

EPT = E // NT
SEG = 2000
NSEG = EPT // SEG
KB = 128
CAP = 17


def _sc_agg(feat, src, dst, et, zfeat, with_counts):
    mesh = plsc.VectorSubcoreMesh(
        core_axis_name="c", subcore_axis_name="s",
        num_cores=NSC, num_subcores=NT)

    orows = R * NPAD + (NT * R * NPAD // 128 if with_counts else 0)
    out_type = [jax.ShapeDtypeStruct((orows, 128), jnp.float32)]

    @functools.partial(
        pl.kernel,
        out_type=out_type,
        mesh=mesh,
        scratch_types=[
            pltpu.VMEM((SEG,), jnp.int32),
            pltpu.VMEM((SEG,), jnp.int32),
            pltpu.VMEM((SEG,), jnp.int32),
            pltpu.VMEM((SEG,), jnp.int32),
            pltpu.VMEM((SEG,), jnp.int32),
            pltpu.VMEM((SEG,), jnp.int32),
            pltpu.VMEM((CAP, KB), jnp.int32),
            pltpu.VMEM((CAP, KB), jnp.int32),
            pltpu.VMEM((KB, 128), jnp.float32),
            pltpu.VMEM((CROWS + 8, 128), jnp.float32),
            pltpu.SMEM((8,), jnp.int32),
            pltpu.VMEM_SHARED((CHR + 8, 128), jnp.float32),
            pltpu.SemaphoreType.DMA,
            pltpu.SemaphoreType.DMA,
            pltpu.SemaphoreType.DMA,
            pltpu.SemaphoreType.DMA,
        ],
        compiler_params=pltpu.CompilerParams(needs_layout_passes=False),
    )
    def k(feat_h, src_h, dst_h, et_h, zf_h, a_out,
          sbuf0, dbuf0, tbuf0, sbuf1, dbuf1, tbuf1,
          gidx, ridx, rows, cntbuf, ssc, acc_sh,
          sem, esem_s, esem_d, esem_t):
        cid = lax.axis_index("c")
        tid = lax.axis_index("s")
        iota = lax.iota(jnp.int32, L)
        zero16i = jnp.zeros((L,), jnp.int32)
        zero16f = jnp.zeros((L,), jnp.float32)
        ones16f = jnp.ones((L,), jnp.float32)
        trash16 = jnp.full((L,), TRASH, jnp.int32)
        r0 = tid * ROWS_PT

        def fire(b):
            pltpu.async_copy(feat_h.at[gidx.at[b]], rows, sem).wait()
            pltpu.sync_copy(rows, acc_sh.at[ridx.at[b]], add=True)

        B0 = (sbuf0, dbuf0, tbuf0)
        B1 = (sbuf1, dbuf1, tbuf1)

        def eissue(bufs, sg):
            sb = tid * EPT + sg * SEG
            pltpu.async_copy(src_h.at[pl.ds(sb, SEG)], bufs[0], esem_s)
            pltpu.async_copy(dst_h.at[pl.ds(sb, SEG)], bufs[1], esem_d)
            pltpu.async_copy(et_h.at[pl.ds(sb, SEG)], bufs[2], esem_t)

        def ewait(bufs, sg):
            sb = tid * EPT + sg * SEG
            pltpu.make_async_copy(src_h.at[pl.ds(sb, SEG)], bufs[0],
                                  esem_s).wait()
            pltpu.make_async_copy(dst_h.at[pl.ds(sb, SEG)], bufs[1],
                                  esem_d).wait()
            pltpu.make_async_copy(et_h.at[pl.ds(sb, SEG)], bufs[2],
                                  esem_t).wait()

        def chunk_body(ci, carry):
            chunk = cid * CPS + ci
            lo = chunk * CH

            pltpu.sync_copy(zf_h.at[pl.ds(r0, ROWS_PT)],
                            acc_sh.at[pl.ds(r0, ROWS_PT)])

            @pl.when(tid == 0)
            def _():
                pltpu.sync_copy(zf_h.at[pl.ds(TRASH, 8)],
                                acc_sh.at[pl.ds(TRASH, 8)])

            if with_counts:
                pltpu.sync_copy(zf_h.at[pl.ds(0, CROWS + 8)], cntbuf)
            plsc.subcore_barrier()

            def halfround(bufs, off):
                sb_, db_, tb_ = bufs

                def grp(g, off):
                    s = sb_[pl.ds(g * L, L)]
                    d = db_[pl.ds(g * L, L)]
                    t = tb_[pl.ds(g * L, L)]
                    m = (d >= lo) & (d < lo + CH)
                    rl = jnp.where(m, t * CH + (d - lo), TRASH)
                    if with_counts:
                        plsc.addupdate_scatter(cntbuf, [rl >> 7, rl & 127],
                                               ones16f, mask=m)
                    mi = m.astype(jnp.int32)
                    idx = jnp.where(m, off + plsc.cumsum(mi) - 1, 0)
                    plsc.store_scatter(gidx, [idx >> 7, idx & 127], s, mask=m)
                    plsc.store_scatter(ridx, [idx >> 7, idx & 127], rl,
                                       mask=m)
                    return off + jnp.sum(mi)

                off = lax.fori_loop(0, SEG // L, grp, off)

                ssc[0] = off >> 7
                nfull = ssc[0]
                lax.fori_loop(0, nfull, lambda b, c: (fire(b), c)[1],
                              jnp.int32(0))

                base = nfull << 7
                for kk in range(KB // L):
                    pos = base + kk * L + iota
                    pm = pos < off
                    gv = plsc.load_gather(gidx, [pos >> 7, pos & 127],
                                          mask=pm)
                    rv = plsc.load_gather(ridx, [pos >> 7, pos & 127],
                                          mask=pm)
                    dmin = kk * L + iota
                    plsc.store_scatter(gidx, [dmin >> 7, dmin & 127], gv,
                                       mask=pm)
                    plsc.store_scatter(ridx, [dmin >> 7, dmin & 127], rv,
                                       mask=pm)
                return off - base

            def pair(p, off):
                sg0 = 2 * p
                ewait(B0, sg0)
                eissue(B1, sg0 + 1)
                off = halfround(B0, off)
                ewait(B1, sg0 + 1)

                @pl.when(jnp.logical_not((ci == CPS - 1)
                                         & (p == NSEG // 2 - 1)))
                def _():
                    eissue(B0, (sg0 + 2) % NSEG)

                return halfround(B1, off)

            off = lax.fori_loop(0, NSEG // 2, pair, jnp.int32(0))

            pend = ((off + KB - 1) >> 7) << 7
            for kk in range(KB // L):
                pos = off + kk * L + iota
                pm = pos < pend
                plsc.store_scatter(gidx, [pos >> 7, pos & 127], zero16i,
                                   mask=pm)
                plsc.store_scatter(ridx, [pos >> 7, pos & 127], trash16,
                                   mask=pm)

            ssc[1] = off
            offs = ssc[1]

            @pl.when(offs > 0)
            def _():
                fire(jnp.int32(0))

            plsc.subcore_barrier()

            rel = tid // 2
            d0 = rel * NPAD + chunk * CH + (tid % 2) * ROWS_PT
            pltpu.sync_copy(acc_sh.at[pl.ds(r0, ROWS_PT)],
                            a_out.at[pl.ds(d0, ROWS_PT)])
            if with_counts:
                for r in range(R):
                    pltpu.sync_copy(
                        cntbuf.at[pl.ds(r * 8, 8)],
                        a_out.at[pl.ds(R * NPAD + tid * (R * NPAD // 128)
                                       + r * (NPAD // 128)
                                       + chunk * (CH // 128), 8)])
            return carry

        eissue(B0, 0)
        lax.fori_loop(0, CPS, chunk_body, jnp.int32(0))

    return k(feat, src, dst, et, zfeat)


def _wcomb(comp_p, basis_flat):
    cols = basis_flat.shape[1]

    def body(c_ref, b_ref, o_ref):
        o_ref[...] = jnp.dot(c_ref[...], b_ref[...],
                             preferred_element_type=jnp.float32)

    return pl.pallas_call(
        body,
        out_shape=jax.ShapeDtypeStruct((R, cols), jnp.float32),
    )(comp_p, basis_flat)


BLK = 1024


def _conv_matmul(a3, c4, xfeat, w3, root, bias, out_dim, leaky):
    nb = NPAD // BLK

    def body(a_ref, c_ref, x_ref, w_ref, rt_ref, b_ref, o_ref):
        r = pl.program_id(1)

        @pl.when(r == 0)
        def _():
            o_ref[...] = (
                jnp.dot(x_ref[...], rt_ref[...],
                        preferred_element_type=jnp.float32) + b_ref[...])

        a = a_ref[0]
        c = jnp.sum(c_ref[:, 0, :, :], axis=0)
        inv = 1.0 / jnp.maximum(c, 1.0)
        o_ref[...] += jnp.dot(a * inv, w_ref[0],
                              preferred_element_type=jnp.float32)

        if leaky:
            @pl.when(r == R - 1)
            def _():
                v = o_ref[...]
                o_ref[...] = jnp.where(v > 0, v, 0.01 * v)

    return pl.pallas_call(
        body,
        grid=(nb, R),
        in_specs=[
            pl.BlockSpec((1, BLK, 128), lambda i, r: (r, i, 0)),
            pl.BlockSpec((NT, 1, BLK, 1), lambda i, r: (0, r, i, 0)),
            pl.BlockSpec((BLK, 128), lambda i, r: (i, 0)),
            pl.BlockSpec((1, 128, out_dim), lambda i, r: (r, 0, 0)),
            pl.BlockSpec((128, out_dim), lambda i, r: (0, 0)),
            pl.BlockSpec((1, out_dim), lambda i, r: (0, 0)),
        ],
        out_specs=pl.BlockSpec((BLK, out_dim), lambda i, r: (i, 0)),
        out_shape=jax.ShapeDtypeStruct((NPAD, out_dim), jnp.float32),
    )(a3, c4, xfeat, w3, root, bias)


def kernel(x, edge_index, edge_type, comp1, basis1, root1, bias1,
           comp2, basis2, root2, bias2):
    src = edge_index[0].astype(jnp.int32)
    dst = edge_index[1].astype(jnp.int32)
    et = edge_type.astype(jnp.int32)

    xp = jnp.pad(x, ((0, NPAD - N), (0, 0)))
    zfeat = jnp.zeros((CHR + 8, 128), jnp.float32)

    h1 = root1.shape[1]
    zdim = root2.shape[1]

    comp1p = jnp.pad(comp1, ((0, 0), (0, 32 - NB_BASES)))
    comp2p = jnp.pad(comp2, ((0, 0), (0, 32 - NB_BASES)))
    b1f = jnp.pad(basis1.reshape(NB_BASES, 128 * h1), ((0, 2), (0, 0)))
    b2f = jnp.pad(basis2.reshape(NB_BASES, 128 * zdim), ((0, 2), (0, 0)))
    w1 = _wcomb(comp1p, b1f).reshape(R, 128, h1)
    w2 = _wcomb(comp2p, b2f).reshape(R, 128, zdim)

    (o1,) = _sc_agg(x, src, dst, et, zfeat, with_counts=True)
    a1 = o1[:R * NPAD]
    c4 = o1[R * NPAD:].reshape(NT, R, NPAD, 1)
    z1 = _conv_matmul(a1.reshape(R, NPAD, 128), c4,
                      xp, w1, root1, bias1.reshape(1, h1), h1, leaky=True)

    (a2,) = _sc_agg(z1, src, dst, et, zfeat, with_counts=False)
    z2 = _conv_matmul(a2.reshape(R, NPAD, 128), c4,
                      z1, w2, root2, bias2.reshape(1, zdim), zdim,
                      leaky=False)

    return z2[:N]

# --- scband reference (transcript-rebuilt; emitter-appended) ---
"""Pipeline reference for scband-rgcnencoder-61881888801357 (READ-ONLY COPY).

The authoritative reference and input builder live on the scoring server;
editing this copy changes nothing except your own understanding.
"""

import jax, jax.numpy as jnp
import numpy as np

N = 10000
E = 320000
IN_DIM = 128
Z_DIM = 64
R = 8
NB = 30
H1 = Z_DIM * 2  # 128


def setup_inputs(seed: int = 0) -> dict:
    key = jax.random.key(seed)
    ks = jax.random.split(key, 12)
    x = jax.random.normal(ks[0], (N, IN_DIM), dtype=jnp.float32)
    edge_index = jax.random.randint(ks[1], (2, E), 0, N, dtype=jnp.int32)
    edge_type = jax.random.randint(ks[2], (E,), 0, R, dtype=jnp.int32)
    # conv1 params (basis decomposition, num_bases=30)
    basis1 = jax.random.normal(ks[3], (NB, IN_DIM, H1), dtype=jnp.float32) / np.sqrt(IN_DIM)
    comp1 = jax.random.normal(ks[4], (R, NB), dtype=jnp.float32) / np.sqrt(NB)
    root1 = jax.random.normal(ks[5], (IN_DIM, H1), dtype=jnp.float32) / np.sqrt(IN_DIM)
    bias1 = jnp.zeros((H1,), dtype=jnp.float32)
    # conv2 params
    basis2 = jax.random.normal(ks[6], (NB, H1, Z_DIM), dtype=jnp.float32) / np.sqrt(H1)
    comp2 = jax.random.normal(ks[7], (R, NB), dtype=jnp.float32) / np.sqrt(NB)
    root2 = jax.random.normal(ks[8], (H1, Z_DIM), dtype=jnp.float32) / np.sqrt(H1)
    bias2 = jnp.zeros((Z_DIM,), dtype=jnp.float32)
    return {"x": x, "edge_index": edge_index, "edge_type": edge_type,
            "comp1": comp1, "basis1": basis1, "root1": root1, "bias1": bias1,
            "comp2": comp2, "basis2": basis2, "root2": root2, "bias2": bias2}


def rgcn_conv(x, edge_index, edge_type, comp, basis, root, bias):
    # W[r] = sum_b comp[r, b] * basis[b]
    W = jnp.einsum('rb,bio->rio', comp, basis)
    src = edge_index[0]
    dst = edge_index[1]
    xe = jnp.take(x, src, axis=0)  # gather source features [E, in]
    n = x.shape[0]
    out = jnp.zeros((n, root.shape[1]), dtype=x.dtype)
    for r in range(W.shape[0]):
        mask = (edge_type == r).astype(x.dtype)
        m = (xe @ W[r]) * mask[:, None]
        summed = jax.ops.segment_sum(m, dst, num_segments=n)
        cnt = jax.ops.segment_sum(mask, dst, num_segments=n)
        out = out + summed / jnp.clip(cnt, 1.0)[:, None]  # mean aggregation per relation
    out = out + x @ root + bias
    return out


def reference(x, edge_index, edge_type, comp1, basis1, root1, bias1, comp2, basis2, root2, bias2):
    z = rgcn_conv(x, edge_index, edge_type, comp1, basis1, root1, bias1)
    z = jax.nn.leaky_relu(z, negative_slope=0.01)
    z = rgcn_conv(z, edge_index, edge_type, comp2, basis2, root2, bias2)
    return z

if __name__ == "__main__":
    import jax
    _d = setup_inputs()
    print(jax.jit(kernel)(*tuple(_d.values())))

</pallas_src>

<mosaic_0001>
#map = affine_map<(d0, d1) -> (0, 0)>
#map1 = affine_map<(d0, d1) -> (0)>
module attributes {stable_mosaic.version = 14 : i64} {
  func.func @k(%arg0: i32, %arg1: i32, %arg2: memref<10000x128xf32, #tpu.memory_space<hbm>>, %arg3: memref<320000xi32, #tpu.memory_space<hbm>>, %arg4: memref<320000xi32, #tpu.memory_space<hbm>>, %arg5: memref<320000xi32, #tpu.memory_space<hbm>>, %arg6: memref<8200x128xf32, #tpu.memory_space<hbm>>, %arg7: memref<92160x128xf32, #tpu.memory_space<hbm>>, %arg8: memref<2000xi32, #tpu.memory_space<vmem>>, %arg9: memref<2000xi32, #tpu.memory_space<vmem>>, %arg10: memref<2000xi32, #tpu.memory_space<vmem>>, %arg11: memref<2000xi32, #tpu.memory_space<vmem>>, %arg12: memref<2000xi32, #tpu.memory_space<vmem>>, %arg13: memref<2000xi32, #tpu.memory_space<vmem>>, %arg14: memref<17x128xi32, #tpu.memory_space<vmem>>, %arg15: memref<17x128xi32, #tpu.memory_space<vmem>>, %arg16: memref<128x128xf32, #tpu.memory_space<vmem>>, %arg17: memref<72x128xf32, #tpu.memory_space<vmem>>, %arg18: memref<8xi32, #tpu.memory_space<smem>>, %arg19: memref<8200x128xf32, #tpu.memory_space<vmem_shared>>, %arg20: memref<!tpu.dma_semaphore, #tpu.memory_space<semaphore_mem>>, %arg21: memref<!tpu.dma_semaphore, #tpu.memory_space<semaphore_mem>>, %arg22: memref<!tpu.dma_semaphore, #tpu.memory_space<semaphore_mem>>, %arg23: memref<!tpu.dma_semaphore, #tpu.memory_space<semaphore_mem>>) attributes {dimension_semantics = [#tpu.dimension_semantics<core_parallel>, #tpu.dimension_semantics<subcore_parallel>], iteration_bounds = array<i64: 2, 16>, scalar_prefetch = 0 : i64, scratch_operands = 16 : i64, tpu.core_type = #tpu.core_type<sc_vector_subcore>, window_params = [{transform_indices = #map}, {transform_indices = #map1}, {transform_indices = #map1}, {transform_indices = #map1}, {transform_indices = #map}, {transform_indices = #map}]} {
    %iota3A = tpu.iota {dimensions = array<i32: 0>} : vector<16xi32>
    %broadcast_in_dim3A = arith.constant 0 : i32
    %broadcast_in_dim3A_0 = vector.broadcast %broadcast_in_dim3A : i32 to vector<16xi32>
    %broadcast_in_dim3A_1 = arith.constant 0.000000e+00 : f32
    %broadcast_in_dim3A_2 = vector.broadcast %broadcast_in_dim3A_1 : f32 to vector<16xf32>
    %broadcast_in_dim3A_3 = arith.constant 1.000000e+00 : f32
    %broadcast_in_dim3A_4 = vector.broadcast %broadcast_in_dim3A_3 : f32 to vector<16xf32>
    %broadcast_in_dim3A_5 = arith.constant 8192 : i32
    %broadcast_in_dim3A_6 = vector.broadcast %broadcast_in_dim3A_5 : i32 to vector<16xi32>
    %mul3A = arith.constant 512 : i32
    %mul3A_7 = arith.muli %arg1, %mul3A : i32
    %mul3A_8 = arith.constant 20000 : i32
    %mul3A_9 = arith.muli %arg1, %mul3A_8 : i32
    %add3A = arith.constant 0 : i32
    %add3A_10 = arith.addi %mul3A_9, %add3A : i32
    %dma_start3A = tpu.memref_slice %arg3[%add3A_10] : memref<320000xi32, #tpu.memory_space<hbm>> -> memref<2000xi32, #tpu.memory_space<hbm>>
    %dma_start3A_11 = tpu.memref_slice %arg3[%add3A_10] : memref<320000xi32, #tpu.memory_space<hbm>> -> memref<2000xi32, #tpu.memory_space<hbm>>
    tpu.enqueue_dma source(%dma_start3A_11 : memref<2000xi32, #tpu.memory_space<hbm>>) target(%arg8 : memref<2000xi32, #tpu.memory_space<vmem>>) target_semaphore(%arg21 : memref<!tpu.dma_semaphore, #tpu.memory_space<semaphore_mem>>)
    %dma_start3A_12 = tpu.memref_slice %arg4[%add3A_10] : memref<320000xi32, #tpu.memory_space<hbm>> -> memref<2000xi32, #tpu.memory_space<hbm>>
    %dma_start3A_13 = tpu.memref_slice %arg4[%add3A_10] : memref<320000xi32, #tpu.memory_space<hbm>> -> memref<2000xi32, #tpu.memory_space<hbm>>
    tpu.enqueue_dma source(%dma_start3A_13 : memref<2000xi32, #tpu.memory_space<hbm>>) target(%arg9 : memref<2000xi32, #tpu.memory_space<vmem>>) target_semaphore(%arg22 : memref<!tpu.dma_semaphore, #tpu.memory_space<semaphore_mem>>)
    %dma_start3A_14 = tpu.memref_slice %arg5[%add3A_10] : memref<320000xi32, #tpu.memory_space<hbm>> -> memref<2000xi32, #tpu.memory_space<hbm>>
    %dma_start3A_15 = tpu.memref_slice %arg5[%add3A_10] : memref<320000xi32, #tpu.memory_space<hbm>> -> memref<2000xi32, #tpu.memory_space<hbm>>
    tpu.enqueue_dma source(%dma_start3A_15 : memref<2000xi32, #tpu.memory_space<hbm>>) target(%arg10 : memref<2000xi32, #tpu.memory_space<vmem>>) target_semaphore(%arg23 : memref<!tpu.dma_semaphore, #tpu.memory_space<semaphore_mem>>)
    %scan3A = arith.constant 0 : i32
    %scan3A_16 = arith.constant 0 : i32
    %scan3A_17 = arith.constant 5 : i32
    %scan3A_18 = arith.addi %scan3A_16, %scan3A_17 : i32
    %scan3A_19 = arith.constant 1 : i32
    scf.for %scan3A_21 = %scan3A_16 to %scan3A_18 step %scan3A_19  : i32 {
      %mul3A_22 = arith.constant 5 : i32
      %mul3A_23 = arith.muli %arg0, %mul3A_22 : i32
      %add3A_24 = arith.addi %mul3A_23, %scan3A_21 : i32
      %mul3A_25 = arith.constant 1024 : i32
      %mul3A_26 = arith.muli %add3A_24, %mul3A_25 : i32
      "tpu.region"() ({
        %run_scoped3A = tpu.sem_alloc : memref<!tpu.dma_semaphore, #tpu.memory_space<semaphore_mem>>
        %dma_start3A_306 = arith.constant 0 : i32
        %dma_start3A_307 = tpu.memref_slice %arg19[%mul3A_7, %dma_start3A_306] : memref<8200x128xf32, #tpu.memory_space<vmem_shared>> -> memref<512x128xf32, #tpu.memory_space<vmem_shared>>
        %dma_start3A_308 = arith.constant 0 : i32
        %dma_start3A_309 = tpu.memref_slice %arg6[%mul3A_7, %dma_start3A_308] : memref<8200x128xf32, #tpu.memory_space<hbm>> -> memref<512x128xf32, #tpu.memory_space<hbm>>
        tpu.enqueue_dma source(%dma_start3A_309 : memref<512x128xf32, #tpu.memory_space<hbm>>) target(%dma_start3A_307 : memref<512x128xf32, #tpu.memory_space<vmem_shared>>) target_semaphore(%run_scoped3A : memref<!tpu.dma_semaphore, #tpu.memory_space<semaphore_mem>>)
        %dma_wait3A = arith.constant 0 : i32
        %dma_wait3A_310 = tpu.memref_slice %arg19[%mul3A_7, %dma_wait3A] : memref<8200x128xf32, #tpu.memory_space<vmem_shared>> -> memref<512x128xf32, #tpu.memory_space<vmem_shared>>
        %dma_wait3A_311 = arith.constant 0 : i32
        %dma_wait3A_312 = tpu.memref_slice %arg6[%mul3A_7, %dma_wait3A_311] : memref<8200x128xf32, #tpu.memory_space<hbm>> -> memref<512x128xf32, #tpu.memory_space<hbm>>
        tpu.wait_dma2 semaphore(%run_scoped3A : memref<!tpu.dma_semaphore, #tpu.memory_space<semaphore_mem>>) src(%dma_wait3A_312 : memref<512x128xf32, #tpu.memory_space<hbm>>) dst(%dma_wait3A_310 : memref<512x128xf32, #tpu.memory_space<vmem_shared>>)
        tpu.yield
      }) : () -> ()
      %eq3A = arith.constant 0 : i32
      %eq3A_27 = arith.cmpi eq, %arg1, %eq3A : i32
      %convert_element_type3A = arith.extui %eq3A_27 : i1 to i32
      %cond3A = arith.constant 0 : i32
      %cond3A_28 = arith.cmpi ne, %convert_element_type3A, %cond3A : i32
      scf.if %cond3A_28 {
        "tpu.region"() ({
          %run_scoped3A = tpu.sem_alloc : memref<!tpu.dma_semaphore, #tpu.memory_space<semaphore_mem>>
          %dma_start3A_306 = arith.constant 8192 : i32
          %dma_start3A_307 = arith.constant 0 : i32
          %dma_start3A_308 = tpu.memref_slice %arg19[%dma_start3A_306, %dma_start3A_307] : memref<8200x128xf32, #tpu.memory_space<vmem_shared>> -> memref<8x128xf32, #tpu.memory_space<vmem_shared>>
          %dma_start3A_309 = arith.constant 8192 : i32
          %dma_start3A_310 = arith.constant 0 : i32
          %dma_start3A_311 = tpu.memref_slice %arg6[%dma_start3A_309, %dma_start3A_310] : memref<8200x128xf32, #tpu.memory_space<hbm>> -> memref<8x128xf32, #tpu.memory_space<hbm>>
          tpu.enqueue_dma source(%dma_start3A_311 : memref<8x128xf32, #tpu.memory_space<hbm>>) target(%dma_start3A_308 : memref<8x128xf32, #tpu.memory_space<vmem_shared>>) target_semaphore(%run_scoped3A : memref<!tpu.dma_semaphore, #tpu.memory_space<semaphore_mem>>)
          %dma_wait3A = arith.constant 8192 : i32
          %dma_wait3A_312 = arith.constant 0 : i32
          %dma_wait3A_313 = tpu.memref_slice %arg19[%dma_wait3A, %dma_wait3A_312] : memref<8200x128xf32, #tpu.memory_space<vmem_shared>> -> memref<8x128xf32, #tpu.memory_space<vmem_shared>>
          %dma_wait3A_314 = arith.constant 8192 : i32
          %dma_wait3A_315 = arith.constant 0 : i32
          %dma_wait3A_316 = tpu.memref_slice %arg6[%dma_wait3A_314, %dma_wait3A_315] : memref<8200x128xf32, #tpu.memory_space<hbm>> -> memref<8x128xf32, #tpu.memory_space<hbm>>
          tpu.wait_dma2 semaphore(%run_scoped3A : memref<!tpu.dma_semaphore, #tpu.memory_space<semaphore_mem>>) src(%dma_wait3A_316 : memref<8x128xf32, #tpu.memory_space<hbm>>) dst(%dma_wait3A_313 : memref<8x128xf32, #tpu.memory_space<vmem_shared>>)
          tpu.yield
        }) : () -> ()
      } else {
      }
      "tpu.region"() ({
        %run_scoped3A = tpu.sem_alloc : memref<!tpu.dma_semaphore, #tpu.memory_space<semaphore_mem>>
        %dma_start3A_306 = arith.constant 0 : i32
        %dma_start3A_307 = arith.constant 0 : i32
        %dma_start3A_308 = tpu.memref_slice %arg6[%dma_start3A_306, %dma_start3A_307] : memref<8200x128xf32, #tpu.memory_space<hbm>> -> memref<72x128xf32, #tpu.memory_space<hbm>>
        %dma_start3A_309 = arith.constant 0 : i32
        %dma_start3A_310 = arith.constant 0 : i32
        %dma_start3A_311 = tpu.memref_slice %arg6[%dma_start3A_309, %dma_start3A_310] : memref<8200x128xf32, #tpu.memory_space<hbm>> -> memref<72x128xf32, #tpu.memory_space<hbm>>
        tpu.enqueue_dma source(%dma_start3A_311 : memref<72x128xf32, #tpu.memory_space<hbm>>) target(%arg17 : memref<72x128xf32, #tpu.memory_space<vmem>>) target_semaphore(%run_scoped3A : memref<!tpu.dma_semaphore, #tpu.memory_space<semaphore_mem>>)
        %dma_wait3A = arith.constant 0 : i32
        %dma_wait3A_312 = arith.constant 0 : i32
        %dma_wait3A_313 = tpu.memref_slice %arg6[%dma_wait3A, %dma_wait3A_312] : memref<8200x128xf32, #tpu.memory_space<hbm>> -> memref<72x128xf32, #tpu.memory_space<hbm>>
        %dma_wait3A_314 = arith.constant 0 : i32
        %dma_wait3A_315 = arith.constant 0 : i32
        %dma_wait3A_316 = tpu.memref_slice %arg6[%dma_wait3A_314, %dma_wait3A_315] : memref<8200x128xf32, #tpu.memory_space<hbm>> -> memref<72x128xf32, #tpu.memory_space<hbm>>
        tpu.wait_dma2 semaphore(%run_scoped3A : memref<!tpu.dma_semaphore, #tpu.memory_space<semaphore_mem>>) src(%dma_wait3A_316 : memref<72x128xf32, #tpu.memory_space<hbm>>) dst(%arg17 : memref<72x128xf32, #tpu.memory_space<vmem>>)
        tpu.yield
      }) : () -> ()
      %barrier3A = arith.constant 0 : index
      tpu.barrier barrier_id(%barrier3A)
      %scan3A_29 = arith.constant 0 : i32
      %scan3A_30 = arith.constant 0 : i32
      %scan3A_31 = arith.constant 5 : i32
      %scan3A_32 = arith.addi %scan3A_30, %scan3A_31 : i32
      %scan3A_33 = arith.constant 1 : i32
      %scan3A_34 = scf.for %scan3A_306 = %scan3A_30 to %scan3A_32 step %scan3A_33 iter_args(%scan3A_307 = %scan3A_29) -> (i32)  : i32 {
        %mul3A_308 = arith.constant 2 : i32
        %mul3A_309 = arith.muli %mul3A_308, %scan3A_306 : i32
        %mul3A_310 = arith.constant 20000 : i32
        %mul3A_311 = arith.muli %arg1, %mul3A_310 : i32
        %mul3A_312 = arith.constant 2000 : i32
        %mul3A_313 = arith.muli %mul3A_309, %mul3A_312 : i32
        %add3A_314 = arith.addi %mul3A_311, %mul3A_313 : i32
        %dma_wait3A = tpu.memref_slice %arg3[%add3A_314] : memref<320000xi32, #tpu.memory_space<hbm>> -> memref<2000xi32, #tpu.memory_space<hbm>>
        %dma_wait3A_315 = tpu.memref_slice %arg3[%add3A_314] : memref<320000xi32, #tpu.memory_space<hbm>> -> memref<2000xi32, #tpu.memory_space<hbm>>
        tpu.wait_dma2 semaphore(%arg21 : memref<!tpu.dma_semaphore, #tpu.memory_space<semaphore_mem>>) src(%dma_wait3A_315 : memref<2000xi32, #tpu.memory_space<hbm>>) dst(%arg8 : memref<2000xi32, #tpu.memory_space<vmem>>)
        %dma_wait3A_316 = tpu.memref_slice %arg4[%add3A_314] : memref<320000xi32, #tpu.memory_space<hbm>> -> memref<2000xi32, #tpu.memory_space<hbm>>
        %dma_wait3A_317 = tpu.memref_slice %arg4[%add3A_314] : memref<320000xi32, #tpu.memory_space<hbm>> -> memref<2000xi32, #tpu.memory_space<hbm>>
        tpu.wait_dma2 semaphore(%arg22 : memref<!tpu.dma_semaphore, #tpu.memory_space<semaphore_mem>>) src(%dma_wait3A_317 : memref<2000xi32, #tpu.memory_space<hbm>>) dst(%arg9 : memref<2000xi32, #tpu.memory_space<vmem>>)
        %dma_wait3A_318 = tpu.memref_slice %arg5[%add3A_314] : memref<320000xi32, #tpu.memory_space<hbm>> -> memref<2000xi32, #tpu.memory_space<hbm>>
        %dma_wait3A_319 = tpu.memref_slice %arg5[%add3A_314] : memref<320000xi32, #tpu.memory_space<hbm>> -> memref<2000xi32, #tpu.memory_space<hbm>>
        tpu.wait_dma2 semaphore(%arg23 : memref<!tpu.dma_semaphore, #tpu.memory_space<semaphore_mem>>) src(%dma_wait3A_319 : memref<2000xi32, #tpu.memory_space<hbm>>) dst(%arg10 : memref<2000xi32, #tpu.memory_space<vmem>>)
        %add3A_320 = arith.constant 1 : i32
        %add3A_321 = arith.addi %mul3A_309, %add3A_320 : i32
        %mul3A_322 = arith.constant 20000 : i32
        %mul3A_323 = arith.muli %arg1, %mul3A_322 : i32
        %mul3A_324 = arith.constant 2000 : i32
        %mul3A_325 = arith.muli %add3A_321, %mul3A_324 : i32
        %add3A_326 = arith.addi %mul3A_323, %mul3A_325 : i32
        %dma_start3A_327 = tpu.memref_slice %arg3[%add3A_326] : memref<320000xi32, #tpu.memory_space<hbm>> -> memref<2000xi32, #tpu.memory_space<hbm>>
        %dma_start3A_328 = tpu.memref_slice %arg3[%add3A_326] : memref<320000xi32, #tpu.memory_space<hbm>> -> memref<2000xi32, #tpu.memory_space<hbm>>
        tpu.enqueue_dma source(%dma_start3A_328 : memref<2000xi32, #tpu.memory_space<hbm>>) target(%arg11 : memref<2000xi32, #tpu.memory_space<vmem>>) target_semaphore(%arg21 : memref<!tpu.dma_semaphore, #tpu.memory_space<semaphore_mem>>)
        %dma_start3A_329 = tpu.memref_slice %arg4[%add3A_326] : memref<320000xi32, #tpu.memory_space<hbm>> -> memref<2000xi32, #tpu.memory_space<hbm>>
        %dma_start3A_330 = tpu.memref_slice %arg4[%add3A_326] : memref<320000xi32, #tpu.memory_space<hbm>> -> memref<2000xi32, #tpu.memory_space<hbm>>
        tpu.enqueue_dma source(%dma_start3A_330 : memref<2000xi32, #tpu.memory_space<hbm>>) target(%arg12 : memref<2000xi32, #tpu.memory_space<vmem>>) target_semaphore(%arg22 : memref<!tpu.dma_semaphore, #tpu.memory_space<semaphore_mem>>)
        %dma_start3A_331 = tpu.memref_slice %arg5[%add3A_326] : memref<320000xi32, #tpu.memory_space<hbm>> -> memref<2000xi32, #tpu.memory_space<hbm>>
        %dma_start3A_332 = tpu.memref_slice %arg5[%add3A_326] : memref<320000xi32, #tpu.memory_space<hbm>> -> memref<2000xi32, #tpu.memory_space<hbm>>
        tpu.enqueue_dma source(%dma_start3A_332 : memref<2000xi32, #tpu.memory_space<hbm>>) target(%arg13 : memref<2000xi32, #tpu.memory_space<vmem>>) target_semaphore(%arg23 : memref<!tpu.dma_semaphore, #tpu.memory_space<semaphore_mem>>)
        %scan3A_333 = arith.constant 0 : i32
        %scan3A_334 = arith.constant 125 : i32
        %scan3A_335 = arith.addi %scan3A_333, %scan3A_334 : i32
        %scan3A_336 = arith.constant 1 : i32
        %scan3A_337 = scf.for %scan3A_967 = %scan3A_333 to %scan3A_335 step %scan3A_336 iter_args(%scan3A_968 = %scan3A_307) -> (i32)  : i32 {
          %mul3A_969 = arith.constant 16 : i32
          %mul3A_970 = arith.muli %scan3A_967, %mul3A_969 : i32
          %get3A_971 = arith.index_cast %mul3A_970 : i32 to index
          %get3A_972 = tpu.vector_load %arg8[%get3A_971] {strides = array<i32>} : memref<2000xi32, #tpu.memory_space<vmem>>, vector<16xi32>,
          %mul3A_973 = arith.constant 16 : i32
          %mul3A_974 = arith.muli %scan3A_967, %mul3A_973 : i32
          %get3A_975 = arith.index_cast %mul3A_974 : i32 to index
          %get3A_976 = tpu.vector_load %arg9[%get3A_975] {strides = array<i32>} : memref<2000xi32, #tpu.memory_space<vmem>>, vector<16xi32>,
          %mul3A_977 = arith.constant 16 : i32
          %mul3A_978 = arith.muli %scan3A_967, %mul3A_977 : i32
          %get3A_979 = arith.index_cast %mul3A_978 : i32 to index
          %get3A_980 = tpu.vector_load %arg10[%get3A_979] {strides = array<i32>} : memref<2000xi32, #tpu.memory_space<vmem>>, vector<16xi32>,
          %ge3A = vector.broadcast %mul3A_26 : i32 to vector<16xi32>
          %ge3A_981 = arith.cmpi sge, %get3A_976, %ge3A : vector<16xi32>
          %add3A_982 = arith.constant 1024 : i32
          %add3A_983 = arith.addi %mul3A_26, %add3A_982 : i32
          %lt3A_984 = vector.broadcast %add3A_983 : i32 to vector<16xi32>
          %lt3A_985 = arith.cmpi slt, %get3A_976, %lt3A_984 : vector<16xi32>
          %and3A_986 = arith.andi %ge3A_981, %lt3A_985 : vector<16xi1>
          %mul3A_987 = arith.constant 1024 : i32
          %mul3A_988 = vector.broadcast %mul3A_987 : i32 to vector<16xi32>
          %mul3A_989 = arith.muli %get3A_980, %mul3A_988 : vector<16xi32>
          %sub3A_990 = vector.broadcast %mul3A_26 : i32 to vector<16xi32>
          %sub3A_991 = arith.subi %get3A_976, %sub3A_990 : vector<16xi32>
          %add3A_992 = arith.addi %mul3A_989, %sub3A_991 : vector<16xi32>
          %jit3A_993 = arith.constant 8192 : i32
          %broadcast_in_dim3A_994 = vector.broadcast %jit3A_993 : i32 to vector<16xi32>
          %select_n3A_995 = arith.select %and3A_986, %add3A_992, %broadcast_in_dim3A_994 : vector<16xi1>, vector<16xi32>
          %shift_right_arithmetic3A_996 = arith.constant 7 : i32
          %shift_right_arithmetic3A_997 = vector.broadcast %shift_right_arithmetic3A_996 : i32 to vector<16xi32>
          %shift_right_arithmetic3A_998 = arith.shrsi %select_n3A_995, %shift_right_arithmetic3A_997 : vector<16xi32>
          %and3A_999 = arith.constant 127 : i32
          %and3A_1000 = vector.broadcast %and3A_999 : i32 to vector<16xi32>
          %and3A_1001 = arith.andi %select_n3A_995, %and3A_1000 : vector<16xi32>
          tpu.vector_store_idx %arg17[%shift_right_arithmetic3A_998, %and3A_1001], %broadcast_in_dim3A_4 masked %and3A_986 {add = true} : memref<72x128xf32, #tpu.memory_space<vmem>>[vector<16xi32>, vector<16xi32>], vector<16xf32>, vector<16xi1>
          %convert_element_type3A_1002 = arith.extui %and3A_986 : vector<16xi1> to vector<16xi32>
          %broadcast_in_dim3A_1003 = arith.constant true
          %broadcast_in_dim3A_1004 = vector.broadcast %broadcast_in_dim3A_1003 : i1 to vector<16xi1>
          %masked_cumsum3A = tpu.scan <sum>, %convert_element_type3A_1002 masked %broadcast_in_dim3A_1004 : vector<16xi32>, vector<16xi1> -> vector<16xi32>
          %add3A_1005 = vector.broadcast %scan3A_968 : i32 to vector<16xi32>
          %add3A_1006 = arith.addi %add3A_1005, %masked_cumsum3A : vector<16xi32>
          %sub3A_1007 = arith.constant 1 : i32
          %sub3A_1008 = vector.broadcast %sub3A_1007 : i32 to vector<16xi32>
          %sub3A_1009 = arith.subi %add3A_1006, %sub3A_1008 : vector<16xi32>
          %jit3A_1010 = arith.constant 0 : i32
          %broadcast_in_dim3A_1011 = vector.broadcast %jit3A_1010 : i32 to vector<16xi32>
          %select_n3A_1012 = arith.select %and3A_986, %sub3A_1009, %broadcast_in_dim3A_1011 : vector<16xi1>, vector<16xi32>
          %shift_right_arithmetic3A_1013 = arith.constant 7 : i32
          %shift_right_arithmetic3A_1014 = vector.broadcast %shift_right_arithmetic3A_1013 : i32 to vector<16xi32>
          %shift_right_arithmetic3A_1015 = arith.shrsi %select_n3A_1012, %shift_right_arithmetic3A_1014 : vector<16xi32>
          %and3A_1016 = arith.constant 127 : i32
          %and3A_1017 = vector.broadcast %and3A_1016 : i32 to vector<16xi32>
          %and3A_1018 = arith.andi %select_n3A_1012, %and3A_1017 : vector<16xi32>
          tpu.vector_store_idx %arg14[%shift_right_arithmetic3A_1015, %and3A_1018], %get3A_972 masked %and3A_986 : memref<17x128xi32, #tpu.memory_space<vmem>>[vector<16xi32>, vector<16xi32>], vector<16xi32>, vector<16xi1>
          %shift_right_arithmetic3A_1019 = arith.constant 7 : i32
          %shift_right_arithmetic3A_1020 = vector.broadcast %shift_right_arithmetic3A_1019 : i32 to vector<16xi32>
          %shift_right_arithmetic3A_1021 = arith.shrsi %select_n3A_1012, %shift_right_arithmetic3A_1020 : vector<16xi32>
          %and3A_1022 = arith.constant 127 : i32
          %and3A_1023 = vector.broadcast %and3A_1022 : i32 to vector<16xi32>
          %and3A_1024 = arith.andi %select_n3A_1012, %and3A_1023 : vector<16xi32>
          tpu.vector_store_idx %arg15[%shift_right_arithmetic3A_1021, %and3A_1024], %select_n3A_995 masked %and3A_986 : memref<17x128xi32, #tpu.memory_space<vmem>>[vector<16xi32>, vector<16xi32>], vector<16xi32>, vector<16xi1>
          %reduce_sum3A = arith.constant true
          %reduce_sum3A_1025 = vector.broadcast %reduce_sum3A : i1 to vector<16xi1>
          %reduce_sum3A_1026 = tpu.scan <sum>, %convert_element_type3A_1002 masked %reduce_sum3A_1025 : vector<16xi32>, vector<16xi1> -> vector<16xi32>
          %reduce_sum3A_1027 = vector.extract %reduce_sum3A_1026[15] : i32 from vector<16xi32>
          %add3A_1028 = arith.addi %scan3A_968, %reduce_sum3A_1027 : i32
          scf.yield %add3A_1028 : i32
        }
        %scan3A_338 = arith.constant 125 : i32
        %shift_right_arithmetic3A_339 = arith.constant 7 : i32
        %shift_right_arithmetic3A_340 = arith.shrsi %scan3A_337, %shift_right_arithmetic3A_339 : i32
        %swap3A_341 = arith.constant 0 : i32
        %swap3A_342 = arith.index_cast %swap3A_341 : i32 to index
        %swap3A_343 = memref.load %arg18[%swap3A_342] : memref<8xi32, #tpu.memory_space<smem>>
        memref.store %shift_right_arithmetic3A_340, %arg18[%swap3A_342] : memref<8xi32, #tpu.memory_space<smem>>
        %get3A_344 = arith.constant 0 : i32
        %get3A_345 = arith.index_cast %get3A_344 : i32 to index
        %get3A_346 = memref.load %arg18[%get3A_345] : memref<8xi32, #tpu.memory_space<smem>>
        %while3A = arith.constant 0 : i32
        %while3A_347 = arith.constant 0 : i32
        %while3A_348 = arith.subi %get3A_346, %while3A_347 : i32
        %while3A_349 = arith.addi %while3A_347, %while3A_348 : i32
        %while3A_350 = arith.constant 1 : i32
        %while3A_351 = arith.divsi %while3A_348, %while3A_350 : i32
        %while3A_352 = arith.muli %while3A_351, %while3A_350 : i32
        %while3A_353 = arith.addi %while3A_347, %while3A_352 : i32
        %while3A_354 = arith.constant 1 : i32
        scf.for %while3A_967 = %while3A_347 to %while3A_353 step %while3A_354  : i32 {
          %dma_start3A_968 = arith.constant 0 : i32
          %dma_start3A_969 = tpu.memref_slice %arg14[%while3A_967, %dma_start3A_968] : memref<17x128xi32, #tpu.memory_space<vmem>> -> memref<1x128xi32, #tpu.memory_space<vmem>>
          %dma_start3A_970 = tpu.memref_squeeze %dma_start3A_969 : memref<1x128xi32, #tpu.memory_space<vmem>> -> memref<128xi32, #tpu.memory_space<vmem>>
          %dma_start3A_971 = arith.constant 0 : i32
          %dma_start3A_972 = arith.constant 0 : i32
          %dma_start3A_973 = tpu.memref_slice %arg2[%dma_start3A_971, %dma_start3A_972] : memref<10000x128xf32, #tpu.memory_space<hbm>> -> memref<10000x128xf32, #tpu.memory_space<hbm>>
          tpu.enqueue_indirect_dma source(%dma_start3A_973 : memref<10000x128xf32, #tpu.memory_space<hbm>>) target(%arg16 : memref<128x128xf32, #tpu.memory_space<vmem>>) offsets(%dma_start3A_970 : memref<128xi32, #tpu.memory_space<vmem>>) semaphore(%arg20 : memref<!tpu.dma_semaphore, #tpu.memory_space<semaphore_mem>>)
          %dma_wait3A_974 = arith.constant 0 : i32
          %dma_wait3A_975 = tpu.memref_slice %arg14[%while3A_967, %dma_wait3A_974] : memref<17x128xi32, #tpu.memory_space<vmem>> -> memref<1x128xi32, #tpu.memory_space<vmem>>
          %dma_wait3A_976 = tpu.memref_squeeze %dma_wait3A_975 : memref<1x128xi32, #tpu.memory_space<vmem>> -> memref<128xi32, #tpu.memory_space<vmem>>
          %dma_wait3A_977 = arith.constant 0 : i32
          %dma_wait3A_978 = arith.constant 0 : i32
          %dma_wait3A_979 = tpu.memref_slice %arg2[%dma_wait3A_977, %dma_wait3A_978] : memref<10000x128xf32, #tpu.memory_space<hbm>> -> memref<10000x128xf32, #tpu.memory_space<hbm>>
          tpu.wait_indirect_dma semaphore(%arg20 : memref<!tpu.dma_semaphore, #tpu.memory_space<semaphore_mem>>) src(%dma_wait3A_979 : memref<10000x128xf32, #tpu.memory_space<hbm>>) dst(%arg16 : memref<128x128xf32, #tpu.memory_space<vmem>>)
          "tpu.region"() ({
            %run_scoped3A = tpu.sem_alloc : memref<!tpu.dma_semaphore, #tpu.memory_space<semaphore_mem>>
            %dma_start3A_980 = arith.constant 0 : i32
            %dma_start3A_981 = tpu.memref_slice %arg15[%while3A_967, %dma_start3A_980] : memref<17x128xi32, #tpu.memory_space<vmem>> -> memref<1x128xi32, #tpu.memory_space<vmem>>
            %dma_start3A_982 = tpu.memref_squeeze %dma_start3A_981 : memref<1x128xi32, #tpu.memory_space<vmem>> -> memref<128xi32, #tpu.memory_space<vmem>>
            %dma_start3A_983 = arith.constant 0 : i32
            %dma_start3A_984 = arith.constant 0 : i32
            %dma_start3A_985 = tpu.memref_slice %arg19[%dma_start3A_983, %dma_start3A_984] : memref<8200x128xf32, #tpu.memory_space<vmem_shared>> -> memref<8200x128xf32, #tpu.memory_space<vmem_shared>>
            tpu.enqueue_indirect_dma source(%arg16 : memref<128x128xf32, #tpu.memory_space<vmem>>) target(%dma_start3A_985 : memref<8200x128xf32, #tpu.memory_space<vmem_shared>>) offsets(%dma_start3A_982 : memref<128xi32, #tpu.memory_space<vmem>>) semaphore(%run_scoped3A : memref<!tpu.dma_semaphore, #tpu.memory_space<semaphore_mem>>) {add = true}
            %dma_wait3A_986 = arith.constant 0 : i32
            %dma_wait3A_987 = tpu.memref_slice %arg15[%while3A_967, %dma_wait3A_986] : memref<17x128xi32, #tpu.memory_space<vmem>> -> memref<1x128xi32, #tpu.memory_space<vmem>>
            %dma_wait3A_988 = tpu.memref_squeeze %dma_wait3A_987 : memref<1x128xi32, #tpu.memory_space<vmem>> -> memref<128xi32, #tpu.memory_space<vmem>>
            %dma_wait3A_989 = arith.constant 0 : i32
            %dma_wait3A_990 = arith.constant 0 : i32
            %dma_wait3A_991 = tpu.memref_slice %arg19[%dma_wait3A_989, %dma_wait3A_990] : memref<8200x128xf32, #tpu.memory_space<vmem_shared>> -> memref<8200x128xf32, #tpu.memory_space<vmem_shared>>
            tpu.wait_indirect_dma semaphore(%run_scoped3A : memref<!tpu.dma_semaphore, #tpu.memory_space<semaphore_mem>>) src(%arg16 : memref<128x128xf32, #tpu.memory_space<vmem>>) dst(%dma_wait3A_991 : memref<8200x128xf32, #tpu.memory_space<vmem_shared>>)
            tpu.yield
          }) : () -> ()
        }
        %while3A_355 = arith.constant 1 : i32
        scf.for %while3A_967 = %while3A_353 to %while3A_349 step %while3A_355  : i32 {
          %dma_start3A_968 = arith.constant 0 : i32
          %dma_start3A_969 = tpu.memref_slice %arg14[%while3A_967, %dma_start3A_968] : memref<17x128xi32, #tpu.memory_space<vmem>> -> memref<1x128xi32, #tpu.memory_space<vmem>>
          %dma_start3A_970 = tpu.memref_squeeze %dma_start3A_969 : memref<1x128xi32, #tpu.memory_space<vmem>> -> memref<128xi32, #tpu.memory_space<vmem>>
          %dma_start3A_971 = arith.constant 0 : i32
          %dma_start3A_972 = arith.constant 0 : i32
          %dma_start3A_973 = tpu.memref_slice %arg2[%dma_start3A_971, %dma_start3A_972] : memref<10000x128xf32, #tpu.memory_space<hbm>> -> memref<10000x128xf32, #tpu.memory_space<hbm>>
          tpu.enqueue_indirect_dma source(%dma_start3A_973 : memref<10000x128xf32, #tpu.memory_space<hbm>>) target(%arg16 : memref<128x128xf32, #tpu.memory_space<vmem>>) offsets(%dma_start3A_970 : memref<128xi32, #tpu.memory_space<vmem>>) semaphore(%arg20 : memref<!tpu.dma_semaphore, #tpu.memory_space<semaphore_mem>>)
          %dma_wait3A_974 = arith.constant 0 : i32
          %dma_wait3A_975 = tpu.memref_slice %arg14[%while3A_967, %dma_wait3A_974] : memref<17x128xi32, #tpu.memory_space<vmem>> -> memref<1x128xi32, #tpu.memory_space<vmem>>
          %dma_wait3A_976 = tpu.memref_squeeze %dma_wait3A_975 : memref<1x128xi32, #tpu.memory_space<vmem>> -> memref<128xi32, #tpu.memory_space<vmem>>
          %dma_wait3A_977 = arith.constant 0 : i32
          %dma_wait3A_978 = arith.constant 0 : i32
          %dma_wait3A_979 = tpu.memref_slice %arg2[%dma_wait3A_977, %dma_wait3A_978] : memref<10000x128xf32, #tpu.memory_space<hbm>> -> memref<10000x128xf32, #tpu.memory_space<hbm>>
          tpu.wait_indirect_dma semaphore(%arg20 : memref<!tpu.dma_semaphore, #tpu.memory_space<semaphore_mem>>) src(%dma_wait3A_979 : memref<10000x128xf32, #tpu.memory_space<hbm>>) dst(%arg16 : memref<128x128xf32, #tpu.memory_space<vmem>>)
          "tpu.region"() ({
            %run_scoped3A = tpu.sem_alloc : memref<!tpu.dma_semaphore, #tpu.memory_space<semaphore_mem>>
            %dma_start3A_980 = arith.constant 0 : i32
            %dma_start3A_981 = tpu.memref_slice %arg15[%while3A_967, %dma_start3A_980] : memref<17x128xi32, #tpu.memory_space<vmem>> -> memref<1x128xi32, #tpu.memory_space<vmem>>
            %dma_start3A_982 = tpu.memref_squeeze %dma_start3A_981 : memref<1x128xi32, #tpu.memory_space<vmem>> -> memref<128xi32, #tpu.memory_space<vmem>>
            %dma_start3A_983 = arith.constant 0 : i32
            %dma_start3A_984 = arith.constant 0 : i32
            %dma_start3A_985 = tpu.memref_slice %arg19[%dma_start3A_983, %dma_start3A_984] : memref<8200x128xf32, #tpu.memory_space<vmem_shared>> -> memref<8200x128xf32, #tpu.memory_space<vmem_shared>>
            tpu.enqueue_indirect_dma source(%arg16 : memref<128x128xf32, #tpu.memory_space<vmem>>) target(%dma_start3A_985 : memref<8200x128xf32, #tpu.memory_space<vmem_shared>>) offsets(%dma_start3A_982 : memref<128xi32, #tpu.memory_space<vmem>>) semaphore(%run_scoped3A : memref<!tpu.dma_semaphore, #tpu.memory_space<semaphore_mem>>) {add = true}
            %dma_wait3A_986 = arith.constant 0 : i32
            %dma_wait3A_987 = tpu.memref_slice %arg15[%while3A_967, %dma_wait3A_986] : memref<17x128xi32, #tpu.memory_space<vmem>> -> memref<1x128xi32, #tpu.memory_space<vmem>>
            %dma_wait3A_988 = tpu.memref_squeeze %dma_wait3A_987 : memref<1x128xi32, #tpu.memory_space<vmem>> -> memref<128xi32, #tpu.memory_space<vmem>>
            %dma_wait3A_989 = arith.constant 0 : i32
            %dma_wait3A_990 = arith.constant 0 : i32
            %dma_wait3A_991 = tpu.memref_slice %arg19[%dma_wait3A_989, %dma_wait3A_990] : memref<8200x128xf32, #tpu.memory_space<vmem_shared>> -> memref<8200x128xf32, #tpu.memory_space<vmem_shared>>
            tpu.wait_indirect_dma semaphore(%run_scoped3A : memref<!tpu.dma_semaphore, #tpu.memory_space<semaphore_mem>>) src(%arg16 : memref<128x128xf32, #tpu.memory_space<vmem>>) dst(%dma_wait3A_991 : memref<8200x128xf32, #tpu.memory_space<vmem_shared>>)
            tpu.yield
          }) : () -> ()
        }
        %shift_left3A_356 = arith.constant 7 : i32
        %shift_left3A_357 = arith.shli %get3A_346, %shift_left3A_356 : i32
        %add3A_358 = arith.constant 0 : i32
        %add3A_359 = arith.addi %shift_left3A_357, %add3A_358 : i32
        %add3A_360 = vector.broadcast %add3A_359 : i32 to vector<16xi32>
        %add3A_361 = arith.addi %add3A_360, %iota3A : vector<16xi32>
        %lt3A_362 = vector.broadcast %scan3A_337 : i32 to vector<16xi32>
        %lt3A_363 = arith.cmpi slt, %add3A_361, %lt3A_362 : vector<16xi32>
        %shift_right_arithmetic3A_364 = arith.constant 7 : i32
        %shift_right_arithmetic3A_365 = vector.broadcast %shift_right_arithmetic3A_364 : i32 to vector<16xi32>
        %shift_right_arithmetic3A_366 = arith.shrsi %add3A_361, %shift_right_arithmetic3A_365 : vector<16xi32>
        %and3A_367 = arith.constant 127 : i32
        %and3A_368 = vector.broadcast %and3A_367 : i32 to vector<16xi32>
        %and3A_369 = arith.andi %add3A_361, %and3A_368 : vector<16xi32>
        %gather3A = tpu.vector_load_idx %arg14[%shift_right_arithmetic3A_366, %and3A_369] masked %lt3A_363 : memref<17x128xi32, #tpu.memory_space<vmem>>[vector<16xi32>, vector<16xi32>], vector<16xi32>, vector<16xi1>
        %shift_right_arithmetic3A_370 = arith.constant 7 : i32
        %shift_right_arithmetic3A_371 = vector.broadcast %shift_right_arithmetic3A_370 : i32 to vector<16xi32>
        %shift_right_arithmetic3A_372 = arith.shrsi %add3A_361, %shift_right_arithmetic3A_371 : vector<16xi32>
        %and3A_373 = arith.constant 127 : i32
        %and3A_374 = vector.broadcast %and3A_373 : i32 to vector<16xi32>
        %and3A_375 = arith.andi %add3A_361, %and3A_374 : vector<16xi32>
        %gather3A_376 = tpu.vector_load_idx %arg15[%shift_right_arithmetic3A_372, %and3A_375] masked %lt3A_363 : memref<17x128xi32, #tpu.memory_space<vmem>>[vector<16xi32>, vector<16xi32>], vector<16xi32>, vector<16xi1>
        %add3A_377 = arith.constant 0 : i32
        %add3A_378 = vector.broadcast %add3A_377 : i32 to vector<16xi32>
        %add3A_379 = arith.addi %add3A_378, %iota3A : vector<16xi32>
        %shift_right_arithmetic3A_380 = arith.constant 7 : i32
        %shift_right_arithmetic3A_381 = vector.broadcast %shift_right_arithmetic3A_380 : i32 to vector<16xi32>
        %shift_right_arithmetic3A_382 = arith.shrsi %add3A_379, %shift_right_arithmetic3A_381 : vector<16xi32>
        %and3A_383 = arith.constant 127 : i32
        %and3A_384 = vector.broadcast %and3A_383 : i32 to vector<16xi32>
        %and3A_385 = arith.andi %add3A_379, %and3A_384 : vector<16xi32>
        tpu.vector_store_idx %arg14[%shift_right_arithmetic3A_382, %and3A_385], %gather3A masked %lt3A_363 : memref<17x128xi32, #tpu.memory_space<vmem>>[vector<16xi32>, vector<16xi32>], vector<16xi32>, vector<16xi1>
        %shift_right_arithmetic3A_386 = arith.constant 7 : i32
        %shift_right_arithmetic3A_387 = vector.broadcast %shift_right_arithmetic3A_386 : i32 to vector<16xi32>
        %shift_right_arithmetic3A_388 = arith.shrsi %add3A_379, %shift_right_arithmetic3A_387 : vector<16xi32>
        %and3A_389 = arith.constant 127 : i32
        %and3A_390 = vector.broadcast %and3A_389 : i32 to vector<16xi32>
        %and3A_391 = arith.andi %add3A_379, %and3A_390 : vector<16xi32>
        tpu.vector_store_idx %arg15[%shift_right_arithmetic3A_388, %and3A_391], %gather3A_376 masked %lt3A_363 : memref<17x128xi32, #tpu.memory_space<vmem>>[vector<16xi32>, vector<16xi32>], vector<16xi32>, vector<16xi1>
        %add3A_392 = arith.constant 16 : i32
        %add3A_393 = arith.addi %shift_left3A_357, %add3A_392 : i32
        %add3A_394 = vector.broadcast %add3A_393 : i32 to vector<16xi32>
        %add3A_395 = arith.addi %add3A_394, %iota3A : vector<16xi32>
        %lt3A_396 = vector.broadcast %scan3A_337 : i32 to vector<16xi32>
        %lt3A_397 = arith.cmpi slt, %add3A_395, %lt3A_396 : vector<16xi32>
        %shift_right_arithmetic3A_398 = arith.constant 7 : i32
        %shift_right_arithmetic3A_399 = vector.broadcast %shift_right_arithmetic3A_398 : i32 to vector<16xi32>
        %shift_right_arithmetic3A_400 = arith.shrsi %add3A_395, %shift_right_arithmetic3A_399 : vector<16xi32>
        %and3A_401 = arith.constant 127 : i32
        %and3A_402 = vector.broadcast %and3A_401 : i32 to vector<16xi32>
        %and3A_403 = arith.andi %add3A_395, %and3A_402 : vector<16xi32>
        %gather3A_404 = tpu.vector_load_idx %arg14[%shift_right_arithmetic3A_400, %and3A_403] masked %lt3A_397 : memref<17x128xi32, #tpu.memory_space<vmem>>[vector<16xi32>, vector<16xi32>], vector<16xi32>, vector<16xi1>
        %shift_right_arithmetic3A_405 = arith.constant 7 : i32
        %shift_right_arithmetic3A_406 = vector.broadcast %shift_right_arithmetic3A_405 : i32 to vector<16xi32>
        %shift_right_arithmetic3A_407 = arith.shrsi %add3A_395, %shift_right_arithmetic3A_406 : vector<16xi32>
        %and3A_408 = arith.constant 127 : i32
        %and3A_409 = vector.broadcast %and3A_408 : i32 to vector<16xi32>
        %and3A_410 = arith.andi %add3A_395, %and3A_409 : vector<16xi32>
        %gather3A_411 = tpu.vector_load_idx %arg15[%shift_right_arithmetic3A_407, %and3A_410] masked %lt3A_397 : memref<17x128xi32, #tpu.memory_space<vmem>>[vector<16xi32>, vector<16xi32>], vector<16xi32>, vector<16xi1>
        %add3A_412 = arith.constant 16 : i32
        %add3A_413 = vector.broadcast %add3A_412 : i32 to vector<16xi32>
        %add3A_414 = arith.addi %add3A_413, %iota3A : vector<16xi32>
        %shift_right_arithmetic3A_415 = arith.constant 7 : i32
        %shift_right_arithmetic3A_416 = vector.broadcast %shift_right_arithmetic3A_415 : i32 to vector<16xi32>
        %shift_right_arithmetic3A_417 = arith.shrsi %add3A_414, %shift_right_arithmetic3A_416 : vector<16xi32>
        %and3A_418 = arith.constant 127 : i32
        %and3A_419 = vector.broadcast %and3A_418 : i32 to vector<16xi32>
        %and3A_420 = arith.andi %add3A_414, %and3A_419 : vector<16xi32>
        tpu.vector_store_idx %arg14[%shift_right_arithmetic3A_417, %and3A_420], %gather3A_404 masked %lt3A_397 : memref<17x128xi32, #tpu.memory_space<vmem>>[vector<16xi32>, vector<16xi32>], vector<16xi32>, vector<16xi1>
        %shift_right_arithmetic3A_421 = arith.constant 7 : i32
        %shift_right_arithmetic3A_422 = vector.broadcast %shift_right_arithmetic3A_421 : i32 to vector<16xi32>
        %shift_right_arithmetic3A_423 = arith.shrsi %add3A_414, %shift_right_arithmetic3A_422 : vector<16xi32>
        %and3A_424 = arith.constant 127 : i32
        %and3A_425 = vector.broadcast %and3A_424 : i32 to vector<16xi32>
        %and3A_426 = arith.andi %add3A_414, %and3A_425 : vector<16xi32>
        tpu.vector_store_idx %arg15[%shift_right_arithmetic3A_423, %and3A_426], %gather3A_411 masked %lt3A_397 : memref<17x128xi32, #tpu.memory_space<vmem>>[vector<16xi32>, vector<16xi32>], vector<16xi32>, vector<16xi1>
        %add3A_427 = arith.constant 32 : i32
        %add3A_428 = arith.addi %shift_left3A_357, %add3A_427 : i32
        %add3A_429 = vector.broadcast %add3A_428 : i32 to vector<16xi32>
        %add3A_430 = arith.addi %add3A_429, %iota3A : vector<16xi32>
        %lt3A_431 = vector.broadcast %scan3A_337 : i32 to vector<16xi32>
        %lt3A_432 = arith.cmpi slt, %add3A_430, %lt3A_431 : vector<16xi32>
        %shift_right_arithmetic3A_433 = arith.constant 7 : i32
        %shift_right_arithmetic3A_434 = vector.broadcast %shift_right_arithmetic3A_433 : i32 to vector<16xi32>
        %shift_right_arithmetic3A_435 = arith.shrsi %add3A_430, %shift_right_arithmetic3A_434 : vector<16xi32>
        %and3A_436 = arith.constant 127 : i32
        %and3A_437 = vector.broadcast %and3A_436 : i32 to vector<16xi32>
        %and3A_438 = arith.andi %add3A_430, %and3A_437 : vector<16xi32>
        %gather3A_439 = tpu.vector_load_idx %arg14[%shift_right_arithmetic3A_435, %and3A_438] masked %lt3A_432 : memref<17x128xi32, #tpu.memory_space<vmem>>[vector<16xi32>, vector<16xi32>], vector<16xi32>, vector<16xi1>
        %shift_right_arithmetic3A_440 = arith.constant 7 : i32
        %shift_right_arithmetic3A_441 = vector.broadcast %shift_right_arithmetic3A_440 : i32 to vector<16xi32>
        %shift_right_arithmetic3A_442 = arith.shrsi %add3A_430, %shift_right_arithmetic3A_441 : vector<16xi32>
        %and3A_443 = arith.constant 127 : i32
        %and3A_444 = vector.broadcast %and3A_443 : i32 to vector<16xi32>
        %and3A_445 = arith.andi %add3A_430, %and3A_444 : vector<16xi32>
        %gather3A_446 = tpu.vector_load_idx %arg15[%shift_right_arithmetic3A_442, %and3A_445] masked %lt3A_432 : memref<17x128xi32, #tpu.memory_space<vmem>>[vector<16xi32>, vector<16xi32>], vector<16xi32>, vector<16xi1>
        %add3A_447 = arith.constant 32 : i32
        %add3A_448 = vector.broadcast %add3A_447 : i32 to vector<16xi32>
        %add3A_449 = arith.addi %add3A_448, %iota3A : vector<16xi32>
        %shift_right_arithmetic3A_450 = arith.constant 7 : i32
        %shift_right_arithmetic3A_451 = vector.broadcast %shift_right_arithmetic3A_450 : i32 to vector<16xi32>
        %shift_right_arithmetic3A_452 = arith.shrsi %add3A_449, %shift_right_arithmetic3A_451 : vector<16xi32>
        %and3A_453 = arith.constant 127 : i32
        %and3A_454 = vector.broadcast %and3A_453 : i32 to vector<16xi32>
        %and3A_455 = arith.andi %add3A_449, %and3A_454 : vector<16xi32>
        tpu.vector_store_idx %arg14[%shift_right_arithmetic3A_452, %and3A_455], %gather3A_439 masked %lt3A_432 : memref<17x128xi32, #tpu.memory_space<vmem>>[vector<16xi32>, vector<16xi32>], vector<16xi32>, vector<16xi1>
        %shift_right_arithmetic3A_456 = arith.constant 7 : i32
        %shift_right_arithmetic3A_457 = vector.broadcast %shift_right_arithmetic3A_456 : i32 to vector<16xi32>
        %shift_right_arithmetic3A_458 = arith.shrsi %add3A_449, %shift_right_arithmetic3A_457 : vector<16xi32>
        %and3A_459 = arith.constant 127 : i32
        %and3A_460 = vector.broadcast %and3A_459 : i32 to vector<16xi32>
        %and3A_461 = arith.andi %add3A_449, %and3A_460 : vector<16xi32>
        tpu.vector_store_idx %arg15[%shift_right_arithmetic3A_458, %and3A_461], %gather3A_446 masked %lt3A_432 : memref<17x128xi32, #tpu.memory_space<vmem>>[vector<16xi32>, vector<16xi32>], vector<16xi32>, vector<16xi1>
        %add3A_462 = arith.constant 48 : i32
        %add3A_463 = arith.addi %shift_left3A_357, %add3A_462 : i32
        %add3A_464 = vector.broadcast %add3A_463 : i32 to vector<16xi32>
        %add3A_465 = arith.addi %add3A_464, %iota3A : vector<16xi32>
        %lt3A_466 = vector.broadcast %scan3A_337 : i32 to vector<16xi32>
        %lt3A_467 = arith.cmpi slt, %add3A_465, %lt3A_466 : vector<16xi32>
        %shift_right_arithmetic3A_468 = arith.constant 7 : i32
        %shift_right_arithmetic3A_469 = vector.broadcast %shift_right_arithmetic3A_468 : i32 to vector<16xi32>
        %shift_right_arithmetic3A_470 = arith.shrsi %add3A_465, %shift_right_arithmetic3A_469 : vector<16xi32>
        %and3A_471 = arith.constant 127 : i32
        %and3A_472 = vector.broadcast %and3A_471 : i32 to vector<16xi32>
        %and3A_473 = arith.andi %add3A_465, %and3A_472 : vector<16xi32>
        %gather3A_474 = tpu.vector_load_idx %arg14[%shift_right_arithmetic3A_470, %and3A_473] masked %lt3A_467 : memref<17x128xi32, #tpu.memory_space<vmem>>[vector<16xi32>, vector<16xi32>], vector<16xi32>, vector<16xi1>
        %shift_right_arithmetic3A_475 = arith.constant 7 : i32
        %shift_right_arithmetic3A_476 = vector.broadcast %shift_right_arithmetic3A_475 : i32 to vector<16xi32>
        %shift_right_arithmetic3A_477 = arith.shrsi %add3A_465, %shift_right_arithmetic3A_476 : vector<16xi32>
        %and3A_478 = arith.constant 127 : i32
        %and3A_479 = vector.broadcast %and3A_478 : i32 to vector<16xi32>
        %and3A_480 = arith.andi %add3A_465, %and3A_479 : vector<16xi32>
        %gather3A_481 = tpu.vector_load_idx %arg15[%shift_right_arithmetic3A_477, %and3A_480] masked %lt3A_467 : memref<17x128xi32, #tpu.memory_space<vmem>>[vector<16xi32>, vector<16xi32>], vector<16xi32>, vector<16xi1>
        %add3A_482 = arith.constant 48 : i32
        %add3A_483 = vector.broadcast %add3A_482 : i32 to vector<16xi32>
        %add3A_484 = arith.addi %add3A_483, %iota3A : vector<16xi32>
        %shift_right_arithmetic3A_485 = arith.constant 7 : i32
        %shift_right_arithmetic3A_486 = vector.broadcast %shift_right_arithmetic3A_485 : i32 to vector<16xi32>
        %shift_right_arithmetic3A_487 = arith.shrsi %add3A_484, %shift_right_arithmetic3A_486 : vector<16xi32>
        %and3A_488 = arith.constant 127 : i32
        %and3A_489 = vector.broadcast %and3A_488 : i32 to vector<16xi32>
        %and3A_490 = arith.andi %add3A_484, %and3A_489 : vector<16xi32>
        tpu.vector_store_idx %arg14[%shift_right_arithmetic3A_487, %and3A_490], %gather3A_474 masked %lt3A_467 : memref<17x128xi32, #tpu.memory_space<vmem>>[vector<16xi32>, vector<16xi32>], vector<16xi32>, vector<16xi1>
        %shift_right_arithmetic3A_491 = arith.constant 7 : i32
        %shift_right_arithmetic3A_492 = vector.broadcast %shift_right_arithmetic3A_491 : i32 to vector<16xi32>
        %shift_right_arithmetic3A_493 = arith.shrsi %add3A_484, %shift_right_arithmetic3A_492 : vector<16xi32>
        %and3A_494 = arith.constant 127 : i32
        %and3A_495 = vector.broadcast %and3A_494 : i32 to vector<16xi32>
        %and3A_496 = arith.andi %add3A_484, %and3A_495 : vector<16xi32>
        tpu.vector_store_idx %arg15[%shift_right_arithmetic3A_493, %and3A_496], %gather3A_481 masked %lt3A_467 : memref<17x128xi32, #tpu.memory_space<vmem>>[vector<16xi32>, vector<16xi32>], vector<16xi32>, vector<16xi1>
        %add3A_497 = arith.constant 64 : i32
        %add3A_498 = arith.addi %shift_left3A_357, %add3A_497 : i32
        %add3A_499 = vector.broadcast %add3A_498 : i32 to vector<16xi32>
        %add3A_500 = arith.addi %add3A_499, %iota3A : vector<16xi32>
        %lt3A_501 = vector.broadcast %scan3A_337 : i32 to vector<16xi32>
        %lt3A_502 = arith.cmpi slt, %add3A_500, %lt3A_501 : vector<16xi32>
        %shift_right_arithmetic3A_503 = arith.constant 7 : i32
        %shift_right_arithmetic3A_504 = vector.broadcast %shift_right_arithmetic3A_503 : i32 to vector<16xi32>
        %shift_right_arithmetic3A_505 = arith.shrsi %add3A_500, %shift_right_arithmetic3A_504 : vector<16xi32>
        %and3A_506 = arith.constant 127 : i32
        %and3A_507 = vector.broadcast %and3A_506 : i32 to vector<16xi32>
        %and3A_508 = arith.andi %add3A_500, %and3A_507 : vector<16xi32>
        %gather3A_509 = tpu.vector_load_idx %arg14[%shift_right_arithmetic3A_505, %and3A_508] masked %lt3A_502 : memref<17x128xi32, #tpu.memory_space<vmem>>[vector<16xi32>, vector<16xi32>], vector<16xi32>, vector<16xi1>
        %shift_right_arithmetic3A_510 = arith.constant 7 : i32
        %shift_right_arithmetic3A_511 = vector.broadcast %shift_right_arithmetic3A_510 : i32 to vector<16xi32>
        %shift_right_arithmetic3A_512 = arith.shrsi %add3A_500, %shift_right_arithmetic3A_511 : vector<16xi32>
        %and3A_513 = arith.constant 127 : i32
        %and3A_514 = vector.broadcast %and3A_513 : i32 to vector<16xi32>
        %and3A_515 = arith.andi %add3A_500, %and3A_514 : vector<16xi32>
        %gather3A_516 = tpu.vector_load_idx %arg15[%shift_right_arithmetic3A_512, %and3A_515] masked %lt3A_502 : memref<17x128xi32, #tpu.memory_space<vmem>>[vector<16xi32>, vector<16xi32>], vector<16xi32>, vector<16xi1>
        %add3A_517 = arith.constant 64 : i32
        %add3A_518 = vector.broadcast %add3A_517 : i32 to vector<16xi32>
        %add3A_519 = arith.addi %add3A_518, %iota3A : vector<16xi32>
        %shift_right_arithmetic3A_520 = arith.constant 7 : i32
        %shift_right_arithmetic3A_521 = vector.broadcast %shift_right_arithmetic3A_520 : i32 to vector<16xi32>
        %shift_right_arithmetic3A_522 = arith.shrsi %add3A_519, %shift_right_arithmetic3A_521 : vector<16xi32>
        %and3A_523 = arith.constant 127 : i32
        %and3A_524 = vector.broadcast %and3A_523 : i32 to vector<16xi32>
        %and3A_525 = arith.andi %add3A_519, %and3A_524 : vector<16xi32>
        tpu.vector_store_idx %arg14[%shift_right_arithmetic3A_522, %and3A_525], %gather3A_509 masked %lt3A_502 : memref<17x128xi32, #tpu.memory_space<vmem>>[vector<16xi32>, vector<16xi32>], vector<16xi32>, vector<16xi1>
        %shift_right_arithmetic3A_526 = arith.constant 7 : i32
        %shift_right_arithmetic3A_527 = vector.broadcast %shift_right_arithmetic3A_526 : i32 to vector<16xi32>
        %shift_right_arithmetic3A_528 = arith.shrsi %add3A_519, %shift_right_arithmetic3A_527 : vector<16xi32>
        %and3A_529 = arith.constant 127 : i32
        %and3A_530 = vector.broadcast %and3A_529 : i32 to vector<16xi32>
        %and3A_531 = arith.andi %add3A_519, %and3A_530 : vector<16xi32>
        tpu.vector_store_idx %arg15[%shift_right_arithmetic3A_528, %and3A_531], %gather3A_516 masked %lt3A_502 : memref<17x128xi32, #tpu.memory_space<vmem>>[vector<16xi32>, vector<16xi32>], vector<16xi32>, vector<16xi1>
        %add3A_532 = arith.constant 80 : i32
        %add3A_533 = arith.addi %shift_left3A_357, %add3A_532 : i32
        %add3A_534 = vector.broadcast %add3A_533 : i32 to vector<16xi32>
        %add3A_535 = arith.addi %add3A_534, %iota3A : vector<16xi32>
        %lt3A_536 = vector.broadcast %scan3A_337 : i32 to vector<16xi32>
        %lt3A_537 = arith.cmpi slt, %add3A_535, %lt3A_536 : vector<16xi32>
        %shift_right_arithmetic3A_538 = arith.constant 7 : i32
        %shift_right_arithmetic3A_539 = vector.broadcast %shift_right_arithmetic3A_538 : i32 to vector<16xi32>
        %shift_right_arithmetic3A_540 = arith.shrsi %add3A_535, %shift_right_arithmetic3A_539 : vector<16xi32>
        %and3A_541 = arith.constant 127 : i32
        %and3A_542 = vector.broadcast %and3A_541 : i32 to vector<16xi32>
        %and3A_543 = arith.andi %add3A_535, %and3A_542 : vector<16xi32>
        %gather3A_544 = tpu.vector_load_idx %arg14[%shift_right_arithmetic3A_540, %and3A_543] masked %lt3A_537 : memref<17x128xi32, #tpu.memory_space<vmem>>[vector<16xi32>, vector<16xi32>], vector<16xi32>, vector<16xi1>
        %shift_right_arithmetic3A_545 = arith.constant 7 : i32
        %shift_right_arithmetic3A_546 = vector.broadcast %shift_right_arithmetic3A_545 : i32 to vector<16xi32>
        %shift_right_arithmetic3A_547 = arith.shrsi %add3A_535, %shift_right_arithmetic3A_546 : vector<16xi32>
        %and3A_548 = arith.constant 127 : i32
        %and3A_549 = vector.broadcast %and3A_548 : i32 to vector<16xi32>
        %and3A_550 = arith.andi %add3A_535, %and3A_549 : vector<16xi32>
        %gather3A_551 = tpu.vector_load_idx %arg15[%shift_right_arithmetic3A_547, %and3A_550] masked %lt3A_537 : memref<17x128xi32, #tpu.memory_space<vmem>>[vector<16xi32>, vector<16xi32>], vector<16xi32>, vector<16xi1>
        %add3A_552 = arith.constant 80 : i32
        %add3A_553 = vector.broadcast %add3A_552 : i32 to vector<16xi32>
        %add3A_554 = arith.addi %add3A_553, %iota3A : vector<16xi32>
        %shift_right_arithmetic3A_555 = arith.constant 7 : i32
        %shift_right_arithmetic3A_556 = vector.broadcast %shift_right_arithmetic3A_555 : i32 to vector<16xi32>
        %shift_right_arithmetic3A_557 = arith.shrsi %add3A_554, %shift_right_arithmetic3A_556 : vector<16xi32>
        %and3A_558 = arith.constant 127 : i32
        %and3A_559 = vector.broadcast %and3A_558 : i32 to vector<16xi32>
        %and3A_560 = arith.andi %add3A_554, %and3A_559 : vector<16xi32>
        tpu.vector_store_idx %arg14[%shift_right_arithmetic3A_557, %and3A_560], %gather3A_544 masked %lt3A_537 : memref<17x128xi32, #tpu.memory_space<vmem>>[vector<16xi32>, vector<16xi32>], vector<16xi32>, vector<16xi1>
        %shift_right_arithmetic3A_561 = arith.constant 7 : i32
        %shift_right_arithmetic3A_562 = vector.broadcast %shift_right_arithmetic3A_561 : i32 to vector<16xi32>
        %shift_right_arithmetic3A_563 = arith.shrsi %add3A_554, %shift_right_arithmetic3A_562 : vector<16xi32>
        %and3A_564 = arith.constant 127 : i32
        %and3A_565 = vector.broadcast %and3A_564 : i32 to vector<16xi32>
        %and3A_566 = arith.andi %add3A_554, %and3A_565 : vector<16xi32>
        tpu.vector_store_idx %arg15[%shift_right_arithmetic3A_563, %and3A_566], %gather3A_551 masked %lt3A_537 : memref<17x128xi32, #tpu.memory_space<vmem>>[vector<16xi32>, vector<16xi32>], vector<16xi32>, vector<16xi1>
        %add3A_567 = arith.constant 96 : i32
        %add3A_568 = arith.addi %shift_left3A_357, %add3A_567 : i32
        %add3A_569 = vector.broadcast %add3A_568 : i32 to vector<16xi32>
        %add3A_570 = arith.addi %add3A_569, %iota3A : vector<16xi32>
        %lt3A_571 = vector.broadcast %scan3A_337 : i32 to vector<16xi32>
        %lt3A_572 = arith.cmpi slt, %add3A_570, %lt3A_571 : vector<16xi32>
        %shift_right_arithmetic3A_573 = arith.constant 7 : i32
        %shift_right_arithmetic3A_574 = vector.broadcast %shift_right_arithmetic3A_573 : i32 to vector<16xi32>
        %shift_right_arithmetic3A_575 = arith.shrsi %add3A_570, %shift_right_arithmetic3A_574 : vector<16xi32>
        %and3A_576 = arith.constant 127 : i32
        %and3A_577 = vector.broadcast %and3A_576 : i32 to vector<16xi32>
        %and3A_578 = arith.andi %add3A_570, %and3A_577 : vector<16xi32>
        %gather3A_579 = tpu.vector_load_idx %arg14[%shift_right_arithmetic3A_575, %and3A_578] masked %lt3A_572 : memref<17x128xi32, #tpu.memory_space<vmem>>[vector<16xi32>, vector<16xi32>], vector<16xi32>, vector<16xi1>
        %shift_right_arithmetic3A_580 = arith.constant 7 : i32
        %shift_right_arithmetic3A_581 = vector.broadcast %shift_right_arithmetic3A_580 : i32 to vector<16xi32>
        %shift_right_arithmetic3A_582 = arith.shrsi %add3A_570, %shift_right_arithmetic3A_581 : vector<16xi32>
        %and3A_583 = arith.constant 127 : i32
        %and3A_584 = vector.broadcast %and3A_583 : i32 to vector<16xi32>
        %and3A_585 = arith.andi %add3A_570, %and3A_584 : vector<16xi32>
        %gather3A_586 = tpu.vector_load_idx %arg15[%shift_right_arithmetic3A_582, %and3A_585] masked %lt3A_572 : memref<17x128xi32, #tpu.memory_space<vmem>>[vector<16xi32>, vector<16xi32>], vector<16xi32>, vector<16xi1>
        %add3A_587 = arith.constant 96 : i32
        %add3A_588 = vector.broadcast %add3A_587 : i32 to vector<16xi32>
        %add3A_589 = arith.addi %add3A_588, %iota3A : vector<16xi32>
        %shift_right_arithmetic3A_590 = arith.constant 7 : i32
        %shift_right_arithmetic3A_591 = vector.broadcast %shift_right_arithmetic3A_590 : i32 to vector<16xi32>
        %shift_right_arithmetic3A_592 = arith.shrsi %add3A_589, %shift_right_arithmetic3A_591 : vector<16xi32>
        %and3A_593 = arith.constant 127 : i32
        %and3A_594 = vector.broadcast %and3A_593 : i32 to vector<16xi32>
        %and3A_595 = arith.andi %add3A_589, %and3A_594 : vector<16xi32>
        tpu.vector_store_idx %arg14[%shift_right_arithmetic3A_592, %and3A_595], %gather3A_579 masked %lt3A_572 : memref<17x128xi32, #tpu.memory_space<vmem>>[vector<16xi32>, vector<16xi32>], vector<16xi32>, vector<16xi1>
        %shift_right_arithmetic3A_596 = arith.constant 7 : i32
        %shift_right_arithmetic3A_597 = vector.broadcast %shift_right_arithmetic3A_596 : i32 to vector<16xi32>
        %shift_right_arithmetic3A_598 = arith.shrsi %add3A_589, %shift_right_arithmetic3A_597 : vector<16xi32>
        %and3A_599 = arith.constant 127 : i32
        %and3A_600 = vector.broadcast %and3A_599 : i32 to vector<16xi32>
        %and3A_601 = arith.andi %add3A_589, %and3A_600 : vector<16xi32>
        tpu.vector_store_idx %arg15[%shift_right_arithmetic3A_598, %and3A_601], %gather3A_586 masked %lt3A_572 : memref<17x128xi32, #tpu.memory_space<vmem>>[vector<16xi32>, vector<16xi32>], vector<16xi32>, vector<16xi1>
        %add3A_602 = arith.constant 112 : i32
        %add3A_603 = arith.addi %shift_left3A_357, %add3A_602 : i32
        %add3A_604 = vector.broadcast %add3A_603 : i32 to vector<16xi32>
        %add3A_605 = arith.addi %add3A_604, %iota3A : vector<16xi32>
        %lt3A_606 = vector.broadcast %scan3A_337 : i32 to vector<16xi32>
        %lt3A_607 = arith.cmpi slt, %add3A_605, %lt3A_606 : vector<16xi32>
        %shift_right_arithmetic3A_608 = arith.constant 7 : i32
        %shift_right_arithmetic3A_609 = vector.broadcast %shift_right_arithmetic3A_608 : i32 to vector<16xi32>
        %shift_right_arithmetic3A_610 = arith.shrsi %add3A_605, %shift_right_arithmetic3A_609 : vector<16xi32>
        %and3A_611 = arith.constant 127 : i32
        %and3A_612 = vector.broadcast %and3A_611 : i32 to vector<16xi32>
        %and3A_613 = arith.andi %add3A_605, %and3A_612 : vector<16xi32>
        %gather3A_614 = tpu.vector_load_idx %arg14[%shift_right_arithmetic3A_610, %and3A_613] masked %lt3A_607 : memref<17x128xi32, #tpu.memory_space<vmem>>[vector<16xi32>, vector<16xi32>], vector<16xi32>, vector<16xi1>
        %shift_right_arithmetic3A_615 = arith.constant 7 : i32
        %shift_right_arithmetic3A_616 = vector.broadcast %shift_right_arithmetic3A_615 : i32 to vector<16xi32>
        %shift_right_arithmetic3A_617 = arith.shrsi %add3A_605, %shift_right_arithmetic3A_616 : vector<16xi32>
        %and3A_618 = arith.constant 127 : i32
        %and3A_619 = vector.broadcast %and3A_618 : i32 to vector<16xi32>
        %and3A_620 = arith.andi %add3A_605, %and3A_619 : vector<16xi32>
        %gather3A_621 = tpu.vector_load_idx %arg15[%shift_right_arithmetic3A_617, %and3A_620] masked %lt3A_607 : memref<17x128xi32, #tpu.memory_space<vmem>>[vector<16xi32>, vector<16xi32>], vector<16xi32>, vector<16xi1>
        %add3A_622 = arith.constant 112 : i32
        %add3A_623 = vector.broadcast %add3A_622 : i32 to vector<16xi32>
        %add3A_624 = arith.addi %add3A_623, %iota3A : vector<16xi32>
        %shift_right_arithmetic3A_625 = arith.constant 7 : i32
        %shift_right_arithmetic3A_626 = vector.broadcast %shift_right_arithmetic3A_625 : i32 to vector<16xi32>
        %shift_right_arithmetic3A_627 = arith.shrsi %add3A_624, %shift_right_arithmetic3A_626 : vector<16xi32>
        %and3A_628 = arith.constant 127 : i32
        %and3A_629 = vector.broadcast %and3A_628 : i32 to vector<16xi32>
        %and3A_630 = arith.andi %add3A_624, %and3A_629 : vector<16xi32>
        tpu.vector_store_idx %arg14[%shift_right_arithmetic3A_627, %and3A_630], %gather3A_614 masked %lt3A_607 : memref<17x128xi32, #tpu.memory_space<vmem>>[vector<16xi32>, vector<16xi32>], vector<16xi32>, vector<16xi1>
        %shift_right_arithmetic3A_631 = arith.constant 7 : i32
        %shift_right_arithmetic3A_632 = vector.broadcast %shift_right_arithmetic3A_631 : i32 to vector<16xi32>
        %shift_right_arithmetic3A_633 = arith.shrsi %add3A_624, %shift_right_arithmetic3A_632 : vector<16xi32>
        %and3A_634 = arith.constant 127 : i32
        %and3A_635 = vector.broadcast %and3A_634 : i32 to vector<16xi32>
        %and3A_636 = arith.andi %add3A_624, %and3A_635 : vector<16xi32>
        tpu.vector_store_idx %arg15[%shift_right_arithmetic3A_633, %and3A_636], %gather3A_621 masked %lt3A_607 : memref<17x128xi32, #tpu.memory_space<vmem>>[vector<16xi32>, vector<16xi32>], vector<16xi32>, vector<16xi1>
        %sub3A_637 = arith.subi %scan3A_337, %shift_left3A_357 : i32
        %add3A_638 = arith.constant 1 : i32
        %add3A_639 = arith.addi %mul3A_309, %add3A_638 : i32
        %mul3A_640 = arith.constant 20000 : i32
        %mul3A_641 = arith.muli %arg1, %mul3A_640 : i32
        %mul3A_642 = arith.constant 2000 : i32
        %mul3A_643 = arith.muli %add3A_639, %mul3A_642 : i32
        %add3A_644 = arith.addi %mul3A_641, %mul3A_643 : i32
        %dma_wait3A_645 = tpu.memref_slice %arg3[%add3A_644] : memref<320000xi32, #tpu.memory_space<hbm>> -> memref<2000xi32, #tpu.memory_space<hbm>>
        %dma_wait3A_646 = tpu.memref_slice %arg3[%add3A_644] : memref<320000xi32, #tpu.memory_space<hbm>> -> memref<2000xi32, #tpu.memory_space<hbm>>
        tpu.wait_dma2 semaphore(%arg21 : memref<!tpu.dma_semaphore, #tpu.memory_space<semaphore_mem>>) src(%dma_wait3A_646 : memref<2000xi32, #tpu.memory_space<hbm>>) dst(%arg11 : memref<2000xi32, #tpu.memory_space<vmem>>)
        %dma_wait3A_647 = tpu.memref_slice %arg4[%add3A_644] : memref<320000xi32, #tpu.memory_space<hbm>> -> memref<2000xi32, #tpu.memory_space<hbm>>
        %dma_wait3A_648 = tpu.memref_slice %arg4[%add3A_644] : memref<320000xi32, #tpu.memory_space<hbm>> -> memref<2000xi32, #tpu.memory_space<hbm>>
        tpu.wait_dma2 semaphore(%arg22 : memref<!tpu.dma_semaphore, #tpu.memory_space<semaphore_mem>>) src(%dma_wait3A_648 : memref<2000xi32, #tpu.memory_space<hbm>>) dst(%arg12 : memref<2000xi32, #tpu.memory_space<vmem>>)
        %dma_wait3A_649 = tpu.memref_slice %arg5[%add3A_644] : memref<320000xi32, #tpu.memory_space<hbm>> -> memref<2000xi32, #tpu.memory_space<hbm>>
        %dma_wait3A_650 = tpu.memref_slice %arg5[%add3A_644] : memref<320000xi32, #tpu.memory_space<hbm>> -> memref<2000xi32, #tpu.memory_space<hbm>>
        tpu.wait_dma2 semaphore(%arg23 : memref<!tpu.dma_semaphore, #tpu.memory_space<semaphore_mem>>) src(%dma_wait3A_650 : memref<2000xi32, #tpu.memory_space<hbm>>) dst(%arg13 : memref<2000xi32, #tpu.memory_space<vmem>>)
        %eq3A_651 = arith.constant 4 : i32
        %eq3A_652 = arith.cmpi eq, %scan3A_21, %eq3A_651 : i32
        %eq3A_653 = arith.constant 4 : i32
        %eq3A_654 = arith.cmpi eq, %scan3A_306, %eq3A_653 : i32
        %and3A_655 = arith.andi %eq3A_652, %eq3A_654 : i1
        %not3A = arith.constant true
        %not3A_656 = arith.xori %and3A_655, %not3A : i1
        %convert_element_type3A_657 = arith.extui %not3A_656 : i1 to i32
        %cond3A_658 = arith.constant 0 : i32
        %cond3A_659 = arith.cmpi ne, %convert_element_type3A_657, %cond3A_658 : i32
        scf.if %cond3A_659 {
          %add3A_967 = arith.constant 2 : i32
          %add3A_968 = arith.addi %mul3A_309, %add3A_967 : i32
          %jit3A_969 = arith.constant 10 : i32
          %eq3A_970 = arith.constant 0 : i32
          %eq3A_971 = arith.cmpi eq, %jit3A_969, %eq3A_970 : i32
          %jit3A_972 = arith.constant 1 : i32
          %select_n3A_973 = arith.select %eq3A_971, %jit3A_972, %jit3A_969 : i32
          %rem3A_974 = arith.remsi %add3A_968, %select_n3A_973 : i32
          %ne3A_975 = arith.constant 0 : i32
          %ne3A_976 = arith.cmpi ne, %rem3A_974, %ne3A_975 : i32
          %lt3A_977 = arith.constant 0 : i32
          %lt3A_978 = arith.cmpi slt, %rem3A_974, %lt3A_977 : i32
          %lt3A_979 = arith.constant 0 : i32
          %lt3A_980 = arith.cmpi slt, %select_n3A_973, %lt3A_979 : i32
          %ne3A_981 = arith.xori %lt3A_978, %lt3A_980 : i1
          %and3A_982 = arith.andi %ne3A_981, %ne3A_976 : i1
          %add3A_983 = arith.addi %rem3A_974, %select_n3A_973 : i32
          %select_n3A_984 = arith.select %and3A_982, %add3A_983, %rem3A_974 : i32
          %mul3A_985 = arith.constant 20000 : i32
          %mul3A_986 = arith.muli %arg1, %mul3A_985 : i32
          %mul3A_987 = arith.constant 2000 : i32
          %mul3A_988 = arith.muli %select_n3A_984, %mul3A_987 : i32
          %add3A_989 = arith.addi %mul3A_986, %mul3A_988 : i32
          %dma_start3A_990 = tpu.memref_slice %arg3[%add3A_989] : memref<320000xi32, #tpu.memory_space<hbm>> -> memref<2000xi32, #tpu.memory_space<hbm>>
          %dma_start3A_991 = tpu.memref_slice %arg3[%add3A_989] : memref<320000xi32, #tpu.memory_space<hbm>> -> memref<2000xi32, #tpu.memory_space<hbm>>
          tpu.enqueue_dma source(%dma_start3A_991 : memref<2000xi32, #tpu.memory_space<hbm>>) target(%arg8 : memref<2000xi32, #tpu.memory_space<vmem>>) target_semaphore(%arg21 : memref<!tpu.dma_semaphore, #tpu.memory_space<semaphore_mem>>)
          %dma_start3A_992 = tpu.memref_slice %arg4[%add3A_989] : memref<320000xi32, #tpu.memory_space<hbm>> -> memref<2000xi32, #tpu.memory_space<hbm>>
          %dma_start3A_993 = tpu.memref_slice %arg4[%add3A_989] : memref<320000xi32, #tpu.memory_space<hbm>> -> memref<2000xi32, #tpu.memory_space<hbm>>
          tpu.enqueue_dma source(%dma_start3A_993 : memref<2000xi32, #tpu.memory_space<hbm>>) target(%arg9 : memref<2000xi32, #tpu.memory_space<vmem>>) target_semaphore(%arg22 : memref<!tpu.dma_semaphore, #tpu.memory_space<semaphore_mem>>)
          %dma_start3A_994 = tpu.memref_slice %arg5[%add3A_989] : memref<320000xi32, #tpu.memory_space<hbm>> -> memref<2000xi32, #tpu.memory_space<hbm>>
          %dma_start3A_995 = tpu.memref_slice %arg5[%add3A_989] : memref<320000xi32, #tpu.memory_space<hbm>> -> memref<2000xi32, #tpu.memory_space<hbm>>
          tpu.enqueue_dma source(%dma_start3A_995 : memref<2000xi32, #tpu.memory_space<hbm>>) target(%arg10 : memref<2000xi32, #tpu.memory_space<vmem>>) target_semaphore(%arg23 : memref<!tpu.dma_semaphore, #tpu.memory_space<semaphore_mem>>)
        } else {
        }
        %scan3A_660 = arith.constant 0 : i32
        %scan3A_661 = arith.constant 125 : i32
        %scan3A_662 = arith.addi %scan3A_660, %scan3A_661 : i32
        %scan3A_663 = arith.constant 1 : i32
        %scan3A_664 = scf.for %scan3A_967 = %scan3A_660 to %scan3A_662 step %scan3A_663 iter_args(%scan3A_968 = %sub3A_637) -> (i32)  : i32 {
          %mul3A_969 = arith.constant 16 : i32
          %mul3A_970 = arith.muli %scan3A_967, %mul3A_969 : i32
          %get3A_971 = arith.index_cast %mul3A_970 : i32 to index
          %get3A_972 = tpu.vector_load %arg11[%get3A_971] {strides = array<i32>} : memref<2000xi32, #tpu.memory_space<vmem>>, vector<16xi32>,
          %mul3A_973 = arith.constant 16 : i32
          %mul3A_974 = arith.muli %scan3A_967, %mul3A_973 : i32
          %get3A_975 = arith.index_cast %mul3A_974 : i32 to index
          %get3A_976 = tpu.vector_load %arg12[%get3A_975] {strides = array<i32>} : memref<2000xi32, #tpu.memory_space<vmem>>, vector<16xi32>,
          %mul3A_977 = arith.constant 16 : i32
          %mul3A_978 = arith.muli %scan3A_967, %mul3A_977 : i32
          %get3A_979 = arith.index_cast %mul3A_978 : i32 to index
          %get3A_980 = tpu.vector_load %arg13[%get3A_979] {strides = array<i32>} : memref<2000xi32, #tpu.memory_space<vmem>>, vector<16xi32>,
          %ge3A = vector.broadcast %mul3A_26 : i32 to vector<16xi32>
          %ge3A_981 = arith.cmpi sge, %get3A_976, %ge3A : vector<16xi32>
          %add3A_982 = arith.constant 1024 : i32
          %add3A_983 = arith.addi %mul3A_26, %add3A_982 : i32
          %lt3A_984 = vector.broadcast %add3A_983 : i32 to vector<16xi32>
          %lt3A_985 = arith.cmpi slt, %get3A_976, %lt3A_984 : vector<16xi32>
          %and3A_986 = arith.andi %ge3A_981, %lt3A_985 : vector<16xi1>
          %mul3A_987 = arith.constant 1024 : i32
          %mul3A_988 = vector.broadcast %mul3A_987 : i32 to vector<16xi32>
          %mul3A_989 = arith.muli %get3A_980, %mul3A_988 : vector<16xi32>
          %sub3A_990 = vector.broadcast %mul3A_26 : i32 to vector<16xi32>
          %sub3A_991 = arith.subi %get3A_976, %sub3A_990 : vector<16xi32>
          %add3A_992 = arith.addi %mul3A_989, %sub3A_991 : vector<16xi32>
          %jit3A_993 = arith.constant 8192 : i32
          %broadcast_in_dim3A_994 = vector.broadcast %jit3A_993 : i32 to vector<16xi32>
          %select_n3A_995 = arith.select %and3A_986, %add3A_992, %broadcast_in_dim3A_994 : vector<16xi1>, vector<16xi32>
          %shift_right_arithmetic3A_996 = arith.constant 7 : i32
          %shift_right_arithmetic3A_997 = vector.broadcast %shift_right_arithmetic3A_996 : i32 to vector<16xi32>
          %shift_right_arithmetic3A_998 = arith.shrsi %select_n3A_995, %shift_right_arithmetic3A_997 : vector<16xi32>
          %and3A_999 = arith.constant 127 : i32
          %and3A_1000 = vector.broadcast %and3A_999 : i32 to vector<16xi32>
          %and3A_1001 = arith.andi %select_n3A_995, %and3A_1000 : vector<16xi32>
          tpu.vector_store_idx %arg17[%shift_right_arithmetic3A_998, %and3A_1001], %broadcast_in_dim3A_4 masked %and3A_986 {add = true} : memref<72x128xf32, #tpu.memory_space<vmem>>[vector<16xi32>, vector<16xi32>], vector<16xf32>, vector<16xi1>
          %convert_element_type3A_1002 = arith.extui %and3A_986 : vector<16xi1> to vector<16xi32>
          %broadcast_in_dim3A_1003 = arith.constant true
          %broadcast_in_dim3A_1004 = vector.broadcast %broadcast_in_dim3A_1003 : i1 to vector<16xi1>
          %masked_cumsum3A = tpu.scan <sum>, %convert_element_type3A_1002 masked %broadcast_in_dim3A_1004 : vector<16xi32>, vector<16xi1> -> vector<16xi32>
          %add3A_1005 = vector.broadcast %scan3A_968 : i32 to vector<16xi32>
          %add3A_1006 = arith.addi %add3A_1005, %masked_cumsum3A : vector<16xi32>
          %sub3A_1007 = arith.constant 1 : i32
          %sub3A_1008 = vector.broadcast %sub3A_1007 : i32 to vector<16xi32>
          %sub3A_1009 = arith.subi %add3A_1006, %sub3A_1008 : vector<16xi32>
          %jit3A_1010 = arith.constant 0 : i32
          %broadcast_in_dim3A_1011 = vector.broadcast %jit3A_1010 : i32 to vector<16xi32>
          %select_n3A_1012 = arith.select %and3A_986, %sub3A_1009, %broadcast_in_dim3A_1011 : vector<16xi1>, vector<16xi32>
          %shift_right_arithmetic3A_1013 = arith.constant 7 : i32
          %shift_right_arithmetic3A_1014 = vector.broadcast %shift_right_arithmetic3A_1013 : i32 to vector<16xi32>
          %shift_right_arithmetic3A_1015 = arith.shrsi %select_n3A_1012, %shift_right_arithmetic3A_1014 : vector<16xi32>
          %and3A_1016 = arith.constant 127 : i32
          %and3A_1017 = vector.broadcast %and3A_1016 : i32 to vector<16xi32>
          %and3A_1018 = arith.andi %select_n3A_1012, %and3A_1017 : vector<16xi32>
          tpu.vector_store_idx %arg14[%shift_right_arithmetic3A_1015, %and3A_1018], %get3A_972 masked %and3A_986 : memref<17x128xi32, #tpu.memory_space<vmem>>[vector<16xi32>, vector<16xi32>], vector<16xi32>, vector<16xi1>
          %shift_right_arithmetic3A_1019 = arith.constant 7 : i32
          %shift_right_arithmetic3A_1020 = vector.broadcast %shift_right_arithmetic3A_1019 : i32 to vector<16xi32>
          %shift_right_arithmetic3A_1021 = arith.shrsi %select_n3A_1012, %shift_right_arithmetic3A_1020 : vector<16xi32>
          %and3A_1022 = arith.constant 127 : i32
          %and3A_1023 = vector.broadcast %and3A_1022 : i32 to vector<16xi32>
          %and3A_1024 = arith.andi %select_n3A_1012, %and3A_1023 : vector<16xi32>
          tpu.vector_store_idx %arg15[%shift_right_arithmetic3A_1021, %and3A_1024], %select_n3A_995 masked %and3A_986 : memref<17x128xi32, #tpu.memory_space<vmem>>[vector<16xi32>, vector<16xi32>], vector<16xi32>, vector<16xi1>
          %reduce_sum3A = arith.constant true
          %reduce_sum3A_1025 = vector.broadcast %reduce_sum3A : i1 to vector<16xi1>
          %reduce_sum3A_1026 = tpu.scan <sum>, %convert_element_type3A_1002 masked %reduce_sum3A_1025 : vector<16xi32>, vector<16xi1> -> vector<16xi32>
          %reduce_sum3A_1027 = vector.extract %reduce_sum3A_1026[15] : i32 from vector<16xi32>
          %add3A_1028 = arith.addi %scan3A_968, %reduce_sum3A_1027 : i32
          scf.yield %add3A_1028 : i32
        }
        %scan3A_665 = arith.constant 125 : i32
        %shift_right_arithmetic3A_666 = arith.constant 7 : i32
        %shift_right_arithmetic3A_667 = arith.shrsi %scan3A_664, %shift_right_arithmetic3A_666 : i32
        %swap3A_668 = arith.constant 0 : i32
        %swap3A_669 = arith.index_cast %swap3A_668 : i32 to index
        %swap3A_670 = memref.load %arg18[%swap3A_669] : memref<8xi32, #tpu.memory_space<smem>>
        memref.store %shift_right_arithmetic3A_667, %arg18[%swap3A_669] : memref<8xi32, #tpu.memory_space<smem>>
        %get3A_671 = arith.constant 0 : i32
        %get3A_672 = arith.index_cast %get3A_671 : i32 to index
        %get3A_673 = memref.load %arg18[%get3A_672] : memref<8xi32, #tpu.memory_space<smem>>
        %while3A_674 = arith.constant 0 : i32
        %while3A_675 = arith.constant 0 : i32
        %while3A_676 = arith.subi %get3A_673, %while3A_675 : i32
        %while3A_677 = arith.addi %while3A_675, %while3A_676 : i32
        %while3A_678 = arith.constant 1 : i32
        %while3A_679 = arith.divsi %while3A_676, %while3A_678 : i32
        %while3A_680 = arith.muli %while3A_679, %while3A_678 : i32
        %while3A_681 = arith.addi %while3A_675, %while3A_680 : i32
        %while3A_682 = arith.constant 1 : i32
        scf.for %while3A_967 = %while3A_675 to %while3A_681 step %while3A_682  : i32 {
          %dma_start3A_968 = arith.constant 0 : i32
          %dma_start3A_969 = tpu.memref_slice %arg14[%while3A_967, %dma_start3A_968] : memref<17x128xi32, #tpu.memory_space<vmem>> -> memref<1x128xi32, #tpu.memory_space<vmem>>
          %dma_start3A_970 = tpu.memref_squeeze %dma_start3A_969 : memref<1x128xi32, #tpu.memory_space<vmem>> -> memref<128xi32, #tpu.memory_space<vmem>>
          %dma_start3A_971 = arith.constant 0 : i32
          %dma_start3A_972 = arith.constant 0 : i32
          %dma_start3A_973 = tpu.memref_slice %arg2[%dma_start3A_971, %dma_start3A_972] : memref<10000x128xf32, #tpu.memory_space<hbm>> -> memref<10000x128xf32, #tpu.memory_space<hbm>>
          tpu.enqueue_indirect_dma source(%dma_start3A_973 : memref<10000x128xf32, #tpu.memory_space<hbm>>) target(%arg16 : memref<128x128xf32, #tpu.memory_space<vmem>>) offsets(%dma_start3A_970 : memref<128xi32, #tpu.memory_space<vmem>>) semaphore(%arg20 : memref<!tpu.dma_semaphore, #tpu.memory_space<semaphore_mem>>)
          %dma_wait3A_974 = arith.constant 0 : i32
          %dma_wait3A_975 = tpu.memref_slice %arg14[%while3A_967, %dma_wait3A_974] : memref<17x128xi32, #tpu.memory_space<vmem>> -> memref<1x128xi32, #tpu.memory_space<vmem>>
          %dma_wait3A_976 = tpu.memref_squeeze %dma_wait3A_975 : memref<1x128xi32, #tpu.memory_space<vmem>> -> memref<128xi32, #tpu.memory_space<vmem>>
          %dma_wait3A_977 = arith.constant 0 : i32
          %dma_wait3A_978 = arith.constant 0 : i32
          %dma_wait3A_979 = tpu.memref_slice %arg2[%dma_wait3A_977, %dma_wait3A_978] : memref<10000x128xf32, #tpu.memory_space<hbm>> -> memref<10000x128xf32, #tpu.memory_space<hbm>>
          tpu.wait_indirect_dma semaphore(%arg20 : memref<!tpu.dma_semaphore, #tpu.memory_space<semaphore_mem>>) src(%dma_wait3A_979 : memref<10000x128xf32, #tpu.memory_space<hbm>>) dst(%arg16 : memref<128x128xf32, #tpu.memory_space<vmem>>)
          "tpu.region"() ({
            %run_scoped3A = tpu.sem_alloc : memref<!tpu.dma_semaphore, #tpu.memory_space<semaphore_mem>>
            %dma_start3A_980 = arith.constant 0 : i32
            %dma_start3A_981 = tpu.memref_slice %arg15[%while3A_967, %dma_start3A_980] : memref<17x128xi32, #tpu.memory_space<vmem>> -> memref<1x128xi32, #tpu.memory_space<vmem>>
            %dma_start3A_982 = tpu.memref_squeeze %dma_start3A_981 : memref<1x128xi32, #tpu.memory_space<vmem>> -> memref<128xi32, #tpu.memory_space<vmem>>
            %dma_start3A_983 = arith.constant 0 : i32
            %dma_start3A_984 = arith.constant 0 : i32
            %dma_start3A_985 = tpu.memref_slice %arg19[%dma_start3A_983, %dma_start3A_984] : memref<8200x128xf32, #tpu.memory_space<vmem_shared>> -> memref<8200x128xf32, #tpu.memory_space<vmem_shared>>
            tpu.enqueue_indirect_dma source(%arg16 : memref<128x128xf32, #tpu.memory_space<vmem>>) target(%dma_start3A_985 : memref<8200x128xf32, #tpu.memory_space<vmem_shared>>) offsets(%dma_start3A_982 : memref<128xi32, #tpu.memory_space<vmem>>) semaphore(%run_scoped3A : memref<!tpu.dma_semaphore, #tpu.memory_space<semaphore_mem>>) {add = true}
            %dma_wait3A_986 = arith.constant 0 : i32
            %dma_wait3A_987 = tpu.memref_slice %arg15[%while3A_967, %dma_wait3A_986] : memref<17x128xi32, #tpu.memory_space<vmem>> -> memref<1x128xi32, #tpu.memory_space<vmem>>
            %dma_wait3A_988 = tpu.memref_squeeze %dma_wait3A_987 : memref<1x128xi32, #tpu.memory_space<vmem>> -> memref<128xi32, #tpu.memory_space<vmem>>
            %dma_wait3A_989 = arith.constant 0 : i32
            %dma_wait3A_990 = arith.constant 0 : i32
            %dma_wait3A_991 = tpu.memref_slice %arg19[%dma_wait3A_989, %dma_wait3A_990] : memref<8200x128xf32, #tpu.memory_space<vmem_shared>> -> memref<8200x128xf32, #tpu.memory_space<vmem_shared>>
            tpu.wait_indirect_dma semaphore(%run_scoped3A : memref<!tpu.dma_semaphore, #tpu.memory_space<semaphore_mem>>) src(%arg16 : memref<128x128xf32, #tpu.memory_space<vmem>>) dst(%dma_wait3A_991 : memref<8200x128xf32, #tpu.memory_space<vmem_shared>>)
            tpu.yield
          }) : () -> ()
        }
        %while3A_683 = arith.constant 1 : i32
        scf.for %while3A_967 = %while3A_681 to %while3A_677 step %while3A_683  : i32 {
          %dma_start3A_968 = arith.constant 0 : i32
          %dma_start3A_969 = tpu.memref_slice %arg14[%while3A_967, %dma_start3A_968] : memref<17x128xi32, #tpu.memory_space<vmem>> -> memref<1x128xi32, #tpu.memory_space<vmem>>
          %dma_start3A_970 = tpu.memref_squeeze %dma_start3A_969 : memref<1x128xi32, #tpu.memory_space<vmem>> -> memref<128xi32, #tpu.memory_space<vmem>>
          %dma_start3A_971 = arith.constant 0 : i32
          %dma_start3A_972 = arith.constant 0 : i32
          %dma_start3A_973 = tpu.memref_slice %arg2[%dma_start3A_971, %dma_start3A_972] : memref<10000x128xf32, #tpu.memory_space<hbm>> -> memref<10000x128xf32, #tpu.memory_space<hbm>>
          tpu.enqueue_indirect_dma source(%dma_start3A_973 : memref<10000x128xf32, #tpu.memory_space<hbm>>) target(%arg16 : memref<128x128xf32, #tpu.memory_space<vmem>>) offsets(%dma_start3A_970 : memref<128xi32, #tpu.memory_space<vmem>>) semaphore(%arg20 : memref<!tpu.dma_semaphore, #tpu.memory_space<semaphore_mem>>)
          %dma_wait3A_974 = arith.constant 0 : i32
          %dma_wait3A_975 = tpu.memref_slice %arg14[%while3A_967, %dma_wait3A_974] : memref<17x128xi32, #tpu.memory_space<vmem>> -> memref<1x128xi32, #tpu.memory_space<vmem>>
          %dma_wait3A_976 = tpu.memref_squeeze %dma_wait3A_975 : memref<1x128xi32, #tpu.memory_space<vmem>> -> memref<128xi32, #tpu.memory_space<vmem>>
          %dma_wait3A_977 = arith.constant 0 : i32
          %dma_wait3A_978 = arith.constant 0 : i32
          %dma_wait3A_979 = tpu.memref_slice %arg2[%dma_wait3A_977, %dma_wait3A_978] : memref<10000x128xf32, #tpu.memory_space<hbm>> -> memref<10000x128xf32, #tpu.memory_space<hbm>>
          tpu.wait_indirect_dma semaphore(%arg20 : memref<!tpu.dma_semaphore, #tpu.memory_space<semaphore_mem>>) src(%dma_wait3A_979 : memref<10000x128xf32, #tpu.memory_space<hbm>>) dst(%arg16 : memref<128x128xf32, #tpu.memory_space<vmem>>)
          "tpu.region"() ({
            %run_scoped3A = tpu.sem_alloc : memref<!tpu.dma_semaphore, #tpu.memory_space<semaphore_mem>>
            %dma_start3A_980 = arith.constant 0 : i32
            %dma_start3A_981 = tpu.memref_slice %arg15[%while3A_967, %dma_start3A_980] : memref<17x128xi32, #tpu.memory_space<vmem>> -> memref<1x128xi32, #tpu.memory_space<vmem>>
            %dma_start3A_982 = tpu.memref_squeeze %dma_start3A_981 : memref<1x128xi32, #tpu.memory_space<vmem>> -> memref<128xi32, #tpu.memory_space<vmem>>
            %dma_start3A_983 = arith.constant 0 : i32
            %dma_start3A_984 = arith.constant 0 : i32
            %dma_start3A_985 = tpu.memref_slice %arg19[%dma_start3A_983, %dma_start3A_984] : memref<8200x128xf32, #tpu.memory_space<vmem_shared>> -> memref<8200x128xf32, #tpu.memory_space<vmem_shared>>
            tpu.enqueue_indirect_dma source(%arg16 : memref<128x128xf32, #tpu.memory_space<vmem>>) target(%dma_start3A_985 : memref<8200x128xf32, #tpu.memory_space<vmem_shared>>) offsets(%dma_start3A_982 : memref<128xi32, #tpu.memory_space<vmem>>) semaphore(%run_scoped3A : memref<!tpu.dma_semaphore, #tpu.memory_space<semaphore_mem>>) {add = true}
            %dma_wait3A_986 = arith.constant 0 : i32
            %dma_wait3A_987 = tpu.memref_slice %arg15[%while3A_967, %dma_wait3A_986] : memref<17x128xi32, #tpu.memory_space<vmem>> -> memref<1x128xi32, #tpu.memory_space<vmem>>
            %dma_wait3A_988 = tpu.memref_squeeze %dma_wait3A_987 : memref<1x128xi32, #tpu.memory_space<vmem>> -> memref<128xi32, #tpu.memory_space<vmem>>
            %dma_wait3A_989 = arith.constant 0 : i32
            %dma_wait3A_990 = arith.constant 0 : i32
            %dma_wait3A_991 = tpu.memref_slice %arg19[%dma_wait3A_989, %dma_wait3A_990] : memref<8200x128xf32, #tpu.memory_space<vmem_shared>> -> memref<8200x128xf32, #tpu.memory_space<vmem_shared>>
            tpu.wait_indirect_dma semaphore(%run_scoped3A : memref<!tpu.dma_semaphore, #tpu.memory_space<semaphore_mem>>) src(%arg16 : memref<128x128xf32, #tpu.memory_space<vmem>>) dst(%dma_wait3A_991 : memref<8200x128xf32, #tpu.memory_space<vmem_shared>>)
            tpu.yield
          }) : () -> ()
        }
        %shift_left3A_684 = arith.constant 7 : i32
        %shift_left3A_685 = arith.shli %get3A_673, %shift_left3A_684 : i32
        %add3A_686 = arith.constant 0 : i32
        %add3A_687 = arith.addi %shift_left3A_685, %add3A_686 : i32
        %add3A_688 = vector.broadcast %add3A_687 : i32 to vector<16xi32>
        %add3A_689 = arith.addi %add3A_688, %iota3A : vector<16xi32>
        %lt3A_690 = vector.broadcast %scan3A_664 : i32 to vector<16xi32>
        %lt3A_691 = arith.cmpi slt, %add3A_689, %lt3A_690 : vector<16xi32>
        %shift_right_arithmetic3A_692 = arith.constant 7 : i32
        %shift_right_arithmetic3A_693 = vector.broadcast %shift_right_arithmetic3A_692 : i32 to vector<16xi32>
        %shift_right_arithmetic3A_694 = arith.shrsi %add3A_689, %shift_right_arithmetic3A_693 : vector<16xi32>
        %and3A_695 = arith.constant 127 : i32
        %and3A_696 = vector.broadcast %and3A_695 : i32 to vector<16xi32>
        %and3A_697 = arith.andi %add3A_689, %and3A_696 : vector<16xi32>
        %gather3A_698 = tpu.vector_load_idx %arg14[%shift_right_arithmetic3A_694, %and3A_697] masked %lt3A_691 : memref<17x128xi32, #tpu.memory_space<vmem>>[vector<16xi32>, vector<16xi32>], vector<16xi32>, vector<16xi1>
        %shift_right_arithmetic3A_699 = arith.constant 7 : i32
        %shift_right_arithmetic3A_700 = vector.broadcast %shift_right_arithmetic3A_699 : i32 to vector<16xi32>
        %shift_right_arithmetic3A_701 = arith.shrsi %add3A_689, %shift_right_arithmetic3A_700 : vector<16xi32>
        %and3A_702 = arith.constant 127 : i32
        %and3A_703 = vector.broadcast %and3A_702 : i32 to vector<16xi32>
        %and3A_704 = arith.andi %add3A_689, %and3A_703 : vector<16xi32>
        %gather3A_705 = tpu.vector_load_idx %arg15[%shift_right_arithmetic3A_701, %and3A_704] masked %lt3A_691 : memref<17x128xi32, #tpu.memory_space<vmem>>[vector<16xi32>, vector<16xi32>], vector<16xi32>, vector<16xi1>
        %add3A_706 = arith.constant 0 : i32
        %add3A_707 = vector.broadcast %add3A_706 : i32 to vector<16xi32>
        %add3A_708 = arith.addi %add3A_707, %iota3A : vector<16xi32>
        %shift_right_arithmetic3A_709 = arith.constant 7 : i32
        %shift_right_arithmetic3A_710 = vector.broadcast %shift_right_arithmetic3A_709 : i32 to vector<16xi32>
        %shift_right_arithmetic3A_711 = arith.shrsi %add3A_708, %shift_right_arithmetic3A_710 : vector<16xi32>
        %and3A_712 = arith.constant 127 : i32
        %and3A_713 = vector.broadcast %and3A_712 : i32 to vector<16xi32>
        %and3A_714 = arith.andi %add3A_708, %and3A_713 : vector<16xi32>
        tpu.vector_store_idx %arg14[%shift_right_arithmetic3A_711, %and3A_714], %gather3A_698 masked %lt3A_691 : memref<17x128xi32, #tpu.memory_space<vmem>>[vector<16xi32>, vector<16xi32>], vector<16xi32>, vector<16xi1>
        %shift_right_arithmetic3A_715 = arith.constant 7 : i32
        %shift_right_arithmetic3A_716 = vector.broadcast %shift_right_arithmetic3A_715 : i32 to vector<16xi32>
        %shift_right_arithmetic3A_717 = arith.shrsi %add3A_708, %shift_right_arithmetic3A_716 : vector<16xi32>
        %and3A_718 = arith.constant 127 : i32
        %and3A_719 = vector.broadcast %and3A_718 : i32 to vector<16xi32>
        %and3A_720 = arith.andi %add3A_708, %and3A_719 : vector<16xi32>
        tpu.vector_store_idx %arg15[%shift_right_arithmetic3A_717, %and3A_720], %gather3A_705 masked %lt3A_691 : memref<17x128xi32, #tpu.memory_space<vmem>>[vector<16xi32>, vector<16xi32>], vector<16xi32>, vector<16xi1>
        %add3A_721 = arith.constant 16 : i32
        %add3A_722 = arith.addi %shift_left3A_685, %add3A_721 : i32
        %add3A_723 = vector.broadcast %add3A_722 : i32 to vector<16xi32>
        %add3A_724 = arith.addi %add3A_723, %iota3A : vector<16xi32>
        %lt3A_725 = vector.broadcast %scan3A_664 : i32 to vector<16xi32>
        %lt3A_726 = arith.cmpi slt, %add3A_724, %lt3A_725 : vector<16xi32>
        %shift_right_arithmetic3A_727 = arith.constant 7 : i32
        %shift_right_arithmetic3A_728 = vector.broadcast %shift_right_arithmetic3A_727 : i32 to vector<16xi32>
        %shift_right_arithmetic3A_729 = arith.shrsi %add3A_724, %shift_right_arithmetic3A_728 : vector<16xi32>
        %and3A_730 = arith.constant 127 : i32
        %and3A_731 = vector.broadcast %and3A_730 : i32 to vector<16xi32>
        %and3A_732 = arith.andi %add3A_724, %and3A_731 : vector<16xi32>
        %gather3A_733 = tpu.vector_load_idx %arg14[%shift_right_arithmetic3A_729, %and3A_732] masked %lt3A_726 : memref<17x128xi32, #tpu.memory_space<vmem>>[vector<16xi32>, vector<16xi32>], vector<16xi32>, vector<16xi1>
        %shift_right_arithmetic3A_734 = arith.constant 7 : i32
        %shift_right_arithmetic3A_735 = vector.broadcast %shift_right_arithmetic3A_734 : i32 to vector<16xi32>
        %shift_right_arithmetic3A_736 = arith.shrsi %add3A_724, %shift_right_arithmetic3A_735 : vector<16xi32>
        %and3A_737 = arith.constant 127 : i32
        %and3A_738 = vector.broadcast %and3A_737 : i32 to vector<16xi32>
        %and3A_739 = arith.andi %add3A_724, %and3A_738 : vector<16xi32>
        %gather3A_740 = tpu.vector_load_idx %arg15[%shift_right_arithmetic3A_736, %and3A_739] masked %lt3A_726 : memref<17x128xi32, #tpu.memory_space<vmem>>[vector<16xi32>, vector<16xi32>], vector<16xi32>, vector<16xi1>
        %add3A_741 = arith.constant 16 : i32
        %add3A_742 = vector.broadcast %add3A_741 : i32 to vector<16xi32>
        %add3A_743 = arith.addi %add3A_742, %iota3A : vector<16xi32>
        %shift_right_arithmetic3A_744 = arith.constant 7 : i32
        %shift_right_arithmetic3A_745 = vector.broadcast %shift_right_arithmetic3A_744 : i32 to vector<16xi32>
        %shift_right_arithmetic3A_746 = arith.shrsi %add3A_743, %shift_right_arithmetic3A_745 : vector<16xi32>
        %and3A_747 = arith.constant 127 : i32
        %and3A_748 = vector.broadcast %and3A_747 : i32 to vector<16xi32>
        %and3A_749 = arith.andi %add3A_743, %and3A_748 : vector<16xi32>
        tpu.vector_store_idx %arg14[%shift_right_arithmetic3A_746, %and3A_749], %gather3A_733 masked %lt3A_726 : memref<17x128xi32, #tpu.memory_space<vmem>>[vector<16xi32>, vector<16xi32>], vector<16xi32>, vector<16xi1>
        %shift_right_arithmetic3A_750 = arith.constant 7 : i32
        %shift_right_arithmetic3A_751 = vector.broadcast %shift_right_arithmetic3A_750 : i32 to vector<16xi32>
        %shift_right_arithmetic3A_752 = arith.shrsi %add3A_743, %shift_right_arithmetic3A_751 : vector<16xi32>
        %and3A_753 = arith.constant 127 : i32
        %and3A_754 = vector.broadcast %and3A_753 : i32 to vector<16xi32>
        %and3A_755 = arith.andi %add3A_743, %and3A_754 : vector<16xi32>
        tpu.vector_store_idx %arg15[%shift_right_arithmetic3A_752, %and3A_755], %gather3A_740 masked %lt3A_726 : memref<17x128xi32, #tpu.memory_space<vmem>>[vector<16xi32>, vector<16xi32>], vector<16xi32>, vector<16xi1>
        %add3A_756 = arith.constant 32 : i32
        %add3A_757 = arith.addi %shift_left3A_685, %add3A_756 : i32
        %add3A_758 = vector.broadcast %add3A_757 : i32 to vector<16xi32>
        %add3A_759 = arith.addi %add3A_758, %iota3A : vector<16xi32>
        %lt3A_760 = vector.broadcast %scan3A_664 : i32 to vector<16xi32>
        %lt3A_761 = arith.cmpi slt, %add3A_759, %lt3A_760 : vector<16xi32>
        %shift_right_arithmetic3A_762 = arith.constant 7 : i32
        %shift_right_arithmetic3A_763 = vector.broadcast %shift_right_arithmetic3A_762 : i32 to vector<16xi32>
        %shift_right_arithmetic3A_764 = arith.shrsi %add3A_759, %shift_right_arithmetic3A_763 : vector<16xi32>
        %and3A_765 = arith.constant 127 : i32
        %and3A_766 = vector.broadcast %and3A_765 : i32 to vector<16xi32>
        %and3A_767 = arith.andi %add3A_759, %and3A_766 : vector<16xi32>
        %gather3A_768 = tpu.vector_load_idx %arg14[%shift_right_arithmetic3A_764, %and3A_767] masked %lt3A_761 : memref<17x128xi32, #tpu.memory_space<vmem>>[vector<16xi32>, vector<16xi32>], vector<16xi32>, vector<16xi1>
        %shift_right_arithmetic3A_769 = arith.constant 7 : i32
        %shift_right_arithmetic3A_770 = vector.broadcast %shift_right_arithmetic3A_769 : i32 to vector<16xi32>
        %shift_right_arithmetic3A_771 = arith.shrsi %add3A_759, %shift_right_arithmetic3A_770 : vector<16xi32>
        %and3A_772 = arith.constant 127 : i32
        %and3A_773 = vector.broadcast %and3A_772 : i32 to vector<16xi32>
        %and3A_774 = arith.andi %add3A_759, %and3A_773 : vector<16xi32>
        %gather3A_775 = tpu.vector_load_idx %arg15[%shift_right_arithmetic3A_771, %and3A_774] masked %lt3A_761 : memref<17x128xi32, #tpu.memory_space<vmem>>[vector<16xi32>, vector<16xi32>], vector<16xi32>, vector<16xi1>
        %add3A_776 = arith.constant 32 : i32
        %add3A_777 = vector.broadcast %add3A_776 : i32 to vector<16xi32>
        %add3A_778 = arith.addi %add3A_777, %iota3A : vector<16xi32>
        %shift_right_arithmetic3A_779 = arith.constant 7 : i32
        %shift_right_arithmetic3A_780 = vector.broadcast %shift_right_arithmetic3A_779 : i32 to vector<16xi32>
        %shift_right_arithmetic3A_781 = arith.shrsi %add3A_778, %shift_right_arithmetic3A_780 : vector<16xi32>
        %and3A_782 = arith.constant 127 : i32
        %and3A_783 = vector.broadcast %and3A_782 : i32 to vector<16xi32>
        %and3A_784 = arith.andi %add3A_778, %and3A_783 : vector<16xi32>
        tpu.vector_store_idx %arg14[%shift_right_arithmetic3A_781, %and3A_784], %gather3A_768 masked %lt3A_761 : memref<17x128xi32, #tpu.memory_space<vmem>>[vector<16xi32>, vector<16xi32>], vector<16xi32>, vector<16xi1>
        %shift_right_arithmetic3A_785 = arith.constant 7 : i32
        %shift_right_arithmetic3A_786 = vector.broadcast %shift_right_arithmetic3A_785 : i32 to vector<16xi32>
        %shift_right_arithmetic3A_787 = arith.shrsi %add3A_778, %shift_right_arithmetic3A_786 : vector<16xi32>
        %and3A_788 = arith.constant 127 : i32
        %and3A_789 = vector.broadcast %and3A_788 : i32 to vector<16xi32>
        %and3A_790 = arith.andi %add3A_778, %and3A_789 : vector<16xi32>
        tpu.vector_store_idx %arg15[%shift_right_arithmetic3A_787, %and3A_790], %gather3A_775 masked %lt3A_761 : memref<17x128xi32, #tpu.memory_space<vmem>>[vector<16xi32>, vector<16xi32>], vector<16xi32>, vector<16xi1>
        %add3A_791 = arith.constant 48 : i32
        %add3A_792 = arith.addi %shift_left3A_685, %add3A_791 : i32
        %add3A_793 = vector.broadcast %add3A_792 : i32 to vector<16xi32>
        %add3A_794 = arith.addi %add3A_793, %iota3A : vector<16xi32>
        %lt3A_795 = vector.broadcast %scan3A_664 : i32 to vector<16xi32>
        %lt3A_796 = arith.cmpi slt, %add3A_794, %lt3A_795 : vector<16xi32>
        %shift_right_arithmetic3A_797 = arith.constant 7 : i32
        %shift_right_arithmetic3A_798 = vector.broadcast %shift_right_arithmetic3A_797 : i32 to vector<16xi32>
        %shift_right_arithmetic3A_799 = arith.shrsi %add3A_794, %shift_right_arithmetic3A_798 : vector<16xi32>
        %and3A_800 = arith.constant 127 : i32
        %and3A_801 = vector.broadcast %and3A_800 : i32 to vector<16xi32>
        %and3A_802 = arith.andi %add3A_794, %and3A_801 : vector<16xi32>
        %gather3A_803 = tpu.vector_load_idx %arg14[%shift_right_arithmetic3A_799, %and3A_802] masked %lt3A_796 : memref<17x128xi32, #tpu.memory_space<vmem>>[vector<16xi32>, vector<16xi32>], vector<16xi32>, vector<16xi1>
        %shift_right_arithmetic3A_804 = arith.constant 7 : i32
        %shift_right_arithmetic3A_805 = vector.broadcast %shift_right_arithmetic3A_804 : i32 to vector<16xi32>
        %shift_right_arithmetic3A_806 = arith.shrsi %add3A_794, %shift_right_arithmetic3A_805 : vector<16xi32>
        %and3A_807 = arith.constant 127 : i32
        %and3A_808 = vector.broadcast %and3A_807 : i32 to vector<16xi32>
        %and3A_809 = arith.andi %add3A_794, %and3A_808 : vector<16xi32>
        %gather3A_810 = tpu.vector_load_idx %arg15[%shift_right_arithmetic3A_806, %and3A_809] masked %lt3A_796 : memref<17x128xi32, #tpu.memory_space<vmem>>[vector<16xi32>, vector<16xi32>], vector<16xi32>, vector<16xi1>
        %add3A_811 = arith.constant 48 : i32
        %add3A_812 = vector.broadcast %add3A_811 : i32 to vector<16xi32>
        %add3A_813 = arith.addi %add3A_812, %iota3A : vector<16xi32>
        %shift_right_arithmetic3A_814 = arith.constant 7 : i32
        %shift_right_arithmetic3A_815 = vector.broadcast %shift_right_arithmetic3A_814 : i32 to vector<16xi32>
        %shift_right_arithmetic3A_816 = arith.shrsi %add3A_813, %shift_right_arithmetic3A_815 : vector<16xi32>
        %and3A_817 = arith.constant 127 : i32
        %and3A_818 = vector.broadcast %and3A_817 : i32 to vector<16xi32>
        %and3A_819 = arith.andi %add3A_813, %and3A_818 : vector<16xi32>
        tpu.vector_store_idx %arg14[%shift_right_arithmetic3A_816, %and3A_819], %gather3A_803 masked %lt3A_796 : memref<17x128xi32, #tpu.memory_space<vmem>>[vector<16xi32>, vector<16xi32>], vector<16xi32>, vector<16xi1>
        %shift_right_arithmetic3A_820 = arith.constant 7 : i32
        %shift_right_arithmetic3A_821 = vector.broadcast %shift_right_arithmetic3A_820 : i32 to vector<16xi32>
        %shift_right_arithmetic3A_822 = arith.shrsi %add3A_813, %shift_right_arithmetic3A_821 : vector<16xi32>
        %and3A_823 = arith.constant 127 : i32
        %and3A_824 = vector.broadcast %and3A_823 : i32 to vector<16xi32>
        %and3A_825 = arith.andi %add3A_813, %and3A_824 : vector<16xi32>
        tpu.vector_store_idx %arg15[%shift_right_arithmetic3A_822, %and3A_825], %gather3A_810 masked %lt3A_796 : memref<17x128xi32, #tpu.memory_space<vmem>>[vector<16xi32>, vector<16xi32>], vector<16xi32>, vector<16xi1>
        %add3A_826 = arith.constant 64 : i32
        %add3A_827 = arith.addi %shift_left3A_685, %add3A_826 : i32
        %add3A_828 = vector.broadcast %add3A_827 : i32 to vector<16xi32>
        %add3A_829 = arith.addi %add3A_828, %iota3A : vector<16xi32>
        %lt3A_830 = vector.broadcast %scan3A_664 : i32 to vector<16xi32>
        %lt3A_831 = arith.cmpi slt, %add3A_829, %lt3A_830 : vector<16xi32>
        %shift_right_arithmetic3A_832 = arith.constant 7 : i32
        %shift_right_arithmetic3A_833 = vector.broadcast %shift_right_arithmetic3A_832 : i32 to vector<16xi32>
        %shift_right_arithmetic3A_834 = arith.shrsi %add3A_829, %shift_right_arithmetic3A_833 : vector<16xi32>
        %and3A_835 = arith.constant 127 : i32
        %and3A_836 = vector.broadcast %and3A_835 : i32 to vector<16xi32>
        %and3A_837 = arith.andi %add3A_829, %and3A_836 : vector<16xi32>
        %gather3A_838 = tpu.vector_load_idx %arg14[%shift_right_arithmetic3A_834, %and3A_837] masked %lt3A_831 : memref<17x128xi32, #tpu.memory_space<vmem>>[vector<16xi32>, vector<16xi32>], vector<16xi32>, vector<16xi1>
        %shift_right_arithmetic3A_839 = arith.constant 7 : i32
        %shift_right_arithmetic3A_840 = vector.broadcast %shift_right_arithmetic3A_839 : i32 to vector<16xi32>
        %shift_right_arithmetic3A_841 = arith.shrsi %add3A_829, %shift_right_arithmetic3A_840 : vector<16xi32>
        %and3A_842 = arith.constant 127 : i32
        %and3A_843 = vector.broadcast %and3A_842 : i32 to vector<16xi32>
        %and3A_844 = arith.andi %add3A_829, %and3A_843 : vector<16xi32>
        %gather3A_845 = tpu.vector_load_idx %arg15[%shift_right_arithmetic3A_841, %and3A_844] masked %lt3A_831 : memref<17x128xi32, #tpu.memory_space<vmem>>[vector<16xi32>, vector<16xi32>], vector<16xi32>, vector<16xi1>
        %add3A_846 = arith.constant 64 : i32
        %add3A_847 = vector.broadcast %add3A_846 : i32 to vector<16xi32>
        %add3A_848 = arith.addi %add3A_847, %iota3A : vector<16xi32>
        %shift_right_arithmetic3A_849 = arith.constant 7 : i32
        %shift_right_arithmetic3A_850 = vector.broadcast %shift_right_arithmetic3A_849 : i32 to vector<16xi32>
        %shift_right_arithmetic3A_851 = arith.shrsi %add3A_848, %shift_right_arithmetic3A_850 : vector<16xi32>
        %and3A_852 = arith.constant 127 : i32
        %and3A_853 = vector.broadcast %and3A_852 : i32 to vector<16xi32>
        %and3A_854 = arith.andi %add3A_848, %and3A_853 : vector<16xi32>
        tpu.vector_store_idx %arg14[%shift_right_arithmetic3A_851, %and3A_854], %gather3A_838 masked %lt3A_831 : memref<17x128xi32, #tpu.memory_space<vmem>>[vector<16xi32>, vector<16xi32>], vector<16xi32>, vector<16xi1>
        %shift_right_arithmetic3A_855 = arith.constant 7 : i32
        %shift_right_arithmetic3A_856 = vector.broadcast %shift_right_arithmetic3A_855 : i32 to vector<16xi32>
        %shift_right_arithmetic3A_857 = arith.shrsi %add3A_848, %shift_right_arithmetic3A_856 : vector<16xi32>
        %and3A_858 = arith.constant 127 : i32
        %and3A_859 = vector.broadcast %and3A_858 : i32 to vector<16xi32>
        %and3A_860 = arith.andi %add3A_848, %and3A_859 : vector<16xi32>
        tpu.vector_store_idx %arg15[%shift_right_arithmetic3A_857, %and3A_860], %gather3A_845 masked %lt3A_831 : memref<17x128xi32, #tpu.memory_space<vmem>>[vector<16xi32>, vector<16xi32>], vector<16xi32>, vector<16xi1>
        %add3A_861 = arith.constant 80 : i32
        %add3A_862 = arith.addi %shift_left3A_685, %add3A_861 : i32
        %add3A_863 = vector.broadcast %add3A_862 : i32 to vector<16xi32>
        %add3A_864 = arith.addi %add3A_863, %iota3A : vector<16xi32>
        %lt3A_865 = vector.broadcast %scan3A_664 : i32 to vector<16xi32>
        %lt3A_866 = arith.cmpi slt, %add3A_864, %lt3A_865 : vector<16xi32>
        %shift_right_arithmetic3A_867 = arith.constant 7 : i32
        %shift_right_arithmetic3A_868 = vector.broadcast %shift_right_arithmetic3A_867 : i32 to vector<16xi32>
        %shift_right_arithmetic3A_869 = arith.shrsi %add3A_864, %shift_right_arithmetic3A_868 : vector<16xi32>
        %and3A_870 = arith.constant 127 : i32
        %and3A_871 = vector.broadcast %and3A_870 : i32 to vector<16xi32>
        %and3A_872 = arith.andi %add3A_864, %and3A_871 : vector<16xi32>
        %gather3A_873 = tpu.vector_load_idx %arg14[%shift_right_arithmetic3A_869, %and3A_872] masked %lt3A_866 : memref<17x128xi32, #tpu.memory_space<vmem>>[vector<16xi32>, vector<16xi32>], vector<16xi32>, vector<16xi1>
        %shift_right_arithmetic3A_874 = arith.constant 7 : i32
        %shift_right_arithmetic3A_875 = vector.broadcast %shift_right_arithmetic3A_874 : i32 to vector<16xi32>
        %shift_right_arithmetic3A_876 = arith.shrsi %add3A_864, %shift_right_arithmetic3A_875 : vector<16xi32>
        %and3A_877 = arith.constant 127 : i32
        %and3A_878 = vector.broadcast %and3A_877 : i32 to vector<16xi32>
        %and3A_879 = arith.andi %add3A_864, %and3A_878 : vector<16xi32>
        %gather3A_880 = tpu.vector_load_idx %arg15[%shift_right_arithmetic3A_876, %and3A_879] masked %lt3A_866 : memref<17x128xi32, #tpu.memory_space<vmem>>[vector<16xi32>, vector<16xi32>], vector<16xi32>, vector<16xi1>
        %add3A_881 = arith.constant 80 : i32
        %add3A_882 = vector.broadcast %add3A_881 : i32 to vector<16xi32>
        %add3A_883 = arith.addi %add3A_882, %iota3A : vector<16xi32>
        %shift_right_arithmetic3A_884 = arith.constant 7 : i32
        %shift_right_arithmetic3A_885 = vector.broadcast %shift_right_arithmetic3A_884 : i32 to vector<16xi32>
        %shift_right_arithmetic3A_886 = arith.shrsi %add3A_883, %shift_right_arithmetic3A_885 : vector<16xi32>
        %and3A_887 = arith.constant 127 : i32
        %and3A_888 = vector.broadcast %and3A_887 : i32 to vector<16xi32>
        %and3A_889 = arith.andi %add3A_883, %and3A_888 : vector<16xi32>
        tpu.vector_store_idx %arg14[%shift_right_arithmetic3A_886, %and3A_889], %gather3A_873 masked %lt3A_866 : memref<17x128xi32, #tpu.memory_space<vmem>>[vector<16xi32>, vector<16xi32>], vector<16xi32>, vector<16xi1>
        %shift_right_arithmetic3A_890 = arith.constant 7 : i32
        %shift_right_arithmetic3A_891 = vector.broadcast %shift_right_arithmetic3A_890 : i32 to vector<16xi32>
        %shift_right_arithmetic3A_892 = arith.shrsi %add3A_883, %shift_right_arithmetic3A_891 : vector<16xi32>
        %and3A_893 = arith.constant 127 : i32
        %and3A_894 = vector.broadcast %and3A_893 : i32 to vector<16xi32>
        %and3A_895 = arith.andi %add3A_883, %and3A_894 : vector<16xi32>
        tpu.vector_store_idx %arg15[%shift_right_arithmetic3A_892, %and3A_895], %gather3A_880 masked %lt3A_866 : memref<17x128xi32, #tpu.memory_space<vmem>>[vector<16xi32>, vector<16xi32>], vector<16xi32>, vector<16xi1>
        %add3A_896 = arith.constant 96 : i32
        %add3A_897 = arith.addi %shift_left3A_685, %add3A_896 : i32
        %add3A_898 = vector.broadcast %add3A_897 : i32 to vector<16xi32>
        %add3A_899 = arith.addi %add3A_898, %iota3A : vector<16xi32>
        %lt3A_900 = vector.broadcast %scan3A_664 : i32 to vector<16xi32>
        %lt3A_901 = arith.cmpi slt, %add3A_899, %lt3A_900 : vector<16xi32>
        %shift_right_arithmetic3A_902 = arith.constant 7 : i32
        %shift_right_arithmetic3A_903 = vector.broadcast %shift_right_arithmetic3A_902 : i32 to vector<16xi32>
        %shift_right_arithmetic3A_904 = arith.shrsi %add3A_899, %shift_right_arithmetic3A_903 : vector<16xi32>
        %and3A_905 = arith.constant 127 : i32
        %and3A_906 = vector.broadcast %and3A_905 : i32 to vector<16xi32>
        %and3A_907 = arith.andi %add3A_899, %and3A_906 : vector<16xi32>
        %gather3A_908 = tpu.vector_load_idx %arg14[%shift_right_arithmetic3A_904, %and3A_907] masked %lt3A_901 : memref<17x128xi32, #tpu.memory_space<vmem>>[vector<16xi32>, vector<16xi32>], vector<16xi32>, vector<16xi1>
        %shift_right_arithmetic3A_909 = arith.constant 7 : i32
        %shift_right_arithmetic3A_910 = vector.broadcast %shift_right_arithmetic3A_909 : i32 to vector<16xi32>
        %shift_right_arithmetic3A_911 = arith.shrsi %add3A_899, %shift_right_arithmetic3A_910 : vector<16xi32>
        %and3A_912 = arith.constant 127 : i32
        %and3A_913 = vector.broadcast %and3A_912 : i32 to vector<16xi32>
        %and3A_914 = arith.andi %add3A_899, %and3A_913 : vector<16xi32>
        %gather3A_915 = tpu.vector_load_idx %arg15[%shift_right_arithmetic3A_911, %and3A_914] masked %lt3A_901 : memref<17x128xi32, #tpu.memory_space<vmem>>[vector<16xi32>, vector<16xi32>], vector<16xi32>, vector<16xi1>
        %add3A_916 = arith.constant 96 : i32
        %add3A_917 = vector.broadcast %add3A_916 : i32 to vector<16xi32>
        %add3A_918 = arith.addi %add3A_917, %iota3A : vector<16xi32>
        %shift_right_arithmetic3A_919 = arith.constant 7 : i32
        %shift_right_arithmetic3A_920 = vector.broadcast %shift_right_arithmetic3A_919 : i32 to vector<16xi32>
        %shift_right_arithmetic3A_921 = arith.shrsi %add3A_918, %shift_right_arithmetic3A_920 : vector<16xi32>
        %and3A_922 = arith.constant 127 : i32
        %and3A_923 = vector.broadcast %and3A_922 : i32 to vector<16xi32>
        %and3A_924 = arith.andi %add3A_918, %and3A_923 : vector<16xi32>
        tpu.vector_store_idx %arg14[%shift_right_arithmetic3A_921, %and3A_924], %gather3A_908 masked %lt3A_901 : memref<17x128xi32, #tpu.memory_space<vmem>>[vector<16xi32>, vector<16xi32>], vector<16xi32>, vector<16xi1>
        %shift_right_arithmetic3A_925 = arith.constant 7 : i32
        %shift_right_arithmetic3A_926 = vector.broadcast %shift_right_arithmetic3A_925 : i32 to vector<16xi32>
        %shift_right_arithmetic3A_927 = arith.shrsi %add3A_918, %shift_right_arithmetic3A_926 : vector<16xi32>
        %and3A_928 = arith.constant 127 : i32
        %and3A_929 = vector.broadcast %and3A_928 : i32 to vector<16xi32>
        %and3A_930 = arith.andi %add3A_918, %and3A_929 : vector<16xi32>
        tpu.vector_store_idx %arg15[%shift_right_arithmetic3A_927, %and3A_930], %gather3A_915 masked %lt3A_901 : memref<17x128xi32, #tpu.memory_space<vmem>>[vector<16xi32>, vector<16xi32>], vector<16xi32>, vector<16xi1>
        %add3A_931 = arith.constant 112 : i32
        %add3A_932 = arith.addi %shift_left3A_685, %add3A_931 : i32
        %add3A_933 = vector.broadcast %add3A_932 : i32 to vector<16xi32>
        %add3A_934 = arith.addi %add3A_933, %iota3A : vector<16xi32>
        %lt3A_935 = vector.broadcast %scan3A_664 : i32 to vector<16xi32>
        %lt3A_936 = arith.cmpi slt, %add3A_934, %lt3A_935 : vector<16xi32>
        %shift_right_arithmetic3A_937 = arith.constant 7 : i32
        %shift_right_arithmetic3A_938 = vector.broadcast %shift_right_arithmetic3A_937 : i32 to vector<16xi32>
        %shift_right_arithmetic3A_939 = arith.shrsi %add3A_934, %shift_right_arithmetic3A_938 : vector<16xi32>
        %and3A_940 = arith.constant 127 : i32
        %and3A_941 = vector.broadcast %and3A_940 : i32 to vector<16xi32>
        %and3A_942 = arith.andi %add3A_934, %and3A_941 : vector<16xi32>
        %gather3A_943 = tpu.vector_load_idx %arg14[%shift_right_arithmetic3A_939, %and3A_942] masked %lt3A_936 : memref<17x128xi32, #tpu.memory_space<vmem>>[vector<16xi32>, vector<16xi32>], vector<16xi32>, vector<16xi1>
        %shift_right_arithmetic3A_944 = arith.constant 7 : i32
        %shift_right_arithmetic3A_945 = vector.broadcast %shift_right_arithmetic3A_944 : i32 to vector<16xi32>
        %shift_right_arithmetic3A_946 = arith.shrsi %add3A_934, %shift_right_arithmetic3A_945 : vector<16xi32>
        %and3A_947 = arith.constant 127 : i32
        %and3A_948 = vector.broadcast %and3A_947 : i32 to vector<16xi32>
        %and3A_949 = arith.andi %add3A_934, %and3A_948 : vector<16xi32>
        %gather3A_950 = tpu.vector_load_idx %arg15[%shift_right_arithmetic3A_946, %and3A_949] masked %lt3A_936 : memref<17x128xi32, #tpu.memory_space<vmem>>[vector<16xi32>, vector<16xi32>], vector<16xi32>, vector<16xi1>
        %add3A_951 = arith.constant 112 : i32
        %add3A_952 = vector.broadcast %add3A_951 : i32 to vector<16xi32>
        %add3A_953 = arith.addi %add3A_952, %iota3A : vector<16xi32>
        %shift_right_arithmetic3A_954 = arith.constant 7 : i32
        %shift_right_arithmetic3A_955 = vector.broadcast %shift_right_arithmetic3A_954 : i32 to vector<16xi32>
        %shift_right_arithmetic3A_956 = arith.shrsi %add3A_953, %shift_right_arithmetic3A_955 : vector<16xi32>
        %and3A_957 = arith.constant 127 : i32
        %and3A_958 = vector.broadcast %and3A_957 : i32 to vector<16xi32>
        %and3A_959 = arith.andi %add3A_953, %and3A_958 : vector<16xi32>
        tpu.vector_store_idx %arg14[%shift_right_arithmetic3A_956, %and3A_959], %gather3A_943 masked %lt3A_936 : memref<17x128xi32, #tpu.memory_space<vmem>>[vector<16xi32>, vector<16xi32>], vector<16xi32>, vector<16xi1>
        %shift_right_arithmetic3A_960 = arith.constant 7 : i32
        %shift_right_arithmetic3A_961 = vector.broadcast %shift_right_arithmetic3A_960 : i32 to vector<16xi32>
        %shift_right_arithmetic3A_962 = arith.shrsi %add3A_953, %shift_right_arithmetic3A_961 : vector<16xi32>
        %and3A_963 = arith.constant 127 : i32
        %and3A_964 = vector.broadcast %and3A_963 : i32 to vector<16xi32>
        %and3A_965 = arith.andi %add3A_953, %and3A_964 : vector<16xi32>
        tpu.vector_store_idx %arg15[%shift_right_arithmetic3A_962, %and3A_965], %gather3A_950 masked %lt3A_936 : memref<17x128xi32, #tpu.memory_space<vmem>>[vector<16xi32>, vector<16xi32>], vector<16xi32>, vector<16xi1>
        %sub3A_966 = arith.subi %scan3A_664, %shift_left3A_685 : i32
        scf.yield %sub3A_966 : i32
      }
      %scan3A_35 = arith.constant 5 : i32
      %add3A_36 = arith.constant 128 : i32
      %add3A_37 = arith.addi %scan3A_34, %add3A_36 : i32
      %sub3A = arith.constant 1 : i32
      %sub3A_38 = arith.subi %add3A_37, %sub3A : i32
      %shift_right_arithmetic3A = arith.constant 7 : i32
      %shift_right_arithmetic3A_39 = arith.shrsi %sub3A_38, %shift_right_arithmetic3A : i32
      %shift_left3A = arith.constant 7 : i32
      %shift_left3A_40 = arith.shli %shift_right_arithmetic3A_39, %shift_left3A : i32
      %add3A_41 = arith.constant 0 : i32
      %add3A_42 = arith.addi %scan3A_34, %add3A_41 : i32
      %add3A_43 = vector.broadcast %add3A_42 : i32 to vector<16xi32>
      %add3A_44 = arith.addi %add3A_43, %iota3A : vector<16xi32>
      %lt3A = vector.broadcast %shift_left3A_40 : i32 to vector<16xi32>
      %lt3A_45 = arith.cmpi slt, %add3A_44, %lt3A : vector<16xi32>
      %shift_right_arithmetic3A_46 = arith.constant 7 : i32
      %shift_right_arithmetic3A_47 = vector.broadcast %shift_right_arithmetic3A_46 : i32 to vector<16xi32>
      %shift_right_arithmetic3A_48 = arith.shrsi %add3A_44, %shift_right_arithmetic3A_47 : vector<16xi32>
      %and3A = arith.constant 127 : i32
      %and3A_49 = vector.broadcast %and3A : i32 to vector<16xi32>
      %and3A_50 = arith.andi %add3A_44, %and3A_49 : vector<16xi32>
      tpu.vector_store_idx %arg14[%shift_right_arithmetic3A_48, %and3A_50], %broadcast_in_dim3A_0 masked %lt3A_45 : memref<17x128xi32, #tpu.memory_space<vmem>>[vector<16xi32>, vector<16xi32>], vector<16xi32>, vector<16xi1>
      %shift_right_arithmetic3A_51 = arith.constant 7 : i32
      %shift_right_arithmetic3A_52 = vector.broadcast %shift_right_arithmetic3A_51 : i32 to vector<16xi32>
      %shift_right_arithmetic3A_53 = arith.shrsi %add3A_44, %shift_right_arithmetic3A_52 : vector<16xi32>
      %and3A_54 = arith.constant 127 : i32
      %and3A_55 = vector.broadcast %and3A_54 : i32 to vector<16xi32>
      %and3A_56 = arith.andi %add3A_44, %and3A_55 : vector<16xi32>
      tpu.vector_store_idx %arg15[%shift_right_arithmetic3A_53, %and3A_56], %broadcast_in_dim3A_6 masked %lt3A_45 : memref<17x128xi32, #tpu.memory_space<vmem>>[vector<16xi32>, vector<16xi32>], vector<16xi32>, vector<16xi1>
      %add3A_57 = arith.constant 16 : i32
      %add3A_58 = arith.addi %scan3A_34, %add3A_57 : i32
      %add3A_59 = vector.broadcast %add3A_58 : i32 to vector<16xi32>
      %add3A_60 = arith.addi %add3A_59, %iota3A : vector<16xi32>
      %lt3A_61 = vector.broadcast %shift_left3A_40 : i32 to vector<16xi32>
      %lt3A_62 = arith.cmpi slt, %add3A_60, %lt3A_61 : vector<16xi32>
      %shift_right_arithmetic3A_63 = arith.constant 7 : i32
      %shift_right_arithmetic3A_64 = vector.broadcast %shift_right_arithmetic3A_63 : i32 to vector<16xi32>
      %shift_right_arithmetic3A_65 = arith.shrsi %add3A_60, %shift_right_arithmetic3A_64 : vector<16xi32>
      %and3A_66 = arith.constant 127 : i32
      %and3A_67 = vector.broadcast %and3A_66 : i32 to vector<16xi32>
      %and3A_68 = arith.andi %add3A_60, %and3A_67 : vector<16xi32>
      tpu.vector_store_idx %arg14[%shift_right_arithmetic3A_65, %and3A_68], %broadcast_in_dim3A_0 masked %lt3A_62 : memref<17x128xi32, #tpu.memory_space<vmem>>[vector<16xi32>, vector<16xi32>], vector<16xi32>, vector<16xi1>
      %shift_right_arithmetic3A_69 = arith.constant 7 : i32
      %shift_right_arithmetic3A_70 = vector.broadcast %shift_right_arithmetic3A_69 : i32 to vector<16xi32>
      %shift_right_arithmetic3A_71 = arith.shrsi %add3A_60, %shift_right_arithmetic3A_70 : vector<16xi32>
      %and3A_72 = arith.constant 127 : i32
      %and3A_73 = vector.broadcast %and3A_72 : i32 to vector<16xi32>
      %and3A_74 = arith.andi %add3A_60, %and3A_73 : vector<16xi32>
      tpu.vector_store_idx %arg15[%shift_right_arithmetic3A_71, %and3A_74], %broadcast_in_dim3A_6 masked %lt3A_62 : memref<17x128xi32, #tpu.memory_space<vmem>>[vector<16xi32>, vector<16xi32>], vector<16xi32>, vector<16xi1>
      %add3A_75 = arith.constant 32 : i32
      %add3A_76 = arith.addi %scan3A_34, %add3A_75 : i32
      %add3A_77 = vector.broadcast %add3A_76 : i32 to vector<16xi32>
      %add3A_78 = arith.addi %add3A_77, %iota3A : vector<16xi32>
      %lt3A_79 = vector.broadcast %shift_left3A_40 : i32 to vector<16xi32>
      %lt3A_80 = arith.cmpi slt, %add3A_78, %lt3A_79 : vector<16xi32>
      %shift_right_arithmetic3A_81 = arith.constant 7 : i32
      %shift_right_arithmetic3A_82 = vector.broadcast %shift_right_arithmetic3A_81 : i32 to vector<16xi32>
      %shift_right_arithmetic3A_83 = arith.shrsi %add3A_78, %shift_right_arithmetic3A_82 : vector<16xi32>
      %and3A_84 = arith.constant 127 : i32
      %and3A_85 = vector.broadcast %and3A_84 : i32 to vector<16xi32>
      %and3A_86 = arith.andi %add3A_78, %and3A_85 : vector<16xi32>
      tpu.vector_store_idx %arg14[%shift_right_arithmetic3A_83, %and3A_86], %broadcast_in_dim3A_0 masked %lt3A_80 : memref<17x128xi32, #tpu.memory_space<vmem>>[vector<16xi32>, vector<16xi32>], vector<16xi32>, vector<16xi1>
      %shift_right_arithmetic3A_87 = arith.constant 7 : i32
      %shift_right_arithmetic3A_88 = vector.broadcast %shift_right_arithmetic3A_87 : i32 to vector<16xi32>
      %shift_right_arithmetic3A_89 = arith.shrsi %add3A_78, %shift_right_arithmetic3A_88 : vector<16xi32>
      %and3A_90 = arith.constant 127 : i32
      %and3A_91 = vector.broadcast %and3A_90 : i32 to vector<16xi32>
      %and3A_92 = arith.andi %add3A_78, %and3A_91 : vector<16xi32>
      tpu.vector_store_idx %arg15[%shift_right_arithmetic3A_89, %and3A_92], %broadcast_in_dim3A_6 masked %lt3A_80 : memref<17x128xi32, #tpu.memory_space<vmem>>[vector<16xi32>, vector<16xi32>], vector<16xi32>, vector<16xi1>
      %add3A_93 = arith.constant 48 : i32
      %add3A_94 = arith.addi %scan3A_34, %add3A_93 : i32
      %add3A_95 = vector.broadcast %add3A_94 : i32 to vector<16xi32>
      %add3A_96 = arith.addi %add3A_95, %iota3A : vector<16xi32>
      %lt3A_97 = vector.broadcast %shift_left3A_40 : i32 to vector<16xi32>
      %lt3A_98 = arith.cmpi slt, %add3A_96, %lt3A_97 : vector<16xi32>
      %shift_right_arithmetic3A_99 = arith.constant 7 : i32
      %shift_right_arithmetic3A_100 = vector.broadcast %shift_right_arithmetic3A_99 : i32 to vector<16xi32>
      %shift_right_arithmetic3A_101 = arith.shrsi %add3A_96, %shift_right_arithmetic3A_100 : vector<16xi32>
      %and3A_102 = arith.constant 127 : i32
      %and3A_103 = vector.broadcast %and3A_102 : i32 to vector<16xi32>
      %and3A_104 = arith.andi %add3A_96, %and3A_103 : vector<16xi32>
      tpu.vector_store_idx %arg14[%shift_right_arithmetic3A_101, %and3A_104], %broadcast_in_dim3A_0 masked %lt3A_98 : memref<17x128xi32, #tpu.memory_space<vmem>>[vector<16xi32>, vector<16xi32>], vector<16xi32>, vector<16xi1>
      %shift_right_arithmetic3A_105 = arith.constant 7 : i32
      %shift_right_arithmetic3A_106 = vector.broadcast %shift_right_arithmetic3A_105 : i32 to vector<16xi32>
      %shift_right_arithmetic3A_107 = arith.shrsi %add3A_96, %shift_right_arithmetic3A_106 : vector<16xi32>
      %and3A_108 = arith.constant 127 : i32
      %and3A_109 = vector.broadcast %and3A_108 : i32 to vector<16xi32>
      %and3A_110 = arith.andi %add3A_96, %and3A_109 : vector<16xi32>
      tpu.vector_store_idx %arg15[%shift_right_arithmetic3A_107, %and3A_110], %broadcast_in_dim3A_6 masked %lt3A_98 : memref<17x128xi32, #tpu.memory_space<vmem>>[vector<16xi32>, vector<16xi32>], vector<16xi32>, vector<16xi1>
      %add3A_111 = arith.constant 64 : i32
      %add3A_112 = arith.addi %scan3A_34, %add3A_111 : i32
      %add3A_113 = vector.broadcast %add3A_112 : i32 to vector<16xi32>
      %add3A_114 = arith.addi %add3A_113, %iota3A : vector<16xi32>
      %lt3A_115 = vector.broadcast %shift_left3A_40 : i32 to vector<16xi32>
      %lt3A_116 = arith.cmpi slt, %add3A_114, %lt3A_115 : vector<16xi32>
      %shift_right_arithmetic3A_117 = arith.constant 7 : i32
      %shift_right_arithmetic3A_118 = vector.broadcast %shift_right_arithmetic3A_117 : i32 to vector<16xi32>
      %shift_right_arithmetic3A_119 = arith.shrsi %add3A_114, %shift_right_arithmetic3A_118 : vector<16xi32>
      %and3A_120 = arith.constant 127 : i32
      %and3A_121 = vector.broadcast %and3A_120 : i32 to vector<16xi32>
      %and3A_122 = arith.andi %add3A_114, %and3A_121 : vector<16xi32>
      tpu.vector_store_idx %arg14[%shift_right_arithmetic3A_119, %and3A_122], %broadcast_in_dim3A_0 masked %lt3A_116 : memref<17x128xi32, #tpu.memory_space<vmem>>[vector<16xi32>, vector<16xi32>], vector<16xi32>, vector<16xi1>
      %shift_right_arithmetic3A_123 = arith.constant 7 : i32
      %shift_right_arithmetic3A_124 = vector.broadcast %shift_right_arithmetic3A_123 : i32 to vector<16xi32>
      %shift_right_arithmetic3A_125 = arith.shrsi %add3A_114, %shift_right_arithmetic3A_124 : vector<16xi32>
      %and3A_126 = arith.constant 127 : i32
      %and3A_127 = vector.broadcast %and3A_126 : i32 to vector<16xi32>
      %and3A_128 = arith.andi %add3A_114, %and3A_127 : vector<16xi32>
      tpu.vector_store_idx %arg15[%shift_right_arithmetic3A_125, %and3A_128], %broadcast_in_dim3A_6 masked %lt3A_116 : memref<17x128xi32, #tpu.memory_space<vmem>>[vector<16xi32>, vector<16xi32>], vector<16xi32>, vector<16xi1>
      %add3A_129 = arith.constant 80 : i32
      %add3A_130 = arith.addi %scan3A_34, %add3A_129 : i32
      %add3A_131 = vector.broadcast %add3A_130 : i32 to vector<16xi32>
      %add3A_132 = arith.addi %add3A_131, %iota3A : vector<16xi32>
      %lt3A_133 = vector.broadcast %shift_left3A_40 : i32 to vector<16xi32>
      %lt3A_134 = arith.cmpi slt, %add3A_132, %lt3A_133 : vector<16xi32>
      %shift_right_arithmetic3A_135 = arith.constant 7 : i32
      %shift_right_arithmetic3A_136 = vector.broadcast %shift_right_arithmetic3A_135 : i32 to vector<16xi32>
      %shift_right_arithmetic3A_137 = arith.shrsi %add3A_132, %shift_right_arithmetic3A_136 : vector<16xi32>
      %and3A_138 = arith.constant 127 : i32
      %and3A_139 = vector.broadcast %and3A_138 : i32 to vector<16xi32>
      %and3A_140 = arith.andi %add3A_132, %and3A_139 : vector<16xi32>
      tpu.vector_store_idx %arg14[%shift_right_arithmetic3A_137, %and3A_140], %broadcast_in_dim3A_0 masked %lt3A_134 : memref<17x128xi32, #tpu.memory_space<vmem>>[vector<16xi32>, vector<16xi32>], vector<16xi32>, vector<16xi1>
      %shift_right_arithmetic3A_141 = arith.constant 7 : i32
      %shift_right_arithmetic3A_142 = vector.broadcast %shift_right_arithmetic3A_141 : i32 to vector<16xi32>
      %shift_right_arithmetic3A_143 = arith.shrsi %add3A_132, %shift_right_arithmetic3A_142 : vector<16xi32>
      %and3A_144 = arith.constant 127 : i32
      %and3A_145 = vector.broadcast %and3A_144 : i32 to vector<16xi32>
      %and3A_146 = arith.andi %add3A_132, %and3A_145 : vector<16xi32>
      tpu.vector_store_idx %arg15[%shift_right_arithmetic3A_143, %and3A_146], %broadcast_in_dim3A_6 masked %lt3A_134 : memref<17x128xi32, #tpu.memory_space<vmem>>[vector<16xi32>, vector<16xi32>], vector<16xi32>, vector<16xi1>
      %add3A_147 = arith.constant 96 : i32
      %add3A_148 = arith.addi %scan3A_34, %add3A_147 : i32
      %add3A_149 = vector.broadcast %add3A_148 : i32 to vector<16xi32>
      %add3A_150 = arith.addi %add3A_149, %iota3A : vector<16xi32>
      %lt3A_151 = vector.broadcast %shift_left3A_40 : i32 to vector<16xi32>
      %lt3A_152 = arith.cmpi slt, %add3A_150, %lt3A_151 : vector<16xi32>
      %shift_right_arithmetic3A_153 = arith.constant 7 : i32
      %shift_right_arithmetic3A_154 = vector.broadcast %shift_right_arithmetic3A_153 : i32 to vector<16xi32>
      %shift_right_arithmetic3A_155 = arith.shrsi %add3A_150, %shift_right_arithmetic3A_154 : vector<16xi32>
      %and3A_156 = arith.constant 127 : i32
      %and3A_157 = vector.broadcast %and3A_156 : i32 to vector<16xi32>
      %and3A_158 = arith.andi %add3A_150, %and3A_157 : vector<16xi32>
      tpu.vector_store_idx %arg14[%shift_right_arithmetic3A_155, %and3A_158], %broadcast_in_dim3A_0 masked %lt3A_152 : memref<17x128xi32, #tpu.memory_space<vmem>>[vector<16xi32>, vector<16xi32>], vector<16xi32>, vector<16xi1>
      %shift_right_arithmetic3A_159 = arith.constant 7 : i32
      %shift_right_arithmetic3A_160 = vector.broadcast %shift_right_arithmetic3A_159 : i32 to vector<16xi32>
      %shift_right_arithmetic3A_161 = arith.shrsi %add3A_150, %shift_right_arithmetic3A_160 : vector<16xi32>
      %and3A_162 = arith.constant 127 : i32
      %and3A_163 = vector.broadcast %and3A_162 : i32 to vector<16xi32>
      %and3A_164 = arith.andi %add3A_150, %and3A_163 : vector<16xi32>
      tpu.vector_store_idx %arg15[%shift_right_arithmetic3A_161, %and3A_164], %broadcast_in_dim3A_6 masked %lt3A_152 : memref<17x128xi32, #tpu.memory_space<vmem>>[vector<16xi32>, vector<16xi32>], vector<16xi32>, vector<16xi1>
      %add3A_165 = arith.constant 112 : i32
      %add3A_166 = arith.addi %scan3A_34, %add3A_165 : i32
      %add3A_167 = vector.broadcast %add3A_166 : i32 to vector<16xi32>
      %add3A_168 = arith.addi %add3A_167, %iota3A : vector<16xi32>
      %lt3A_169 = vector.broadcast %shift_left3A_40 : i32 to vector<16xi32>
      %lt3A_170 = arith.cmpi slt, %add3A_168, %lt3A_169 : vector<16xi32>
      %shift_right_arithmetic3A_171 = arith.constant 7 : i32
      %shift_right_arithmetic3A_172 = vector.broadcast %shift_right_arithmetic3A_171 : i32 to vector<16xi32>
      %shift_right_arithmetic3A_173 = arith.shrsi %add3A_168, %shift_right_arithmetic3A_172 : vector<16xi32>
      %and3A_174 = arith.constant 127 : i32
      %and3A_175 = vector.broadcast %and3A_174 : i32 to vector<16xi32>
      %and3A_176 = arith.andi %add3A_168, %and3A_175 : vector<16xi32>
      tpu.vector_store_idx %arg14[%shift_right_arithmetic3A_173, %and3A_176], %broadcast_in_dim3A_0 masked %lt3A_170 : memref<17x128xi32, #tpu.memory_space<vmem>>[vector<16xi32>, vector<16xi32>], vector<16xi32>, vector<16xi1>
      %shift_right_arithmetic3A_177 = arith.constant 7 : i32
      %shift_right_arithmetic3A_178 = vector.broadcast %shift_right_arithmetic3A_177 : i32 to vector<16xi32>
      %shift_right_arithmetic3A_179 = arith.shrsi %add3A_168, %shift_right_arithmetic3A_178 : vector<16xi32>
      %and3A_180 = arith.constant 127 : i32
      %and3A_181 = vector.broadcast %and3A_180 : i32 to vector<16xi32>
      %and3A_182 = arith.andi %add3A_168, %and3A_181 : vector<16xi32>
      tpu.vector_store_idx %arg15[%shift_right_arithmetic3A_179, %and3A_182], %broadcast_in_dim3A_6 masked %lt3A_170 : memref<17x128xi32, #tpu.memory_space<vmem>>[vector<16xi32>, vector<16xi32>], vector<16xi32>, vector<16xi1>
      %swap3A = arith.constant 1 : i32
      %swap3A_183 = arith.index_cast %swap3A : i32 to index
      %swap3A_184 = memref.load %arg18[%swap3A_183] : memref<8xi32, #tpu.memory_space<smem>>
      memref.store %scan3A_34, %arg18[%swap3A_183] : memref<8xi32, #tpu.memory_space<smem>>
      %get3A = arith.constant 1 : i32
      %get3A_185 = arith.index_cast %get3A : i32 to index
      %get3A_186 = memref.load %arg18[%get3A_185] : memref<8xi32, #tpu.memory_space<smem>>
      %gt3A = arith.constant 0 : i32
      %gt3A_187 = arith.cmpi sgt, %get3A_186, %gt3A : i32
      %convert_element_type3A_188 = arith.extui %gt3A_187 : i1 to i32
      %cond3A_189 = arith.constant 0 : i32
      %cond3A_190 = arith.cmpi ne, %convert_element_type3A_188, %cond3A_189 : i32
      scf.if %cond3A_190 {
        %dma_start3A_306 = arith.constant 0 : i32
        %dma_start3A_307 = arith.constant 0 : i32
        %dma_start3A_308 = tpu.memref_slice %arg14[%dma_start3A_306, %dma_start3A_307] : memref<17x128xi32, #tpu.memory_space<vmem>> -> memref<1x128xi32, #tpu.memory_space<vmem>>
        %dma_start3A_309 = tpu.memref_squeeze %dma_start3A_308 : memref<1x128xi32, #tpu.memory_space<vmem>> -> memref<128xi32, #tpu.memory_space<vmem>>
        %dma_start3A_310 = arith.constant 0 : i32
        %dma_start3A_311 = arith.constant 0 : i32
        %dma_start3A_312 = tpu.memref_slice %arg2[%dma_start3A_310, %dma_start3A_311] : memref<10000x128xf32, #tpu.memory_space<hbm>> -> memref<10000x128xf32, #tpu.memory_space<hbm>>
        tpu.enqueue_indirect_dma source(%dma_start3A_312 : memref<10000x128xf32, #tpu.memory_space<hbm>>) target(%arg16 : memref<128x128xf32, #tpu.memory_space<vmem>>) offsets(%dma_start3A_309 : memref<128xi32, #tpu.memory_space<vmem>>) semaphore(%arg20 : memref<!tpu.dma_semaphore, #tpu.memory_space<semaphore_mem>>)
        %dma_wait3A = arith.constant 0 : i32
        %dma_wait3A_313 = arith.constant 0 : i32
        %dma_wait3A_314 = tpu.memref_slice %arg14[%dma_wait3A, %dma_wait3A_313] : memref<17x128xi32, #tpu.memory_space<vmem>> -> memref<1x128xi32, #tpu.memory_space<vmem>>
        %dma_wait3A_315 = tpu.memref_squeeze %dma_wait3A_314 : memref<1x128xi32, #tpu.memory_space<vmem>> -> memref<128xi32, #tpu.memory_space<vmem>>
        %dma_wait3A_316 = arith.constant 0 : i32
        %dma_wait3A_317 = arith.constant 0 : i32
        %dma_wait3A_318 = tpu.memref_slice %arg2[%dma_wait3A_316, %dma_wait3A_317] : memref<10000x128xf32, #tpu.memory_space<hbm>> -> memref<10000x128xf32, #tpu.memory_space<hbm>>
        tpu.wait_indirect_dma semaphore(%arg20 : memref<!tpu.dma_semaphore, #tpu.memory_space<semaphore_mem>>) src(%dma_wait3A_318 : memref<10000x128xf32, #tpu.memory_space<hbm>>) dst(%arg16 : memref<128x128xf32, #tpu.memory_space<vmem>>)
        %run_scoped3A = arith.constant 0 : i32
        "tpu.region"() ({
          %run_scoped3A_319 = tpu.sem_alloc : memref<!tpu.dma_semaphore, #tpu.memory_space<semaphore_mem>>
          %dma_start3A_320 = arith.constant 0 : i32
          %dma_start3A_321 = tpu.memref_slice %arg15[%run_scoped3A, %dma_start3A_320] : memref<17x128xi32, #tpu.memory_space<vmem>> -> memref<1x128xi32, #tpu.memory_space<vmem>>
          %dma_start3A_322 = tpu.memref_squeeze %dma_start3A_321 : memref<1x128xi32, #tpu.memory_space<vmem>> -> memref<128xi32, #tpu.memory_space<vmem>>
          %dma_start3A_323 = arith.constant 0 : i32
          %dma_start3A_324 = arith.constant 0 : i32
          %dma_start3A_325 = tpu.memref_slice %arg19[%dma_start3A_323, %dma_start3A_324] : memref<8200x128xf32, #tpu.memory_space<vmem_shared>> -> memref<8200x128xf32, #tpu.memory_space<vmem_shared>>
          tpu.enqueue_indirect_dma source(%arg16 : memref<128x128xf32, #tpu.memory_space<vmem>>) target(%dma_start3A_325 : memref<8200x128xf32, #tpu.memory_space<vmem_shared>>) offsets(%dma_start3A_322 : memref<128xi32, #tpu.memory_space<vmem>>) semaphore(%run_scoped3A_319 : memref<!tpu.dma_semaphore, #tpu.memory_space<semaphore_mem>>) {add = true}
          %dma_wait3A_326 = arith.constant 0 : i32
          %dma_wait3A_327 = tpu.memref_slice %arg15[%run_scoped3A, %dma_wait3A_326] : memref<17x128xi32, #tpu.memory_space<vmem>> -> memref<1x128xi32, #tpu.memory_space<vmem>>
          %dma_wait3A_328 = tpu.memref_squeeze %dma_wait3A_327 : memref<1x128xi32, #tpu.memory_space<vmem>> -> memref<128xi32, #tpu.memory_space<vmem>>
          %dma_wait3A_329 = arith.constant 0 : i32
          %dma_wait3A_330 = arith.constant 0 : i32
          %dma_wait3A_331 = tpu.memref_slice %arg19[%dma_wait3A_329, %dma_wait3A_330] : memref<8200x128xf32, #tpu.memory_space<vmem_shared>> -> memref<8200x128xf32, #tpu.memory_space<vmem_shared>>
          tpu.wait_indirect_dma semaphore(%run_scoped3A_319 : memref<!tpu.dma_semaphore, #tpu.memory_space<semaphore_mem>>) src(%arg16 : memref<128x128xf32, #tpu.memory_space<vmem>>) dst(%dma_wait3A_331 : memref<8200x128xf32, #tpu.memory_space<vmem_shared>>)
          tpu.yield
        }) : () -> ()
      } else {
      }
      %barrier3A_191 = arith.constant 0 : index
      tpu.barrier barrier_id(%barrier3A_191)
      %jit3A = arith.constant 2 : i32
      %div3A = arith.divsi %arg1, %jit3A : i32
      %sign3A = arith.constant 0 : i32
      %sign3A_192 = arith.cmpi sgt, %arg1, %sign3A : i32
      %sign3A_193 = arith.extui %sign3A_192 : i1 to i32
      %sign3A_194 = arith.constant 0 : i32
      %sign3A_195 = arith.cmpi slt, %arg1, %sign3A_194 : i32
      %sign3A_196 = arith.extui %sign3A_195 : i1 to i32
      %sign3A_197 = arith.subi %sign3A_193, %sign3A_196 : i32
      %sign3A_198 = arith.constant 0 : i32
      %sign3A_199 = arith.cmpi sgt, %jit3A, %sign3A_198 : i32
      %sign3A_200 = arith.extui %sign3A_199 : i1 to i32
      %sign3A_201 = arith.constant 0 : i32
      %sign3A_202 = arith.cmpi slt, %jit3A, %sign3A_201 : i32
      %sign3A_203 = arith.extui %sign3A_202 : i1 to i32
      %sign3A_204 = arith.subi %sign3A_200, %sign3A_203 : i32
      %ne3A = arith.cmpi ne, %sign3A_197, %sign3A_204 : i32
      %rem3A = arith.remsi %arg1, %jit3A : i32
      %ne3A_205 = arith.constant 0 : i32
      %ne3A_206 = arith.cmpi ne, %rem3A, %ne3A_205 : i32
      %and3A_207 = arith.andi %ne3A, %ne3A_206 : i1
      %sub3A_208 = arith.constant 1 : i32
      %sub3A_209 = arith.subi %div3A, %sub3A_208 : i32
      %select_n3A = arith.select %and3A_207, %sub3A_209, %div3A : i32
      %mul3A_210 = arith.constant 10240 : i32
      %mul3A_211 = arith.muli %select_n3A, %mul3A_210 : i32
      %mul3A_212 = arith.constant 1024 : i32
      %mul3A_213 = arith.muli %add3A_24, %mul3A_212 : i32
      %add3A_214 = arith.addi %mul3A_211, %mul3A_213 : i32
      %jit3A_215 = arith.constant 2 : i32
      %eq3A_216 = arith.constant 0 : i32
      %eq3A_217 = arith.cmpi eq, %jit3A_215, %eq3A_216 : i32
      %jit3A_218 = arith.constant 1 : i32
      %select_n3A_219 = arith.select %eq3A_217, %jit3A_218, %jit3A_215 : i32
      %rem3A_220 = arith.remsi %arg1, %select_n3A_219 : i32
      %ne3A_221 = arith.constant 0 : i32
      %ne3A_222 = arith.cmpi ne, %rem3A_220, %ne3A_221 : i32
      %lt3A_223 = arith.constant 0 : i32
      %lt3A_224 = arith.cmpi slt, %rem3A_220, %lt3A_223 : i32
      %lt3A_225 = arith.constant 0 : i32
      %lt3A_226 = arith.cmpi slt, %select_n3A_219, %lt3A_225 : i32
      %ne3A_227 = arith.xori %lt3A_224, %lt3A_226 : i1
      %and3A_228 = arith.andi %ne3A_227, %ne3A_222 : i1
      %add3A_229 = arith.addi %rem3A_220, %select_n3A_219 : i32
      %select_n3A_230 = arith.select %and3A_228, %add3A_229, %rem3A_220 : i32
      %mul3A_231 = arith.constant 512 : i32
      %mul3A_232 = arith.muli %select_n3A_230, %mul3A_231 : i32
      %add3A_233 = arith.addi %add3A_214, %mul3A_232 : i32
      "tpu.region"() ({
        %run_scoped3A = tpu.sem_alloc : memref<!tpu.dma_semaphore, #tpu.memory_space<semaphore_mem>>
        %dma_start3A_306 = arith.constant 0 : i32
        %dma_start3A_307 = tpu.memref_slice %arg7[%add3A_233, %dma_start3A_306] : memref<92160x128xf32, #tpu.memory_space<hbm>> -> memref<512x128xf32, #tpu.memory_space<hbm>>
        %dma_start3A_308 = arith.constant 0 : i32
        %dma_start3A_309 = tpu.memref_slice %arg19[%mul3A_7, %dma_start3A_308] : memref<8200x128xf32, #tpu.memory_space<vmem_shared>> -> memref<512x128xf32, #tpu.memory_space<vmem_shared>>
        tpu.enqueue_dma source(%dma_start3A_309 : memref<512x128xf32, #tpu.memory_space<vmem_shared>>) target(%dma_start3A_307 : memref<512x128xf32, #tpu.memory_space<hbm>>) target_semaphore(%run_scoped3A : memref<!tpu.dma_semaphore, #tpu.memory_space<semaphore_mem>>)
        %dma_wait3A = arith.constant 0 : i32
        %dma_wait3A_310 = tpu.memref_slice %arg7[%add3A_233, %dma_wait3A] : memref<92160x128xf32, #tpu.memory_space<hbm>> -> memref<512x128xf32, #tpu.memory_space<hbm>>
        %dma_wait3A_311 = arith.constant 0 : i32
        %dma_wait3A_312 = tpu.memref_slice %arg19[%mul3A_7, %dma_wait3A_311] : memref<8200x128xf32, #tpu.memory_space<vmem_shared>> -> memref<512x128xf32, #tpu.memory_space<vmem_shared>>
        tpu.wait_dma2 semaphore(%run_scoped3A : memref<!tpu.dma_semaphore, #tpu.memory_space<semaphore_mem>>) src(%dma_wait3A_312 : memref<512x128xf32, #tpu.memory_space<vmem_shared>>) dst(%dma_wait3A_310 : memref<512x128xf32, #tpu.memory_space<hbm>>)
        tpu.yield
      }) : () -> ()
      %mul3A_234 = arith.constant 640 : i32
      %mul3A_235 = arith.muli %arg1, %mul3A_234 : i32
      %add3A_236 = arith.constant 81920 : i32
      %add3A_237 = arith.addi %add3A_236, %mul3A_235 : i32
      %add3A_238 = arith.constant 0 : i32
      %add3A_239 = arith.addi %add3A_237, %add3A_238 : i32
      %mul3A_240 = arith.constant 8 : i32
      %mul3A_241 = arith.muli %add3A_24, %mul3A_240 : i32
      %add3A_242 = arith.addi %add3A_239, %mul3A_241 : i32
      "tpu.region"() ({
        %run_scoped3A = tpu.sem_alloc : memref<!tpu.dma_semaphore, #tpu.memory_space<semaphore_mem>>
        %dma_start3A_306 = arith.constant 0 : i32
        %dma_start3A_307 = arith.constant 0 : i32
        %dma_start3A_308 = tpu.memref_slice %arg17[%dma_start3A_306, %dma_start3A_307] : memref<72x128xf32, #tpu.memory_space<vmem>> -> memref<8x128xf32, #tpu.memory_space<vmem>>
        %dma_start3A_309 = arith.constant 0 : i32
        %dma_start3A_310 = tpu.memref_slice %arg7[%add3A_242, %dma_start3A_309] : memref<92160x128xf32, #tpu.memory_space<hbm>> -> memref<8x128xf32, #tpu.memory_space<hbm>>
        %dma_start3A_311 = arith.constant 0 : i32
        %dma_start3A_312 = tpu.memref_slice %arg7[%add3A_242, %dma_start3A_311] : memref<92160x128xf32, #tpu.memory_space<hbm>> -> memref<8x128xf32, #tpu.memory_space<hbm>>
        %dma_start3A_313 = arith.constant 0 : i32
        %dma_start3A_314 = arith.constant 0 : i32
        %dma_start3A_315 = tpu.memref_slice %arg17[%dma_start3A_313, %dma_start3A_314] : memref<72x128xf32, #tpu.memory_space<vmem>> -> memref<8x128xf32, #tpu.memory_space<vmem>>
        tpu.enqueue_dma source(%dma_start3A_315 : memref<8x128xf32, #tpu.memory_space<vmem>>) target(%dma_start3A_312 : memref<8x128xf32, #tpu.memory_space<hbm>>) target_semaphore(%run_scoped3A : memref<!tpu.dma_semaphore, #tpu.memory_space<semaphore_mem>>)
        %dma_wait3A = arith.constant 0 : i32
        %dma_wait3A_316 = arith.constant 0 : i32
        %dma_wait3A_317 = tpu.memref_slice %arg17[%dma_wait3A, %dma_wait3A_316] : memref<72x128xf32, #tpu.memory_space<vmem>> -> memref<8x128xf32, #tpu.memory_space<vmem>>
        %dma_wait3A_318 = arith.constant 0 : i32
        %dma_wait3A_319 = tpu.memref_slice %arg7[%add3A_242, %dma_wait3A_318] : memref<92160x128xf32, #tpu.memory_space<hbm>> -> memref<8x128xf32, #tpu.memory_space<hbm>>
        %dma_wait3A_320 = arith.constant 0 : i32
        %dma_wait3A_321 = tpu.memref_slice %arg7[%add3A_242, %dma_wait3A_320] : memref<92160x128xf32, #tpu.memory_space<hbm>> -> memref<8x128xf32, #tpu.memory_space<hbm>>
        %dma_wait3A_322 = arith.constant 0 : i32
        %dma_wait3A_323 = arith.constant 0 : i32
        %dma_wait3A_324 = tpu.memref_slice %arg17[%dma_wait3A_322, %dma_wait3A_323] : memref<72x128xf32, #tpu.memory_space<vmem>> -> memref<8x128xf32, #tpu.memory_space<vmem>>
        tpu.wait_dma2 semaphore(%run_scoped3A : memref<!tpu.dma_semaphore, #tpu.memory_space<semaphore_mem>>) src(%dma_wait3A_324 : memref<8x128xf32, #tpu.memory_space<vmem>>) dst(%dma_wait3A_321 : memref<8x128xf32, #tpu.memory_space<hbm>>)
        tpu.yield
      }) : () -> ()
      %mul3A_243 = arith.constant 640 : i32
      %mul3A_244 = arith.muli %arg1, %mul3A_243 : i32
      %add3A_245 = arith.constant 81920 : i32
      %add3A_246 = arith.addi %add3A_245, %mul3A_244 : i32
      %add3A_247 = arith.constant 80 : i32
      %add3A_248 = arith.addi %add3A_246, %add3A_247 : i32
      %mul3A_249 = arith.constant 8 : i32
      %mul3A_250 = arith.muli %add3A_24, %mul3A_249 : i32
      %add3A_251 = arith.addi %add3A_248, %mul3A_250 : i32
      "tpu.region"() ({
        %run_scoped3A = tpu.sem_alloc : memref<!tpu.dma_semaphore, #tpu.memory_space<semaphore_mem>>
        %dma_start3A_306 = arith.constant 8 : i32
        %dma_start3A_307 = arith.constant 0 : i32
        %dma_start3A_308 = tpu.memref_slice %arg17[%dma_start3A_306, %dma_start3A_307] : memref<72x128xf32, #tpu.memory_space<vmem>> -> memref<8x128xf32, #tpu.memory_space<vmem>>
        %dma_start3A_309 = arith.constant 0 : i32
        %dma_start3A_310 = tpu.memref_slice %arg7[%add3A_251, %dma_start3A_309] : memref<92160x128xf32, #tpu.memory_space<hbm>> -> memref<8x128xf32, #tpu.memory_space<hbm>>
        %dma_start3A_311 = arith.constant 0 : i32
        %dma_start3A_312 = tpu.memref_slice %arg7[%add3A_251, %dma_start3A_311] : memref<92160x128xf32, #tpu.memory_space<hbm>> -> memref<8x128xf32, #tpu.memory_space<hbm>>
        %dma_start3A_313 = arith.constant 8 : i32
        %dma_start3A_314 = arith.constant 0 : i32
        %dma_start3A_315 = tpu.memref_slice %arg17[%dma_start3A_313, %dma_start3A_314] : memref<72x128xf32, #tpu.memory_space<vmem>> -> memref<8x128xf32, #tpu.memory_space<vmem>>
        tpu.enqueue_dma source(%dma_start3A_315 : memref<8x128xf32, #tpu.memory_space<vmem>>) target(%dma_start3A_312 : memref<8x128xf32, #tpu.memory_space<hbm>>) target_semaphore(%run_scoped3A : memref<!tpu.dma_semaphore, #tpu.memory_space<semaphore_mem>>)
        %dma_wait3A = arith.constant 8 : i32
        %dma_wait3A_316 = arith.constant 0 : i32
        %dma_wait3A_317 = tpu.memref_slice %arg17[%dma_wait3A, %dma_wait3A_316] : memref<72x128xf32, #tpu.memory_space<vmem>> -> memref<8x128xf32, #tpu.memory_space<vmem>>
        %dma_wait3A_318 = arith.constant 0 : i32
        %dma_wait3A_319 = tpu.memref_slice %arg7[%add3A_251, %dma_wait3A_318] : memref<92160x128xf32, #tpu.memory_space<hbm>> -> memref<8x128xf32, #tpu.memory_space<hbm>>
        %dma_wait3A_320 = arith.constant 0 : i32
        %dma_wait3A_321 = tpu.memref_slice %arg7[%add3A_251, %dma_wait3A_320] : memref<92160x128xf32, #tpu.memory_space<hbm>> -> memref<8x128xf32, #tpu.memory_space<hbm>>
        %dma_wait3A_322 = arith.constant 8 : i32
        %dma_wait3A_323 = arith.constant 0 : i32
        %dma_wait3A_324 = tpu.memref_slice %arg17[%dma_wait3A_322, %dma_wait3A_323] : memref<72x128xf32, #tpu.memory_space<vmem>> -> memref<8x128xf32, #tpu.memory_space<vmem>>
        tpu.wait_dma2 semaphore(%run_scoped3A : memref<!tpu.dma_semaphore, #tpu.memory_space<semaphore_mem>>) src(%dma_wait3A_324 : memref<8x128xf32, #tpu.memory_space<vmem>>) dst(%dma_wait3A_321 : memref<8x128xf32, #tpu.memory_space<hbm>>)
        tpu.yield
      }) : () -> ()
      %mul3A_252 = arith.constant 640 : i32
      %mul3A_253 = arith.muli %arg1, %mul3A_252 : i32
      %add3A_254 = arith.constant 81920 : i32
      %add3A_255 = arith.addi %add3A_254, %mul3A_253 : i32
      %add3A_256 = arith.constant 160 : i32
      %add3A_257 = arith.addi %add3A_255, %add3A_256 : i32
      %mul3A_258 = arith.constant 8 : i32
      %mul3A_259 = arith.muli %add3A_24, %mul3A_258 : i32
      %add3A_260 = arith.addi %add3A_257, %mul3A_259 : i32
      "tpu.region"() ({
        %run_scoped3A = tpu.sem_alloc : memref<!tpu.dma_semaphore, #tpu.memory_space<semaphore_mem>>
        %dma_start3A_306 = arith.constant 16 : i32
        %dma_start3A_307 = arith.constant 0 : i32
        %dma_start3A_308 = tpu.memref_slice %arg17[%dma_start3A_306, %dma_start3A_307] : memref<72x128xf32, #tpu.memory_space<vmem>> -> memref<8x128xf32, #tpu.memory_space<vmem>>
        %dma_start3A_309 = arith.constant 0 : i32
        %dma_start3A_310 = tpu.memref_slice %arg7[%add3A_260, %dma_start3A_309] : memref<92160x128xf32, #tpu.memory_space<hbm>> -> memref<8x128xf32, #tpu.memory_space<hbm>>
        %dma_start3A_311 = arith.constant 0 : i32
        %dma_start3A_312 = tpu.memref_slice %arg7[%add3A_260, %dma_start3A_311] : memref<92160x128xf32, #tpu.memory_space<hbm>> -> memref<8x128xf32, #tpu.memory_space<hbm>>
        %dma_start3A_313 = arith.constant 16 : i32
        %dma_start3A_314 = arith.constant 0 : i32
        %dma_start3A_315 = tpu.memref_slice %arg17[%dma_start3A_313, %dma_start3A_314] : memref<72x128xf32, #tpu.memory_space<vmem>> -> memref<8x128xf32, #tpu.memory_space<vmem>>
        tpu.enqueue_dma source(%dma_start3A_315 : memref<8x128xf32, #tpu.memory_space<vmem>>) target(%dma_start3A_312 : memref<8x128xf32, #tpu.memory_space<hbm>>) target_semaphore(%run_scoped3A : memref<!tpu.dma_semaphore, #tpu.memory_space<semaphore_mem>>)
        %dma_wait3A = arith.constant 16 : i32
        %dma_wait3A_316 = arith.constant 0 : i32
        %dma_wait3A_317 = tpu.memref_slice %arg17[%dma_wait3A, %dma_wait3A_316] : memref<72x128xf32, #tpu.memory_space<vmem>> -> memref<8x128xf32, #tpu.memory_space<vmem>>
        %dma_wait3A_318 = arith.constant 0 : i32
        %dma_wait3A_319 = tpu.memref_slice %arg7[%add3A_260, %dma_wait3A_318] : memref<92160x128xf32, #tpu.memory_space<hbm>> -> memref<8x128xf32, #tpu.memory_space<hbm>>
        %dma_wait3A_320 = arith.constant 0 : i32
        %dma_wait3A_321 = tpu.memref_slice %arg7[%add3A_260, %dma_wait3A_320] : memref<92160x128xf32, #tpu.memory_space<hbm>> -> memref<8x128xf32, #tpu.memory_space<hbm>>
        %dma_wait3A_322 = arith.constant 16 : i32
        %dma_wait3A_323 = arith.constant 0 : i32
        %dma_wait3A_324 = tpu.memref_slice %arg17[%dma_wait3A_322, %dma_wait3A_323] : memref<72x128xf32, #tpu.memory_space<vmem>> -> memref<8x128xf32, #tpu.memory_space<vmem>>
        tpu.wait_dma2 semaphore(%run_scoped3A : memref<!tpu.dma_semaphore, #tpu.memory_space<semaphore_mem>>) src(%dma_wait3A_324 : memref<8x128xf32, #tpu.memory_space<vmem>>) dst(%dma_wait3A_321 : memref<8x128xf32, #tpu.memory_space<hbm>>)
        tpu.yield
      }) : () -> ()
      %mul3A_261 = arith.constant 640 : i32
      %mul3A_262 = arith.muli %arg1, %mul3A_261 : i32
      %add3A_263 = arith.constant 81920 : i32
      %add3A_264 = arith.addi %add3A_263, %mul3A_262 : i32
      %add3A_265 = arith.constant 240 : i32
      %add3A_266 = arith.addi %add3A_264, %add3A_265 : i32
      %mul3A_267 = arith.constant 8 : i32
      %mul3A_268 = arith.muli %add3A_24, %mul3A_267 : i32
      %add3A_269 = arith.addi %add3A_266, %mul3A_268 : i32
      "tpu.region"() ({
        %run_scoped3A = tpu.sem_alloc : memref<!tpu.dma_semaphore, #tpu.memory_space<semaphore_mem>>
        %dma_start3A_306 = arith.constant 24 : i32
        %dma_start3A_307 = arith.constant 0 : i32
        %dma_start3A_308 = tpu.memref_slice %arg17[%dma_start3A_306, %dma_start3A_307] : memref<72x128xf32, #tpu.memory_space<vmem>> -> memref<8x128xf32, #tpu.memory_space<vmem>>
        %dma_start3A_309 = arith.constant 0 : i32
        %dma_start3A_310 = tpu.memref_slice %arg7[%add3A_269, %dma_start3A_309] : memref<92160x128xf32, #tpu.memory_space<hbm>> -> memref<8x128xf32, #tpu.memory_space<hbm>>
        %dma_start3A_311 = arith.constant 0 : i32
        %dma_start3A_312 = tpu.memref_slice %arg7[%add3A_269, %dma_start3A_311] : memref<92160x128xf32, #tpu.memory_space<hbm>> -> memref<8x128xf32, #tpu.memory_space<hbm>>
        %dma_start3A_313 = arith.constant 24 : i32
        %dma_start3A_314 = arith.constant 0 : i32
        %dma_start3A_315 = tpu.memref_slice %arg17[%dma_start3A_313, %dma_start3A_314] : memref<72x128xf32, #tpu.memory_space<vmem>> -> memref<8x128xf32, #tpu.memory_space<vmem>>
        tpu.enqueue_dma source(%dma_start3A_315 : memref<8x128xf32, #tpu.memory_space<vmem>>) target(%dma_start3A_312 : memref<8x128xf32, #tpu.memory_space<hbm>>) target_semaphore(%run_scoped3A : memref<!tpu.dma_semaphore, #tpu.memory_space<semaphore_mem>>)
        %dma_wait3A = arith.constant 24 : i32
        %dma_wait3A_316 = arith.constant 0 : i32
        %dma_wait3A_317 = tpu.memref_slice %arg17[%dma_wait3A, %dma_wait3A_316] : memref<72x128xf32, #tpu.memory_space<vmem>> -> memref<8x128xf32, #tpu.memory_space<vmem>>
        %dma_wait3A_318 = arith.constant 0 : i32
        %dma_wait3A_319 = tpu.memref_slice %arg7[%add3A_269, %dma_wait3A_318] : memref<92160x128xf32, #tpu.memory_space<hbm>> -> memref<8x128xf32, #tpu.memory_space<hbm>>
        %dma_wait3A_320 = arith.constant 0 : i32
        %dma_wait3A_321 = tpu.memref_slice %arg7[%add3A_269, %dma_wait3A_320] : memref<92160x128xf32, #tpu.memory_space<hbm>> -> memref<8x128xf32, #tpu.memory_space<hbm>>
        %dma_wait3A_322 = arith.constant 24 : i32
        %dma_wait3A_323 = arith.constant 0 : i32
        %dma_wait3A_324 = tpu.memref_slice %arg17[%dma_wait3A_322, %dma_wait3A_323] : memref<72x128xf32, #tpu.memory_space<vmem>> -> memref<8x128xf32, #tpu.memory_space<vmem>>
        tpu.wait_dma2 semaphore(%run_scoped3A : memref<!tpu.dma_semaphore, #tpu.memory_space<semaphore_mem>>) src(%dma_wait3A_324 : memref<8x128xf32, #tpu.memory_space<vmem>>) dst(%dma_wait3A_321 : memref<8x128xf32, #tpu.memory_space<hbm>>)
        tpu.yield
      }) : () -> ()
      %mul3A_270 = arith.constant 640 : i32
      %mul3A_271 = arith.muli %arg1, %mul3A_270 : i32
      %add3A_272 = arith.constant 81920 : i32
      %add3A_273 = arith.addi %add3A_272, %mul3A_271 : i32
      %add3A_274 = arith.constant 320 : i32
      %add3A_275 = arith.addi %add3A_273, %add3A_274 : i32
      %mul3A_276 = arith.constant 8 : i32
      %mul3A_277 = arith.muli %add3A_24, %mul3A_276 : i32
      %add3A_278 = arith.addi %add3A_275, %mul3A_277 : i32
      "tpu.region"() ({
        %run_scoped3A = tpu.sem_alloc : memref<!tpu.dma_semaphore, #tpu.memory_space<semaphore_mem>>
        %dma_start3A_306 = arith.constant 32 : i32
        %dma_start3A_307 = arith.constant 0 : i32
        %dma_start3A_308 = tpu.memref_slice %arg17[%dma_start3A_306, %dma_start3A_307] : memref<72x128xf32, #tpu.memory_space<vmem>> -> memref<8x128xf32, #tpu.memory_space<vmem>>
        %dma_start3A_309 = arith.constant 0 : i32
        %dma_start3A_310 = tpu.memref_slice %arg7[%add3A_278, %dma_start3A_309] : memref<92160x128xf32, #tpu.memory_space<hbm>> -> memref<8x128xf32, #tpu.memory_space<hbm>>
        %dma_start3A_311 = arith.constant 0 : i32
        %dma_start3A_312 = tpu.memref_slice %arg7[%add3A_278, %dma_start3A_311] : memref<92160x128xf32, #tpu.memory_space<hbm>> -> memref<8x128xf32, #tpu.memory_space<hbm>>
        %dma_start3A_313 = arith.constant 32 : i32
        %dma_start3A_314 = arith.constant 0 : i32
        %dma_start3A_315 = tpu.memref_slice %arg17[%dma_start3A_313, %dma_start3A_314] : memref<72x128xf32, #tpu.memory_space<vmem>> -> memref<8x128xf32, #tpu.memory_space<vmem>>
        tpu.enqueue_dma source(%dma_start3A_315 : memref<8x128xf32, #tpu.memory_space<vmem>>) target(%dma_start3A_312 : memref<8x128xf32, #tpu.memory_space<hbm>>) target_semaphore(%run_scoped3A : memref<!tpu.dma_semaphore, #tpu.memory_space<semaphore_mem>>)
        %dma_wait3A = arith.constant 32 : i32
        %dma_wait3A_316 = arith.constant 0 : i32
        %dma_wait3A_317 = tpu.memref_slice %arg17[%dma_wait3A, %dma_wait3A_316] : memref<72x128xf32, #tpu.memory_space<vmem>> -> memref<8x128xf32, #tpu.memory_space<vmem>>
        %dma_wait3A_318 = arith.constant 0 : i32
        %dma_wait3A_319 = tpu.memref_slice %arg7[%add3A_278, %dma_wait3A_318] : memref<92160x128xf32, #tpu.memory_space<hbm>> -> memref<8x128xf32, #tpu.memory_space<hbm>>
        %dma_wait3A_320 = arith.constant 0 : i32
        %dma_wait3A_321 = tpu.memref_slice %arg7[%add3A_278, %dma_wait3A_320] : memref<92160x128xf32, #tpu.memory_space<hbm>> -> memref<8x128xf32, #tpu.memory_space<hbm>>
        %dma_wait3A_322 = arith.constant 32 : i32
        %dma_wait3A_323 = arith.constant 0 : i32
        %dma_wait3A_324 = tpu.memref_slice %arg17[%dma_wait3A_322, %dma_wait3A_323] : memref<72x128xf32, #tpu.memory_space<vmem>> -> memref<8x128xf32, #tpu.memory_space<vmem>>
        tpu.wait_dma2 semaphore(%run_scoped3A : memref<!tpu.dma_semaphore, #tpu.memory_space<semaphore_mem>>) src(%dma_wait3A_324 : memref<8x128xf32, #tpu.memory_space<vmem>>) dst(%dma_wait3A_321 : memref<8x128xf32, #tpu.memory_space<hbm>>)
        tpu.yield
      }) : () -> ()
      %mul3A_279 = arith.constant 640 : i32
      %mul3A_280 = arith.muli %arg1, %mul3A_279 : i32
      %add3A_281 = arith.constant 81920 : i32
      %add3A_282 = arith.addi %add3A_281, %mul3A_280 : i32
      %add3A_283 = arith.constant 400 : i32
      %add3A_284 = arith.addi %add3A_282, %add3A_283 : i32
      %mul3A_285 = arith.constant 8 : i32
      %mul3A_286 = arith.muli %add3A_24, %mul3A_285 : i32
      %add3A_287 = arith.addi %add3A_284, %mul3A_286 : i32
      "tpu.region"() ({
        %run_scoped3A = tpu.sem_alloc : memref<!tpu.dma_semaphore, #tpu.memory_space<semaphore_mem>>
        %dma_start3A_306 = arith.constant 40 : i32
        %dma_start3A_307 = arith.constant 0 : i32
        %dma_start3A_308 = tpu.memref_slice %arg17[%dma_start3A_306, %dma_start3A_307] : memref<72x128xf32, #tpu.memory_space<vmem>> -> memref<8x128xf32, #tpu.memory_space<vmem>>
        %dma_start3A_309 = arith.constant 0 : i32
        %dma_start3A_310 = tpu.memref_slice %arg7[%add3A_287, %dma_start3A_309] : memref<92160x128xf32, #tpu.memory_space<hbm>> -> memref<8x128xf32, #tpu.memory_space<hbm>>
        %dma_start3A_311 = arith.constant 0 : i32
        %dma_start3A_312 = tpu.memref_slice %arg7[%add3A_287, %dma_start3A_311] : memref<92160x128xf32, #tpu.memory_space<hbm>> -> memref<8x128xf32, #tpu.memory_space<hbm>>
        %dma_start3A_313 = arith.constant 40 : i32
        %dma_start3A_314 = arith.constant 0 : i32
        %dma_start3A_315 = tpu.memref_slice %arg17[%dma_start3A_313, %dma_start3A_314] : memref<72x128xf32, #tpu.memory_space<vmem>> -> memref<8x128xf32, #tpu.memory_space<vmem>>
        tpu.enqueue_dma source(%dma_start3A_315 : memref<8x128xf32, #tpu.memory_space<vmem>>) target(%dma_start3A_312 : memref<8x128xf32, #tpu.memory_space<hbm>>) target_semaphore(%run_scoped3A : memref<!tpu.dma_semaphore, #tpu.memory_space<semaphore_mem>>)
        %dma_wait3A = arith.constant 40 : i32
        %dma_wait3A_316 = arith.constant 0 : i32
        %dma_wait3A_317 = tpu.memref_slice %arg17[%dma_wait3A, %dma_wait3A_316] : memref<72x128xf32, #tpu.memory_space<vmem>> -> memref<8x128xf32, #tpu.memory_space<vmem>>
        %dma_wait3A_318 = arith.constant 0 : i32
        %dma_wait3A_319 = tpu.memref_slice %arg7[%add3A_287, %dma_wait3A_318] : memref<92160x128xf32, #tpu.memory_space<hbm>> -> memref<8x128xf32, #tpu.memory_space<hbm>>
        %dma_wait3A_320 = arith.constant 0 : i32
        %dma_wait3A_321 = tpu.memref_slice %arg7[%add3A_287, %dma_wait3A_320] : memref<92160x128xf32, #tpu.memory_space<hbm>> -> memref<8x128xf32, #tpu.memory_space<hbm>>
        %dma_wait3A_322 = arith.constant 40 : i32
        %dma_wait3A_323 = arith.constant 0 : i32
        %dma_wait3A_324 = tpu.memref_slice %arg17[%dma_wait3A_322, %dma_wait3A_323] : memref<72x128xf32, #tpu.memory_space<vmem>> -> memref<8x128xf32, #tpu.memory_space<vmem>>
        tpu.wait_dma2 semaphore(%run_scoped3A : memref<!tpu.dma_semaphore, #tpu.memory_space<semaphore_mem>>) src(%dma_wait3A_324 : memref<8x128xf32, #tpu.memory_space<vmem>>) dst(%dma_wait3A_321 : memref<8x128xf32, #tpu.memory_space<hbm>>)
        tpu.yield
      }) : () -> ()
      %mul3A_288 = arith.constant 640 : i32
      %mul3A_289 = arith.muli %arg1, %mul3A_288 : i32
      %add3A_290 = arith.constant 81920 : i32
      %add3A_291 = arith.addi %add3A_290, %mul3A_289 : i32
      %add3A_292 = arith.constant 480 : i32
      %add3A_293 = arith.addi %add3A_291, %add3A_292 : i32
      %mul3A_294 = arith.constant 8 : i32
      %mul3A_295 = arith.muli %add3A_24, %mul3A_294 : i32
      %add3A_296 = arith.addi %add3A_293, %mul3A_295 : i32
      "tpu.region"() ({
        %run_scoped3A = tpu.sem_alloc : memref<!tpu.dma_semaphore, #tpu.memory_space<semaphore_mem>>
        %dma_start3A_306 = arith.constant 48 : i32
        %dma_start3A_307 = arith.constant 0 : i32
        %dma_start3A_308 = tpu.memref_slice %arg17[%dma_start3A_306, %dma_start3A_307] : memref<72x128xf32, #tpu.memory_space<vmem>> -> memref<8x128xf32, #tpu.memory_space<vmem>>
        %dma_start3A_309 = arith.constant 0 : i32
        %dma_start3A_310 = tpu.memref_slice %arg7[%add3A_296, %dma_start3A_309] : memref<92160x128xf32, #tpu.memory_space<hbm>> -> memref<8x128xf32, #tpu.memory_space<hbm>>
        %dma_start3A_311 = arith.constant 0 : i32
        %dma_start3A_312 = tpu.memref_slice %arg7[%add3A_296, %dma_start3A_311] : memref<92160x128xf32, #tpu.memory_space<hbm>> -> memref<8x128xf32, #tpu.memory_space<hbm>>
        %dma_start3A_313 = arith.constant 48 : i32
        %dma_start3A_314 = arith.constant 0 : i32
        %dma_start3A_315 = tpu.memref_slice %arg17[%dma_start3A_313, %dma_start3A_314] : memref<72x128xf32, #tpu.memory_space<vmem>> -> memref<8x128xf32, #tpu.memory_space<vmem>>
        tpu.enqueue_dma source(%dma_start3A_315 : memref<8x128xf32, #tpu.memory_space<vmem>>) target(%dma_start3A_312 : memref<8x128xf32, #tpu.memory_space<hbm>>) target_semaphore(%run_scoped3A : memref<!tpu.dma_semaphore, #tpu.memory_space<semaphore_mem>>)
        %dma_wait3A = arith.constant 48 : i32
        %dma_wait3A_316 = arith.constant 0 : i32
        %dma_wait3A_317 = tpu.memref_slice %arg17[%dma_wait3A, %dma_wait3A_316] : memref<72x128xf32, #tpu.memory_space<vmem>> -> memref<8x128xf32, #tpu.memory_space<vmem>>
        %dma_wait3A_318 = arith.constant 0 : i32
        %dma_wait3A_319 = tpu.memref_slice %arg7[%add3A_296, %dma_wait3A_318] : memref<92160x128xf32, #tpu.memory_space<hbm>> -> memref<8x128xf32, #tpu.memory_space<hbm>>
        %dma_wait3A_320 = arith.constant 0 : i32
        %dma_wait3A_321 = tpu.memref_slice %arg7[%add3A_296, %dma_wait3A_320] : memref<92160x128xf32, #tpu.memory_space<hbm>> -> memref<8x128xf32, #tpu.memory_space<hbm>>
        %dma_wait3A_322 = arith.constant 48 : i32
        %dma_wait3A_323 = arith.constant 0 : i32
        %dma_wait3A_324 = tpu.memref_slice %arg17[%dma_wait3A_322, %dma_wait3A_323] : memref<72x128xf32, #tpu.memory_space<vmem>> -> memref<8x128xf32, #tpu.memory_space<vmem>>
        tpu.wait_dma2 semaphore(%run_scoped3A : memref<!tpu.dma_semaphore, #tpu.memory_space<semaphore_mem>>) src(%dma_wait3A_324 : memref<8x128xf32, #tpu.memory_space<vmem>>) dst(%dma_wait3A_321 : memref<8x128xf32, #tpu.memory_space<hbm>>)
        tpu.yield
      }) : () -> ()
      %mul3A_297 = arith.constant 640 : i32
      %mul3A_298 = arith.muli %arg1, %mul3A_297 : i32
      %add3A_299 = arith.constant 81920 : i32
      %add3A_300 = arith.addi %add3A_299, %mul3A_298 : i32
      %add3A_301 = arith.constant 560 : i32
      %add3A_302 = arith.addi %add3A_300, %add3A_301 : i32
      %mul3A_303 = arith.constant 8 : i32
      %mul3A_304 = arith.muli %add3A_24, %mul3A_303 : i32
      %add3A_305 = arith.addi %add3A_302, %mul3A_304 : i32
      "tpu.region"() ({
        %run_scoped3A = tpu.sem_alloc : memref<!tpu.dma_semaphore, #tpu.memory_space<semaphore_mem>>
        %dma_start3A_306 = arith.constant 56 : i32
        %dma_start3A_307 = arith.constant 0 : i32
        %dma_start3A_308 = tpu.memref_slice %arg17[%dma_start3A_306, %dma_start3A_307] : memref<72x128xf32, #tpu.memory_space<vmem>> -> memref<8x128xf32, #tpu.memory_space<vmem>>
        %dma_start3A_309 = arith.constant 0 : i32
        %dma_start3A_310 = tpu.memref_slice %arg7[%add3A_305, %dma_start3A_309] : memref<92160x128xf32, #tpu.memory_space<hbm>> -> memref<8x128xf32, #tpu.memory_space<hbm>>
        %dma_start3A_311 = arith.constant 0 : i32
        %dma_start3A_312 = tpu.memref_slice %arg7[%add3A_305, %dma_start3A_311] : memref<92160x128xf32, #tpu.memory_space<hbm>> -> memref<8x128xf32, #tpu.memory_space<hbm>>
        %dma_start3A_313 = arith.constant 56 : i32
        %dma_start3A_314 = arith.constant 0 : i32
        %dma_start3A_315 = tpu.memref_slice %arg17[%dma_start3A_313, %dma_start3A_314] : memref<72x128xf32, #tpu.memory_space<vmem>> -> memref<8x128xf32, #tpu.memory_space<vmem>>
        tpu.enqueue_dma source(%dma_start3A_315 : memref<8x128xf32, #tpu.memory_space<vmem>>) target(%dma_start3A_312 : memref<8x128xf32, #tpu.memory_space<hbm>>) target_semaphore(%run_scoped3A : memref<!tpu.dma_semaphore, #tpu.memory_space<semaphore_mem>>)
        %dma_wait3A = arith.constant 56 : i32
        %dma_wait3A_316 = arith.constant 0 : i32
        %dma_wait3A_317 = tpu.memref_slice %arg17[%dma_wait3A, %dma_wait3A_316] : memref<72x128xf32, #tpu.memory_space<vmem>> -> memref<8x128xf32, #tpu.memory_space<vmem>>
        %dma_wait3A_318 = arith.constant 0 : i32
        %dma_wait3A_319 = tpu.memref_slice %arg7[%add3A_305, %dma_wait3A_318] : memref<92160x128xf32, #tpu.memory_space<hbm>> -> memref<8x128xf32, #tpu.memory_space<hbm>>
        %dma_wait3A_320 = arith.constant 0 : i32
        %dma_wait3A_321 = tpu.memref_slice %arg7[%add3A_305, %dma_wait3A_320] : memref<92160x128xf32, #tpu.memory_space<hbm>> -> memref<8x128xf32, #tpu.memory_space<hbm>>
        %dma_wait3A_322 = arith.constant 56 : i32
        %dma_wait3A_323 = arith.constant 0 : i32
        %dma_wait3A_324 = tpu.memref_slice %arg17[%dma_wait3A_322, %dma_wait3A_323] : memref<72x128xf32, #tpu.memory_space<vmem>> -> memref<8x128xf32, #tpu.memory_space<vmem>>
        tpu.wait_dma2 semaphore(%run_scoped3A : memref<!tpu.dma_semaphore, #tpu.memory_space<semaphore_mem>>) src(%dma_wait3A_324 : memref<8x128xf32, #tpu.memory_space<vmem>>) dst(%dma_wait3A_321 : memref<8x128xf32, #tpu.memory_space<hbm>>)
        tpu.yield
      }) : () -> ()
    }
    %scan3A_20 = arith.constant 5 : i32
    return
  }
}

#map = affine_map<(d0, d1) -> (0, 0)>
#map1 = affine_map<(d0, d1) -> (0)>
module attributes {stable_mosaic.version = 14 : i64} {
  func.func @k(%arg0: i32, %arg1: i32, %arg2: memref<10240x128xf32, #tpu.memory_space<hbm>>, %arg3: memref<320000xi32, #tpu.memory_space<hbm>>, %arg4: memref<320000xi32, #tpu.memory_space<hbm>>, %arg5: memref<320000xi32, #tpu.memory_space<hbm>>, %arg6: memref<8200x128xf32, #tpu.memory_space<hbm>>, %arg7: memref<81920x128xf32, #tpu.memory_space<hbm>>, %arg8: memref<2000xi32, #tpu.memory_space<vmem>>, %arg9: memref<2000xi32, #tpu.memory_space<vmem>>, %arg10: memref<2000xi32, #tpu.memory_space<vmem>>, %arg11: memref<2000xi32, #tpu.memory_space<vmem>>, %arg12: memref<2000xi32, #tpu.memory_space<vmem>>, %arg13: memref<2000xi32, #tpu.memory_space<vmem>>, %arg14: memref<17x128xi32, #tpu.memory_space<vmem>>, %arg15: memref<17x128xi32, #tpu.memory_space<vmem>>, %arg16: memref<128x128xf32, #tpu.memory_space<vmem>>, %arg17: memref<72x128xf32, #tpu.memory_space<vmem>>, %arg18: memref<8xi32, #tpu.memory_space<smem>>, %arg19: memref<8200x128xf32, #tpu.memory_space<vmem_shared>>, %arg20: memref<!tpu.dma_semaphore, #tpu.memory_space<semaphore_mem>>, %arg21: memref<!tpu.dma_semaphore, #tpu.memory_space<semaphore_mem>>, %arg22: memref<!tpu.dma_semaphore, #tpu.memory_space<semaphore_mem>>, %arg23: memref<!tpu.dma_semaphore, #tpu.memory_space<semaphore_mem>>) attributes {dimension_semantics = [#tpu.dimension_semantics<core_parallel>, #tpu.dimension_semantics<subcore_parallel>], iteration_bounds = array<i64: 2, 16>, scalar_prefetch = 0 : i64, scratch_operands = 16 : i64, tpu.core_type = #tpu.core_type<sc_vector_subcore>, window_params = [{transform_indices = #map}, {transform_indices = #map1}, {transform_indices = #map1}, {transform_indices = #map1}, {transform_indices = #map}, {transform_indices = #map}]} {
    %iota3A = tpu.iota {dimensions = array<i32: 0>} : vector<16xi32>
    %broadcast_in_dim3A = arith.constant 0 : i32
    %broadcast_in_dim3A_0 = vector.broadcast %broadcast_in_dim3A : i32 to vector<16xi32>
    %broadcast_in_dim3A_1 = arith.constant 0.000000e+00 : f32
    %broadcast_in_dim3A_2 = vector.broadcast %broadcast_in_dim3A_1 : f32 to vector<16xf32>
    %broadcast_in_dim3A_3 = arith.constant 1.000000e+00 : f32
    %broadcast_in_dim3A_4 = vector.broadcast %broadcast_in_dim3A_3 : f32 to vector<16xf32>
    %broadcast_in_dim3A_5 = arith.constant 8192 : i32
    %broadcast_in_dim3A_6 = vector.broadcast %broadcast_in_dim3A_5 : i32 to vector<16xi32>
    %mul3A = arith.constant 512 : i32
    %mul3A_7 = arith.muli %arg1, %mul3A : i32
    %mul3A_8 = arith.constant 20000 : i32
    %mul3A_9 = arith.muli %arg1, %mul3A_8 : i32
    %add3A = arith.constant 0 : i32
    %add3A_10 = arith.addi %mul3A_9, %add3A : i32
    %dma_start3A = tpu.memref_slice %arg3[%add3A_10] : memref<320000xi32, #tpu.memory_space<hbm>> -> memref<2000xi32, #tpu.memory_space<hbm>>
    %dma_start3A_11 = tpu.memref_slice %arg3[%add3A_10] : memref<320000xi32, #tpu.memory_space<hbm>> -> memref<2000xi32, #tpu.memory_space<hbm>>
    tpu.enqueue_dma source(%dma_start3A_11 : memref<2000xi32, #tpu.memory_space<hbm>>) target(%arg8 : memref<2000xi32, #tpu.memory_space<vmem>>) target_semaphore(%arg21 : memref<!tpu.dma_semaphore, #tpu.memory_space<semaphore_mem>>)
    %dma_start3A_12 = tpu.memref_slice %arg4[%add3A_10] : memref<320000xi32, #tpu.memory_space<hbm>> -> memref<2000xi32, #tpu.memory_space<hbm>>
    %dma_start3A_13 = tpu.memref_slice %arg4[%add3A_10] : memref<320000xi32, #tpu.memory_space<hbm>> -> memref<2000xi32, #tpu.memory_space<hbm>>
    tpu.enqueue_dma source(%dma_start3A_13 : memref<2000xi32, #tpu.memory_space<hbm>>) target(%arg9 : memref<2000xi32, #tpu.memory_space<vmem>>) target_semaphore(%arg22 : memref<!tpu.dma_semaphore, #tpu.memory_space<semaphore_mem>>)
    %dma_start3A_14 = tpu.memref_slice %arg5[%add3A_10] : memref<320000xi32, #tpu.memory_space<hbm>> -> memref<2000xi32, #tpu.memory_space<hbm>>
    %dma_start3A_15 = tpu.memref_slice %arg5[%add3A_10] : memref<320000xi32, #tpu.memory_space<hbm>> -> memref<2000xi32, #tpu.memory_space<hbm>>
    tpu.enqueue_dma source(%dma_start3A_15 : memref<2000xi32, #tpu.memory_space<hbm>>) target(%arg10 : memref<2000xi32, #tpu.memory_space<vmem>>) target_semaphore(%arg23 : memref<!tpu.dma_semaphore, #tpu.memory_space<semaphore_mem>>)
    %scan3A = arith.constant 0 : i32
    %scan3A_16 = arith.constant 0 : i32
    %scan3A_17 = arith.constant 5 : i32
    %scan3A_18 = arith.addi %scan3A_16, %scan3A_17 : i32
    %scan3A_19 = arith.constant 1 : i32
    scf.for %scan3A_21 = %scan3A_16 to %scan3A_18 step %scan3A_19  : i32 {
      %mul3A_22 = arith.constant 5 : i32
      %mul3A_23 = arith.muli %arg0, %mul3A_22 : i32
      %add3A_24 = arith.addi %mul3A_23, %scan3A_21 : i32
      %mul3A_25 = arith.constant 1024 : i32
      %mul3A_26 = arith.muli %add3A_24, %mul3A_25 : i32
      "tpu.region"() ({
        %run_scoped3A = tpu.sem_alloc : memref<!tpu.dma_semaphore, #tpu.memory_space<semaphore_mem>>
        %dma_start3A_234 = arith.constant 0 : i32
        %dma_start3A_235 = tpu.memref_slice %arg19[%mul3A_7, %dma_start3A_234] : memref<8200x128xf32, #tpu.memory_space<vmem_shared>> -> memref<512x128xf32, #tpu.memory_space<vmem_shared>>
        %dma_start3A_236 = arith.constant 0 : i32
        %dma_start3A_237 = tpu.memref_slice %arg6[%mul3A_7, %dma_start3A_236] : memref<8200x128xf32, #tpu.memory_space<hbm>> -> memref<512x128xf32, #tpu.memory_space<hbm>>
        tpu.enqueue_dma source(%dma_start3A_237 : memref<512x128xf32, #tpu.memory_space<hbm>>) target(%dma_start3A_235 : memref<512x128xf32, #tpu.memory_space<vmem_shared>>) target_semaphore(%run_scoped3A : memref<!tpu.dma_semaphore, #tpu.memory_space<semaphore_mem>>)
        %dma_wait3A = arith.constant 0 : i32
        %dma_wait3A_238 = tpu.memref_slice %arg19[%mul3A_7, %dma_wait3A] : memref<8200x128xf32, #tpu.memory_space<vmem_shared>> -> memref<512x128xf32, #tpu.memory_space<vmem_shared>>
        %dma_wait3A_239 = arith.constant 0 : i32
        %dma_wait3A_240 = tpu.memref_slice %arg6[%mul3A_7, %dma_wait3A_239] : memref<8200x128xf32, #tpu.memory_space<hbm>> -> memref<512x128xf32, #tpu.memory_space<hbm>>
        tpu.wait_dma2 semaphore(%run_scoped3A : memref<!tpu.dma_semaphore, #tpu.memory_space<semaphore_mem>>) src(%dma_wait3A_240 : memref<512x128xf32, #tpu.memory_space<hbm>>) dst(%dma_wait3A_238 : memref<512x128xf32, #tpu.memory_space<vmem_shared>>)
        tpu.yield
      }) : () -> ()
      %eq3A = arith.constant 0 : i32
      %eq3A_27 = arith.cmpi eq, %arg1, %eq3A : i32
      %convert_element_type3A = arith.extui %eq3A_27 : i1 to i32
      %cond3A = arith.constant 0 : i32
      %cond3A_28 = arith.cmpi ne, %convert_element_type3A, %cond3A : i32
      scf.if %cond3A_28 {
        "tpu.region"() ({
          %run_scoped3A = tpu.sem_alloc : memref<!tpu.dma_semaphore, #tpu.memory_space<semaphore_mem>>
          %dma_start3A_234 = arith.constant 8192 : i32
          %dma_start3A_235 = arith.constant 0 : i32
          %dma_start3A_236 = tpu.memref_slice %arg19[%dma_start3A_234, %dma_start3A_235] : memref<8200x128xf32, #tpu.memory_space<vmem_shared>> -> memref<8x128xf32, #tpu.memory_space<vmem_shared>>
          %dma_start3A_237 = arith.constant 8192 : i32
          %dma_start3A_238 = arith.constant 0 : i32
          %dma_start3A_239 = tpu.memref_slice %arg6[%dma_start3A_237, %dma_start3A_238] : memref<8200x128xf32, #tpu.memory_space<hbm>> -> memref<8x128xf32, #tpu.memory_space<hbm>>
          tpu.enqueue_dma source(%dma_start3A_239 : memref<8x128xf32, #tpu.memory_space<hbm>>) target(%dma_start3A_236 : memref<8x128xf32, #tpu.memory_space<vmem_shared>>) target_semaphore(%run_scoped3A : memref<!tpu.dma_semaphore, #tpu.memory_space<semaphore_mem>>)
          %dma_wait3A = arith.constant 8192 : i32
          %dma_wait3A_240 = arith.constant 0 : i32
          %dma_wait3A_241 = tpu.memref_slice %arg19[%dma_wait3A, %dma_wait3A_240] : memref<8200x128xf32, #tpu.memory_space<vmem_shared>> -> memref<8x128xf32, #tpu.memory_space<vmem_shared>>
          %dma_wait3A_242 = arith.constant 8192 : i32
          %dma_wait3A_243 = arith.constant 0 : i32
          %dma_wait3A_244 = tpu.memref_slice %arg6[%dma_wait3A_242, %dma_wait3A_243] : memref<8200x128xf32, #tpu.memory_space<hbm>> -> memref<8x128xf32, #tpu.memory_space<hbm>>
          tpu.wait_dma2 semaphore(%run_scoped3A : memref<!tpu.dma_semaphore, #tpu.memory_space<semaphore_mem>>) src(%dma_wait3A_244 : memref<8x128xf32, #tpu.memory_space<hbm>>) dst(%dma_wait3A_241 : memref<8x128xf32, #tpu.memory_space<vmem_shared>>)
          tpu.yield
        }) : () -> ()
      } else {
      }
      %barrier3A = arith.constant 0 : index
      tpu.barrier barrier_id(%barrier3A)
      %scan3A_29 = arith.constant 0 : i32
      %scan3A_30 = arith.constant 0 : i32
      %scan3A_31 = arith.constant 5 : i32
      %scan3A_32 = arith.addi %scan3A_30, %scan3A_31 : i32
      %scan3A_33 = arith.constant 1 : i32
      %scan3A_34 = scf.for %scan3A_234 = %scan3A_30 to %scan3A_32 step %scan3A_33 iter_args(%scan3A_235 = %scan3A_29) -> (i32)  : i32 {
        %mul3A_236 = arith.constant 2 : i32
        %mul3A_237 = arith.muli %mul3A_236, %scan3A_234 : i32
        %mul3A_238 = arith.constant 20000 : i32
        %mul3A_239 = arith.muli %arg1, %mul3A_238 : i32
        %mul3A_240 = arith.constant 2000 : i32
        %mul3A_241 = arith.muli %mul3A_237, %mul3A_240 : i32
        %add3A_242 = arith.addi %mul3A_239, %mul3A_241 : i32
        %dma_wait3A = tpu.memref_slice %arg3[%add3A_242] : memref<320000xi32, #tpu.memory_space<hbm>> -> memref<2000xi32, #tpu.memory_space<hbm>>
        %dma_wait3A_243 = tpu.memref_slice %arg3[%add3A_242] : memref<320000xi32, #tpu.memory_space<hbm>> -> memref<2000xi32, #tpu.memory_space<hbm>>
        tpu.wait_dma2 semaphore(%arg21 : memref<!tpu.dma_semaphore, #tpu.memory_space<semaphore_mem>>) src(%dma_wait3A_243 : memref<2000xi32, #tpu.memory_space<hbm>>) dst(%arg8 : memref<2000xi32, #tpu.memory_space<vmem>>)
        %dma_wait3A_244 = tpu.memref_slice %arg4[%add3A_242] : memref<320000xi32, #tpu.memory_space<hbm>> -> memref<2000xi32, #tpu.memory_space<hbm>>
        %dma_wait3A_245 = tpu.memref_slice %arg4[%add3A_242] : memref<320000xi32, #tpu.memory_space<hbm>> -> memref<2000xi32, #tpu.memory_space<hbm>>
        tpu.wait_dma2 semaphore(%arg22 : memref<!tpu.dma_semaphore, #tpu.memory_space<semaphore_mem>>) src(%dma_wait3A_245 : memref<2000xi32, #tpu.memory_space<hbm>>) dst(%arg9 : memref<2000xi32, #tpu.memory_space<vmem>>)
        %dma_wait3A_246 = tpu.memref_slice %arg5[%add3A_242] : memref<320000xi32, #tpu.memory_space<hbm>> -> memref<2000xi32, #tpu.memory_space<hbm>>
        %dma_wait3A_247 = tpu.memref_slice %arg5[%add3A_242] : memref<320000xi32, #tpu.memory_space<hbm>> -> memref<2000xi32, #tpu.memory_space<hbm>>
        tpu.wait_dma2 semaphore(%arg23 : memref<!tpu.dma_semaphore, #tpu.memory_space<semaphore_mem>>) src(%dma_wait3A_247 : memref<2000xi32, #tpu.memory_space<hbm>>) dst(%arg10 : memref<2000xi32, #tpu.memory_space<vmem>>)
        %add3A_248 = arith.constant 1 : i32
        %add3A_249 = arith.addi %mul3A_237, %add3A_248 : i32
        %mul3A_250 = arith.constant 20000 : i32
        %mul3A_251 = arith.muli %arg1, %mul3A_250 : i32
        %mul3A_252 = arith.constant 2000 : i32
        %mul3A_253 = arith.muli %add3A_249, %mul3A_252 : i32
        %add3A_254 = arith.addi %mul3A_251, %mul3A_253 : i32
        %dma_start3A_255 = tpu.memref_slice %arg3[%add3A_254] : memref<320000xi32, #tpu.memory_space<hbm>> -> memref<2000xi32, #tpu.memory_space<hbm>>
        %dma_start3A_256 = tpu.memref_slice %arg3[%add3A_254] : memref<320000xi32, #tpu.memory_space<hbm>> -> memref<2000xi32, #tpu.memory_space<hbm>>
        tpu.enqueue_dma source(%dma_start3A_256 : memref<2000xi32, #tpu.memory_space<hbm>>) target(%arg11 : memref<2000xi32, #tpu.memory_space<vmem>>) target_semaphore(%arg21 : memref<!tpu.dma_semaphore, #tpu.memory_space<semaphore_mem>>)
        %dma_start3A_257 = tpu.memref_slice %arg4[%add3A_254] : memref<320000xi32, #tpu.memory_space<hbm>> -> memref<2000xi32, #tpu.memory_space<hbm>>
        %dma_start3A_258 = tpu.memref_slice %arg4[%add3A_254] : memref<320000xi32, #tpu.memory_space<hbm>> -> memref<2000xi32, #tpu.memory_space<hbm>>
        tpu.enqueue_dma source(%dma_start3A_258 : memref<2000xi32, #tpu.memory_space<hbm>>) target(%arg12 : memref<2000xi32, #tpu.memory_space<vmem>>) target_semaphore(%arg22 : memref<!tpu.dma_semaphore, #tpu.memory_space<semaphore_mem>>)
        %dma_start3A_259 = tpu.memref_slice %arg5[%add3A_254] : memref<320000xi32, #tpu.memory_space<hbm>> -> memref<2000xi32, #tpu.memory_space<hbm>>
        %dma_start3A_260 = tpu.memref_slice %arg5[%add3A_254] : memref<320000xi32, #tpu.memory_space<hbm>> -> memref<2000xi32, #tpu.memory_space<hbm>>
        tpu.enqueue_dma source(%dma_start3A_260 : memref<2000xi32, #tpu.memory_space<hbm>>) target(%arg13 : memref<2000xi32, #tpu.memory_space<vmem>>) target_semaphore(%arg23 : memref<!tpu.dma_semaphore, #tpu.memory_space<semaphore_mem>>)
        %scan3A_261 = arith.constant 0 : i32
        %scan3A_262 = arith.constant 125 : i32
        %scan3A_263 = arith.addi %scan3A_261, %scan3A_262 : i32
        %scan3A_264 = arith.constant 1 : i32
        %scan3A_265 = scf.for %scan3A_895 = %scan3A_261 to %scan3A_263 step %scan3A_264 iter_args(%scan3A_896 = %scan3A_235) -> (i32)  : i32 {
          %mul3A_897 = arith.constant 16 : i32
          %mul3A_898 = arith.muli %scan3A_895, %mul3A_897 : i32
          %get3A_899 = arith.index_cast %mul3A_898 : i32 to index
          %get3A_900 = tpu.vector_load %arg8[%get3A_899] {strides = array<i32>} : memref<2000xi32, #tpu.memory_space<vmem>>, vector<16xi32>,
          %mul3A_901 = arith.constant 16 : i32
          %mul3A_902 = arith.muli %scan3A_895, %mul3A_901 : i32
          %get3A_903 = arith.index_cast %mul3A_902 : i32 to index
          %get3A_904 = tpu.vector_load %arg9[%get3A_903] {strides = array<i32>} : memref<2000xi32, #tpu.memory_space<vmem>>, vector<16xi32>,
          %mul3A_905 = arith.constant 16 : i32
          %mul3A_906 = arith.muli %scan3A_895, %mul3A_905 : i32
          %get3A_907 = arith.index_cast %mul3A_906 : i32 to index
          %get3A_908 = tpu.vector_load %arg10[%get3A_907] {strides = array<i32>} : memref<2000xi32, #tpu.memory_space<vmem>>, vector<16xi32>,
          %ge3A = vector.broadcast %mul3A_26 : i32 to vector<16xi32>
          %ge3A_909 = arith.cmpi sge, %get3A_904, %ge3A : vector<16xi32>
          %add3A_910 = arith.constant 1024 : i32
          %add3A_911 = arith.addi %mul3A_26, %add3A_910 : i32
          %lt3A_912 = vector.broadcast %add3A_911 : i32 to vector<16xi32>
          %lt3A_913 = arith.cmpi slt, %get3A_904, %lt3A_912 : vector<16xi32>
          %and3A_914 = arith.andi %ge3A_909, %lt3A_913 : vector<16xi1>
          %mul3A_915 = arith.constant 1024 : i32
          %mul3A_916 = vector.broadcast %mul3A_915 : i32 to vector<16xi32>
          %mul3A_917 = arith.muli %get3A_908, %mul3A_916 : vector<16xi32>
          %sub3A_918 = vector.broadcast %mul3A_26 : i32 to vector<16xi32>
          %sub3A_919 = arith.subi %get3A_904, %sub3A_918 : vector<16xi32>
          %add3A_920 = arith.addi %mul3A_917, %sub3A_919 : vector<16xi32>
          %jit3A_921 = arith.constant 8192 : i32
          %broadcast_in_dim3A_922 = vector.broadcast %jit3A_921 : i32 to vector<16xi32>
          %select_n3A_923 = arith.select %and3A_914, %add3A_920, %broadcast_in_dim3A_922 : vector<16xi1>, vector<16xi32>
          %convert_element_type3A_924 = arith.extui %and3A_914 : vector<16xi1> to vector<16xi32>
          %broadcast_in_dim3A_925 = arith.constant true
          %broadcast_in_dim3A_926 = vector.broadcast %broadcast_in_dim3A_925 : i1 to vector<16xi1>
          %masked_cumsum3A = tpu.scan <sum>, %convert_element_type3A_924 masked %broadcast_in_dim3A_926 : vector<16xi32>, vector<16xi1> -> vector<16xi32>
          %add3A_927 = vector.broadcast %scan3A_896 : i32 to vector<16xi32>
          %add3A_928 = arith.addi %add3A_927, %masked_cumsum3A : vector<16xi32>
          %sub3A_929 = arith.constant 1 : i32
          %sub3A_930 = vector.broadcast %sub3A_929 : i32 to vector<16xi32>
          %sub3A_931 = arith.subi %add3A_928, %sub3A_930 : vector<16xi32>
          %jit3A_932 = arith.constant 0 : i32
          %broadcast_in_dim3A_933 = vector.broadcast %jit3A_932 : i32 to vector<16xi32>
          %select_n3A_934 = arith.select %and3A_914, %sub3A_931, %broadcast_in_dim3A_933 : vector<16xi1>, vector<16xi32>
          %shift_right_arithmetic3A_935 = arith.constant 7 : i32
          %shift_right_arithmetic3A_936 = vector.broadcast %shift_right_arithmetic3A_935 : i32 to vector<16xi32>
          %shift_right_arithmetic3A_937 = arith.shrsi %select_n3A_934, %shift_right_arithmetic3A_936 : vector<16xi32>
          %and3A_938 = arith.constant 127 : i32
          %and3A_939 = vector.broadcast %and3A_938 : i32 to vector<16xi32>
          %and3A_940 = arith.andi %select_n3A_934, %and3A_939 : vector<16xi32>
          tpu.vector_store_idx %arg14[%shift_right_arithmetic3A_937, %and3A_940], %get3A_900 masked %and3A_914 : memref<17x128xi32, #tpu.memory_space<vmem>>[vector<16xi32>, vector<16xi32>], vector<16xi32>, vector<16xi1>
          %shift_right_arithmetic3A_941 = arith.constant 7 : i32
          %shift_right_arithmetic3A_942 = vector.broadcast %shift_right_arithmetic3A_941 : i32 to vector<16xi32>
          %shift_right_arithmetic3A_943 = arith.shrsi %select_n3A_934, %shift_right_arithmetic3A_942 : vector<16xi32>
          %and3A_944 = arith.constant 127 : i32
          %and3A_945 = vector.broadcast %and3A_944 : i32 to vector<16xi32>
          %and3A_946 = arith.andi %select_n3A_934, %and3A_945 : vector<16xi32>
          tpu.vector_store_idx %arg15[%shift_right_arithmetic3A_943, %and3A_946], %select_n3A_923 masked %and3A_914 : memref<17x128xi32, #tpu.memory_space<vmem>>[vector<16xi32>, vector<16xi32>], vector<16xi32>, vector<16xi1>
          %reduce_sum3A = arith.constant true
          %reduce_sum3A_947 = vector.broadcast %reduce_sum3A : i1 to vector<16xi1>
          %reduce_sum3A_948 = tpu.scan <sum>, %convert_element_type3A_924 masked %reduce_sum3A_947 : vector<16xi32>, vector<16xi1> -> vector<16xi32>
          %reduce_sum3A_949 = vector.extract %reduce_sum3A_948[15] : i32 from vector<16xi32>
          %add3A_950 = arith.addi %scan3A_896, %reduce_sum3A_949 : i32
          scf.yield %add3A_950 : i32
        }
        %scan3A_266 = arith.constant 125 : i32
        %shift_right_arithmetic3A_267 = arith.constant 7 : i32
        %shift_right_arithmetic3A_268 = arith.shrsi %scan3A_265, %shift_right_arithmetic3A_267 : i32
        %swap3A_269 = arith.constant 0 : i32
        %swap3A_270 = arith.index_cast %swap3A_269 : i32 to index
        %swap3A_271 = memref.load %arg18[%swap3A_270] : memref<8xi32, #tpu.memory_space<smem>>
        memref.store %shift_right_arithmetic3A_268, %arg18[%swap3A_270] : memref<8xi32, #tpu.memory_space<smem>>
        %get3A_272 = arith.constant 0 : i32
        %get3A_273 = arith.index_cast %get3A_272 : i32 to index
        %get3A_274 = memref.load %arg18[%get3A_273] : memref<8xi32, #tpu.memory_space<smem>>
        %while3A = arith.constant 0 : i32
        %while3A_275 = arith.constant 0 : i32
        %while3A_276 = arith.subi %get3A_274, %while3A_275 : i32
        %while3A_277 = arith.addi %while3A_275, %while3A_276 : i32
        %while3A_278 = arith.constant 1 : i32
        %while3A_279 = arith.divsi %while3A_276, %while3A_278 : i32
        %while3A_280 = arith.muli %while3A_279, %while3A_278 : i32
        %while3A_281 = arith.addi %while3A_275, %while3A_280 : i32
        %while3A_282 = arith.constant 1 : i32
        scf.for %while3A_895 = %while3A_275 to %while3A_281 step %while3A_282  : i32 {
          %dma_start3A_896 = arith.constant 0 : i32
          %dma_start3A_897 = tpu.memref_slice %arg14[%while3A_895, %dma_start3A_896] : memref<17x128xi32, #tpu.memory_space<vmem>> -> memref<1x128xi32, #tpu.memory_space<vmem>>
          %dma_start3A_898 = tpu.memref_squeeze %dma_start3A_897 : memref<1x128xi32, #tpu.memory_space<vmem>> -> memref<128xi32, #tpu.memory_space<vmem>>
          %dma_start3A_899 = arith.constant 0 : i32
          %dma_start3A_900 = arith.constant 0 : i32
          %dma_start3A_901 = tpu.memref_slice %arg2[%dma_start3A_899, %dma_start3A_900] : memref<10240x128xf32, #tpu.memory_space<hbm>> -> memref<10240x128xf32, #tpu.memory_space<hbm>>
          tpu.enqueue_indirect_dma source(%dma_start3A_901 : memref<10240x128xf32, #tpu.memory_space<hbm>>) target(%arg16 : memref<128x128xf32, #tpu.memory_space<vmem>>) offsets(%dma_start3A_898 : memref<128xi32, #tpu.memory_space<vmem>>) semaphore(%arg20 : memref<!tpu.dma_semaphore, #tpu.memory_space<semaphore_mem>>)
          %dma_wait3A_902 = arith.constant 0 : i32
          %dma_wait3A_903 = tpu.memref_slice %arg14[%while3A_895, %dma_wait3A_902] : memref<17x128xi32, #tpu.memory_space<vmem>> -> memref<1x128xi32, #tpu.memory_space<vmem>>
          %dma_wait3A_904 = tpu.memref_squeeze %dma_wait3A_903 : memref<1x128xi32, #tpu.memory_space<vmem>> -> memref<128xi32, #tpu.memory_space<vmem>>
          %dma_wait3A_905 = arith.constant 0 : i32
          %dma_wait3A_906 = arith.constant 0 : i32
          %dma_wait3A_907 = tpu.memref_slice %arg2[%dma_wait3A_905, %dma_wait3A_906] : memref<10240x128xf32, #tpu.memory_space<hbm>> -> memref<10240x128xf32, #tpu.memory_space<hbm>>
          tpu.wait_indirect_dma semaphore(%arg20 : memref<!tpu.dma_semaphore, #tpu.memory_space<semaphore_mem>>) src(%dma_wait3A_907 : memref<10240x128xf32, #tpu.memory_space<hbm>>) dst(%arg16 : memref<128x128xf32, #tpu.memory_space<vmem>>)
          "tpu.region"() ({
            %run_scoped3A = tpu.sem_alloc : memref<!tpu.dma_semaphore, #tpu.memory_space<semaphore_mem>>
            %dma_start3A_908 = arith.constant 0 : i32
            %dma_start3A_909 = tpu.memref_slice %arg15[%while3A_895, %dma_start3A_908] : memref<17x128xi32, #tpu.memory_space<vmem>> -> memref<1x128xi32, #tpu.memory_space<vmem>>
            %dma_start3A_910 = tpu.memref_squeeze %dma_start3A_909 : memref<1x128xi32, #tpu.memory_space<vmem>> -> memref<128xi32, #tpu.memory_space<vmem>>
            %dma_start3A_911 = arith.constant 0 : i32
            %dma_start3A_912 = arith.constant 0 : i32
            %dma_start3A_913 = tpu.memref_slice %arg19[%dma_start3A_911, %dma_start3A_912] : memref<8200x128xf32, #tpu.memory_space<vmem_shared>> -> memref<8200x128xf32, #tpu.memory_space<vmem_shared>>
            tpu.enqueue_indirect_dma source(%arg16 : memref<128x128xf32, #tpu.memory_space<vmem>>) target(%dma_start3A_913 : memref<8200x128xf32, #tpu.memory_space<vmem_shared>>) offsets(%dma_start3A_910 : memref<128xi32, #tpu.memory_space<vmem>>) semaphore(%run_scoped3A : memref<!tpu.dma_semaphore, #tpu.memory_space<semaphore_mem>>) {add = true}
            %dma_wait3A_914 = arith.constant 0 : i32
            %dma_wait3A_915 = tpu.memref_slice %arg15[%while3A_895, %dma_wait3A_914] : memref<17x128xi32, #tpu.memory_space<vmem>> -> memref<1x128xi32, #tpu.memory_space<vmem>>
            %dma_wait3A_916 = tpu.memref_squeeze %dma_wait3A_915 : memref<1x128xi32, #tpu.memory_space<vmem>> -> memref<128xi32, #tpu.memory_space<vmem>>
            %dma_wait3A_917 = arith.constant 0 : i32
            %dma_wait3A_918 = arith.constant 0 : i32
            %dma_wait3A_919 = tpu.memref_slice %arg19[%dma_wait3A_917, %dma_wait3A_918] : memref<8200x128xf32, #tpu.memory_space<vmem_shared>> -> memref<8200x128xf32, #tpu.memory_space<vmem_shared>>
            tpu.wait_indirect_dma semaphore(%run_scoped3A : memref<!tpu.dma_semaphore, #tpu.memory_space<semaphore_mem>>) src(%arg16 : memref<128x128xf32, #tpu.memory_space<vmem>>) dst(%dma_wait3A_919 : memref<8200x128xf32, #tpu.memory_space<vmem_shared>>)
            tpu.yield
          }) : () -> ()
        }
        %while3A_283 = arith.constant 1 : i32
        scf.for %while3A_895 = %while3A_281 to %while3A_277 step %while3A_283  : i32 {
          %dma_start3A_896 = arith.constant 0 : i32
          %dma_start3A_897 = tpu.memref_slice %arg14[%while3A_895, %dma_start3A_896] : memref<17x128xi32, #tpu.memory_space<vmem>> -> memref<1x128xi32, #tpu.memory_space<vmem>>
          %dma_start3A_898 = tpu.memref_squeeze %dma_start3A_897 : memref<1x128xi32, #tpu.memory_space<vmem>> -> memref<128xi32, #tpu.memory_space<vmem>>
          %dma_start3A_899 = arith.constant 0 : i32
          %dma_start3A_900 = arith.constant 0 : i32
          %dma_start3A_901 = tpu.memref_slice %arg2[%dma_start3A_899, %dma_start3A_900] : memref<10240x128xf32, #tpu.memory_space<hbm>> -> memref<10240x128xf32, #tpu.memory_space<hbm>>
          tpu.enqueue_indirect_dma source(%dma_start3A_901 : memref<10240x128xf32, #tpu.memory_space<hbm>>) target(%arg16 : memref<128x128xf32, #tpu.memory_space<vmem>>) offsets(%dma_start3A_898 : memref<128xi32, #tpu.memory_space<vmem>>) semaphore(%arg20 : memref<!tpu.dma_semaphore, #tpu.memory_space<semaphore_mem>>)
          %dma_wait3A_902 = arith.constant 0 : i32
          %dma_wait3A_903 = tpu.memref_slice %arg14[%while3A_895, %dma_wait3A_902] : memref<17x128xi32, #tpu.memory_space<vmem>> -> memref<1x128xi32, #tpu.memory_space<vmem>>
          %dma_wait3A_904 = tpu.memref_squeeze %dma_wait3A_903 : memref<1x128xi32, #tpu.memory_space<vmem>> -> memref<128xi32, #tpu.memory_space<vmem>>
          %dma_wait3A_905 = arith.constant 0 : i32
          %dma_wait3A_906 = arith.constant 0 : i32
          %dma_wait3A_907 = tpu.memref_slice %arg2[%dma_wait3A_905, %dma_wait3A_906] : memref<10240x128xf32, #tpu.memory_space<hbm>> -> memref<10240x128xf32, #tpu.memory_space<hbm>>
          tpu.wait_indirect_dma semaphore(%arg20 : memref<!tpu.dma_semaphore, #tpu.memory_space<semaphore_mem>>) src(%dma_wait3A_907 : memref<10240x128xf32, #tpu.memory_space<hbm>>) dst(%arg16 : memref<128x128xf32, #tpu.memory_space<vmem>>)
          "tpu.region"() ({
            %run_scoped3A = tpu.sem_alloc : memref<!tpu.dma_semaphore, #tpu.memory_space<semaphore_mem>>
            %dma_start3A_908 = arith.constant 0 : i32
            %dma_start3A_909 = tpu.memref_slice %arg15[%while3A_895, %dma_start3A_908] : memref<17x128xi32, #tpu.memory_space<vmem>> -> memref<1x128xi32, #tpu.memory_space<vmem>>
            %dma_start3A_910 = tpu.memref_squeeze %dma_start3A_909 : memref<1x128xi32, #tpu.memory_space<vmem>> -> memref<128xi32, #tpu.memory_space<vmem>>
            %dma_start3A_911 = arith.constant 0 : i32
            %dma_start3A_912 = arith.constant 0 : i32
            %dma_start3A_913 = tpu.memref_slice %arg19[%dma_start3A_911, %dma_start3A_912] : memref<8200x128xf32, #tpu.memory_space<vmem_shared>> -> memref<8200x128xf32, #tpu.memory_space<vmem_shared>>
            tpu.enqueue_indirect_dma source(%arg16 : memref<128x128xf32, #tpu.memory_space<vmem>>) target(%dma_start3A_913 : memref<8200x128xf32, #tpu.memory_space<vmem_shared>>) offsets(%dma_start3A_910 : memref<128xi32, #tpu.memory_space<vmem>>) semaphore(%run_scoped3A : memref<!tpu.dma_semaphore, #tpu.memory_space<semaphore_mem>>) {add = true}
            %dma_wait3A_914 = arith.constant 0 : i32
            %dma_wait3A_915 = tpu.memref_slice %arg15[%while3A_895, %dma_wait3A_914] : memref<17x128xi32, #tpu.memory_space<vmem>> -> memref<1x128xi32, #tpu.memory_space<vmem>>
            %dma_wait3A_916 = tpu.memref_squeeze %dma_wait3A_915 : memref<1x128xi32, #tpu.memory_space<vmem>> -> memref<128xi32, #tpu.memory_space<vmem>>
            %dma_wait3A_917 = arith.constant 0 : i32
            %dma_wait3A_918 = arith.constant 0 : i32
            %dma_wait3A_919 = tpu.memref_slice %arg19[%dma_wait3A_917, %dma_wait3A_918] : memref<8200x128xf32, #tpu.memory_space<vmem_shared>> -> memref<8200x128xf32, #tpu.memory_space<vmem_shared>>
            tpu.wait_indirect_dma semaphore(%run_scoped3A : memref<!tpu.dma_semaphore, #tpu.memory_space<semaphore_mem>>) src(%arg16 : memref<128x128xf32, #tpu.memory_space<vmem>>) dst(%dma_wait3A_919 : memref<8200x128xf32, #tpu.memory_space<vmem_shared>>)
            tpu.yield
          }) : () -> ()
        }
        %shift_left3A_284 = arith.constant 7 : i32
        %shift_left3A_285 = arith.shli %get3A_274, %shift_left3A_284 : i32
        %add3A_286 = arith.constant 0 : i32
        %add3A_287 = arith.addi %shift_left3A_285, %add3A_286 : i32
        %add3A_288 = vector.broadcast %add3A_287 : i32 to vector<16xi32>
        %add3A_289 = arith.addi %add3A_288, %iota3A : vector<16xi32>
        %lt3A_290 = vector.broadcast %scan3A_265 : i32 to vector<16xi32>
        %lt3A_291 = arith.cmpi slt, %add3A_289, %lt3A_290 : vector<16xi32>
        %shift_right_arithmetic3A_292 = arith.constant 7 : i32
        %shift_right_arithmetic3A_293 = vector.broadcast %shift_right_arithmetic3A_292 : i32 to vector<16xi32>
        %shift_right_arithmetic3A_294 = arith.shrsi %add3A_289, %shift_right_arithmetic3A_293 : vector<16xi32>
        %and3A_295 = arith.constant 127 : i32
        %and3A_296 = vector.broadcast %and3A_295 : i32 to vector<16xi32>
        %and3A_297 = arith.andi %add3A_289, %and3A_296 : vector<16xi32>
        %gather3A = tpu.vector_load_idx %arg14[%shift_right_arithmetic3A_294, %and3A_297] masked %lt3A_291 : memref<17x128xi32, #tpu.memory_space<vmem>>[vector<16xi32>, vector<16xi32>], vector<16xi32>, vector<16xi1>
        %shift_right_arithmetic3A_298 = arith.constant 7 : i32
        %shift_right_arithmetic3A_299 = vector.broadcast %shift_right_arithmetic3A_298 : i32 to vector<16xi32>
        %shift_right_arithmetic3A_300 = arith.shrsi %add3A_289, %shift_right_arithmetic3A_299 : vector<16xi32>
        %and3A_301 = arith.constant 127 : i32
        %and3A_302 = vector.broadcast %and3A_301 : i32 to vector<16xi32>
        %and3A_303 = arith.andi %add3A_289, %and3A_302 : vector<16xi32>
        %gather3A_304 = tpu.vector_load_idx %arg15[%shift_right_arithmetic3A_300, %and3A_303] masked %lt3A_291 : memref<17x128xi32, #tpu.memory_space<vmem>>[vector<16xi32>, vector<16xi32>], vector<16xi32>, vector<16xi1>
        %add3A_305 = arith.constant 0 : i32
        %add3A_306 = vector.broadcast %add3A_305 : i32 to vector<16xi32>
        %add3A_307 = arith.addi %add3A_306, %iota3A : vector<16xi32>
        %shift_right_arithmetic3A_308 = arith.constant 7 : i32
        %shift_right_arithmetic3A_309 = vector.broadcast %shift_right_arithmetic3A_308 : i32 to vector<16xi32>
        %shift_right_arithmetic3A_310 = arith.shrsi %add3A_307, %shift_right_arithmetic3A_309 : vector<16xi32>
        %and3A_311 = arith.constant 127 : i32
        %and3A_312 = vector.broadcast %and3A_311 : i32 to vector<16xi32>
        %and3A_313 = arith.andi %add3A_307, %and3A_312 : vector<16xi32>
        tpu.vector_store_idx %arg14[%shift_right_arithmetic3A_310, %and3A_313], %gather3A masked %lt3A_291 : memref<17x128xi32, #tpu.memory_space<vmem>>[vector<16xi32>, vector<16xi32>], vector<16xi32>, vector<16xi1>
        %shift_right_arithmetic3A_314 = arith.constant 7 : i32
        %shift_right_arithmetic3A_315 = vector.broadcast %shift_right_arithmetic3A_314 : i32 to vector<16xi32>
        %shift_right_arithmetic3A_316 = arith.shrsi %add3A_307, %shift_right_arithmetic3A_315 : vector<16xi32>
        %and3A_317 = arith.constant 127 : i32
        %and3A_318 = vector.broadcast %and3A_317 : i32 to vector<16xi32>
        %and3A_319 = arith.andi %add3A_307, %and3A_318 : vector<16xi32>
        tpu.vector_store_idx %arg15[%shift_right_arithmetic3A_316, %and3A_319], %gather3A_304 masked %lt3A_291 : memref<17x128xi32, #tpu.memory_space<vmem>>[vector<16xi32>, vector<16xi32>], vector<16xi32>, vector<16xi1>
        %add3A_320 = arith.constant 16 : i32
        %add3A_321 = arith.addi %shift_left3A_285, %add3A_320 : i32
        %add3A_322 = vector.broadcast %add3A_321 : i32 to vector<16xi32>
        %add3A_323 = arith.addi %add3A_322, %iota3A : vector<16xi32>
        %lt3A_324 = vector.broadcast %scan3A_265 : i32 to vector<16xi32>
        %lt3A_325 = arith.cmpi slt, %add3A_323, %lt3A_324 : vector<16xi32>
        %shift_right_arithmetic3A_326 = arith.constant 7 : i32
        %shift_right_arithmetic3A_327 = vector.broadcast %shift_right_arithmetic3A_326 : i32 to vector<16xi32>
        %shift_right_arithmetic3A_328 = arith.shrsi %add3A_323, %shift_right_arithmetic3A_327 : vector<16xi32>
        %and3A_329 = arith.constant 127 : i32
        %and3A_330 = vector.broadcast %and3A_329 : i32 to vector<16xi32>
        %and3A_331 = arith.andi %add3A_323, %and3A_330 : vector<16xi32>
        %gather3A_332 = tpu.vector_load_idx %arg14[%shift_right_arithmetic3A_328, %and3A_331] masked %lt3A_325 : memref<17x128xi32, #tpu.memory_space<vmem>>[vector<16xi32>, vector<16xi32>], vector<16xi32>, vector<16xi1>
        %shift_right_arithmetic3A_333 = arith.constant 7 : i32
        %shift_right_arithmetic3A_334 = vector.broadcast %shift_right_arithmetic3A_333 : i32 to vector<16xi32>
        %shift_right_arithmetic3A_335 = arith.shrsi %add3A_323, %shift_right_arithmetic3A_334 : vector<16xi32>
        %and3A_336 = arith.constant 127 : i32
        %and3A_337 = vector.broadcast %and3A_336 : i32 to vector<16xi32>
        %and3A_338 = arith.andi %add3A_323, %and3A_337 : vector<16xi32>
        %gather3A_339 = tpu.vector_load_idx %arg15[%shift_right_arithmetic3A_335, %and3A_338] masked %lt3A_325 : memref<17x128xi32, #tpu.memory_space<vmem>>[vector<16xi32>, vector<16xi32>], vector<16xi32>, vector<16xi1>
        %add3A_340 = arith.constant 16 : i32
        %add3A_341 = vector.broadcast %add3A_340 : i32 to vector<16xi32>
        %add3A_342 = arith.addi %add3A_341, %iota3A : vector<16xi32>
        %shift_right_arithmetic3A_343 = arith.constant 7 : i32
        %shift_right_arithmetic3A_344 = vector.broadcast %shift_right_arithmetic3A_343 : i32 to vector<16xi32>
        %shift_right_arithmetic3A_345 = arith.shrsi %add3A_342, %shift_right_arithmetic3A_344 : vector<16xi32>
        %and3A_346 = arith.constant 127 : i32
        %and3A_347 = vector.broadcast %and3A_346 : i32 to vector<16xi32>
        %and3A_348 = arith.andi %add3A_342, %and3A_347 : vector<16xi32>
        tpu.vector_store_idx %arg14[%shift_right_arithmetic3A_345, %and3A_348], %gather3A_332 masked %lt3A_325 : memref<17x128xi32, #tpu.memory_space<vmem>>[vector<16xi32>, vector<16xi32>], vector<16xi32>, vector<16xi1>
        %shift_right_arithmetic3A_349 = arith.constant 7 : i32
        %shift_right_arithmetic3A_350 = vector.broadcast %shift_right_arithmetic3A_349 : i32 to vector<16xi32>
        %shift_right_arithmetic3A_351 = arith.shrsi %add3A_342, %shift_right_arithmetic3A_350 : vector<16xi32>
        %and3A_352 = arith.constant 127 : i32
        %and3A_353 = vector.broadcast %and3A_352 : i32 to vector<16xi32>
        %and3A_354 = arith.andi %add3A_342, %and3A_353 : vector<16xi32>
        tpu.vector_store_idx %arg15[%shift_right_arithmetic3A_351, %and3A_354], %gather3A_339 masked %lt3A_325 : memref<17x128xi32, #tpu.memory_space<vmem>>[vector<16xi32>, vector<16xi32>], vector<16xi32>, vector<16xi1>
        %add3A_355 = arith.constant 32 : i32
        %add3A_356 = arith.addi %shift_left3A_285, %add3A_355 : i32
        %add3A_357 = vector.broadcast %add3A_356 : i32 to vector<16xi32>
        %add3A_358 = arith.addi %add3A_357, %iota3A : vector<16xi32>
        %lt3A_359 = vector.broadcast %scan3A_265 : i32 to vector<16xi32>
        %lt3A_360 = arith.cmpi slt, %add3A_358, %lt3A_359 : vector<16xi32>
        %shift_right_arithmetic3A_361 = arith.constant 7 : i32
        %shift_right_arithmetic3A_362 = vector.broadcast %shift_right_arithmetic3A_361 : i32 to vector<16xi32>
        %shift_right_arithmetic3A_363 = arith.shrsi %add3A_358, %shift_right_arithmetic3A_362 : vector<16xi32>
        %and3A_364 = arith.constant 127 : i32
        %and3A_365 = vector.broadcast %and3A_364 : i32 to vector<16xi32>
        %and3A_366 = arith.andi %add3A_358, %and3A_365 : vector<16xi32>
        %gather3A_367 = tpu.vector_load_idx %arg14[%shift_right_arithmetic3A_363, %and3A_366] masked %lt3A_360 : memref<17x128xi32, #tpu.memory_space<vmem>>[vector<16xi32>, vector<16xi32>], vector<16xi32>, vector<16xi1>
        %shift_right_arithmetic3A_368 = arith.constant 7 : i32
        %shift_right_arithmetic3A_369 = vector.broadcast %shift_right_arithmetic3A_368 : i32 to vector<16xi32>
        %shift_right_arithmetic3A_370 = arith.shrsi %add3A_358, %shift_right_arithmetic3A_369 : vector<16xi32>
        %and3A_371 = arith.constant 127 : i32
        %and3A_372 = vector.broadcast %and3A_371 : i32 to vector<16xi32>
        %and3A_373 = arith.andi %add3A_358, %and3A_372 : vector<16xi32>
        %gather3A_374 = tpu.vector_load_idx %arg15[%shift_right_arithmetic3A_370, %and3A_373] masked %lt3A_360 : memref<17x128xi32, #tpu.memory_space<vmem>>[vector<16xi32>, vector<16xi32>], vector<16xi32>, vector<16xi1>
        %add3A_375 = arith.constant 32 : i32
        %add3A_376 = vector.broadcast %add3A_375 : i32 to vector<16xi32>
        %add3A_377 = arith.addi %add3A_376, %iota3A : vector<16xi32>
        %shift_right_arithmetic3A_378 = arith.constant 7 : i32
        %shift_right_arithmetic3A_379 = vector.broadcast %shift_right_arithmetic3A_378 : i32 to vector<16xi32>
        %shift_right_arithmetic3A_380 = arith.shrsi %add3A_377, %shift_right_arithmetic3A_379 : vector<16xi32>
        %and3A_381 = arith.constant 127 : i32
        %and3A_382 = vector.broadcast %and3A_381 : i32 to vector<16xi32>
        %and3A_383 = arith.andi %add3A_377, %and3A_382 : vector<16xi32>
        tpu.vector_store_idx %arg14[%shift_right_arithmetic3A_380, %and3A_383], %gather3A_367 masked %lt3A_360 : memref<17x128xi32, #tpu.memory_space<vmem>>[vector<16xi32>, vector<16xi32>], vector<16xi32>, vector<16xi1>
        %shift_right_arithmetic3A_384 = arith.constant 7 : i32
        %shift_right_arithmetic3A_385 = vector.broadcast %shift_right_arithmetic3A_384 : i32 to vector<16xi32>
        %shift_right_arithmetic3A_386 = arith.shrsi %add3A_377, %shift_right_arithmetic3A_385 : vector<16xi32>
        %and3A_387 = arith.constant 127 : i32
        %and3A_388 = vector.broadcast %and3A_387 : i32 to vector<16xi32>
        %and3A_389 = arith.andi %add3A_377, %and3A_388 : vector<16xi32>
        tpu.vector_store_idx %arg15[%shift_right_arithmetic3A_386, %and3A_389], %gather3A_374 masked %lt3A_360 : memref<17x128xi32, #tpu.memory_space<vmem>>[vector<16xi32>, vector<16xi32>], vector<16xi32>, vector<16xi1>
        %add3A_390 = arith.constant 48 : i32
        %add3A_391 = arith.addi %shift_left3A_285, %add3A_390 : i32
        %add3A_392 = vector.broadcast %add3A_391 : i32 to vector<16xi32>
        %add3A_393 = arith.addi %add3A_392, %iota3A : vector<16xi32>
        %lt3A_394 = vector.broadcast %scan3A_265 : i32 to vector<16xi32>
        %lt3A_395 = arith.cmpi slt, %add3A_393, %lt3A_394 : vector<16xi32>
        %shift_right_arithmetic3A_396 = arith.constant 7 : i32
        %shift_right_arithmetic3A_397 = vector.broadcast %shift_right_arithmetic3A_396 : i32 to vector<16xi32>
        %shift_right_arithmetic3A_398 = arith.shrsi %add3A_393, %shift_right_arithmetic3A_397 : vector<16xi32>
        %and3A_399 = arith.constant 127 : i32
        %and3A_400 = vector.broadcast %and3A_399 : i32 to vector<16xi32>
        %and3A_401 = arith.andi %add3A_393, %and3A_400 : vector<16xi32>
        %gather3A_402 = tpu.vector_load_idx %arg14[%shift_right_arithmetic3A_398, %and3A_401] masked %lt3A_395 : memref<17x128xi32, #tpu.memory_space<vmem>>[vector<16xi32>, vector<16xi32>], vector<16xi32>, vector<16xi1>
        %shift_right_arithmetic3A_403 = arith.constant 7 : i32
        %shift_right_arithmetic3A_404 = vector.broadcast %shift_right_arithmetic3A_403 : i32 to vector<16xi32>
        %shift_right_arithmetic3A_405 = arith.shrsi %add3A_393, %shift_right_arithmetic3A_404 : vector<16xi32>
        %and3A_406 = arith.constant 127 : i32
        %and3A_407 = vector.broadcast %and3A_406 : i32 to vector<16xi32>
        %and3A_408 = arith.andi %add3A_393, %and3A_407 : vector<16xi32>
        %gather3A_409 = tpu.vector_load_idx %arg15[%shift_right_arithmetic3A_405, %and3A_408] masked %lt3A_395 : memref<17x128xi32, #tpu.memory_space<vmem>>[vector<16xi32>, vector<16xi32>], vector<16xi32>, vector<16xi1>
        %add3A_410 = arith.constant 48 : i32
        %add3A_411 = vector.broadcast %add3A_410 : i32 to vector<16xi32>
        %add3A_412 = arith.addi %add3A_411, %iota3A : vector<16xi32>
        %shift_right_arithmetic3A_413 = arith.constant 7 : i32
        %shift_right_arithmetic3A_414 = vector.broadcast %shift_right_arithmetic3A_413 : i32 to vector<16xi32>
        %shift_right_arithmetic3A_415 = arith.shrsi %add3A_412, %shift_right_arithmetic3A_414 : vector<16xi32>
        %and3A_416 = arith.constant 127 : i32
        %and3A_417 = vector.broadcast %and3A_416 : i32 to vector<16xi32>
        %and3A_418 = arith.andi %add3A_412, %and3A_417 : vector<16xi32>
        tpu.vector_store_idx %arg14[%shift_right_arithmetic3A_415, %and3A_418], %gather3A_402 masked %lt3A_395 : memref<17x128xi32, #tpu.memory_space<vmem>>[vector<16xi32>, vector<16xi32>], vector<16xi32>, vector<16xi1>
        %shift_right_arithmetic3A_419 = arith.constant 7 : i32
        %shift_right_arithmetic3A_420 = vector.broadcast %shift_right_arithmetic3A_419 : i32 to vector<16xi32>
        %shift_right_arithmetic3A_421 = arith.shrsi %add3A_412, %shift_right_arithmetic3A_420 : vector<16xi32>
        %and3A_422 = arith.constant 127 : i32
        %and3A_423 = vector.broadcast %and3A_422 : i32 to vector<16xi32>
        %and3A_424 = arith.andi %add3A_412, %and3A_423 : vector<16xi32>
        tpu.vector_store_idx %arg15[%shift_right_arithmetic3A_421, %and3A_424], %gather3A_409 masked %lt3A_395 : memref<17x128xi32, #tpu.memory_space<vmem>>[vector<16xi32>, vector<16xi32>], vector<16xi32>, vector<16xi1>
        %add3A_425 = arith.constant 64 : i32
        %add3A_426 = arith.addi %shift_left3A_285, %add3A_425 : i32
        %add3A_427 = vector.broadcast %add3A_426 : i32 to vector<16xi32>
        %add3A_428 = arith.addi %add3A_427, %iota3A : vector<16xi32>
        %lt3A_429 = vector.broadcast %scan3A_265 : i32 to vector<16xi32>
        %lt3A_430 = arith.cmpi slt, %add3A_428, %lt3A_429 : vector<16xi32>
        %shift_right_arithmetic3A_431 = arith.constant 7 : i32
        %shift_right_arithmetic3A_432 = vector.broadcast %shift_right_arithmetic3A_431 : i32 to vector<16xi32>
        %shift_right_arithmetic3A_433 = arith.shrsi %add3A_428, %shift_right_arithmetic3A_432 : vector<16xi32>
        %and3A_434 = arith.constant 127 : i32
        %and3A_435 = vector.broadcast %and3A_434 : i32 to vector<16xi32>
        %and3A_436 = arith.andi %add3A_428, %and3A_435 : vector<16xi32>
        %gather3A_437 = tpu.vector_load_idx %arg14[%shift_right_arithmetic3A_433, %and3A_436] masked %lt3A_430 : memref<17x128xi32, #tpu.memory_space<vmem>>[vector<16xi32>, vector<16xi32>], vector<16xi32>, vector<16xi1>
        %shift_right_arithmetic3A_438 = arith.constant 7 : i32
        %shift_right_arithmetic3A_439 = vector.broadcast %shift_right_arithmetic3A_438 : i32 to vector<16xi32>
        %shift_right_arithmetic3A_440 = arith.shrsi %add3A_428, %shift_right_arithmetic3A_439 : vector<16xi32>
        %and3A_441 = arith.constant 127 : i32
        %and3A_442 = vector.broadcast %and3A_441 : i32 to vector<16xi32>
        %and3A_443 = arith.andi %add3A_428, %and3A_442 : vector<16xi32>
        %gather3A_444 = tpu.vector_load_idx %arg15[%shift_right_arithmetic3A_440, %and3A_443] masked %lt3A_430 : memref<17x128xi32, #tpu.memory_space<vmem>>[vector<16xi32>, vector<16xi32>], vector<16xi32>, vector<16xi1>
        %add3A_445 = arith.constant 64 : i32
        %add3A_446 = vector.broadcast %add3A_445 : i32 to vector<16xi32>
        %add3A_447 = arith.addi %add3A_446, %iota3A : vector<16xi32>
        %shift_right_arithmetic3A_448 = arith.constant 7 : i32
        %shift_right_arithmetic3A_449 = vector.broadcast %shift_right_arithmetic3A_448 : i32 to vector<16xi32>
        %shift_right_arithmetic3A_450 = arith.shrsi %add3A_447, %shift_right_arithmetic3A_449 : vector<16xi32>
        %and3A_451 = arith.constant 127 : i32
        %and3A_452 = vector.broadcast %and3A_451 : i32 to vector<16xi32>
        %and3A_453 = arith.andi %add3A_447, %and3A_452 : vector<16xi32>
        tpu.vector_store_idx %arg14[%shift_right_arithmetic3A_450, %and3A_453], %gather3A_437 masked %lt3A_430 : memref<17x128xi32, #tpu.memory_space<vmem>>[vector<16xi32>, vector<16xi32>], vector<16xi32>, vector<16xi1>
        %shift_right_arithmetic3A_454 = arith.constant 7 : i32
        %shift_right_arithmetic3A_455 = vector.broadcast %shift_right_arithmetic3A_454 : i32 to vector<16xi32>
        %shift_right_arithmetic3A_456 = arith.shrsi %add3A_447, %shift_right_arithmetic3A_455 : vector<16xi32>
        %and3A_457 = arith.constant 127 : i32
        %and3A_458 = vector.broadcast %and3A_457 : i32 to vector<16xi32>
        %and3A_459 = arith.andi %add3A_447, %and3A_458 : vector<16xi32>
        tpu.vector_store_idx %arg15[%shift_right_arithmetic3A_456, %and3A_459], %gather3A_444 masked %lt3A_430 : memref<17x128xi32, #tpu.memory_space<vmem>>[vector<16xi32>, vector<16xi32>], vector<16xi32>, vector<16xi1>
        %add3A_460 = arith.constant 80 : i32
        %add3A_461 = arith.addi %shift_left3A_285, %add3A_460 : i32
        %add3A_462 = vector.broadcast %add3A_461 : i32 to vector<16xi32>
        %add3A_463 = arith.addi %add3A_462, %iota3A : vector<16xi32>
        %lt3A_464 = vector.broadcast %scan3A_265 : i32 to vector<16xi32>
        %lt3A_465 = arith.cmpi slt, %add3A_463, %lt3A_464 : vector<16xi32>
        %shift_right_arithmetic3A_466 = arith.constant 7 : i32
        %shift_right_arithmetic3A_467 = vector.broadcast %shift_right_arithmetic3A_466 : i32 to vector<16xi32>
        %shift_right_arithmetic3A_468 = arith.shrsi %add3A_463, %shift_right_arithmetic3A_467 : vector<16xi32>
        %and3A_469 = arith.constant 127 : i32
        %and3A_470 = vector.broadcast %and3A_469 : i32 to vector<16xi32>
        %and3A_471 = arith.andi %add3A_463, %and3A_470 : vector<16xi32>
        %gather3A_472 = tpu.vector_load_idx %arg14[%shift_right_arithmetic3A_468, %and3A_471] masked %lt3A_465 : memref<17x128xi32, #tpu.memory_space<vmem>>[vector<16xi32>, vector<16xi32>], vector<16xi32>, vector<16xi1>
        %shift_right_arithmetic3A_473 = arith.constant 7 : i32
        %shift_right_arithmetic3A_474 = vector.broadcast %shift_right_arithmetic3A_473 : i32 to vector<16xi32>
        %shift_right_arithmetic3A_475 = arith.shrsi %add3A_463, %shift_right_arithmetic3A_474 : vector<16xi32>
        %and3A_476 = arith.constant 127 : i32
        %and3A_477 = vector.broadcast %and3A_476 : i32 to vector<16xi32>
        %and3A_478 = arith.andi %add3A_463, %and3A_477 : vector<16xi32>
        %gather3A_479 = tpu.vector_load_idx %arg15[%shift_right_arithmetic3A_475, %and3A_478] masked %lt3A_465 : memref<17x128xi32, #tpu.memory_space<vmem>>[vector<16xi32>, vector<16xi32>], vector<16xi32>, vector<16xi1>
        %add3A_480 = arith.constant 80 : i32
        %add3A_481 = vector.broadcast %add3A_480 : i32 to vector<16xi32>
        %add3A_482 = arith.addi %add3A_481, %iota3A : vector<16xi32>
        %shift_right_arithmetic3A_483 = arith.constant 7 : i32
        %shift_right_arithmetic3A_484 = vector.broadcast %shift_right_arithmetic3A_483 : i32 to vector<16xi32>
        %shift_right_arithmetic3A_485 = arith.shrsi %add3A_482, %shift_right_arithmetic3A_484 : vector<16xi32>
        %and3A_486 = arith.constant 127 : i32
        %and3A_487 = vector.broadcast %and3A_486 : i32 to vector<16xi32>
        %and3A_488 = arith.andi %add3A_482, %and3A_487 : vector<16xi32>
        tpu.vector_store_idx %arg14[%shift_right_arithmetic3A_485, %and3A_488], %gather3A_472 masked %lt3A_465 : memref<17x128xi32, #tpu.memory_space<vmem>>[vector<16xi32>, vector<16xi32>], vector<16xi32>, vector<16xi1>
        %shift_right_arithmetic3A_489 = arith.constant 7 : i32
        %shift_right_arithmetic3A_490 = vector.broadcast %shift_right_arithmetic3A_489 : i32 to vector<16xi32>
        %shift_right_arithmetic3A_491 = arith.shrsi %add3A_482, %shift_right_arithmetic3A_490 : vector<16xi32>
        %and3A_492 = arith.constant 127 : i32
        %and3A_493 = vector.broadcast %and3A_492 : i32 to vector<16xi32>
        %and3A_494 = arith.andi %add3A_482, %and3A_493 : vector<16xi32>
        tpu.vector_store_idx %arg15[%shift_right_arithmetic3A_491, %and3A_494], %gather3A_479 masked %lt3A_465 : memref<17x128xi32, #tpu.memory_space<vmem>>[vector<16xi32>, vector<16xi32>], vector<16xi32>, vector<16xi1>
        %add3A_495 = arith.constant 96 : i32
        %add3A_496 = arith.addi %shift_left3A_285, %add3A_495 : i32
        %add3A_497 = vector.broadcast %add3A_496 : i32 to vector<16xi32>
        %add3A_498 = arith.addi %add3A_497, %iota3A : vector<16xi32>
        %lt3A_499 = vector.broadcast %scan3A_265 : i32 to vector<16xi32>
        %lt3A_500 = arith.cmpi slt, %add3A_498, %lt3A_499 : vector<16xi32>
        %shift_right_arithmetic3A_501 = arith.constant 7 : i32
        %shift_right_arithmetic3A_502 = vector.broadcast %shift_right_arithmetic3A_501 : i32 to vector<16xi32>
        %shift_right_arithmetic3A_503 = arith.shrsi %add3A_498, %shift_right_arithmetic3A_502 : vector<16xi32>
        %and3A_504 = arith.constant 127 : i32
        %and3A_505 = vector.broadcast %and3A_504 : i32 to vector<16xi32>
        %and3A_506 = arith.andi %add3A_498, %and3A_505 : vector<16xi32>
        %gather3A_507 = tpu.vector_load_idx %arg14[%shift_right_arithmetic3A_503, %and3A_506] masked %lt3A_500 : memref<17x128xi32, #tpu.memory_space<vmem>>[vector<16xi32>, vector<16xi32>], vector<16xi32>, vector<16xi1>
        %shift_right_arithmetic3A_508 = arith.constant 7 : i32
        %shift_right_arithmetic3A_509 = vector.broadcast %shift_right_arithmetic3A_508 : i32 to vector<16xi32>
        %shift_right_arithmetic3A_510 = arith.shrsi %add3A_498, %shift_right_arithmetic3A_509 : vector<16xi32>
        %and3A_511 = arith.constant 127 : i32
        %and3A_512 = vector.broadcast %and3A_511 : i32 to vector<16xi32>
        %and3A_513 = arith.andi %add3A_498, %and3A_512 : vector<16xi32>
        %gather3A_514 = tpu.vector_load_idx %arg15[%shift_right_arithmetic3A_510, %and3A_513] masked %lt3A_500 : memref<17x128xi32, #tpu.memory_space<vmem>>[vector<16xi32>, vector<16xi32>], vector<16xi32>, vector<16xi1>
        %add3A_515 = arith.constant 96 : i32
        %add3A_516 = vector.broadcast %add3A_515 : i32 to vector<16xi32>
        %add3A_517 = arith.addi %add3A_516, %iota3A : vector<16xi32>
        %shift_right_arithmetic3A_518 = arith.constant 7 : i32
        %shift_right_arithmetic3A_519 = vector.broadcast %shift_right_arithmetic3A_518 : i32 to vector<16xi32>
        %shift_right_arithmetic3A_520 = arith.shrsi %add3A_517, %shift_right_arithmetic3A_519 : vector<16xi32>
        %and3A_521 = arith.constant 127 : i32
        %and3A_522 = vector.broadcast %and3A_521 : i32 to vector<16xi32>
        %and3A_523 = arith.andi %add3A_517, %and3A_522 : vector<16xi32>
        tpu.vector_store_idx %arg14[%shift_right_arithmetic3A_520, %and3A_523], %gather3A_507 masked %lt3A_500 : memref<17x128xi32, #tpu.memory_space<vmem>>[vector<16xi32>, vector<16xi32>], vector<16xi32>, vector<16xi1>
        %shift_right_arithmetic3A_524 = arith.constant 7 : i32
        %shift_right_arithmetic3A_525 = vector.broadcast %shift_right_arithmetic3A_524 : i32 to vector<16xi32>
        %shift_right_arithmetic3A_526 = arith.shrsi %add3A_517, %shift_right_arithmetic3A_525 : vector<16xi32>
        %and3A_527 = arith.constant 127 : i32
        %and3A_528 = vector.broadcast %and3A_527 : i32 to vector<16xi32>
        %and3A_529 = arith.andi %add3A_517, %and3A_528 : vector<16xi32>
        tpu.vector_store_idx %arg15[%shift_right_arithmetic3A_526, %and3A_529], %gather3A_514 masked %lt3A_500 : memref<17x128xi32, #tpu.memory_space<vmem>>[vector<16xi32>, vector<16xi32>], vector<16xi32>, vector<16xi1>
        %add3A_530 = arith.constant 112 : i32
        %add3A_531 = arith.addi %shift_left3A_285, %add3A_530 : i32
        %add3A_532 = vector.broadcast %add3A_531 : i32 to vector<16xi32>
        %add3A_533 = arith.addi %add3A_532, %iota3A : vector<16xi32>
        %lt3A_534 = vector.broadcast %scan3A_265 : i32 to vector<16xi32>
        %lt3A_535 = arith.cmpi slt, %add3A_533, %lt3A_534 : vector<16xi32>
        %shift_right_arithmetic3A_536 = arith.constant 7 : i32
        %shift_right_arithmetic3A_537 = vector.broadcast %shift_right_arithmetic3A_536 : i32 to vector<16xi32>
        %shift_right_arithmetic3A_538 = arith.shrsi %add3A_533, %shift_right_arithmetic3A_537 : vector<16xi32>
        %and3A_539 = arith.constant 127 : i32
        %and3A_540 = vector.broadcast %and3A_539 : i32 to vector<16xi32>
        %and3A_541 = arith.andi %add3A_533, %and3A_540 : vector<16xi32>
        %gather3A_542 = tpu.vector_load_idx %arg14[%shift_right_arithmetic3A_538, %and3A_541] masked %lt3A_535 : memref<17x128xi32, #tpu.memory_space<vmem>>[vector<16xi32>, vector<16xi32>], vector<16xi32>, vector<16xi1>
        %shift_right_arithmetic3A_543 = arith.constant 7 : i32
        %shift_right_arithmetic3A_544 = vector.broadcast %shift_right_arithmetic3A_543 : i32 to vector<16xi32>
        %shift_right_arithmetic3A_545 = arith.shrsi %add3A_533, %shift_right_arithmetic3A_544 : vector<16xi32>
        %and3A_546 = arith.constant 127 : i32
        %and3A_547 = vector.broadcast %and3A_546 : i32 to vector<16xi32>
        %and3A_548 = arith.andi %add3A_533, %and3A_547 : vector<16xi32>
        %gather3A_549 = tpu.vector_load_idx %arg15[%shift_right_arithmetic3A_545, %and3A_548] masked %lt3A_535 : memref<17x128xi32, #tpu.memory_space<vmem>>[vector<16xi32>, vector<16xi32>], vector<16xi32>, vector<16xi1>
        %add3A_550 = arith.constant 112 : i32
        %add3A_551 = vector.broadcast %add3A_550 : i32 to vector<16xi32>
        %add3A_552 = arith.addi %add3A_551, %iota3A : vector<16xi32>
        %shift_right_arithmetic3A_553 = arith.constant 7 : i32
        %shift_right_arithmetic3A_554 = vector.broadcast %shift_right_arithmetic3A_553 : i32 to vector<16xi32>
        %shift_right_arithmetic3A_555 = arith.shrsi %add3A_552, %shift_right_arithmetic3A_554 : vector<16xi32>
        %and3A_556 = arith.constant 127 : i32
        %and3A_557 = vector.broadcast %and3A_556 : i32 to vector<16xi32>
        %and3A_558 = arith.andi %add3A_552, %and3A_557 : vector<16xi32>
        tpu.vector_store_idx %arg14[%shift_right_arithmetic3A_555, %and3A_558], %gather3A_542 masked %lt3A_535 : memref<17x128xi32, #tpu.memory_space<vmem>>[vector<16xi32>, vector<16xi32>], vector<16xi32>, vector<16xi1>
        %shift_right_arithmetic3A_559 = arith.constant 7 : i32
        %shift_right_arithmetic3A_560 = vector.broadcast %shift_right_arithmetic3A_559 : i32 to vector<16xi32>
        %shift_right_arithmetic3A_561 = arith.shrsi %add3A_552, %shift_right_arithmetic3A_560 : vector<16xi32>
        %and3A_562 = arith.constant 127 : i32
        %and3A_563 = vector.broadcast %and3A_562 : i32 to vector<16xi32>
        %and3A_564 = arith.andi %add3A_552, %and3A_563 : vector<16xi32>
        tpu.vector_store_idx %arg15[%shift_right_arithmetic3A_561, %and3A_564], %gather3A_549 masked %lt3A_535 : memref<17x128xi32, #tpu.memory_space<vmem>>[vector<16xi32>, vector<16xi32>], vector<16xi32>, vector<16xi1>
        %sub3A_565 = arith.subi %scan3A_265, %shift_left3A_285 : i32
        %add3A_566 = arith.constant 1 : i32
        %add3A_567 = arith.addi %mul3A_237, %add3A_566 : i32
        %mul3A_568 = arith.constant 20000 : i32
        %mul3A_569 = arith.muli %arg1, %mul3A_568 : i32
        %mul3A_570 = arith.constant 2000 : i32
        %mul3A_571 = arith.muli %add3A_567, %mul3A_570 : i32
        %add3A_572 = arith.addi %mul3A_569, %mul3A_571 : i32
        %dma_wait3A_573 = tpu.memref_slice %arg3[%add3A_572] : memref<320000xi32, #tpu.memory_space<hbm>> -> memref<2000xi32, #tpu.memory_space<hbm>>
        %dma_wait3A_574 = tpu.memref_slice %arg3[%add3A_572] : memref<320000xi32, #tpu.memory_space<hbm>> -> memref<2000xi32, #tpu.memory_space<hbm>>
        tpu.wait_dma2 semaphore(%arg21 : memref<!tpu.dma_semaphore, #tpu.memory_space<semaphore_mem>>) src(%dma_wait3A_574 : memref<2000xi32, #tpu.memory_space<hbm>>) dst(%arg11 : memref<2000xi32, #tpu.memory_space<vmem>>)
        %dma_wait3A_575 = tpu.memref_slice %arg4[%add3A_572] : memref<320000xi32, #tpu.memory_space<hbm>> -> memref<2000xi32, #tpu.memory_space<hbm>>
        %dma_wait3A_576 = tpu.memref_slice %arg4[%add3A_572] : memref<320000xi32, #tpu.memory_space<hbm>> -> memref<2000xi32, #tpu.memory_space<hbm>>
        tpu.wait_dma2 semaphore(%arg22 : memref<!tpu.dma_semaphore, #tpu.memory_space<semaphore_mem>>) src(%dma_wait3A_576 : memref<2000xi32, #tpu.memory_space<hbm>>) dst(%arg12 : memref<2000xi32, #tpu.memory_space<vmem>>)
        %dma_wait3A_577 = tpu.memref_slice %arg5[%add3A_572] : memref<320000xi32, #tpu.memory_space<hbm>> -> memref<2000xi32, #tpu.memory_space<hbm>>
        %dma_wait3A_578 = tpu.memref_slice %arg5[%add3A_572] : memref<320000xi32, #tpu.memory_space<hbm>> -> memref<2000xi32, #tpu.memory_space<hbm>>
        tpu.wait_dma2 semaphore(%arg23 : memref<!tpu.dma_semaphore, #tpu.memory_space<semaphore_mem>>) src(%dma_wait3A_578 : memref<2000xi32, #tpu.memory_space<hbm>>) dst(%arg13 : memref<2000xi32, #tpu.memory_space<vmem>>)
        %eq3A_579 = arith.constant 4 : i32
        %eq3A_580 = arith.cmpi eq, %scan3A_21, %eq3A_579 : i32
        %eq3A_581 = arith.constant 4 : i32
        %eq3A_582 = arith.cmpi eq, %scan3A_234, %eq3A_581 : i32
        %and3A_583 = arith.andi %eq3A_580, %eq3A_582 : i1
        %not3A = arith.constant true
        %not3A_584 = arith.xori %and3A_583, %not3A : i1
        %convert_element_type3A_585 = arith.extui %not3A_584 : i1 to i32
        %cond3A_586 = arith.constant 0 : i32
        %cond3A_587 = arith.cmpi ne, %convert_element_type3A_585, %cond3A_586 : i32
        scf.if %cond3A_587 {
          %add3A_895 = arith.constant 2 : i32
          %add3A_896 = arith.addi %mul3A_237, %add3A_895 : i32
          %jit3A_897 = arith.constant 10 : i32
          %eq3A_898 = arith.constant 0 : i32
          %eq3A_899 = arith.cmpi eq, %jit3A_897, %eq3A_898 : i32
          %jit3A_900 = arith.constant 1 : i32
          %select_n3A_901 = arith.select %eq3A_899, %jit3A_900, %jit3A_897 : i32
          %rem3A_902 = arith.remsi %add3A_896, %select_n3A_901 : i32
          %ne3A_903 = arith.constant 0 : i32
          %ne3A_904 = arith.cmpi ne, %rem3A_902, %ne3A_903 : i32
          %lt3A_905 = arith.constant 0 : i32
          %lt3A_906 = arith.cmpi slt, %rem3A_902, %lt3A_905 : i32
          %lt3A_907 = arith.constant 0 : i32
          %lt3A_908 = arith.cmpi slt, %select_n3A_901, %lt3A_907 : i32
          %ne3A_909 = arith.xori %lt3A_906, %lt3A_908 : i1
          %and3A_910 = arith.andi %ne3A_909, %ne3A_904 : i1
          %add3A_911 = arith.addi %rem3A_902, %select_n3A_901 : i32
          %select_n3A_912 = arith.select %and3A_910, %add3A_911, %rem3A_902 : i32
          %mul3A_913 = arith.constant 20000 : i32
          %mul3A_914 = arith.muli %arg1, %mul3A_913 : i32
          %mul3A_915 = arith.constant 2000 : i32
          %mul3A_916 = arith.muli %select_n3A_912, %mul3A_915 : i32
          %add3A_917 = arith.addi %mul3A_914, %mul3A_916 : i32
          %dma_start3A_918 = tpu.memref_slice %arg3[%add3A_917] : memref<320000xi32, #tpu.memory_space<hbm>> -> memref<2000xi32, #tpu.memory_space<hbm>>
          %dma_start3A_919 = tpu.memref_slice %arg3[%add3A_917] : memref<320000xi32, #tpu.memory_space<hbm>> -> memref<2000xi32, #tpu.memory_space<hbm>>
          tpu.enqueue_dma source(%dma_start3A_919 : memref<2000xi32, #tpu.memory_space<hbm>>) target(%arg8 : memref<2000xi32, #tpu.memory_space<vmem>>) target_semaphore(%arg21 : memref<!tpu.dma_semaphore, #tpu.memory_space<semaphore_mem>>)
          %dma_start3A_920 = tpu.memref_slice %arg4[%add3A_917] : memref<320000xi32, #tpu.memory_space<hbm>> -> memref<2000xi32, #tpu.memory_space<hbm>>
          %dma_start3A_921 = tpu.memref_slice %arg4[%add3A_917] : memref<320000xi32, #tpu.memory_space<hbm>> -> memref<2000xi32, #tpu.memory_space<hbm>>
          tpu.enqueue_dma source(%dma_start3A_921 : memref<2000xi32, #tpu.memory_space<hbm>>) target(%arg9 : memref<2000xi32, #tpu.memory_space<vmem>>) target_semaphore(%arg22 : memref<!tpu.dma_semaphore, #tpu.memory_space<semaphore_mem>>)
          %dma_start3A_922 = tpu.memref_slice %arg5[%add3A_917] : memref<320000xi32, #tpu.memory_space<hbm>> -> memref<2000xi32, #tpu.memory_space<hbm>>
          %dma_start3A_923 = tpu.memref_slice %arg5[%add3A_917] : memref<320000xi32, #tpu.memory_space<hbm>> -> memref<2000xi32, #tpu.memory_space<hbm>>
          tpu.enqueue_dma source(%dma_start3A_923 : memref<2000xi32, #tpu.memory_space<hbm>>) target(%arg10 : memref<2000xi32, #tpu.memory_space<vmem>>) target_semaphore(%arg23 : memref<!tpu.dma_semaphore, #tpu.memory_space<semaphore_mem>>)
        } else {
        }
        %scan3A_588 = arith.constant 0 : i32
        %scan3A_589 = arith.constant 125 : i32
        %scan3A_590 = arith.addi %scan3A_588, %scan3A_589 : i32
        %scan3A_591 = arith.constant 1 : i32
        %scan3A_592 = scf.for %scan3A_895 = %scan3A_588 to %scan3A_590 step %scan3A_591 iter_args(%scan3A_896 = %sub3A_565) -> (i32)  : i32 {
          %mul3A_897 = arith.constant 16 : i32
          %mul3A_898 = arith.muli %scan3A_895, %mul3A_897 : i32
          %get3A_899 = arith.index_cast %mul3A_898 : i32 to index
          %get3A_900 = tpu.vector_load %arg11[%get3A_899] {strides = array<i32>} : memref<2000xi32, #tpu.memory_space<vmem>>, vector<16xi32>,
          %mul3A_901 = arith.constant 16 : i32
          %mul3A_902 = arith.muli %scan3A_895, %mul3A_901 : i32
          %get3A_903 = arith.index_cast %mul3A_902 : i32 to index
          %get3A_904 = tpu.vector_load %arg12[%get3A_903] {strides = array<i32>} : memref<2000xi32, #tpu.memory_space<vmem>>, vector<16xi32>,
          %mul3A_905 = arith.constant 16 : i32
          %mul3A_906 = arith.muli %scan3A_895, %mul3A_905 : i32
          %get3A_907 = arith.index_cast %mul3A_906 : i32 to index
          %get3A_908 = tpu.vector_load %arg13[%get3A_907] {strides = array<i32>} : memref<2000xi32, #tpu.memory_space<vmem>>, vector<16xi32>,
          %ge3A = vector.broadcast %mul3A_26 : i32 to vector<16xi32>
          %ge3A_909 = arith.cmpi sge, %get3A_904, %ge3A : vector<16xi32>
          %add3A_910 = arith.constant 1024 : i32
          %add3A_911 = arith.addi %mul3A_26, %add3A_910 : i32
          %lt3A_912 = vector.broadcast %add3A_911 : i32 to vector<16xi32>
          %lt3A_913 = arith.cmpi slt, %get3A_904, %lt3A_912 : vector<16xi32>
          %and3A_914 = arith.andi %ge3A_909, %lt3A_913 : vector<16xi1>
          %mul3A_915 = arith.constant 1024 : i32
          %mul3A_916 = vector.broadcast %mul3A_915 : i32 to vector<16xi32>
          %mul3A_917 = arith.muli %get3A_908, %mul3A_916 : vector<16xi32>
          %sub3A_918 = vector.broadcast %mul3A_26 : i32 to vector<16xi32>
          %sub3A_919 = arith.subi %get3A_904, %sub3A_918 : vector<16xi32>
          %add3A_920 = arith.addi %mul3A_917, %sub3A_919 : vector<16xi32>
          %jit3A_921 = arith.constant 8192 : i32
          %broadcast_in_dim3A_922 = vector.broadcast %jit3A_921 : i32 to vector<16xi32>
          %select_n3A_923 = arith.select %and3A_914, %add3A_920, %broadcast_in_dim3A_922 : vector<16xi1>, vector<16xi32>
          %convert_element_type3A_924 = arith.extui %and3A_914 : vector<16xi1> to vector<16xi32>
          %broadcast_in_dim3A_925 = arith.constant true
          %broadcast_in_dim3A_926 = vector.broadcast %broadcast_in_dim3A_925 : i1 to vector<16xi1>
          %masked_cumsum3A = tpu.scan <sum>, %convert_element_type3A_924 masked %broadcast_in_dim3A_926 : vector<16xi32>, vector<16xi1> -> vector<16xi32>
          %add3A_927 = vector.broadcast %scan3A_896 : i32 to vector<16xi32>
          %add3A_928 = arith.addi %add3A_927, %masked_cumsum3A : vector<16xi32>
          %sub3A_929 = arith.constant 1 : i32
          %sub3A_930 = vector.broadcast %sub3A_929 : i32 to vector<16xi32>
          %sub3A_931 = arith.subi %add3A_928, %sub3A_930 : vector<16xi32>
          %jit3A_932 = arith.constant 0 : i32
          %broadcast_in_dim3A_933 = vector.broadcast %jit3A_932 : i32 to vector<16xi32>
          %select_n3A_934 = arith.select %and3A_914, %sub3A_931, %broadcast_in_dim3A_933 : vector<16xi1>, vector<16xi32>
          %shift_right_arithmetic3A_935 = arith.constant 7 : i32
          %shift_right_arithmetic3A_936 = vector.broadcast %shift_right_arithmetic3A_935 : i32 to vector<16xi32>
          %shift_right_arithmetic3A_937 = arith.shrsi %select_n3A_934, %shift_right_arithmetic3A_936 : vector<16xi32>
          %and3A_938 = arith.constant 127 : i32
          %and3A_939 = vector.broadcast %and3A_938 : i32 to vector<16xi32>
          %and3A_940 = arith.andi %select_n3A_934, %and3A_939 : vector<16xi32>
          tpu.vector_store_idx %arg14[%shift_right_arithmetic3A_937, %and3A_940], %get3A_900 masked %and3A_914 : memref<17x128xi32, #tpu.memory_space<vmem>>[vector<16xi32>, vector<16xi32>], vector<16xi32>, vector<16xi1>
          %shift_right_arithmetic3A_941 = arith.constant 7 : i32
          %shift_right_arithmetic3A_942 = vector.broadcast %shift_right_arithmetic3A_941 : i32 to vector<16xi32>
          %shift_right_arithmetic3A_943 = arith.shrsi %select_n3A_934, %shift_right_arithmetic3A_942 : vector<16xi32>
          %and3A_944 = arith.constant 127 : i32
          %and3A_945 = vector.broadcast %and3A_944 : i32 to vector<16xi32>
          %and3A_946 = arith.andi %select_n3A_934, %and3A_945 : vector<16xi32>
          tpu.vector_store_idx %arg15[%shift_right_arithmetic3A_943, %and3A_946], %select_n3A_923 masked %and3A_914 : memref<17x128xi32, #tpu.memory_space<vmem>>[vector<16xi32>, vector<16xi32>], vector<16xi32>, vector<16xi1>
          %reduce_sum3A = arith.constant true
          %reduce_sum3A_947 = vector.broadcast %reduce_sum3A : i1 to vector<16xi1>
          %reduce_sum3A_948 = tpu.scan <sum>, %convert_element_type3A_924 masked %reduce_sum3A_947 : vector<16xi32>, vector<16xi1> -> vector<16xi32>
          %reduce_sum3A_949 = vector.extract %reduce_sum3A_948[15] : i32 from vector<16xi32>
          %add3A_950 = arith.addi %scan3A_896, %reduce_sum3A_949 : i32
          scf.yield %add3A_950 : i32
        }
        %scan3A_593 = arith.constant 125 : i32
        %shift_right_arithmetic3A_594 = arith.constant 7 : i32
        %shift_right_arithmetic3A_595 = arith.shrsi %scan3A_592, %shift_right_arithmetic3A_594 : i32
        %swap3A_596 = arith.constant 0 : i32
        %swap3A_597 = arith.index_cast %swap3A_596 : i32 to index
        %swap3A_598 = memref.load %arg18[%swap3A_597] : memref<8xi32, #tpu.memory_space<smem>>
        memref.store %shift_right_arithmetic3A_595, %arg18[%swap3A_597] : memref<8xi32, #tpu.memory_space<smem>>
        %get3A_599 = arith.constant 0 : i32
        %get3A_600 = arith.index_cast %get3A_599 : i32 to index
        %get3A_601 = memref.load %arg18[%get3A_600] : memref<8xi32, #tpu.memory_space<smem>>
        %while3A_602 = arith.constant 0 : i32
        %while3A_603 = arith.constant 0 : i32
        %while3A_604 = arith.subi %get3A_601, %while3A_603 : i32
        %while3A_605 = arith.addi %while3A_603, %while3A_604 : i32
        %while3A_606 = arith.constant 1 : i32
        %while3A_607 = arith.divsi %while3A_604, %while3A_606 : i32
        %while3A_608 = arith.muli %while3A_607, %while3A_606 : i32
        %while3A_609 = arith.addi %while3A_603, %while3A_608 : i32
        %while3A_610 = arith.constant 1 : i32
        scf.for %while3A_895 = %while3A_603 to %while3A_609 step %while3A_610  : i32 {
          %dma_start3A_896 = arith.constant 0 : i32
          %dma_start3A_897 = tpu.memref_slice %arg14[%while3A_895, %dma_start3A_896] : memref<17x128xi32, #tpu.memory_space<vmem>> -> memref<1x128xi32, #tpu.memory_space<vmem>>
          %dma_start3A_898 = tpu.memref_squeeze %dma_start3A_897 : memref<1x128xi32, #tpu.memory_space<vmem>> -> memref<128xi32, #tpu.memory_space<vmem>>
          %dma_start3A_899 = arith.constant 0 : i32
          %dma_start3A_900 = arith.constant 0 : i32
          %dma_start3A_901 = tpu.memref_slice %arg2[%dma_start3A_899, %dma_start3A_900] : memref<10240x128xf32, #tpu.memory_space<hbm>> -> memref<10240x128xf32, #tpu.memory_space<hbm>>
          tpu.enqueue_indirect_dma source(%dma_start3A_901 : memref<10240x128xf32, #tpu.memory_space<hbm>>) target(%arg16 : memref<128x128xf32, #tpu.memory_space<vmem>>) offsets(%dma_start3A_898 : memref<128xi32, #tpu.memory_space<vmem>>) semaphore(%arg20 : memref<!tpu.dma_semaphore, #tpu.memory_space<semaphore_mem>>)
          %dma_wait3A_902 = arith.constant 0 : i32
          %dma_wait3A_903 = tpu.memref_slice %arg14[%while3A_895, %dma_wait3A_902] : memref<17x128xi32, #tpu.memory_space<vmem>> -> memref<1x128xi32, #tpu.memory_space<vmem>>
          %dma_wait3A_904 = tpu.memref_squeeze %dma_wait3A_903 : memref<1x128xi32, #tpu.memory_space<vmem>> -> memref<128xi32, #tpu.memory_space<vmem>>
          %dma_wait3A_905 = arith.constant 0 : i32
          %dma_wait3A_906 = arith.constant 0 : i32
          %dma_wait3A_907 = tpu.memref_slice %arg2[%dma_wait3A_905, %dma_wait3A_906] : memref<10240x128xf32, #tpu.memory_space<hbm>> -> memref<10240x128xf32, #tpu.memory_space<hbm>>
          tpu.wait_indirect_dma semaphore(%arg20 : memref<!tpu.dma_semaphore, #tpu.memory_space<semaphore_mem>>) src(%dma_wait3A_907 : memref<10240x128xf32, #tpu.memory_space<hbm>>) dst(%arg16 : memref<128x128xf32, #tpu.memory_space<vmem>>)
          "tpu.region"() ({
            %run_scoped3A = tpu.sem_alloc : memref<!tpu.dma_semaphore, #tpu.memory_space<semaphore_mem>>
            %dma_start3A_908 = arith.constant 0 : i32
            %dma_start3A_909 = tpu.memref_slice %arg15[%while3A_895, %dma_start3A_908] : memref<17x128xi32, #tpu.memory_space<vmem>> -> memref<1x128xi32, #tpu.memory_space<vmem>>
            %dma_start3A_910 = tpu.memref_squeeze %dma_start3A_909 : memref<1x128xi32, #tpu.memory_space<vmem>> -> memref<128xi32, #tpu.memory_space<vmem>>
            %dma_start3A_911 = arith.constant 0 : i32
            %dma_start3A_912 = arith.constant 0 : i32
            %dma_start3A_913 = tpu.memref_slice %arg19[%dma_start3A_911, %dma_start3A_912] : memref<8200x128xf32, #tpu.memory_space<vmem_shared>> -> memref<8200x128xf32, #tpu.memory_space<vmem_shared>>
            tpu.enqueue_indirect_dma source(%arg16 : memref<128x128xf32, #tpu.memory_space<vmem>>) target(%dma_start3A_913 : memref<8200x128xf32, #tpu.memory_space<vmem_shared>>) offsets(%dma_start3A_910 : memref<128xi32, #tpu.memory_space<vmem>>) semaphore(%run_scoped3A : memref<!tpu.dma_semaphore, #tpu.memory_space<semaphore_mem>>) {add = true}
            %dma_wait3A_914 = arith.constant 0 : i32
            %dma_wait3A_915 = tpu.memref_slice %arg15[%while3A_895, %dma_wait3A_914] : memref<17x128xi32, #tpu.memory_space<vmem>> -> memref<1x128xi32, #tpu.memory_space<vmem>>
            %dma_wait3A_916 = tpu.memref_squeeze %dma_wait3A_915 : memref<1x128xi32, #tpu.memory_space<vmem>> -> memref<128xi32, #tpu.memory_space<vmem>>
            %dma_wait3A_917 = arith.constant 0 : i32
            %dma_wait3A_918 = arith.constant 0 : i32
            %dma_wait3A_919 = tpu.memref_slice %arg19[%dma_wait3A_917, %dma_wait3A_918] : memref<8200x128xf32, #tpu.memory_space<vmem_shared>> -> memref<8200x128xf32, #tpu.memory_space<vmem_shared>>
            tpu.wait_indirect_dma semaphore(%run_scoped3A : memref<!tpu.dma_semaphore, #tpu.memory_space<semaphore_mem>>) src(%arg16 : memref<128x128xf32, #tpu.memory_space<vmem>>) dst(%dma_wait3A_919 : memref<8200x128xf32, #tpu.memory_space<vmem_shared>>)
            tpu.yield
          }) : () -> ()
        }
        %while3A_611 = arith.constant 1 : i32
        scf.for %while3A_895 = %while3A_609 to %while3A_605 step %while3A_611  : i32 {
          %dma_start3A_896 = arith.constant 0 : i32
          %dma_start3A_897 = tpu.memref_slice %arg14[%while3A_895, %dma_start3A_896] : memref<17x128xi32, #tpu.memory_space<vmem>> -> memref<1x128xi32, #tpu.memory_space<vmem>>
          %dma_start3A_898 = tpu.memref_squeeze %dma_start3A_897 : memref<1x128xi32, #tpu.memory_space<vmem>> -> memref<128xi32, #tpu.memory_space<vmem>>
          %dma_start3A_899 = arith.constant 0 : i32
          %dma_start3A_900 = arith.constant 0 : i32
          %dma_start3A_901 = tpu.memref_slice %arg2[%dma_start3A_899, %dma_start3A_900] : memref<10240x128xf32, #tpu.memory_space<hbm>> -> memref<10240x128xf32, #tpu.memory_space<hbm>>
          tpu.enqueue_indirect_dma source(%dma_start3A_901 : memref<10240x128xf32, #tpu.memory_space<hbm>>) target(%arg16 : memref<128x128xf32, #tpu.memory_space<vmem>>) offsets(%dma_start3A_898 : memref<128xi32, #tpu.memory_space<vmem>>) semaphore(%arg20 : memref<!tpu.dma_semaphore, #tpu.memory_space<semaphore_mem>>)
          %dma_wait3A_902 = arith.constant 0 : i32
          %dma_wait3A_903 = tpu.memref_slice %arg14[%while3A_895, %dma_wait3A_902] : memref<17x128xi32, #tpu.memory_space<vmem>> -> memref<1x128xi32, #tpu.memory_space<vmem>>
          %dma_wait3A_904 = tpu.memref_squeeze %dma_wait3A_903 : memref<1x128xi32, #tpu.memory_space<vmem>> -> memref<128xi32, #tpu.memory_space<vmem>>
          %dma_wait3A_905 = arith.constant 0 : i32
          %dma_wait3A_906 = arith.constant 0 : i32
          %dma_wait3A_907 = tpu.memref_slice %arg2[%dma_wait3A_905, %dma_wait3A_906] : memref<10240x128xf32, #tpu.memory_space<hbm>> -> memref<10240x128xf32, #tpu.memory_space<hbm>>
          tpu.wait_indirect_dma semaphore(%arg20 : memref<!tpu.dma_semaphore, #tpu.memory_space<semaphore_mem>>) src(%dma_wait3A_907 : memref<10240x128xf32, #tpu.memory_space<hbm>>) dst(%arg16 : memref<128x128xf32, #tpu.memory_space<vmem>>)
          "tpu.region"() ({
            %run_scoped3A = tpu.sem_alloc : memref<!tpu.dma_semaphore, #tpu.memory_space<semaphore_mem>>
            %dma_start3A_908 = arith.constant 0 : i32
            %dma_start3A_909 = tpu.memref_slice %arg15[%while3A_895, %dma_start3A_908] : memref<17x128xi32, #tpu.memory_space<vmem>> -> memref<1x128xi32, #tpu.memory_space<vmem>>
            %dma_start3A_910 = tpu.memref_squeeze %dma_start3A_909 : memref<1x128xi32, #tpu.memory_space<vmem>> -> memref<128xi32, #tpu.memory_space<vmem>>
            %dma_start3A_911 = arith.constant 0 : i32
            %dma_start3A_912 = arith.constant 0 : i32
            %dma_start3A_913 = tpu.memref_slice %arg19[%dma_start3A_911, %dma_start3A_912] : memref<8200x128xf32, #tpu.memory_space<vmem_shared>> -> memref<8200x128xf32, #tpu.memory_space<vmem_shared>>
            tpu.enqueue_indirect_dma source(%arg16 : memref<128x128xf32, #tpu.memory_space<vmem>>) target(%dma_start3A_913 : memref<8200x128xf32, #tpu.memory_space<vmem_shared>>) offsets(%dma_start3A_910 : memref<128xi32, #tpu.memory_space<vmem>>) semaphore(%run_scoped3A : memref<!tpu.dma_semaphore, #tpu.memory_space<semaphore_mem>>) {add = true}
            %dma_wait3A_914 = arith.constant 0 : i32
            %dma_wait3A_915 = tpu.memref_slice %arg15[%while3A_895, %dma_wait3A_914] : memref<17x128xi32, #tpu.memory_space<vmem>> -> memref<1x128xi32, #tpu.memory_space<vmem>>
            %dma_wait3A_916 = tpu.memref_squeeze %dma_wait3A_915 : memref<1x128xi32, #tpu.memory_space<vmem>> -> memref<128xi32, #tpu.memory_space<vmem>>
            %dma_wait3A_917 = arith.constant 0 : i32
            %dma_wait3A_918 = arith.constant 0 : i32
            %dma_wait3A_919 = tpu.memref_slice %arg19[%dma_wait3A_917, %dma_wait3A_918] : memref<8200x128xf32, #tpu.memory_space<vmem_shared>> -> memref<8200x128xf32, #tpu.memory_space<vmem_shared>>
            tpu.wait_indirect_dma semaphore(%run_scoped3A : memref<!tpu.dma_semaphore, #tpu.memory_space<semaphore_mem>>) src(%arg16 : memref<128x128xf32, #tpu.memory_space<vmem>>) dst(%dma_wait3A_919 : memref<8200x128xf32, #tpu.memory_space<vmem_shared>>)
            tpu.yield
          }) : () -> ()
        }
        %shift_left3A_612 = arith.constant 7 : i32
        %shift_left3A_613 = arith.shli %get3A_601, %shift_left3A_612 : i32
        %add3A_614 = arith.constant 0 : i32
        %add3A_615 = arith.addi %shift_left3A_613, %add3A_614 : i32
        %add3A_616 = vector.broadcast %add3A_615 : i32 to vector<16xi32>
        %add3A_617 = arith.addi %add3A_616, %iota3A : vector<16xi32>
        %lt3A_618 = vector.broadcast %scan3A_592 : i32 to vector<16xi32>
        %lt3A_619 = arith.cmpi slt, %add3A_617, %lt3A_618 : vector<16xi32>
        %shift_right_arithmetic3A_620 = arith.constant 7 : i32
        %shift_right_arithmetic3A_621 = vector.broadcast %shift_right_arithmetic3A_620 : i32 to vector<16xi32>
        %shift_right_arithmetic3A_622 = arith.shrsi %add3A_617, %shift_right_arithmetic3A_621 : vector<16xi32>
        %and3A_623 = arith.constant 127 : i32
        %and3A_624 = vector.broadcast %and3A_623 : i32 to vector<16xi32>
        %and3A_625 = arith.andi %add3A_617, %and3A_624 : vector<16xi32>
        %gather3A_626 = tpu.vector_load_idx %arg14[%shift_right_arithmetic3A_622, %and3A_625] masked %lt3A_619 : memref<17x128xi32, #tpu.memory_space<vmem>>[vector<16xi32>, vector<16xi32>], vector<16xi32>, vector<16xi1>
        %shift_right_arithmetic3A_627 = arith.constant 7 : i32
        %shift_right_arithmetic3A_628 = vector.broadcast %shift_right_arithmetic3A_627 : i32 to vector<16xi32>
        %shift_right_arithmetic3A_629 = arith.shrsi %add3A_617, %shift_right_arithmetic3A_628 : vector<16xi32>
        %and3A_630 = arith.constant 127 : i32
        %and3A_631 = vector.broadcast %and3A_630 : i32 to vector<16xi32>
        %and3A_632 = arith.andi %add3A_617, %and3A_631 : vector<16xi32>
        %gather3A_633 = tpu.vector_load_idx %arg15[%shift_right_arithmetic3A_629, %and3A_632] masked %lt3A_619 : memref<17x128xi32, #tpu.memory_space<vmem>>[vector<16xi32>, vector<16xi32>], vector<16xi32>, vector<16xi1>
        %add3A_634 = arith.constant 0 : i32
        %add3A_635 = vector.broadcast %add3A_634 : i32 to vector<16xi32>
        %add3A_636 = arith.addi %add3A_635, %iota3A : vector<16xi32>
        %shift_right_arithmetic3A_637 = arith.constant 7 : i32
        %shift_right_arithmetic3A_638 = vector.broadcast %shift_right_arithmetic3A_637 : i32 to vector<16xi32>
        %shift_right_arithmetic3A_639 = arith.shrsi %add3A_636, %shift_right_arithmetic3A_638 : vector<16xi32>
        %and3A_640 = arith.constant 127 : i32
        %and3A_641 = vector.broadcast %and3A_640 : i32 to vector<16xi32>
        %and3A_642 = arith.andi %add3A_636, %and3A_641 : vector<16xi32>
        tpu.vector_store_idx %arg14[%shift_right_arithmetic3A_639, %and3A_642], %gather3A_626 masked %lt3A_619 : memref<17x128xi32, #tpu.memory_space<vmem>>[vector<16xi32>, vector<16xi32>], vector<16xi32>, vector<16xi1>
        %shift_right_arithmetic3A_643 = arith.constant 7 : i32
        %shift_right_arithmetic3A_644 = vector.broadcast %shift_right_arithmetic3A_643 : i32 to vector<16xi32>
        %shift_right_arithmetic3A_645 = arith.shrsi %add3A_636, %shift_right_arithmetic3A_644 : vector<16xi32>
        %and3A_646 = arith.constant 127 : i32
        %and3A_647 = vector.broadcast %and3A_646 : i32 to vector<16xi32>
        %and3A_648 = arith.andi %add3A_636, %and3A_647 : vector<16xi32>
        tpu.vector_store_idx %arg15[%shift_right_arithmetic3A_645, %and3A_648], %gather3A_633 masked %lt3A_619 : memref<17x128xi32, #tpu.memory_space<vmem>>[vector<16xi32>, vector<16xi32>], vector<16xi32>, vector<16xi1>
        %add3A_649 = arith.constant 16 : i32
        %add3A_650 = arith.addi %shift_left3A_613, %add3A_649 : i32
        %add3A_651 = vector.broadcast %add3A_650 : i32 to vector<16xi32>
        %add3A_652 = arith.addi %add3A_651, %iota3A : vector<16xi32>
        %lt3A_653 = vector.broadcast %scan3A_592 : i32 to vector<16xi32>
        %lt3A_654 = arith.cmpi slt, %add3A_652, %lt3A_653 : vector<16xi32>
        %shift_right_arithmetic3A_655 = arith.constant 7 : i32
        %shift_right_arithmetic3A_656 = vector.broadcast %shift_right_arithmetic3A_655 : i32 to vector<16xi32>
        %shift_right_arithmetic3A_657 = arith.shrsi %add3A_652, %shift_right_arithmetic3A_656 : vector<16xi32>
        %and3A_658 = arith.constant 127 : i32
        %and3A_659 = vector.broadcast %and3A_658 : i32 to vector<16xi32>
        %and3A_660 = arith.andi %add3A_652, %and3A_659 : vector<16xi32>
        %gather3A_661 = tpu.vector_load_idx %arg14[%shift_right_arithmetic3A_657, %and3A_660] masked %lt3A_654 : memref<17x128xi32, #tpu.memory_space<vmem>>[vector<16xi32>, vector<16xi32>], vector<16xi32>, vector<16xi1>
        %shift_right_arithmetic3A_662 = arith.constant 7 : i32
        %shift_right_arithmetic3A_663 = vector.broadcast %shift_right_arithmetic3A_662 : i32 to vector<16xi32>
        %shift_right_arithmetic3A_664 = arith.shrsi %add3A_652, %shift_right_arithmetic3A_663 : vector<16xi32>
        %and3A_665 = arith.constant 127 : i32
        %and3A_666 = vector.broadcast %and3A_665 : i32 to vector<16xi32>
        %and3A_667 = arith.andi %add3A_652, %and3A_666 : vector<16xi32>
        %gather3A_668 = tpu.vector_load_idx %arg15[%shift_right_arithmetic3A_664, %and3A_667] masked %lt3A_654 : memref<17x128xi32, #tpu.memory_space<vmem>>[vector<16xi32>, vector<16xi32>], vector<16xi32>, vector<16xi1>
        %add3A_669 = arith.constant 16 : i32
        %add3A_670 = vector.broadcast %add3A_669 : i32 to vector<16xi32>
        %add3A_671 = arith.addi %add3A_670, %iota3A : vector<16xi32>
        %shift_right_arithmetic3A_672 = arith.constant 7 : i32
        %shift_right_arithmetic3A_673 = vector.broadcast %shift_right_arithmetic3A_672 : i32 to vector<16xi32>
        %shift_right_arithmetic3A_674 = arith.shrsi %add3A_671, %shift_right_arithmetic3A_673 : vector<16xi32>
        %and3A_675 = arith.constant 127 : i32
        %and3A_676 = vector.broadcast %and3A_675 : i32 to vector<16xi32>
        %and3A_677 = arith.andi %add3A_671, %and3A_676 : vector<16xi32>
        tpu.vector_store_idx %arg14[%shift_right_arithmetic3A_674, %and3A_677], %gather3A_661 masked %lt3A_654 : memref<17x128xi32, #tpu.memory_space<vmem>>[vector<16xi32>, vector<16xi32>], vector<16xi32>, vector<16xi1>
        %shift_right_arithmetic3A_678 = arith.constant 7 : i32
        %shift_right_arithmetic3A_679 = vector.broadcast %shift_right_arithmetic3A_678 : i32 to vector<16xi32>
        %shift_right_arithmetic3A_680 = arith.shrsi %add3A_671, %shift_right_arithmetic3A_679 : vector<16xi32>
        %and3A_681 = arith.constant 127 : i32
        %and3A_682 = vector.broadcast %and3A_681 : i32 to vector<16xi32>
        %and3A_683 = arith.andi %add3A_671, %and3A_682 : vector<16xi32>
        tpu.vector_store_idx %arg15[%shift_right_arithmetic3A_680, %and3A_683], %gather3A_668 masked %lt3A_654 : memref<17x128xi32, #tpu.memory_space<vmem>>[vector<16xi32>, vector<16xi32>], vector<16xi32>, vector<16xi1>
        %add3A_684 = arith.constant 32 : i32
        %add3A_685 = arith.addi %shift_left3A_613, %add3A_684 : i32
        %add3A_686 = vector.broadcast %add3A_685 : i32 to vector<16xi32>
        %add3A_687 = arith.addi %add3A_686, %iota3A : vector<16xi32>
        %lt3A_688 = vector.broadcast %scan3A_592 : i32 to vector<16xi32>
        %lt3A_689 = arith.cmpi slt, %add3A_687, %lt3A_688 : vector<16xi32>
        %shift_right_arithmetic3A_690 = arith.constant 7 : i32
        %shift_right_arithmetic3A_691 = vector.broadcast %shift_right_arithmetic3A_690 : i32 to vector<16xi32>
        %shift_right_arithmetic3A_692 = arith.shrsi %add3A_687, %shift_right_arithmetic3A_691 : vector<16xi32>
        %and3A_693 = arith.constant 127 : i32
        %and3A_694 = vector.broadcast %and3A_693 : i32 to vector<16xi32>
        %and3A_695 = arith.andi %add3A_687, %and3A_694 : vector<16xi32>
        %gather3A_696 = tpu.vector_load_idx %arg14[%shift_right_arithmetic3A_692, %and3A_695] masked %lt3A_689 : memref<17x128xi32, #tpu.memory_space<vmem>>[vector<16xi32>, vector<16xi32>], vector<16xi32>, vector<16xi1>
        %shift_right_arithmetic3A_697 = arith.constant 7 : i32
        %shift_right_arithmetic3A_698 = vector.broadcast %shift_right_arithmetic3A_697 : i32 to vector<16xi32>
        %shift_right_arithmetic3A_699 = arith.shrsi %add3A_687, %shift_right_arithmetic3A_698 : vector<16xi32>
        %and3A_700 = arith.constant 127 : i32
        %and3A_701 = vector.broadcast %and3A_700 : i32 to vector<16xi32>
        %and3A_702 = arith.andi %add3A_687, %and3A_701 : vector<16xi32>
        %gather3A_703 = tpu.vector_load_idx %arg15[%shift_right_arithmetic3A_699, %and3A_702] masked %lt3A_689 : memref<17x128xi32, #tpu.memory_space<vmem>>[vector<16xi32>, vector<16xi32>], vector<16xi32>, vector<16xi1>
        %add3A_704 = arith.constant 32 : i32
        %add3A_705 = vector.broadcast %add3A_704 : i32 to vector<16xi32>
        %add3A_706 = arith.addi %add3A_705, %iota3A : vector<16xi32>
        %shift_right_arithmetic3A_707 = arith.constant 7 : i32
        %shift_right_arithmetic3A_708 = vector.broadcast %shift_right_arithmetic3A_707 : i32 to vector<16xi32>
        %shift_right_arithmetic3A_709 = arith.shrsi %add3A_706, %shift_right_arithmetic3A_708 : vector<16xi32>
        %and3A_710 = arith.constant 127 : i32
        %and3A_711 = vector.broadcast %and3A_710 : i32 to vector<16xi32>
        %and3A_712 = arith.andi %add3A_706, %and3A_711 : vector<16xi32>
        tpu.vector_store_idx %arg14[%shift_right_arithmetic3A_709, %and3A_712], %gather3A_696 masked %lt3A_689 : memref<17x128xi32, #tpu.memory_space<vmem>>[vector<16xi32>, vector<16xi32>], vector<16xi32>, vector<16xi1>
        %shift_right_arithmetic3A_713 = arith.constant 7 : i32
        %shift_right_arithmetic3A_714 = vector.broadcast %shift_right_arithmetic3A_713 : i32 to vector<16xi32>
        %shift_right_arithmetic3A_715 = arith.shrsi %add3A_706, %shift_right_arithmetic3A_714 : vector<16xi32>
        %and3A_716 = arith.constant 127 : i32
        %and3A_717 = vector.broadcast %and3A_716 : i32 to vector<16xi32>
        %and3A_718 = arith.andi %add3A_706, %and3A_717 : vector<16xi32>
        tpu.vector_store_idx %arg15[%shift_right_arithmetic3A_715, %and3A_718], %gather3A_703 masked %lt3A_689 : memref<17x128xi32, #tpu.memory_space<vmem>>[vector<16xi32>, vector<16xi32>], vector<16xi32>, vector<16xi1>
        %add3A_719 = arith.constant 48 : i32
        %add3A_720 = arith.addi %shift_left3A_613, %add3A_719 : i32
        %add3A_721 = vector.broadcast %add3A_720 : i32 to vector<16xi32>
        %add3A_722 = arith.addi %add3A_721, %iota3A : vector<16xi32>
        %lt3A_723 = vector.broadcast %scan3A_592 : i32 to vector<16xi32>
        %lt3A_724 = arith.cmpi slt, %add3A_722, %lt3A_723 : vector<16xi32>
        %shift_right_arithmetic3A_725 = arith.constant 7 : i32
        %shift_right_arithmetic3A_726 = vector.broadcast %shift_right_arithmetic3A_725 : i32 to vector<16xi32>
        %shift_right_arithmetic3A_727 = arith.shrsi %add3A_722, %shift_right_arithmetic3A_726 : vector<16xi32>
        %and3A_728 = arith.constant 127 : i32
        %and3A_729 = vector.broadcast %and3A_728 : i32 to vector<16xi32>
        %and3A_730 = arith.andi %add3A_722, %and3A_729 : vector<16xi32>
        %gather3A_731 = tpu.vector_load_idx %arg14[%shift_right_arithmetic3A_727, %and3A_730] masked %lt3A_724 : memref<17x128xi32, #tpu.memory_space<vmem>>[vector<16xi32>, vector<16xi32>], vector<16xi32>, vector<16xi1>
        %shift_right_arithmetic3A_732 = arith.constant 7 : i32
        %shift_right_arithmetic3A_733 = vector.broadcast %shift_right_arithmetic3A_732 : i32 to vector<16xi32>
        %shift_right_arithmetic3A_734 = arith.shrsi %add3A_722, %shift_right_arithmetic3A_733 : vector<16xi32>
        %and3A_735 = arith.constant 127 : i32
        %and3A_736 = vector.broadcast %and3A_735 : i32 to vector<16xi32>
        %and3A_737 = arith.andi %add3A_722, %and3A_736 : vector<16xi32>
        %gather3A_738 = tpu.vector_load_idx %arg15[%shift_right_arithmetic3A_734, %and3A_737] masked %lt3A_724 : memref<17x128xi32, #tpu.memory_space<vmem>>[vector<16xi32>, vector<16xi32>], vector<16xi32>, vector<16xi1>
        %add3A_739 = arith.constant 48 : i32
        %add3A_740 = vector.broadcast %add3A_739 : i32 to vector<16xi32>
        %add3A_741 = arith.addi %add3A_740, %iota3A : vector<16xi32>
        %shift_right_arithmetic3A_742 = arith.constant 7 : i32
        %shift_right_arithmetic3A_743 = vector.broadcast %shift_right_arithmetic3A_742 : i32 to vector<16xi32>
        %shift_right_arithmetic3A_744 = arith.shrsi %add3A_741, %shift_right_arithmetic3A_743 : vector<16xi32>
        %and3A_745 = arith.constant 127 : i32
        %and3A_746 = vector.broadcast %and3A_745 : i32 to vector<16xi32>
        %and3A_747 = arith.andi %add3A_741, %and3A_746 : vector<16xi32>
        tpu.vector_store_idx %arg14[%shift_right_arithmetic3A_744, %and3A_747], %gather3A_731 masked %lt3A_724 : memref<17x128xi32, #tpu.memory_space<vmem>>[vector<16xi32>, vector<16xi32>], vector<16xi32>, vector<16xi1>
        %shift_right_arithmetic3A_748 = arith.constant 7 : i32
        %shift_right_arithmetic3A_749 = vector.broadcast %shift_right_arithmetic3A_748 : i32 to vector<16xi32>
        %shift_right_arithmetic3A_750 = arith.shrsi %add3A_741, %shift_right_arithmetic3A_749 : vector<16xi32>
        %and3A_751 = arith.constant 127 : i32
        %and3A_752 = vector.broadcast %and3A_751 : i32 to vector<16xi32>
        %and3A_753 = arith.andi %add3A_741, %and3A_752 : vector<16xi32>
        tpu.vector_store_idx %arg15[%shift_right_arithmetic3A_750, %and3A_753], %gather3A_738 masked %lt3A_724 : memref<17x128xi32, #tpu.memory_space<vmem>>[vector<16xi32>, vector<16xi32>], vector<16xi32>, vector<16xi1>
        %add3A_754 = arith.constant 64 : i32
        %add3A_755 = arith.addi %shift_left3A_613, %add3A_754 : i32
        %add3A_756 = vector.broadcast %add3A_755 : i32 to vector<16xi32>
        %add3A_757 = arith.addi %add3A_756, %iota3A : vector<16xi32>
        %lt3A_758 = vector.broadcast %scan3A_592 : i32 to vector<16xi32>
        %lt3A_759 = arith.cmpi slt, %add3A_757, %lt3A_758 : vector<16xi32>
        %shift_right_arithmetic3A_760 = arith.constant 7 : i32
        %shift_right_arithmetic3A_761 = vector.broadcast %shift_right_arithmetic3A_760 : i32 to vector<16xi32>
        %shift_right_arithmetic3A_762 = arith.shrsi %add3A_757, %shift_right_arithmetic3A_761 : vector<16xi32>
        %and3A_763 = arith.constant 127 : i32
        %and3A_764 = vector.broadcast %and3A_763 : i32 to vector<16xi32>
        %and3A_765 = arith.andi %add3A_757, %and3A_764 : vector<16xi32>
        %gather3A_766 = tpu.vector_load_idx %arg14[%shift_right_arithmetic3A_762, %and3A_765] masked %lt3A_759 : memref<17x128xi32, #tpu.memory_space<vmem>>[vector<16xi32>, vector<16xi32>], vector<16xi32>, vector<16xi1>
        %shift_right_arithmetic3A_767 = arith.constant 7 : i32
        %shift_right_arithmetic3A_768 = vector.broadcast %shift_right_arithmetic3A_767 : i32 to vector<16xi32>
        %shift_right_arithmetic3A_769 = arith.shrsi %add3A_757, %shift_right_arithmetic3A_768 : vector<16xi32>
        %and3A_770 = arith.constant 127 : i32
        %and3A_771 = vector.broadcast %and3A_770 : i32 to vector<16xi32>
        %and3A_772 = arith.andi %add3A_757, %and3A_771 : vector<16xi32>
        %gather3A_773 = tpu.vector_load_idx %arg15[%shift_right_arithmetic3A_769, %and3A_772] masked %lt3A_759 : memref<17x128xi32, #tpu.memory_space<vmem>>[vector<16xi32>, vector<16xi32>], vector<16xi32>, vector<16xi1>
        %add3A_774 = arith.constant 64 : i32
        %add3A_775 = vector.broadcast %add3A_774 : i32 to vector<16xi32>
        %add3A_776 = arith.addi %add3A_775, %iota3A : vector<16xi32>
        %shift_right_arithmetic3A_777 = arith.constant 7 : i32
        %shift_right_arithmetic3A_778 = vector.broadcast %shift_right_arithmetic3A_777 : i32 to vector<16xi32>
        %shift_right_arithmetic3A_779 = arith.shrsi %add3A_776, %shift_right_arithmetic3A_778 : vector<16xi32>
        %and3A_780 = arith.constant 127 : i32
        %and3A_781 = vector.broadcast %and3A_780 : i32 to vector<16xi32>
        %and3A_782 = arith.andi %add3A_776, %and3A_781 : vector<16xi32>
        tpu.vector_store_idx %arg14[%shift_right_arithmetic3A_779, %and3A_782], %gather3A_766 masked %lt3A_759 : memref<17x128xi32, #tpu.memory_space<vmem>>[vector<16xi32>, vector<16xi32>], vector<16xi32>, vector<16xi1>
        %shift_right_arithmetic3A_783 = arith.constant 7 : i32
        %shift_right_arithmetic3A_784 = vector.broadcast %shift_right_arithmetic3A_783 : i32 to vector<16xi32>
        %shift_right_arithmetic3A_785 = arith.shrsi %add3A_776, %shift_right_arithmetic3A_784 : vector<16xi32>
        %and3A_786 = arith.constant 127 : i32
        %and3A_787 = vector.broadcast %and3A_786 : i32 to vector<16xi32>
        %and3A_788 = arith.andi %add3A_776, %and3A_787 : vector<16xi32>
        tpu.vector_store_idx %arg15[%shift_right_arithmetic3A_785, %and3A_788], %gather3A_773 masked %lt3A_759 : memref<17x128xi32, #tpu.memory_space<vmem>>[vector<16xi32>, vector<16xi32>], vector<16xi32>, vector<16xi1>
        %add3A_789 = arith.constant 80 : i32
        %add3A_790 = arith.addi %shift_left3A_613, %add3A_789 : i32
        %add3A_791 = vector.broadcast %add3A_790 : i32 to vector<16xi32>
        %add3A_792 = arith.addi %add3A_791, %iota3A : vector<16xi32>
        %lt3A_793 = vector.broadcast %scan3A_592 : i32 to vector<16xi32>
        %lt3A_794 = arith.cmpi slt, %add3A_792, %lt3A_793 : vector<16xi32>
        %shift_right_arithmetic3A_795 = arith.constant 7 : i32
        %shift_right_arithmetic3A_796 = vector.broadcast %shift_right_arithmetic3A_795 : i32 to vector<16xi32>
        %shift_right_arithmetic3A_797 = arith.shrsi %add3A_792, %shift_right_arithmetic3A_796 : vector<16xi32>
        %and3A_798 = arith.constant 127 : i32
        %and3A_799 = vector.broadcast %and3A_798 : i32 to vector<16xi32>
        %and3A_800 = arith.andi %add3A_792, %and3A_799 : vector<16xi32>
        %gather3A_801 = tpu.vector_load_idx %arg14[%shift_right_arithmetic3A_797, %and3A_800] masked %lt3A_794 : memref<17x128xi32, #tpu.memory_space<vmem>>[vector<16xi32>, vector<16xi32>], vector<16xi32>, vector<16xi1>
        %shift_right_arithmetic3A_802 = arith.constant 7 : i32
        %shift_right_arithmetic3A_803 = vector.broadcast %shift_right_arithmetic3A_802 : i32 to vector<16xi32>
        %shift_right_arithmetic3A_804 = arith.shrsi %add3A_792, %shift_right_arithmetic3A_803 : vector<16xi32>
        %and3A_805 = arith.constant 127 : i32
        %and3A_806 = vector.broadcast %and3A_805 : i32 to vector<16xi32>
        %and3A_807 = arith.andi %add3A_792, %and3A_806 : vector<16xi32>
        %gather3A_808 = tpu.vector_load_idx %arg15[%shift_right_arithmetic3A_804, %and3A_807] masked %lt3A_794 : memref<17x128xi32, #tpu.memory_space<vmem>>[vector<16xi32>, vector<16xi32>], vector<16xi32>, vector<16xi1>
        %add3A_809 = arith.constant 80 : i32
        %add3A_810 = vector.broadcast %add3A_809 : i32 to vector<16xi32>
        %add3A_811 = arith.addi %add3A_810, %iota3A : vector<16xi32>
        %shift_right_arithmetic3A_812 = arith.constant 7 : i32
        %shift_right_arithmetic3A_813 = vector.broadcast %shift_right_arithmetic3A_812 : i32 to vector<16xi32>
        %shift_right_arithmetic3A_814 = arith.shrsi %add3A_811, %shift_right_arithmetic3A_813 : vector<16xi32>
        %and3A_815 = arith.constant 127 : i32
        %and3A_816 = vector.broadcast %and3A_815 : i32 to vector<16xi32>
        %and3A_817 = arith.andi %add3A_811, %and3A_816 : vector<16xi32>
        tpu.vector_store_idx %arg14[%shift_right_arithmetic3A_814, %and3A_817], %gather3A_801 masked %lt3A_794 : memref<17x128xi32, #tpu.memory_space<vmem>>[vector<16xi32>, vector<16xi32>], vector<16xi32>, vector<16xi1>
        %shift_right_arithmetic3A_818 = arith.constant 7 : i32
        %shift_right_arithmetic3A_819 = vector.broadcast %shift_right_arithmetic3A_818 : i32 to vector<16xi32>
        %shift_right_arithmetic3A_820 = arith.shrsi %add3A_811, %shift_right_arithmetic3A_819 : vector<16xi32>
        %and3A_821 = arith.constant 127 : i32
        %and3A_822 = vector.broadcast %and3A_821 : i32 to vector<16xi32>
        %and3A_823 = arith.andi %add3A_811, %and3A_822 : vector<16xi32>
        tpu.vector_store_idx %arg15[%shift_right_arithmetic3A_820, %and3A_823], %gather3A_808 masked %lt3A_794 : memref<17x128xi32, #tpu.memory_space<vmem>>[vector<16xi32>, vector<16xi32>], vector<16xi32>, vector<16xi1>
        %add3A_824 = arith.constant 96 : i32
        %add3A_825 = arith.addi %shift_left3A_613, %add3A_824 : i32
        %add3A_826 = vector.broadcast %add3A_825 : i32 to vector<16xi32>
        %add3A_827 = arith.addi %add3A_826, %iota3A : vector<16xi32>
        %lt3A_828 = vector.broadcast %scan3A_592 : i32 to vector<16xi32>
        %lt3A_829 = arith.cmpi slt, %add3A_827, %lt3A_828 : vector<16xi32>
        %shift_right_arithmetic3A_830 = arith.constant 7 : i32
        %shift_right_arithmetic3A_831 = vector.broadcast %shift_right_arithmetic3A_830 : i32 to vector<16xi32>
        %shift_right_arithmetic3A_832 = arith.shrsi %add3A_827, %shift_right_arithmetic3A_831 : vector<16xi32>
        %and3A_833 = arith.constant 127 : i32
        %and3A_834 = vector.broadcast %and3A_833 : i32 to vector<16xi32>
        %and3A_835 = arith.andi %add3A_827, %and3A_834 : vector<16xi32>
        %gather3A_836 = tpu.vector_load_idx %arg14[%shift_right_arithmetic3A_832, %and3A_835] masked %lt3A_829 : memref<17x128xi32, #tpu.memory_space<vmem>>[vector<16xi32>, vector<16xi32>], vector<16xi32>, vector<16xi1>
        %shift_right_arithmetic3A_837 = arith.constant 7 : i32
        %shift_right_arithmetic3A_838 = vector.broadcast %shift_right_arithmetic3A_837 : i32 to vector<16xi32>
        %shift_right_arithmetic3A_839 = arith.shrsi %add3A_827, %shift_right_arithmetic3A_838 : vector<16xi32>
        %and3A_840 = arith.constant 127 : i32
        %and3A_841 = vector.broadcast %and3A_840 : i32 to vector<16xi32>
        %and3A_842 = arith.andi %add3A_827, %and3A_841 : vector<16xi32>
        %gather3A_843 = tpu.vector_load_idx %arg15[%shift_right_arithmetic3A_839, %and3A_842] masked %lt3A_829 : memref<17x128xi32, #tpu.memory_space<vmem>>[vector<16xi32>, vector<16xi32>], vector<16xi32>, vector<16xi1>
        %add3A_844 = arith.constant 96 : i32
        %add3A_845 = vector.broadcast %add3A_844 : i32 to vector<16xi32>
        %add3A_846 = arith.addi %add3A_845, %iota3A : vector<16xi32>
        %shift_right_arithmetic3A_847 = arith.constant 7 : i32
        %shift_right_arithmetic3A_848 = vector.broadcast %shift_right_arithmetic3A_847 : i32 to vector<16xi32>
        %shift_right_arithmetic3A_849 = arith.shrsi %add3A_846, %shift_right_arithmetic3A_848 : vector<16xi32>
        %and3A_850 = arith.constant 127 : i32
        %and3A_851 = vector.broadcast %and3A_850 : i32 to vector<16xi32>
        %and3A_852 = arith.andi %add3A_846, %and3A_851 : vector<16xi32>
        tpu.vector_store_idx %arg14[%shift_right_arithmetic3A_849, %and3A_852], %gather3A_836 masked %lt3A_829 : memref<17x128xi32, #tpu.memory_space<vmem>>[vector<16xi32>, vector<16xi32>], vector<16xi32>, vector<16xi1>
        %shift_right_arithmetic3A_853 = arith.constant 7 : i32
        %shift_right_arithmetic3A_854 = vector.broadcast %shift_right_arithmetic3A_853 : i32 to vector<16xi32>
        %shift_right_arithmetic3A_855 = arith.shrsi %add3A_846, %shift_right_arithmetic3A_854 : vector<16xi32>
        %and3A_856 = arith.constant 127 : i32
        %and3A_857 = vector.broadcast %and3A_856 : i32 to vector<16xi32>
        %and3A_858 = arith.andi %add3A_846, %and3A_857 : vector<16xi32>
        tpu.vector_store_idx %arg15[%shift_right_arithmetic3A_855, %and3A_858], %gather3A_843 masked %lt3A_829 : memref<17x128xi32, #tpu.memory_space<vmem>>[vector<16xi32>, vector<16xi32>], vector<16xi32>, vector<16xi1>
        %add3A_859 = arith.constant 112 : i32
        %add3A_860 = arith.addi %shift_left3A_613, %add3A_859 : i32
        %add3A_861 = vector.broadcast %add3A_860 : i32 to vector<16xi32>
        %add3A_862 = arith.addi %add3A_861, %iota3A : vector<16xi32>
        %lt3A_863 = vector.broadcast %scan3A_592 : i32 to vector<16xi32>
        %lt3A_864 = arith.cmpi slt, %add3A_862, %lt3A_863 : vector<16xi32>
        %shift_right_arithmetic3A_865 = arith.constant 7 : i32
        %shift_right_arithmetic3A_866 = vector.broadcast %shift_right_arithmetic3A_865 : i32 to vector<16xi32>
        %shift_right_arithmetic3A_867 = arith.shrsi %add3A_862, %shift_right_arithmetic3A_866 : vector<16xi32>
        %and3A_868 = arith.constant 127 : i32
        %and3A_869 = vector.broadcast %and3A_868 : i32 to vector<16xi32>
        %and3A_870 = arith.andi %add3A_862, %and3A_869 : vector<16xi32>
        %gather3A_871 = tpu.vector_load_idx %arg14[%shift_right_arithmetic3A_867, %and3A_870] masked %lt3A_864 : memref<17x128xi32, #tpu.memory_space<vmem>>[vector<16xi32>, vector<16xi32>], vector<16xi32>, vector<16xi1>
        %shift_right_arithmetic3A_872 = arith.constant 7 : i32
        %shift_right_arithmetic3A_873 = vector.broadcast %shift_right_arithmetic3A_872 : i32 to vector<16xi32>
        %shift_right_arithmetic3A_874 = arith.shrsi %add3A_862, %shift_right_arithmetic3A_873 : vector<16xi32>
        %and3A_875 = arith.constant 127 : i32
        %and3A_876 = vector.broadcast %and3A_875 : i32 to vector<16xi32>
        %and3A_877 = arith.andi %add3A_862, %and3A_876 : vector<16xi32>
        %gather3A_878 = tpu.vector_load_idx %arg15[%shift_right_arithmetic3A_874, %and3A_877] masked %lt3A_864 : memref<17x128xi32, #tpu.memory_space<vmem>>[vector<16xi32>, vector<16xi32>], vector<16xi32>, vector<16xi1>
        %add3A_879 = arith.constant 112 : i32
        %add3A_880 = vector.broadcast %add3A_879 : i32 to vector<16xi32>
        %add3A_881 = arith.addi %add3A_880, %iota3A : vector<16xi32>
        %shift_right_arithmetic3A_882 = arith.constant 7 : i32
        %shift_right_arithmetic3A_883 = vector.broadcast %shift_right_arithmetic3A_882 : i32 to vector<16xi32>
        %shift_right_arithmetic3A_884 = arith.shrsi %add3A_881, %shift_right_arithmetic3A_883 : vector<16xi32>
        %and3A_885 = arith.constant 127 : i32
        %and3A_886 = vector.broadcast %and3A_885 : i32 to vector<16xi32>
        %and3A_887 = arith.andi %add3A_881, %and3A_886 : vector<16xi32>
        tpu.vector_store_idx %arg14[%shift_right_arithmetic3A_884, %and3A_887], %gather3A_871 masked %lt3A_864 : memref<17x128xi32, #tpu.memory_space<vmem>>[vector<16xi32>, vector<16xi32>], vector<16xi32>, vector<16xi1>
        %shift_right_arithmetic3A_888 = arith.constant 7 : i32
        %shift_right_arithmetic3A_889 = vector.broadcast %shift_right_arithmetic3A_888 : i32 to vector<16xi32>
        %shift_right_arithmetic3A_890 = arith.shrsi %add3A_881, %shift_right_arithmetic3A_889 : vector<16xi32>
        %and3A_891 = arith.constant 127 : i32
        %and3A_892 = vector.broadcast %and3A_891 : i32 to vector<16xi32>
        %and3A_893 = arith.andi %add3A_881, %and3A_892 : vector<16xi32>
        tpu.vector_store_idx %arg15[%shift_right_arithmetic3A_890, %and3A_893], %gather3A_878 masked %lt3A_864 : memref<17x128xi32, #tpu.memory_space<vmem>>[vector<16xi32>, vector<16xi32>], vector<16xi32>, vector<16xi1>
        %sub3A_894 = arith.subi %scan3A_592, %shift_left3A_613 : i32
        scf.yield %sub3A_894 : i32
      }
      %scan3A_35 = arith.constant 5 : i32
      %add3A_36 = arith.constant 128 : i32
      %add3A_37 = arith.addi %scan3A_34, %add3A_36 : i32
      %sub3A = arith.constant 1 : i32
      %sub3A_38 = arith.subi %add3A_37, %sub3A : i32
      %shift_right_arithmetic3A = arith.constant 7 : i32
      %shift_right_arithmetic3A_39 = arith.shrsi %sub3A_38, %shift_right_arithmetic3A : i32
      %shift_left3A = arith.constant 7 : i32
      %shift_left3A_40 = arith.shli %shift_right_arithmetic3A_39, %shift_left3A : i32
      %add3A_41 = arith.constant 0 : i32
      %add3A_42 = arith.addi %scan3A_34, %add3A_41 : i32
      %add3A_43 = vector.broadcast %add3A_42 : i32 to vector<16xi32>
      %add3A_44 = arith.addi %add3A_43, %iota3A : vector<16xi32>
      %lt3A = vector.broadcast %shift_left3A_40 : i32 to vector<16xi32>
      %lt3A_45 = arith.cmpi slt, %add3A_44, %lt3A : vector<16xi32>
      %shift_right_arithmetic3A_46 = arith.constant 7 : i32
      %shift_right_arithmetic3A_47 = vector.broadcast %shift_right_arithmetic3A_46 : i32 to vector<16xi32>
      %shift_right_arithmetic3A_48 = arith.shrsi %add3A_44, %shift_right_arithmetic3A_47 : vector<16xi32>
      %and3A = arith.constant 127 : i32
      %and3A_49 = vector.broadcast %and3A : i32 to vector<16xi32>
      %and3A_50 = arith.andi %add3A_44, %and3A_49 : vector<16xi32>
      tpu.vector_store_idx %arg14[%shift_right_arithmetic3A_48, %and3A_50], %broadcast_in_dim3A_0 masked %lt3A_45 : memref<17x128xi32, #tpu.memory_space<vmem>>[vector<16xi32>, vector<16xi32>], vector<16xi32>, vector<16xi1>
      %shift_right_arithmetic3A_51 = arith.constant 7 : i32
      %shift_right_arithmetic3A_52 = vector.broadcast %shift_right_arithmetic3A_51 : i32 to vector<16xi32>
      %shift_right_arithmetic3A_53 = arith.shrsi %add3A_44, %shift_right_arithmetic3A_52 : vector<16xi32>
      %and3A_54 = arith.constant 127 : i32
      %and3A_55 = vector.broadcast %and3A_54 : i32 to vector<16xi32>
      %and3A_56 = arith.andi %add3A_44, %and3A_55 : vector<16xi32>
      tpu.vector_store_idx %arg15[%shift_right_arithmetic3A_53, %and3A_56], %broadcast_in_dim3A_6 masked %lt3A_45 : memref<17x128xi32, #tpu.memory_space<vmem>>[vector<16xi32>, vector<16xi32>], vector<16xi32>, vector<16xi1>
      %add3A_57 = arith.constant 16 : i32
      %add3A_58 = arith.addi %scan3A_34, %add3A_57 : i32
      %add3A_59 = vector.broadcast %add3A_58 : i32 to vector<16xi32>
      %add3A_60 = arith.addi %add3A_59, %iota3A : vector<16xi32>
      %lt3A_61 = vector.broadcast %shift_left3A_40 : i32 to vector<16xi32>
      %lt3A_62 = arith.cmpi slt, %add3A_60, %lt3A_61 : vector<16xi32>
      %shift_right_arithmetic3A_63 = arith.constant 7 : i32
      %shift_right_arithmetic3A_64 = vector.broadcast %shift_right_arithmetic3A_63 : i32 to vector<16xi32>
      %shift_right_arithmetic3A_65 = arith.shrsi %add3A_60, %shift_right_arithmetic3A_64 : vector<16xi32>
      %and3A_66 = arith.constant 127 : i32
      %and3A_67 = vector.broadcast %and3A_66 : i32 to vector<16xi32>
      %and3A_68 = arith.andi %add3A_60, %and3A_67 : vector<16xi32>
      tpu.vector_store_idx %arg14[%shift_right_arithmetic3A_65, %and3A_68], %broadcast_in_dim3A_0 masked %lt3A_62 : memref<17x128xi32, #tpu.memory_space<vmem>>[vector<16xi32>, vector<16xi32>], vector<16xi32>, vector<16xi1>
      %shift_right_arithmetic3A_69 = arith.constant 7 : i32
      %shift_right_arithmetic3A_70 = vector.broadcast %shift_right_arithmetic3A_69 : i32 to vector<16xi32>
      %shift_right_arithmetic3A_71 = arith.shrsi %add3A_60, %shift_right_arithmetic3A_70 : vector<16xi32>
      %and3A_72 = arith.constant 127 : i32
      %and3A_73 = vector.broadcast %and3A_72 : i32 to vector<16xi32>
      %and3A_74 = arith.andi %add3A_60, %and3A_73 : vector<16xi32>
      tpu.vector_store_idx %arg15[%shift_right_arithmetic3A_71, %and3A_74], %broadcast_in_dim3A_6 masked %lt3A_62 : memref<17x128xi32, #tpu.memory_space<vmem>>[vector<16xi32>, vector<16xi32>], vector<16xi32>, vector<16xi1>
      %add3A_75 = arith.constant 32 : i32
      %add3A_76 = arith.addi %scan3A_34, %add3A_75 : i32
      %add3A_77 = vector.broadcast %add3A_76 : i32 to vector<16xi32>
      %add3A_78 = arith.addi %add3A_77, %iota3A : vector<16xi32>
      %lt3A_79 = vector.broadcast %shift_left3A_40 : i32 to vector<16xi32>
      %lt3A_80 = arith.cmpi slt, %add3A_78, %lt3A_79 : vector<16xi32>
      %shift_right_arithmetic3A_81 = arith.constant 7 : i32
      %shift_right_arithmetic3A_82 = vector.broadcast %shift_right_arithmetic3A_81 : i32 to vector<16xi32>
      %shift_right_arithmetic3A_83 = arith.shrsi %add3A_78, %shift_right_arithmetic3A_82 : vector<16xi32>
      %and3A_84 = arith.constant 127 : i32
      %and3A_85 = vector.broadcast %and3A_84 : i32 to vector<16xi32>
      %and3A_86 = arith.andi %add3A_78, %and3A_85 : vector<16xi32>
      tpu.vector_store_idx %arg14[%shift_right_arithmetic3A_83, %and3A_86], %broadcast_in_dim3A_0 masked %lt3A_80 : memref<17x128xi32, #tpu.memory_space<vmem>>[vector<16xi32>, vector<16xi32>], vector<16xi32>, vector<16xi1>
      %shift_right_arithmetic3A_87 = arith.constant 7 : i32
      %shift_right_arithmetic3A_88 = vector.broadcast %shift_right_arithmetic3A_87 : i32 to vector<16xi32>
      %shift_right_arithmetic3A_89 = arith.shrsi %add3A_78, %shift_right_arithmetic3A_88 : vector<16xi32>
      %and3A_90 = arith.constant 127 : i32
      %and3A_91 = vector.broadcast %and3A_90 : i32 to vector<16xi32>
      %and3A_92 = arith.andi %add3A_78, %and3A_91 : vector<16xi32>
      tpu.vector_store_idx %arg15[%shift_right_arithmetic3A_89, %and3A_92], %broadcast_in_dim3A_6 masked %lt3A_80 : memref<17x128xi32, #tpu.memory_space<vmem>>[vector<16xi32>, vector<16xi32>], vector<16xi32>, vector<16xi1>
      %add3A_93 = arith.constant 48 : i32
      %add3A_94 = arith.addi %scan3A_34, %add3A_93 : i32
      %add3A_95 = vector.broadcast %add3A_94 : i32 to vector<16xi32>
      %add3A_96 = arith.addi %add3A_95, %iota3A : vector<16xi32>
      %lt3A_97 = vector.broadcast %shift_left3A_40 : i32 to vector<16xi32>
      %lt3A_98 = arith.cmpi slt, %add3A_96, %lt3A_97 : vector<16xi32>
      %shift_right_arithmetic3A_99 = arith.constant 7 : i32
      %shift_right_arithmetic3A_100 = vector.broadcast %shift_right_arithmetic3A_99 : i32 to vector<16xi32>
      %shift_right_arithmetic3A_101 = arith.shrsi %add3A_96, %shift_right_arithmetic3A_100 : vector<16xi32>
      %and3A_102 = arith.constant 127 : i32
      %and3A_103 = vector.broadcast %and3A_102 : i32 to vector<16xi32>
      %and3A_104 = arith.andi %add3A_96, %and3A_103 : vector<16xi32>
      tpu.vector_store_idx %arg14[%shift_right_arithmetic3A_101, %and3A_104], %broadcast_in_dim3A_0 masked %lt3A_98 : memref<17x128xi32, #tpu.memory_space<vmem>>[vector<16xi32>, vector<16xi32>], vector<16xi32>, vector<16xi1>
      %shift_right_arithmetic3A_105 = arith.constant 7 : i32
      %shift_right_arithmetic3A_106 = vector.broadcast %shift_right_arithmetic3A_105 : i32 to vector<16xi32>
      %shift_right_arithmetic3A_107 = arith.shrsi %add3A_96, %shift_right_arithmetic3A_106 : vector<16xi32>
      %and3A_108 = arith.constant 127 : i32
      %and3A_109 = vector.broadcast %and3A_108 : i32 to vector<16xi32>
      %and3A_110 = arith.andi %add3A_96, %and3A_109 : vector<16xi32>
      tpu.vector_store_idx %arg15[%shift_right_arithmetic3A_107, %and3A_110], %broadcast_in_dim3A_6 masked %lt3A_98 : memref<17x128xi32, #tpu.memory_space<vmem>>[vector<16xi32>, vector<16xi32>], vector<16xi32>, vector<16xi1>
      %add3A_111 = arith.constant 64 : i32
      %add3A_112 = arith.addi %scan3A_34, %add3A_111 : i32
      %add3A_113 = vector.broadcast %add3A_112 : i32 to vector<16xi32>
      %add3A_114 = arith.addi %add3A_113, %iota3A : vector<16xi32>
      %lt3A_115 = vector.broadcast %shift_left3A_40 : i32 to vector<16xi32>
      %lt3A_116 = arith.cmpi slt, %add3A_114, %lt3A_115 : vector<16xi32>
      %shift_right_arithmetic3A_117 = arith.constant 7 : i32
      %shift_right_arithmetic3A_118 = vector.broadcast %shift_right_arithmetic3A_117 : i32 to vector<16xi32>
      %shift_right_arithmetic3A_119 = arith.shrsi %add3A_114, %shift_right_arithmetic3A_118 : vector<16xi32>
      %and3A_120 = arith.constant 127 : i32
      %and3A_121 = vector.broadcast %and3A_120 : i32 to vector<16xi32>
      %and3A_122 = arith.andi %add3A_114, %and3A_121 : vector<16xi32>
      tpu.vector_store_idx %arg14[%shift_right_arithmetic3A_119, %and3A_122], %broadcast_in_dim3A_0 masked %lt3A_116 : memref<17x128xi32, #tpu.memory_space<vmem>>[vector<16xi32>, vector<16xi32>], vector<16xi32>, vector<16xi1>
      %shift_right_arithmetic3A_123 = arith.constant 7 : i32
      %shift_right_arithmetic3A_124 = vector.broadcast %shift_right_arithmetic3A_123 : i32 to vector<16xi32>
      %shift_right_arithmetic3A_125 = arith.shrsi %add3A_114, %shift_right_arithmetic3A_124 : vector<16xi32>
      %and3A_126 = arith.constant 127 : i32
      %and3A_127 = vector.broadcast %and3A_126 : i32 to vector<16xi32>
      %and3A_128 = arith.andi %add3A_114, %and3A_127 : vector<16xi32>
      tpu.vector_store_idx %arg15[%shift_right_arithmetic3A_125, %and3A_128], %broadcast_in_dim3A_6 masked %lt3A_116 : memref<17x128xi32, #tpu.memory_space<vmem>>[vector<16xi32>, vector<16xi32>], vector<16xi32>, vector<16xi1>
      %add3A_129 = arith.constant 80 : i32
      %add3A_130 = arith.addi %scan3A_34, %add3A_129 : i32
      %add3A_131 = vector.broadcast %add3A_130 : i32 to vector<16xi32>
      %add3A_132 = arith.addi %add3A_131, %iota3A : vector<16xi32>
      %lt3A_133 = vector.broadcast %shift_left3A_40 : i32 to vector<16xi32>
      %lt3A_134 = arith.cmpi slt, %add3A_132, %lt3A_133 : vector<16xi32>
      %shift_right_arithmetic3A_135 = arith.constant 7 : i32
      %shift_right_arithmetic3A_136 = vector.broadcast %shift_right_arithmetic3A_135 : i32 to vector<16xi32>
      %shift_right_arithmetic3A_137 = arith.shrsi %add3A_132, %shift_right_arithmetic3A_136 : vector<16xi32>
      %and3A_138 = arith.constant 127 : i32
      %and3A_139 = vector.broadcast %and3A_138 : i32 to vector<16xi32>
      %and3A_140 = arith.andi %add3A_132, %and3A_139 : vector<16xi32>
      tpu.vector_store_idx %arg14[%shift_right_arithmetic3A_137, %and3A_140], %broadcast_in_dim3A_0 masked %lt3A_134 : memref<17x128xi32, #tpu.memory_space<vmem>>[vector<16xi32>, vector<16xi32>], vector<16xi32>, vector<16xi1>
      %shift_right_arithmetic3A_141 = arith.constant 7 : i32
      %shift_right_arithmetic3A_142 = vector.broadcast %shift_right_arithmetic3A_141 : i32 to vector<16xi32>
      %shift_right_arithmetic3A_143 = arith.shrsi %add3A_132, %shift_right_arithmetic3A_142 : vector<16xi32>
      %and3A_144 = arith.constant 127 : i32
      %and3A_145 = vector.broadcast %and3A_144 : i32 to vector<16xi32>
      %and3A_146 = arith.andi %add3A_132, %and3A_145 : vector<16xi32>
      tpu.vector_store_idx %arg15[%shift_right_arithmetic3A_143, %and3A_146], %broadcast_in_dim3A_6 masked %lt3A_134 : memref<17x128xi32, #tpu.memory_space<vmem>>[vector<16xi32>, vector<16xi32>], vector<16xi32>, vector<16xi1>
      %add3A_147 = arith.constant 96 : i32
      %add3A_148 = arith.addi %scan3A_34, %add3A_147 : i32
      %add3A_149 = vector.broadcast %add3A_148 : i32 to vector<16xi32>
      %add3A_150 = arith.addi %add3A_149, %iota3A : vector<16xi32>
      %lt3A_151 = vector.broadcast %shift_left3A_40 : i32 to vector<16xi32>
      %lt3A_152 = arith.cmpi slt, %add3A_150, %lt3A_151 : vector<16xi32>
      %shift_right_arithmetic3A_153 = arith.constant 7 : i32
      %shift_right_arithmetic3A_154 = vector.broadcast %shift_right_arithmetic3A_153 : i32 to vector<16xi32>
      %shift_right_arithmetic3A_155 = arith.shrsi %add3A_150, %shift_right_arithmetic3A_154 : vector<16xi32>
      %and3A_156 = arith.constant 127 : i32
      %and3A_157 = vector.broadcast %and3A_156 : i32 to vector<16xi32>
      %and3A_158 = arith.andi %add3A_150, %and3A_157 : vector<16xi32>
      tpu.vector_store_idx %arg14[%shift_right_arithmetic3A_155, %and3A_158], %broadcast_in_dim3A_0 masked %lt3A_152 : memref<17x128xi32, #tpu.memory_space<vmem>>[vector<16xi32>, vector<16xi32>], vector<16xi32>, vector<16xi1>
      %shift_right_arithmetic3A_159 = arith.constant 7 : i32
      %shift_right_arithmetic3A_160 = vector.broadcast %shift_right_arithmetic3A_159 : i32 to vector<16xi32>
      %shift_right_arithmetic3A_161 = arith.shrsi %add3A_150, %shift_right_arithmetic3A_160 : vector<16xi32>
      %and3A_162 = arith.constant 127 : i32
      %and3A_163 = vector.broadcast %and3A_162 : i32 to vector<16xi32>
      %and3A_164 = arith.andi %add3A_150, %and3A_163 : vector<16xi32>
      tpu.vector_store_idx %arg15[%shift_right_arithmetic3A_161, %and3A_164], %broadcast_in_dim3A_6 masked %lt3A_152 : memref<17x128xi32, #tpu.memory_space<vmem>>[vector<16xi32>, vector<16xi32>], vector<16xi32>, vector<16xi1>
      %add3A_165 = arith.constant 112 : i32
      %add3A_166 = arith.addi %scan3A_34, %add3A_165 : i32
      %add3A_167 = vector.broadcast %add3A_166 : i32 to vector<16xi32>
      %add3A_168 = arith.addi %add3A_167, %iota3A : vector<16xi32>
      %lt3A_169 = vector.broadcast %shift_left3A_40 : i32 to vector<16xi32>
      %lt3A_170 = arith.cmpi slt, %add3A_168, %lt3A_169 : vector<16xi32>
      %shift_right_arithmetic3A_171 = arith.constant 7 : i32
      %shift_right_arithmetic3A_172 = vector.broadcast %shift_right_arithmetic3A_171 : i32 to vector<16xi32>
      %shift_right_arithmetic3A_173 = arith.shrsi %add3A_168, %shift_right_arithmetic3A_172 : vector<16xi32>
      %and3A_174 = arith.constant 127 : i32
      %and3A_175 = vector.broadcast %and3A_174 : i32 to vector<16xi32>
      %and3A_176 = arith.andi %add3A_168, %and3A_175 : vector<16xi32>
      tpu.vector_store_idx %arg14[%shift_right_arithmetic3A_173, %and3A_176], %broadcast_in_dim3A_0 masked %lt3A_170 : memref<17x128xi32, #tpu.memory_space<vmem>>[vector<16xi32>, vector<16xi32>], vector<16xi32>, vector<16xi1>
      %shift_right_arithmetic3A_177 = arith.constant 7 : i32
      %shift_right_arithmetic3A_178 = vector.broadcast %shift_right_arithmetic3A_177 : i32 to vector<16xi32>
      %shift_right_arithmetic3A_179 = arith.shrsi %add3A_168, %shift_right_arithmetic3A_178 : vector<16xi32>
      %and3A_180 = arith.constant 127 : i32
      %and3A_181 = vector.broadcast %and3A_180 : i32 to vector<16xi32>
      %and3A_182 = arith.andi %add3A_168, %and3A_181 : vector<16xi32>
      tpu.vector_store_idx %arg15[%shift_right_arithmetic3A_179, %and3A_182], %broadcast_in_dim3A_6 masked %lt3A_170 : memref<17x128xi32, #tpu.memory_space<vmem>>[vector<16xi32>, vector<16xi32>], vector<16xi32>, vector<16xi1>
      %swap3A = arith.constant 1 : i32
      %swap3A_183 = arith.index_cast %swap3A : i32 to index
      %swap3A_184 = memref.load %arg18[%swap3A_183] : memref<8xi32, #tpu.memory_space<smem>>
      memref.store %scan3A_34, %arg18[%swap3A_183] : memref<8xi32, #tpu.memory_space<smem>>
      %get3A = arith.constant 1 : i32
      %get3A_185 = arith.index_cast %get3A : i32 to index
      %get3A_186 = memref.load %arg18[%get3A_185] : memref<8xi32, #tpu.memory_space<smem>>
      %gt3A = arith.constant 0 : i32
      %gt3A_187 = arith.cmpi sgt, %get3A_186, %gt3A : i32
      %convert_element_type3A_188 = arith.extui %gt3A_187 : i1 to i32
      %cond3A_189 = arith.constant 0 : i32
      %cond3A_190 = arith.cmpi ne, %convert_element_type3A_188, %cond3A_189 : i32
      scf.if %cond3A_190 {
        %dma_start3A_234 = arith.constant 0 : i32
        %dma_start3A_235 = arith.constant 0 : i32
        %dma_start3A_236 = tpu.memref_slice %arg14[%dma_start3A_234, %dma_start3A_235] : memref<17x128xi32, #tpu.memory_space<vmem>> -> memref<1x128xi32, #tpu.memory_space<vmem>>
        %dma_start3A_237 = tpu.memref_squeeze %dma_start3A_236 : memref<1x128xi32, #tpu.memory_space<vmem>> -> memref<128xi32, #tpu.memory_space<vmem>>
        %dma_start3A_238 = arith.constant 0 : i32
        %dma_start3A_239 = arith.constant 0 : i32
        %dma_start3A_240 = tpu.memref_slice %arg2[%dma_start3A_238, %dma_start3A_239] : memref<10240x128xf32, #tpu.memory_space<hbm>> -> memref<10240x128xf32, #tpu.memory_space<hbm>>
        tpu.enqueue_indirect_dma source(%dma_start3A_240 : memref<10240x128xf32, #tpu.memory_space<hbm>>) target(%arg16 : memref<128x128xf32, #tpu.memory_space<vmem>>) offsets(%dma_start3A_237 : memref<128xi32, #tpu.memory_space<vmem>>) semaphore(%arg20 : memref<!tpu.dma_semaphore, #tpu.memory_space<semaphore_mem>>)
        %dma_wait3A = arith.constant 0 : i32
        %dma_wait3A_241 = arith.constant 0 : i32
        %dma_wait3A_242 = tpu.memref_slice %arg14[%dma_wait3A, %dma_wait3A_241] : memref<17x128xi32, #tpu.memory_space<vmem>> -> memref<1x128xi32, #tpu.memory_space<vmem>>
        %dma_wait3A_243 = tpu.memref_squeeze %dma_wait3A_242 : memref<1x128xi32, #tpu.memory_space<vmem>> -> memref<128xi32, #tpu.memory_space<vmem>>
        %dma_wait3A_244 = arith.constant 0 : i32
        %dma_wait3A_245 = arith.constant 0 : i32
        %dma_wait3A_246 = tpu.memref_slice %arg2[%dma_wait3A_244, %dma_wait3A_245] : memref<10240x128xf32, #tpu.memory_space<hbm>> -> memref<10240x128xf32, #tpu.memory_space<hbm>>
        tpu.wait_indirect_dma semaphore(%arg20 : memref<!tpu.dma_semaphore, #tpu.memory_space<semaphore_mem>>) src(%dma_wait3A_246 : memref<10240x128xf32, #tpu.memory_space<hbm>>) dst(%arg16 : memref<128x128xf32, #tpu.memory_space<vmem>>)
        %run_scoped3A = arith.constant 0 : i32
        "tpu.region"() ({
          %run_scoped3A_247 = tpu.sem_alloc : memref<!tpu.dma_semaphore, #tpu.memory_space<semaphore_mem>>
          %dma_start3A_248 = arith.constant 0 : i32
          %dma_start3A_249 = tpu.memref_slice %arg15[%run_scoped3A, %dma_start3A_248] : memref<17x128xi32, #tpu.memory_space<vmem>> -> memref<1x128xi32, #tpu.memory_space<vmem>>
          %dma_start3A_250 = tpu.memref_squeeze %dma_start3A_249 : memref<1x128xi32, #tpu.memory_space<vmem>> -> memref<128xi32, #tpu.memory_space<vmem>>
          %dma_start3A_251 = arith.constant 0 : i32
          %dma_start3A_252 = arith.constant 0 : i32
          %dma_start3A_253 = tpu.memref_slice %arg19[%dma_start3A_251, %dma_start3A_252] : memref<8200x128xf32, #tpu.memory_space<vmem_shared>> -> memref<8200x128xf32, #tpu.memory_space<vmem_shared>>
          tpu.enqueue_indirect_dma source(%arg16 : memref<128x128xf32, #tpu.memory_space<vmem>>) target(%dma_start3A_253 : memref<8200x128xf32, #tpu.memory_space<vmem_shared>>) offsets(%dma_start3A_250 : memref<128xi32, #tpu.memory_space<vmem>>) semaphore(%run_scoped3A_247 : memref<!tpu.dma_semaphore, #tpu.memory_space<semaphore_mem>>) {add = true}
          %dma_wait3A_254 = arith.constant 0 : i32
          %dma_wait3A_255 = tpu.memref_slice %arg15[%run_scoped3A, %dma_wait3A_254] : memref<17x128xi32, #tpu.memory_space<vmem>> -> memref<1x128xi32, #tpu.memory_space<vmem>>
          %dma_wait3A_256 = tpu.memref_squeeze %dma_wait3A_255 : memref<1x128xi32, #tpu.memory_space<vmem>> -> memref<128xi32, #tpu.memory_space<vmem>>
          %dma_wait3A_257 = arith.constant 0 : i32
          %dma_wait3A_258 = arith.constant 0 : i32
          %dma_wait3A_259 = tpu.memref_slice %arg19[%dma_wait3A_257, %dma_wait3A_258] : memref<8200x128xf32, #tpu.memory_space<vmem_shared>> -> memref<8200x128xf32, #tpu.memory_space<vmem_shared>>
          tpu.wait_indirect_dma semaphore(%run_scoped3A_247 : memref<!tpu.dma_semaphore, #tpu.memory_space<semaphore_mem>>) src(%arg16 : memref<128x128xf32, #tpu.memory_space<vmem>>) dst(%dma_wait3A_259 : memref<8200x128xf32, #tpu.memory_space<vmem_shared>>)
          tpu.yield
        }) : () -> ()
      } else {
      }
      %barrier3A_191 = arith.constant 0 : index
      tpu.barrier barrier_id(%barrier3A_191)
      %jit3A = arith.constant 2 : i32
      %div3A = arith.divsi %arg1, %jit3A : i32
      %sign3A = arith.constant 0 : i32
      %sign3A_192 = arith.cmpi sgt, %arg1, %sign3A : i32
      %sign3A_193 = arith.extui %sign3A_192 : i1 to i32
      %sign3A_194 = arith.constant 0 : i32
      %sign3A_195 = arith.cmpi slt, %arg1, %sign3A_194 : i32
      %sign3A_196 = arith.extui %sign3A_195 : i1 to i32
      %sign3A_197 = arith.subi %sign3A_193, %sign3A_196 : i32
      %sign3A_198 = arith.constant 0 : i32
      %sign3A_199 = arith.cmpi sgt, %jit3A, %sign3A_198 : i32
      %sign3A_200 = arith.extui %sign3A_199 : i1 to i32
      %sign3A_201 = arith.constant 0 : i32
      %sign3A_202 = arith.cmpi slt, %jit3A, %sign3A_201 : i32
      %sign3A_203 = arith.extui %sign3A_202 : i1 to i32
      %sign3A_204 = arith.subi %sign3A_200, %sign3A_203 : i32
      %ne3A = arith.cmpi ne, %sign3A_197, %sign3A_204 : i32
      %rem3A = arith.remsi %arg1, %jit3A : i32
      %ne3A_205 = arith.constant 0 : i32
      %ne3A_206 = arith.cmpi ne, %rem3A, %ne3A_205 : i32
      %and3A_207 = arith.andi %ne3A, %ne3A_206 : i1
      %sub3A_208 = arith.constant 1 : i32
      %sub3A_209 = arith.subi %div3A, %sub3A_208 : i32
      %select_n3A = arith.select %and3A_207, %sub3A_209, %div3A : i32
      %mul3A_210 = arith.constant 10240 : i32
      %mul3A_211 = arith.muli %select_n3A, %mul3A_210 : i32
      %mul3A_212 = arith.constant 1024 : i32
      %mul3A_213 = arith.muli %add3A_24, %mul3A_212 : i32
      %add3A_214 = arith.addi %mul3A_211, %mul3A_213 : i32
      %jit3A_215 = arith.constant 2 : i32
      %eq3A_216 = arith.constant 0 : i32
      %eq3A_217 = arith.cmpi eq, %jit3A_215, %eq3A_216 : i32
      %jit3A_218 = arith.constant 1 : i32
      %select_n3A_219 = arith.select %eq3A_217, %jit3A_218, %jit3A_215 : i32
      %rem3A_220 = arith.remsi %arg1, %select_n3A_219 : i32
      %ne3A_221 = arith.constant 0 : i32
      %ne3A_222 = arith.cmpi ne, %rem3A_220, %ne3A_221 : i32
      %lt3A_223 = arith.constant 0 : i32
      %lt3A_224 = arith.cmpi slt, %rem3A_220, %lt3A_223 : i32
      %lt3A_225 = arith.constant 0 : i32
      %lt3A_226 = arith.cmpi slt, %select_n3A_219, %lt3A_225 : i32
      %ne3A_227 = arith.xori %lt3A_224, %lt3A_226 : i1
      %and3A_228 = arith.andi %ne3A_227, %ne3A_222 : i1
      %add3A_229 = arith.addi %rem3A_220, %select_n3A_219 : i32
      %select_n3A_230 = arith.select %and3A_228, %add3A_229, %rem3A_220 : i32
      %mul3A_231 = arith.constant 512 : i32
      %mul3A_232 = arith.muli %select_n3A_230, %mul3A_231 : i32
      %add3A_233 = arith.addi %add3A_214, %mul3A_232 : i32
      "tpu.region"() ({
        %run_scoped3A = tpu.sem_alloc : memref<!tpu.dma_semaphore, #tpu.memory_space<semaphore_mem>>
        %dma_start3A_234 = arith.constant 0 : i32
        %dma_start3A_235 = tpu.memref_slice %arg7[%add3A_233, %dma_start3A_234] : memref<81920x128xf32, #tpu.memory_space<hbm>> -> memref<512x128xf32, #tpu.memory_space<hbm>>
        %dma_start3A_236 = arith.constant 0 : i32
        %dma_start3A_237 = tpu.memref_slice %arg19[%mul3A_7, %dma_start3A_236] : memref<8200x128xf32, #tpu.memory_space<vmem_shared>> -> memref<512x128xf32, #tpu.memory_space<vmem_shared>>
        tpu.enqueue_dma source(%dma_start3A_237 : memref<512x128xf32, #tpu.memory_space<vmem_shared>>) target(%dma_start3A_235 : memref<512x128xf32, #tpu.memory_space<hbm>>) target_semaphore(%run_scoped3A : memref<!tpu.dma_semaphore, #tpu.memory_space<semaphore_mem>>)
        %dma_wait3A = arith.constant 0 : i32
        %dma_wait3A_238 = tpu.memref_slice %arg7[%add3A_233, %dma_wait3A] : memref<81920x128xf32, #tpu.memory_space<hbm>> -> memref<512x128xf32, #tpu.memory_space<hbm>>
        %dma_wait3A_239 = arith.constant 0 : i32
        %dma_wait3A_240 = tpu.memref_slice %arg19[%mul3A_7, %dma_wait3A_239] : memref<8200x128xf32, #tpu.memory_space<vmem_shared>> -> memref<512x128xf32, #tpu.memory_space<vmem_shared>>
        tpu.wait_dma2 semaphore(%run_scoped3A : memref<!tpu.dma_semaphore, #tpu.memory_space<semaphore_mem>>) src(%dma_wait3A_240 : memref<512x128xf32, #tpu.memory_space<vmem_shared>>) dst(%dma_wait3A_238 : memref<512x128xf32, #tpu.memory_space<hbm>>)
        tpu.yield
      }) : () -> ()
    }
    %scan3A_20 = arith.constant 5 : i32
    return
  }
}

module attributes {stable_mosaic.version = 14 : i64} {
  func.func @body(%arg0: memref<8x32xf32, #tpu.memory_space<vmem>>, %arg1: memref<32x16384xf32, #tpu.memory_space<vmem>>, %arg2: memref<8x16384xf32, #tpu.memory_space<vmem>>) attributes {dimension_semantics = [], scalar_prefetch = 0 : i64, scratch_operands = 0 : i64, tpu.core_type = #tpu.core_type<tc>} {
    %get3A = arith.constant 0 : index
    %get3A_0 = arith.constant 0 : index
    %get3A_1 = vector.load %arg0[%get3A, %get3A_0] : memref<8x32xf32, #tpu.memory_space<vmem>>, vector<8x32xf32>
    %get3A_2 = arith.constant 0 : index
    %get3A_3 = arith.constant 0 : index
    %get3A_4 = vector.load %arg1[%get3A_2, %get3A_3] : memref<32x16384xf32, #tpu.memory_space<vmem>>, vector<32x16384xf32>
    %dot_general3A = arith.constant dense<0.000000e+00> : vector<8x16384xf32>
    %dot_general3A_5 = tpu.matmul %get3A_1, %get3A_4, %dot_general3A {dimension_numbers = #tpu.dot_dimension_numbers<[1], [0], [0], [1], [0, 0, 1, 1], [], []>, transpose_lhs_hint = false} : vector<8x32xf32>, vector<32x16384xf32>, vector<8x16384xf32> -> vector<8x16384xf32>
    %swap3A = arith.constant 0 : index
    %swap3A_6 = arith.constant 0 : index
    %swap3A_7 = vector.load %arg2[%swap3A, %swap3A_6] : memref<8x16384xf32, #tpu.memory_space<vmem>>, vector<8x16384xf32>
    tpu.vector_store %arg2[%swap3A, %swap3A_6], %dot_general3A_5 {strides = array<i32>} : memref<8x16384xf32, #tpu.memory_space<vmem>>, vector<8x16384xf32>,
    return
  }
}

module attributes {stable_mosaic.version = 14 : i64} {
  func.func @body(%arg0: i32, %arg1: i32, %arg2: memref<1x1024x128xf32, #tpu.memory_space<vmem>>, %arg3: memref<16x1x1024x1xf32, #tpu.memory_space<vmem>>, %arg4: memref<1024x128xf32, #tpu.memory_space<vmem>>, %arg5: memref<1x128x128xf32, #tpu.memory_space<vmem>>, %arg6: memref<128x128xf32, #tpu.memory_space<vmem>>, %arg7: memref<1x128xf32, #tpu.memory_space<vmem>>, %arg8: memref<1024x128xf32, #tpu.memory_space<vmem>>) attributes {dimension_semantics = [#tpu.dimension_semantics<arbitrary>, #tpu.dimension_semantics<arbitrary>], iteration_bounds = array<i64: 10, 8>, scalar_prefetch = 0 : i64, scratch_operands = 0 : i64, tpu.core_type = #tpu.core_type<tc>, window_params = [{transform_indices = @transform_0, window_bounds = array<i64: 1, 1024, 128>}, {transform_indices = @transform_1, window_bounds = array<i64: 16, 1, 1024, 1>}, {transform_indices = @transform_2, window_bounds = array<i64: 1024, 128>}, {transform_indices = @transform_3, window_bounds = array<i64: 1, 128, 128>}, {pipeline_mode = #tpu.pipeline_mode<synchronous>, transform_indices = @transform_4, window_bounds = array<i64: 128, 128>}, {pipeline_mode = #tpu.pipeline_mode<synchronous>, transform_indices = @transform_5, window_bounds = array<i64: 1, 128>}, {transform_indices = @transform_6, window_bounds = array<i64: 1024, 128>}]} {
    %eq3A = arith.constant 0 : i32
    %eq3A_0 = arith.cmpi eq, %arg1, %eq3A : i32
    %convert_element_type3A = arith.extui %eq3A_0 : i1 to i32
    %cond3A = arith.constant 0 : i32
    %cond3A_1 = arith.cmpi ne, %convert_element_type3A, %cond3A : i32
    scf.if %cond3A_1 {
      %get3A_34 = arith.constant 0 : index
      %get3A_35 = arith.constant 0 : index
      %get3A_36 = vector.load %arg4[%get3A_34, %get3A_35] : memref<1024x128xf32, #tpu.memory_space<vmem>>, vector<1024x128xf32>
      %get3A_37 = arith.constant 0 : index
      %get3A_38 = arith.constant 0 : index
      %get3A_39 = vector.load %arg6[%get3A_37, %get3A_38] : memref<128x128xf32, #tpu.memory_space<vmem>>, vector<128x128xf32>
      %dot_general3A_40 = arith.constant dense<0.000000e+00> : vector<1024x128xf32>
      %dot_general3A_41 = tpu.matmul %get3A_36, %get3A_39, %dot_general3A_40 {dimension_numbers = #tpu.dot_dimension_numbers<[1], [0], [0], [1], [0, 0, 1, 1], [], []>, transpose_lhs_hint = false} : vector<1024x128xf32>, vector<128x128xf32>, vector<1024x128xf32> -> vector<1024x128xf32>
      %get3A_42 = arith.constant 0 : index
      %get3A_43 = arith.constant 0 : index
      %get3A_44 = vector.load %arg7[%get3A_42, %get3A_43] : memref<1x128xf32, #tpu.memory_space<vmem>>, vector<1x128xf32>
      %add3A_45 = vector.broadcast %get3A_44 : vector<1x128xf32> to vector<1024x128xf32>
      %add3A_46 = arith.addf %dot_general3A_41, %add3A_45 : vector<1024x128xf32>
      %swap3A_47 = arith.constant 0 : index
      %swap3A_48 = arith.constant 0 : index
      %swap3A_49 = vector.load %arg8[%swap3A_47, %swap3A_48] : memref<1024x128xf32, #tpu.memory_space<vmem>>, vector<1024x128xf32>
      tpu.vector_store %arg8[%swap3A_47, %swap3A_48], %add3A_46 {strides = array<i32>} : memref<1024x128xf32, #tpu.memory_space<vmem>>, vector<1024x128xf32>,
    } else {
    }
    %get3A = arith.constant 0 : index
    %get3A_2 = arith.constant 0 : index
    %get3A_3 = arith.constant 0 : index
    %get3A_4 = vector.load %arg2[%get3A, %get3A_2, %get3A_3] : memref<1x1024x128xf32, #tpu.memory_space<vmem>>, vector<1x1024x128xf32>
    %get3A_5 = vector.shape_cast %get3A_4 : vector<1x1024x128xf32> to vector<1024x128xf32>
    %get3A_6 = arith.constant 0 : index
    %get3A_7 = arith.constant 0 : index
    %get3A_8 = arith.constant 0 : index
    %get3A_9 = arith.constant 0 : index
    %get3A_10 = vector.load %arg3[%get3A_6, %get3A_7, %get3A_8, %get3A_9] : memref<16x1x1024x1xf32, #tpu.memory_space<vmem>>, vector<16x1x1024x1xf32>
    %get3A_11 = vector.shape_cast %get3A_10 : vector<16x1x1024x1xf32> to vector<16x1024x1xf32>
    %reduce_sum3A = arith.constant dense<0.000000e+00> : vector<1024x1xf32>
    %reduce_sum3A_12 = vector.multi_reduction <add>, %get3A_11, %reduce_sum3A [0] : vector<16x1024x1xf32> to vector<1024x1xf32>
    %max3A = arith.constant 1.000000e+00 : f32
    %max3A_13 = vector.broadcast %max3A : f32 to vector<1024x1xf32>
    %max3A_14 = arith.maximumf %reduce_sum3A_12, %max3A_13 : vector<1024x1xf32>
    %div3A = arith.constant 1.000000e+00 : f32
    %div3A_15 = vector.broadcast %div3A : f32 to vector<1024x1xf32>
    %div3A_16 = arith.divf %div3A_15, %max3A_14 : vector<1024x1xf32>
    %get3A_17 = arith.constant 0 : index
    %get3A_18 = arith.constant 0 : index
    %get3A_19 = vector.load %arg8[%get3A_17, %get3A_18] : memref<1024x128xf32, #tpu.memory_space<vmem>>, vector<1024x128xf32>
    %mul3A = vector.broadcast %div3A_16 : vector<1024x1xf32> to vector<1024x128xf32>
    %mul3A_20 = arith.mulf %get3A_5, %mul3A : vector<1024x128xf32>
    %get3A_21 = arith.constant 0 : index
    %get3A_22 = arith.constant 0 : index
    %get3A_23 = arith.constant 0 : index
    %get3A_24 = vector.load %arg5[%get3A_21, %get3A_22, %get3A_23] : memref<1x128x128xf32, #tpu.memory_space<vmem>>, vector<1x128x128xf32>
    %get3A_25 = vector.shape_cast %get3A_24 : vector<1x128x128xf32> to vector<128x128xf32>
    %dot_general3A = arith.constant dense<0.000000e+00> : vector<1024x128xf32>
    %dot_general3A_26 = tpu.matmul %mul3A_20, %get3A_25, %dot_general3A {dimension_numbers = #tpu.dot_dimension_numbers<[1], [0], [0], [1], [0, 0, 1, 1], [], []>, transpose_lhs_hint = false} : vector<1024x128xf32>, vector<128x128xf32>, vector<1024x128xf32> -> vector<1024x128xf32>
    %add3A = arith.addf %get3A_19, %dot_general3A_26 : vector<1024x128xf32>
    %swap3A = arith.constant 0 : index
    %swap3A_27 = arith.constant 0 : index
    %swap3A_28 = vector.load %arg8[%swap3A, %swap3A_27] : memref<1024x128xf32, #tpu.memory_space<vmem>>, vector<1024x128xf32>
    tpu.vector_store %arg8[%swap3A, %swap3A_27], %add3A {strides = array<i32>} : memref<1024x128xf32, #tpu.memory_space<vmem>>, vector<1024x128xf32>,
    %eq3A_29 = arith.constant 7 : i32
    %eq3A_30 = arith.cmpi eq, %arg1, %eq3A_29 : i32
    %convert_element_type3A_31 = arith.extui %eq3A_30 : i1 to i32
    %cond3A_32 = arith.constant 0 : i32
    %cond3A_33 = arith.cmpi ne, %convert_element_type3A_31, %cond3A_32 : i32
    scf.if %cond3A_33 {
      %get3A_34 = arith.constant 0 : index
      %get3A_35 = arith.constant 0 : index
      %get3A_36 = vector.load %arg8[%get3A_34, %get3A_35] : memref<1024x128xf32, #tpu.memory_space<vmem>>, vector<1024x128xf32>
      %gt3A = arith.constant 0.000000e+00 : f32
      %gt3A_37 = vector.broadcast %gt3A : f32 to vector<1024x128xf32>
      %gt3A_38 = arith.cmpf ogt, %get3A_36, %gt3A_37 : vector<1024x128xf32>
      %mul3A_39 = arith.constant 0.00999999977 : f32
      %mul3A_40 = vector.broadcast %mul3A_39 : f32 to vector<1024x128xf32>
      %mul3A_41 = arith.mulf %mul3A_40, %get3A_36 : vector<1024x128xf32>
      %select_n3A = arith.select %gt3A_38, %get3A_36, %mul3A_41 : vector<1024x128xi1>, vector<1024x128xf32>
      %swap3A_42 = arith.constant 0 : index
      %swap3A_43 = arith.constant 0 : index
      %swap3A_44 = vector.load %arg8[%swap3A_42, %swap3A_43] : memref<1024x128xf32, #tpu.memory_space<vmem>>, vector<1024x128xf32>
      tpu.vector_store %arg8[%swap3A_42, %swap3A_43], %select_n3A {strides = array<i32>} : memref<1024x128xf32, #tpu.memory_space<vmem>>, vector<1024x128xf32>,
    } else {
    }
    return
  }
  func.func @transform_0(%arg0: i32, %arg1: i32) -> (i32, i32, i32) {
    %c0_i32 = arith.constant 0 : i32
    %c0_i32_0 = arith.constant 0 : i32
    return %arg1, %arg0, %c0_i32 : i32, i32, i32
  }
  func.func @transform_1(%arg0: i32, %arg1: i32) -> (i32, i32, i32, i32) {
    %c0_i32 = arith.constant 0 : i32
    %c0_i32_0 = arith.constant 0 : i32
    %c0_i32_1 = arith.constant 0 : i32
    return %c0_i32, %arg1, %arg0, %c0_i32_0 : i32, i32, i32, i32
  }
  func.func @transform_2(%arg0: i32, %arg1: i32) -> (i32, i32) {
    %c0_i32 = arith.constant 0 : i32
    %c0_i32_0 = arith.constant 0 : i32
    return %arg0, %c0_i32 : i32, i32
  }
  func.func @transform_3(%arg0: i32, %arg1: i32) -> (i32, i32, i32) {
    %c0_i32 = arith.constant 0 : i32
    %c0_i32_0 = arith.constant 0 : i32
    %c0_i32_1 = arith.constant 0 : i32
    return %arg1, %c0_i32, %c0_i32_0 : i32, i32, i32
  }
  func.func @transform_4(%arg0: i32, %arg1: i32) -> (i32, i32) {
    %c0_i32 = arith.constant 0 : i32
    %c0_i32_0 = arith.constant 0 : i32
    %c0_i32_1 = arith.constant 0 : i32
    return %c0_i32, %c0_i32_0 : i32, i32
  }
  func.func @transform_5(%arg0: i32, %arg1: i32) -> (i32, i32) {
    %c0_i32 = arith.constant 0 : i32
    %c0_i32_0 = arith.constant 0 : i32
    %c0_i32_1 = arith.constant 0 : i32
    return %c0_i32, %c0_i32_0 : i32, i32
  }
  func.func @transform_6(%arg0: i32, %arg1: i32) -> (i32, i32) {
    %c0_i32 = arith.constant 0 : i32
    %c0_i32_0 = arith.constant 0 : i32
    return %arg0, %c0_i32 : i32, i32
  }
}

module attributes {stable_mosaic.version = 14 : i64} {
  func.func @body(%arg0: memref<8x32xf32, #tpu.memory_space<vmem>>, %arg1: memref<32x8192xf32, #tpu.memory_space<vmem>>, %arg2: memref<8x8192xf32, #tpu.memory_space<vmem>>) attributes {dimension_semantics = [], scalar_prefetch = 0 : i64, scratch_operands = 0 : i64, tpu.core_type = #tpu.core_type<tc>} {
    %get3A = arith.constant 0 : index
    %get3A_0 = arith.constant 0 : index
    %get3A_1 = vector.load %arg0[%get3A, %get3A_0] : memref<8x32xf32, #tpu.memory_space<vmem>>, vector<8x32xf32>
    %get3A_2 = arith.constant 0 : index
    %get3A_3 = arith.constant 0 : index
    %get3A_4 = vector.load %arg1[%get3A_2, %get3A_3] : memref<32x8192xf32, #tpu.memory_space<vmem>>, vector<32x8192xf32>
    %dot_general3A = arith.constant dense<0.000000e+00> : vector<8x8192xf32>
    %dot_general3A_5 = tpu.matmul %get3A_1, %get3A_4, %dot_general3A {dimension_numbers = #tpu.dot_dimension_numbers<[1], [0], [0], [1], [0, 0, 1, 1], [], []>, transpose_lhs_hint = false} : vector<8x32xf32>, vector<32x8192xf32>, vector<8x8192xf32> -> vector<8x8192xf32>
    %swap3A = arith.constant 0 : index
    %swap3A_6 = arith.constant 0 : index
    %swap3A_7 = vector.load %arg2[%swap3A, %swap3A_6] : memref<8x8192xf32, #tpu.memory_space<vmem>>, vector<8x8192xf32>
    tpu.vector_store %arg2[%swap3A, %swap3A_6], %dot_general3A_5 {strides = array<i32>} : memref<8x8192xf32, #tpu.memory_space<vmem>>, vector<8x8192xf32>,
    return
  }
}

module attributes {stable_mosaic.version = 14 : i64} {
  func.func @body(%arg0: i32, %arg1: i32, %arg2: memref<1x1024x128xf32, #tpu.memory_space<vmem>>, %arg3: memref<16x1x1024x1xf32, #tpu.memory_space<vmem>>, %arg4: memref<1024x128xf32, #tpu.memory_space<vmem>>, %arg5: memref<1x128x64xf32, #tpu.memory_space<vmem>>, %arg6: memref<128x64xf32, #tpu.memory_space<vmem>>, %arg7: memref<1x64xf32, #tpu.memory_space<vmem>>, %arg8: memref<1024x64xf32, #tpu.memory_space<vmem>>) attributes {dimension_semantics = [#tpu.dimension_semantics<arbitrary>, #tpu.dimension_semantics<arbitrary>], iteration_bounds = array<i64: 10, 8>, scalar_prefetch = 0 : i64, scratch_operands = 0 : i64, tpu.core_type = #tpu.core_type<tc>, window_params = [{transform_indices = @transform_0, window_bounds = array<i64: 1, 1024, 128>}, {transform_indices = @transform_1, window_bounds = array<i64: 16, 1, 1024, 1>}, {transform_indices = @transform_2, window_bounds = array<i64: 1024, 128>}, {transform_indices = @transform_3, window_bounds = array<i64: 1, 128, 64>}, {pipeline_mode = #tpu.pipeline_mode<synchronous>, transform_indices = @transform_4, window_bounds = array<i64: 128, 64>}, {pipeline_mode = #tpu.pipeline_mode<synchronous>, transform_indices = @transform_5, window_bounds = array<i64: 1, 64>}, {transform_indices = @transform_6, window_bounds = array<i64: 1024, 64>}]} {
    %eq3A = arith.constant 0 : i32
    %eq3A_0 = arith.cmpi eq, %arg1, %eq3A : i32
    %convert_element_type3A = arith.extui %eq3A_0 : i1 to i32
    %cond3A = arith.constant 0 : i32
    %cond3A_1 = arith.cmpi ne, %convert_element_type3A, %cond3A : i32
    scf.if %cond3A_1 {
      %get3A_29 = arith.constant 0 : index
      %get3A_30 = arith.constant 0 : index
      %get3A_31 = vector.load %arg4[%get3A_29, %get3A_30] : memref<1024x128xf32, #tpu.memory_space<vmem>>, vector<1024x128xf32>
      %get3A_32 = arith.constant 0 : index
      %get3A_33 = arith.constant 0 : index
      %get3A_34 = vector.load %arg6[%get3A_32, %get3A_33] : memref<128x64xf32, #tpu.memory_space<vmem>>, vector<128x64xf32>
      %dot_general3A_35 = arith.constant dense<0.000000e+00> : vector<1024x64xf32>
      %dot_general3A_36 = tpu.matmul %get3A_31, %get3A_34, %dot_general3A_35 {dimension_numbers = #tpu.dot_dimension_numbers<[1], [0], [0], [1], [0, 0, 1, 1], [], []>, transpose_lhs_hint = false} : vector<1024x128xf32>, vector<128x64xf32>, vector<1024x64xf32> -> vector<1024x64xf32>
      %get3A_37 = arith.constant 0 : index
      %get3A_38 = arith.constant 0 : index
      %get3A_39 = vector.load %arg7[%get3A_37, %get3A_38] : memref<1x64xf32, #tpu.memory_space<vmem>>, vector<1x64xf32>
      %add3A_40 = vector.broadcast %get3A_39 : vector<1x64xf32> to vector<1024x64xf32>
      %add3A_41 = arith.addf %dot_general3A_36, %add3A_40 : vector<1024x64xf32>
      %swap3A_42 = arith.constant 0 : index
      %swap3A_43 = arith.constant 0 : index
      %swap3A_44 = vector.load %arg8[%swap3A_42, %swap3A_43] : memref<1024x64xf32, #tpu.memory_space<vmem>>, vector<1024x64xf32>
      tpu.vector_store %arg8[%swap3A_42, %swap3A_43], %add3A_41 {strides = array<i32>} : memref<1024x64xf32, #tpu.memory_space<vmem>>, vector<1024x64xf32>,
    } else {
    }
    %get3A = arith.constant 0 : index
    %get3A_2 = arith.constant 0 : index
    %get3A_3 = arith.constant 0 : index
    %get3A_4 = vector.load %arg2[%get3A, %get3A_2, %get3A_3] : memref<1x1024x128xf32, #tpu.memory_space<vmem>>, vector<1x1024x128xf32>
    %get3A_5 = vector.shape_cast %get3A_4 : vector<1x1024x128xf32> to vector<1024x128xf32>
    %get3A_6 = arith.constant 0 : index
    %get3A_7 = arith.constant 0 : index
    %get3A_8 = arith.constant 0 : index
    %get3A_9 = arith.constant 0 : index
    %get3A_10 = vector.load %arg3[%get3A_6, %get3A_7, %get3A_8, %get3A_9] : memref<16x1x1024x1xf32, #tpu.memory_space<vmem>>, vector<16x1x1024x1xf32>
    %get3A_11 = vector.shape_cast %get3A_10 : vector<16x1x1024x1xf32> to vector<16x1024x1xf32>
    %reduce_sum3A = arith.constant dense<0.000000e+00> : vector<1024x1xf32>
    %reduce_sum3A_12 = vector.multi_reduction <add>, %get3A_11, %reduce_sum3A [0] : vector<16x1024x1xf32> to vector<1024x1xf32>
    %max3A = arith.constant 1.000000e+00 : f32
    %max3A_13 = vector.broadcast %max3A : f32 to vector<1024x1xf32>
    %max3A_14 = arith.maximumf %reduce_sum3A_12, %max3A_13 : vector<1024x1xf32>
    %div3A = arith.constant 1.000000e+00 : f32
    %div3A_15 = vector.broadcast %div3A : f32 to vector<1024x1xf32>
    %div3A_16 = arith.divf %div3A_15, %max3A_14 : vector<1024x1xf32>
    %get3A_17 = arith.constant 0 : index
    %get3A_18 = arith.constant 0 : index
    %get3A_19 = vector.load %arg8[%get3A_17, %get3A_18] : memref<1024x64xf32, #tpu.memory_space<vmem>>, vector<1024x64xf32>
    %mul3A = vector.broadcast %div3A_16 : vector<1024x1xf32> to vector<1024x128xf32>
    %mul3A_20 = arith.mulf %get3A_5, %mul3A : vector<1024x128xf32>
    %get3A_21 = arith.constant 0 : index
    %get3A_22 = arith.constant 0 : index
    %get3A_23 = arith.constant 0 : index
    %get3A_24 = vector.load %arg5[%get3A_21, %get3A_22, %get3A_23] : memref<1x128x64xf32, #tpu.memory_space<vmem>>, vector<1x128x64xf32>
    %get3A_25 = vector.shape_cast %get3A_24 : vector<1x128x64xf32> to vector<128x64xf32>
    %dot_general3A = arith.constant dense<0.000000e+00> : vector<1024x64xf32>
    %dot_general3A_26 = tpu.matmul %mul3A_20, %get3A_25, %dot_general3A {dimension_numbers = #tpu.dot_dimension_numbers<[1], [0], [0], [1], [0, 0, 1, 1], [], []>, transpose_lhs_hint = false} : vector<1024x128xf32>, vector<128x64xf32>, vector<1024x64xf32> -> vector<1024x64xf32>
    %add3A = arith.addf %get3A_19, %dot_general3A_26 : vector<1024x64xf32>
    %swap3A = arith.constant 0 : index
    %swap3A_27 = arith.constant 0 : index
    %swap3A_28 = vector.load %arg8[%swap3A, %swap3A_27] : memref<1024x64xf32, #tpu.memory_space<vmem>>, vector<1024x64xf32>
    tpu.vector_store %arg8[%swap3A, %swap3A_27], %add3A {strides = array<i32>} : memref<1024x64xf32, #tpu.memory_space<vmem>>, vector<1024x64xf32>,
    return
  }
  func.func @transform_0(%arg0: i32, %arg1: i32) -> (i32, i32, i32) {
    %c0_i32 = arith.constant 0 : i32
    %c0_i32_0 = arith.constant 0 : i32
    return %arg1, %arg0, %c0_i32 : i32, i32, i32
  }
  func.func @transform_1(%arg0: i32, %arg1: i32) -> (i32, i32, i32, i32) {
    %c0_i32 = arith.constant 0 : i32
    %c0_i32_0 = arith.constant 0 : i32
    %c0_i32_1 = arith.constant 0 : i32
    return %c0_i32, %arg1, %arg0, %c0_i32_0 : i32, i32, i32, i32
  }
  func.func @transform_2(%arg0: i32, %arg1: i32) -> (i32, i32) {
    %c0_i32 = arith.constant 0 : i32
    %c0_i32_0 = arith.constant 0 : i32
    return %arg0, %c0_i32 : i32, i32
  }
  func.func @transform_3(%arg0: i32, %arg1: i32) -> (i32, i32, i32) {
    %c0_i32 = arith.constant 0 : i32
    %c0_i32_0 = arith.constant 0 : i32
    %c0_i32_1 = arith.constant 0 : i32
    return %arg1, %c0_i32, %c0_i32_0 : i32, i32, i32
  }
  func.func @transform_4(%arg0: i32, %arg1: i32) -> (i32, i32) {
    %c0_i32 = arith.constant 0 : i32
    %c0_i32_0 = arith.constant 0 : i32
    %c0_i32_1 = arith.constant 0 : i32
    return %c0_i32, %c0_i32_0 : i32, i32
  }
  func.func @transform_5(%arg0: i32, %arg1: i32) -> (i32, i32) {
    %c0_i32 = arith.constant 0 : i32
    %c0_i32_0 = arith.constant 0 : i32
    %c0_i32_1 = arith.constant 0 : i32
    return %c0_i32, %c0_i32_0 : i32, i32
  }
  func.func @transform_6(%arg0: i32, %arg1: i32) -> (i32, i32) {
    %c0_i32 = arith.constant 0 : i32
    %c0_i32_0 = arith.constant 0 : i32
    return %arg0, %c0_i32 : i32, i32
  }
}

</mosaic_0001>

<sc_bundles>
// kernel: kernel.11.cloned.1.call-start
scs
__scs_entry_jumppad:
0x0: {  	(pc) =	sbr.rel $0x88, $3  }
0x1: {  	(tag) =	ssettag $0x0;
	lr =	simm.s32 $0x1  }
0x2: {  	[smem:$0x3F96] =	sst lr;
	_ =	strace $0xD0000000  }
0x3: {  	_ = 	snop  }
0x4: {  	_ = 	snop  }
0x5: {  	_ = 	snop  }
0x6: {  	_ = 	snop  }
0x7: {  	_ = 	snop  }
__scs_overlays_trampoline_lowered:
0x8: {  	[smem:$0x3FA5] =	sst s0  }
0x9: {  	[smem:$0x3FA6] =	sst s1  }
0xa: {  	[smem:$0x3FA7] =	sst s2  }
0xb: {  	[smem:$0x3FA8] =	sst s3  }
0xc: {  	[smem:$0x3FA9] =	sst s4  }
0xd: {  	[smem:$0x3FAA] =	sst s5  }
0xe: {  	[smem:$0x3FAB] =	sst s6  }
0xf: {  	[smem:$0x3FAC] =	sst s7  }
0x10: {  	[smem:$0x3FAD] =	sst s8  }
0x11: {  	[smem:$0x3FAE] =	sst s9;
	s0 =	simm.s32 @!p0 $0x0  }
0x12: {  	s1 =	sld [smem:$0x3F94];
	s0 =	simm.s32 @p0 $0x1  }
0x13: {  	[smem:$0x3FAF] =	sst s0;
	s0 =	simm.s32 @!p1 $0x0  }
0x14: {  	s2 =	sld [smem:$0x3F93];
	s0 =	simm.s32 @p1 $0x1  }
0x15: {  	[smem:$0x3FB0] =	sst s0;
	s0 =	simm.s32 @!p2 $0x0  }
0x16: {  	s3 =	sld [smem:$0x3FDB];
	s0 =	simm.s32 @p2 $0x1  }
0x17: {  	s4 =	simm.s32 $0x1BF5;
	[smem:$0x3FB2] =	sst s0  }
0x18: {  	s0 =	sld [smem:$0x3F95];
	_ =	swait.ge [sflag:s4], $0x0  }
0x19: {  	s7 =	sld [smem:$0x3F96]  }
0x1a: {  	s8 =	sadd.s32 $0xFFFFE003, lr  }
0x1b: {  	s9 =	sadd.s32 $0xFFFFFEF7, lr;
	s5 =	simm.s32 $0xFFFFFFFF;
	p2 =	slt.u32 s8, $0xFFFFF086  }
0x1c: {  	p1 =	slt.u32 s9, $0xF7A;
	s5 =	simm.s32 @!p2 $0x0  }
0x1d: {  	s5 =	simm.s32 @p1 $0x1;
	p0 =	seq.s32 s7, s2  }
0x1e: {  	s7 =	smul.u32 @!p0 $0xF7A, s2;
	p2 =	seq.s32 @!p0 s5, $0x0  }
0x1f: {  	s9 =	smul.u32 $0xF7A, s1;
	s8 =	simm.s32 @!p0 $0x1BF5;
	p2 =	por !p2, p0  }
0x20: {  	[sflag:s8] =	ssyncset.s32 @!p0 $0xFFFFF086;
	s6 =	sadd.s32 @!p0 s3, s7;
	s7 =	simm.s32 @!p0 $0x108  }
0x21: {  	s3 =	sadd.s32 s3, s9;
	s6 =	sadd.s32 @!p0 $0x88, s6;
	s7 =	simm.s32 @p2 $0x1082  }
0x22: {  	[simem:s7], [sflag:s8] =	dma.local @!p0 [hbm:s6], $0xF7A  }
0x23: {  	s9 =	sor.u32 $0xD0000000, s2;
	s6 =	simm.s32 $0x108;
	_ =	swait.ge @!p0 [sflag:s8], $0x0  }
0x24: {  	s3 =	sadd.s32 $0x88, s3;
	s6 =	simm.s32 @!p1 $0x1082;
	[sflag:s4] =	ssyncset.s32 $0xFFFFF086  }
0x25: {  	[simem:s6], [sflag:s4] =	dma.local [hbm:s3], $0xF7A  }
0x26: {  	[smem:$0x3F96] =	sst s1;
	(tag) =	ssettag s2;
	_ =	strace s9  }
0x27: {  	s1 =	sld [smem:$0x3FA6]  }
0x28: {  	s2 =	sld [smem:$0x3FA7]  }
0x29: {  	s4 =	sld [smem:$0x3FA9]  }
0x2a: {  	p0 =	seq.s32 s5, $0x0;
	s5 =	sld [smem:$0x3FAA]  }
0x2b: {  	s6 =	sld [smem:$0x3FAB]  }
0x2c: {  	s7 =	sld [smem:$0x3FAC]  }
0x2d: {  	s3 =	simm.s32 $0x108;
	s8 =	sld [smem:$0x3FAD]  }
0x2e: {  	s3 =	simm.s32 @!p0 $0x1082;
	s9 =	sld [smem:$0x3FAE]  }
0x2f: {  	lr =	sadd.s32 s0, s3;
	s0 =	sld [smem:$0x3FA5]  }
0x30: {  	s3 =	sld [smem:$0x3FA8]  }
0x31: {  	[smem:$0x3FB1] =	sst s10  }
0x32: {  	s10 =	sld [smem:$0x3FAF];
	_ =	sdelay $0x3  }
0x33: {  	p0 =	seq.s32 s10, $0x1;
	s10 =	sld [smem:$0x3FB1];
	_ =	sdelay $0x3  }
0x34: {  	[smem:$0x3FB1] =	sst s10  }
0x35: {  	s10 =	sld [smem:$0x3FB0];
	_ =	sdelay $0x3  }
0x36: {  	p1 =	seq.s32 s10, $0x1;
	s10 =	sld [smem:$0x3FB1];
	_ =	sdelay $0x3  }
0x37: {  	[smem:$0x3FB1] =	sst s10  }
0x38: {  	s10 =	sld [smem:$0x3FB2]  }
0x39: {  	_ = 	snop;
	(pc) =	sbr.ind lr, $3  }
0x3a: {  	_ = 	snop  }
0x3b: {  	_ = 	snop  }
0x3c: {  	p2 =	seq.s32 s10, $0x1;
	s10 =	sld [smem:$0x3FB1]  }
0x3d: {  	_ =	shalt  }
0x3e: {  	_ =	shalt  }
0x3f: {  	_ =	shalt  }
0x40: {  	_ =	shalt  }
0x41: {  	_ =	shalt  }
0x42: {  	_ =	shalt  }
0x43: {  	_ =	shalt  }
0x44: {  	_ =	shalt  }
0x45: {  	_ =	shalt  }
0x46: {  	_ =	shalt  }
0x47: {  	_ =	shalt  }
0x48: {  	_ =	shalt  }
0x49: {  	_ =	shalt  }
0x4a: {  	_ =	shalt  }
0x4b: {  	_ =	shalt  }
0x4c: {  	_ =	shalt  }
0x4d: {  	_ =	shalt  }
0x4e: {  	_ =	shalt  }
0x4f: {  	_ =	shalt  }
0x50: {  	_ =	shalt  }
0x51: {  	_ =	shalt  }
0x52: {  	_ =	shalt  }
0x53: {  	_ =	shalt  }
0x54: {  	_ =	shalt  }
0x55: {  	_ =	shalt  }
0x56: {  	_ =	shalt  }
0x57: {  	_ =	shalt  }
0x58: {  	_ =	shalt  }
0x59: {  	_ =	shalt  }
0x5a: {  	_ =	shalt  }
0x5b: {  	_ =	shalt  }
0x5c: {  	_ =	shalt  }
0x5d: {  	_ =	shalt  }
0x5e: {  	_ =	shalt  }
0x5f: {  	_ =	shalt  }
0x60: {  	_ =	shalt  }
0x61: {  	_ =	shalt  }
0x62: {  	_ =	shalt  }
0x63: {  	_ =	shalt  }
0x64: {  	_ =	shalt  }
0x65: {  	_ =	shalt  }
0x66: {  	_ =	shalt  }
0x67: {  	_ =	shalt  }
0x68: {  	_ =	shalt  }
0x69: {  	_ =	shalt  }
0x6a: {  	_ =	shalt  }
0x6b: {  	_ =	shalt  }
0x6c: {  	_ =	shalt  }
0x6d: {  	_ =	shalt  }
0x6e: {  	_ =	shalt  }
0x6f: {  	_ =	shalt  }
0x70: {  	_ =	shalt  }
0x71: {  	_ =	shalt  }
0x72: {  	_ =	shalt  }
0x73: {  	_ =	shalt  }
0x74: {  	_ =	shalt  }
0x75: {  	_ =	shalt  }
0x76: {  	_ =	shalt  }
0x77: {  	_ =	shalt  }
0x78: {  	_ =	shalt  }
0x79: {  	_ =	shalt  }
0x7a: {  	_ =	shalt  }
0x7b: {  	_ =	shalt  }
0x7c: {  	_ =	shalt  }
0x7d: {  	_ =	shalt  }
0x7e: {  	_ =	shalt  }
0x7f: {  	_ =	shalt  }
0x80: {  	_ =	shalt  }
0x81: {  	_ =	shalt  }
0x82: {  	_ =	shalt  }
0x83: {  	_ =	shalt  }
0x84: {  	_ =	shalt  }
0x85: {  	_ =	shalt  }
0x86: {  	_ =	shalt  }
0x87: {  	_ =	shalt  }
.Lfunc_end0:
.L_simem_size_0:
called_computation.1_lowered:
.L_overlay_start_0:
0x88: {  	s2 =	sld [smem:$0x3FD9]  }
0x89: {  	s3 =	sld [smem:$0x3FFE];
	_ =	sdelay $0x1  }
0x8a: {  	s1 =	srdreg.scid  }
0x8b: {  	s0 =	sand.u32 $0x1, s1  }
0x8c: {  	s17 =	sshll.u32 s0, $0xA;
	s2 =	sadd.s32 s3, s2  }
0x8d: {  	s2 =	sadd.s32 s2, s17  }
0x8e: {  	[smem:$0x3FBD] =	sst s2  }
0x8f: {  	_ = 	snop  }
0x90: {  	s2 =	sld [smem:$0x3FC7]  }
0x91: {  	s18 =	sld [smem:$0x3FD0];
	(tm) =	ssettm $0x1  }
0x92: {  	s4 =	sld [smem:$0x3FFB];
	_ =	sdelay $0x3  }
0x93: {  	_ =	strace s4  }
0x94: {  	s4 =	sld [smem:$0x3FFC];
	_ =	sdelay $0x3  }
0x95: {  	_ =	strace s4  }
0x96: {  	s4 =	sld [smem:$0x3FFD];
	_ =	sdelay $0x3  }
0x97: {  	_ =	strace s4  }
0x98: {  	_ =	strace $0x8FFFFFFF  }
0x99: {  	s19 =	sld [smem:$0x3FDB];
	_ =	sdelay $0x1  }
0x9a: {  	s5 =	simm.s32 $_scs_section_size  }
0x9b: {  	s6 =	simm.s32 $_size__tile_overlayer_lowered;
	s7 =	simm.s32 $_tile_overlayer_lowered  }
0x9c: {  	s22 =	simm.s32 $0x1BFF;
	s21 =	sshll.u32 s7, $0x1;
	s4 =	sadd.s32 s5, s19  }
0x9d: {  	s8 =	simm.s32 $0x0;
	s20 =	sshll.u32 s6, $0x1;
	s6 =	sadd.s32 s21, s4  }
0x9e: {  	[timem:s8], [sflag:s22] =	dma.local [hbm:s6], s20  }
0x9f: {  	_ =	swait.ge [sflag:s22], s20  }
0xa0: {  	s5 =	ssub.s32 $0x0, s20;
	[sflag:s22] =	ssyncset.done $0x0  }
0xa1: {  	[sflag:s22] =	ssyncadd.s32 s5;
	_ =	sdelay $0x1  }
0xa2: {  	s23 =	simm.s32 $0x1B8B  }
0xa3: {  	_ =	swait.ge [sflag:s23], $0x1  }
0xa4: {  	[sflag:s23] =	ssyncset.done $0x0  }
0xa5: {  	s25 =	simm.s32 $0x1B8E;
	s24 =	sld [smem:$0x3FFE];
	[sflag:s23] =	ssyncadd.s32 $0xFFFFFFFF  }
0xa6: {  	s26 =	simm.s32 $execute0_lowered;
	[smem:$0x3FD2] =	sst s25  }
0xa7: {  	s6 =	sshll.u32 s26, $0x1;
	_ =	strace $0x80000049;
	[dreg:$0x1] =	wrdreg $0xFFFFFFFF  }
0xa8: {  	s28 =	simm.s32 $_size_execute0_lowered;
	s4 =	sadd.s32 s4, s6;
	[dreg:$0x0] =	wrdreg $0x0  }
0xa9: {  	s6 =	sshll.u32 s28, $0x1;
	[dreg:$0x2] =	wrdreg s4  }
0xaa: {  	[dreg:$0x3] =	wrdreg s6  }
0xab: {  	[dreg:$0x4] =	wrdreg $0xC0  }
0xac: {  	_ =	task [dreg:s8], $0x5FFFF  }
0xad: {  	[dreg:$0x1] =	wrdreg $0xFFFFFFFF  }
0xae: {  	[dreg:$0x0] =	wrdreg $0x60  }
0xaf: {  	[dreg:$0x2] =	wrdreg s24  }
0xb0: {  	[dreg:$0x3] =	wrdreg s18  }
0xb1: {  	[dreg:$0x4] =	wrdreg s2  }
0xb2: {  	[dreg:$0x5] =	wrdreg $0x88000  }
0xb3: {  	[dreg:$0x6] =	wrdreg $0x9  }
0xb4: {  	_ =	task.clear_ibuf [dreg:s8], $0x7FFFF;
	_ =	strace $0x90000049  }
0xb5: {  	s29 =	simm.s32 $0x9;
	_ =	strace $0x8000004B  }
0xb6: {  	_ =	swait.ge [sflag:s29], $0x1  }
0xb7: {  	[sflag:s29] =	ssyncadd.s32 $0xFFFFFFFF  }
0xb8: {  	_ =	strace $0x9000004B  }
0xb9: {  	_ =	sfence  }
0xba: {  	s30 =	sld [smem:$0x0];
	_ =	sdelay $0x2  }
0xbb: {  	s31 =	sshll.u32 s1, $0xD;
	s1 =	sshrl.u32 s1, $0x2  }
0xbc: {  	s3 =	sand.u32 $0x4000, s31;
	s1 =	sadd.s32 s1, s30  }
0xbd: {  	s0 =	sor.u32 s3, s0;
	s1 =	sshll.u32 s1, $0x11  }
0xbe: {  	s0 =	sor.u32 s1, s0  }
0xbf: {  	s0 =	sadd.s32 $0x8F2B, s0  }
0xc0: {  	[sflag:s0] =	ssyncadd.remote.s32 $0x1  }
0xc1: {  	_ =	sfence.sel $0xFFFF  }
0xc2: {  	[dreg:$0x0] =	wrdreg $0xFFFFFFFF;
	(pc) =	sbr.abs _section_cstart, $3  }
0xc3: {  	[dreg:$0x1] =	wrdreg $0xFFFFFFFF  }
0xc4: {  	_ =	task.clear_ibuf [dreg:s8], $0x2FFFF;
	_ =	strace $0x9FFFFFFF  }
0xc5: {  	(tm) =	ssettm $0x7FFFFFFF  }
tec
execute0_lowered:
.L_overlay_start_1:
0x0: {  	(tag) =	ssettag $0x1  }
0x1: {  	s0 =	rddreg [dreg:$0x0]  }
0x2: {  	s1 =	rddreg [dreg:$0x1]  }
0x3: {  	s2 =	rddreg [dreg:$0x2]  }
0x4: {  	s3 =	rddreg [dreg:$0x3];
	s4 =	simm.s32 $0x0  }
0x5: {  	s6 =	srdreg.scid;
	s8 =	stileid.u32;
	s19 =	simm.s32 $0x800  }
0x6: {  	s20 =	simm.s32 $0x1000;
	s28 =	simm.s32 $0x1800;
	s29 =	simm.s32 $0x2000  }
0x7: {  	s30 =	simm.s32 $0x2800;
	s31 =	simm.s32 $0x3000;
	[smem:$0x7FF] =	sst s4  }
0x8: {  	s5 =	sadd.s32 $0x2C400, s0;
	s9 =	sand.u32 $0x1, s6;
	s10 =	sshll.u32 s8, $0xD  }
0x9: {  	s6 =	smul.u32 $0x4E20, s8;
	s7 =	sadd.s32 $0x2400, s0;
	s13 =	sadd.s32 $0x54400, s0  }
0xa: {  	s17 =	sshll.u32 s8, $0x10;
	s21 =	sshll.u32 s8, $0x6;
	s22 =	sshrl.u32 s8, $0x1  }
0xb: {  	s24 =	sshll.u32 s8, $0x9;
	p0 =	sne.s32 s8, $0x0;
	_ =	strace $0x8000004A  }
0xc: {  	s11 =	ssub.s32 $0x2, s9;
	s10 =	sadd.s32 s10, s0;
	s9 =	smul.u32 $0x5, s9  }
0xd: {  	[dreg:$0x5] =	wrdreg s13;
	s18 =	sadd.s32 s17, s3;
	s23 =	smul.u32 $0x2800, s22  }
0xe: {  	s13 =	sadd.s32 $0x100000, s3;
	s0 =	sadd.s32 $0x2C200, s0;
	s25 =	sand.u32 $0x200, s24  }
0xf: {  	s22 =	simm.s32 $0x5;
	s24 =	simm.s32 $0x2;
	s12 =	sshrl.u32 s11, $0x1  }
0x10: {  	s14 =	sshrl.u32 s6, $0x3;
	s10 =	sadd.s32 $0xC200, s10;
	[dreg:$0xb] =	wrdreg s0  }
0x11: {  	s11 =	ssub.s32 s11, s12;
	s15 =	sadd.s32 s7, s14;
	[dreg:$0x9] =	wrdreg s9  }
0x12: {  	s16 =	sadd.s32 s1, s14;
	s12 =	sadd.s32 s2, s14;
	[dreg:$0xa] =	wrdreg s10  }
0x13: {  	s14 =	sor.u32 $0x1C05, s21;
	s0 =	sor.u32 s25, s23;
	[dreg:$0x6] =	wrdreg s15  }
0x14: {  	s25 =	simm.s32 $0x3;
	s9 =	simm.s32 $0x80;
	[dreg:$0x7] =	wrdreg s16  }
.Ltmp0:
0x15: {  	s10 =	simm.s32 $0x4800;
	[dreg:$0x8] =	wrdreg s12;
	(pc) =	sbr.rel .LBB2_1-.Ltmp0, $4  }
0x16: {  	v0 =	vlaneseq.u32;
	s16 =	sadd.s32 $0x7D0, s6;
	[dreg:$0xc] =	wrdreg s0;
	s26 =	smax.u32 s11, $0x1  }
0x17: {  	v1 =	vimm.s32 $0x0;
	v9 =	vimm.s32 $0x2000;
	v2 =	vor.u32 $0x10, v0;
	s12 =	sshrl.u32 s18, $0x3;
	s0 =	sshrl.u32 @!p0 s13, $0x3;
	[dreg:$0xd] =	wrdreg s26  }
0x18: {  	v3 =	vor.u32 $0x20, v0;
	v4 =	vor.u32 $0x30, v0;
	v5 =	vor.u32 $0x40, v0;
	s11 =	simm.s32 $0x1;
	s13 =	simm.s32 $0x0;
	[dreg:$0xf] =	wrdreg s0  }
0x19: {  	v6 =	vor.u32 $0x50, v0;
	v7 =	vor.u32 $0x60, v0;
	v8 =	vor.u32 $0x70, v0;
	s26 =	simm.s32 $0x4;
	s0 =	simm.s32 $0x3C00;
	[dreg:$0xe] =	wrdreg s12  }
.LBB2_19:
0x1a: {  	s13 =	rddreg [dreg:$0x10]  }
0x1b: {  	s8 =	rddreg [dreg:$0xd];
	s13 =	sadd.s32 $0x1, s13  }
0x1c: {  	p1 =	sne.s32 s13, s8  }
.Ltmp1:
0x1d: {  	_ = 	snop;
	(pc) =	sbr.rel @!p1 .LBB2_20-.Ltmp1, $1  }
0x1e: {  	_ =	sdelay $0x3  }
.LBB2_1:
0x1f: {  	s8 =	rddreg [dreg:$0x6]  }
0x20: {  	[tilespmem:s4], [sflag:$0x2] =	stream.linear.gather [hbm4b:s8+s4], $0x7D0, $0x38;
	[tilespmem:$0x18840] =	vst v63  }
.Ltmp2:
0x21: {  	[dreg:$0x10] =	wrdreg s13;
	(pc) =	sbr.rel .LBB2_2-.Ltmp2, $4  }
0x22: {  	s21 =	rddreg [dreg:$0x7]  }
0x23: {  	[tilespmem:s19], [sflag:$0x3] =	stream.linear.gather [hbm4b:s21+s4], $0x7D0, $0x38;
	[tilespmem:$0x18840] =	vst v63  }
0x24: {  	s23 =	rddreg [dreg:$0x8];
	s18 =	simm.s32 $0x0  }
0x25: {  	[tilespmem:s20], [sflag:$0x4] =	stream.linear.gather [hbm4b:s23+s4], $0x7D0, $0x38;
	[tilespmem:$0x18840] =	vst v63  }
.LBB2_18:
0x26: {  	s12 =	sadd.s32 $0x7F, s15  }
0x27: {  	v10 =	vadd.s32 s15, v0;
	s12 =	sand.u32 $0x80, s12  }
0x28: {  	s13 =	sadd.s32 $0x10, s15;
	vm0 =	vlt.u32 v10, s12  }
0x29: {  	v11 =	vadd.s32 s13, v0  }
0x2a: {  	s21 =	sadd.s32 $0x20, s15;
	vm1 =	vlt.u32 v11, s12  }
0x2b: {  	v12 =	vadd.s32 s21, v0  }
0x2c: {  	s23 =	sadd.s32 $0x30, s15;
	vm2 =	vlt.u32 v12, s12  }
0x2d: {  	v13 =	vadd.s32 s23, v0  }
0x2e: {  	s17 =	sadd.s32 $0x40, s15;
	vm3 =	vlt.u32 v13, s12;
	[tilespmem:v10+s31+$0x0] =	vst.idx.msk vm0, v1  }
0x2f: {  	[tilespmem:v10+s0+$0x0] =	vst.idx.msk vm0, v9;
	v10 =	vadd.s32 s17, v0  }
0x30: {  	s21 =	sadd.s32 $0x50, s15;
	[tilespmem:v11+s31+$0x0] =	vst.idx.msk vm1, v1;
	vm12 =	vlt.u32 v10, s12  }
0x31: {  	[tilespmem:v11+s0+$0x0] =	vst.idx.msk vm1, v9;
	v11 =	vadd.s32 s21, v0  }
0x32: {  	s23 =	sadd.s32 $0x60, s15;
	[tilespmem:v12+s31+$0x0] =	vst.idx.msk vm2, v1;
	vm13 =	vlt.u32 v11, s12  }
0x33: {  	v62 =	vadd.s32 s23, v0;
	[tilespmem:v12+s0+$0x0] =	vst.idx.msk vm2, v9  }
0x34: {  	vm14 =	vlt.u32 v62, s12;
	s17 =	sadd.s32 $0x70, s15;
	[tilespmem:v13+s31+$0x0] =	vst.idx.msk vm3, v1  }
0x35: {  	v63 =	vadd.s32 s17, v0;
	[tilespmem:v13+s0+$0x0] =	vst.idx.msk vm3, v9  }
0x36: {  	vm15 =	vlt.u32 v63, s12;
	[tilespmem:v10+s31+$0x0] =	vst.idx.msk vm12, v1  }
0x37: {  	[tilespmem:v10+s0+$0x0] =	vst.idx.msk vm12, v9  }
0x38: {  	[tilespmem:v11+s31+$0x0] =	vst.idx.msk vm13, v1  }
0x39: {  	[tilespmem:v11+s0+$0x0] =	vst.idx.msk vm13, v9  }
0x3a: {  	[tilespmem:v62+s31+$0x0] =	vst.idx.msk vm14, v1  }
0x3b: {  	[tilespmem:v62+s0+$0x0] =	vst.idx.msk vm14, v9  }
0x3c: {  	p1 =	seq.s32 s15, $0x0;
	[tilespmem:v63+s31+$0x0] =	vst.idx.msk vm15, v1  }
0x3d: {  	s13 =	simm.s32 @!p1 $0x3000;
	s17 =	simm.s32 @!p1 $0x4800;
	s12 =	simm.s32 @!p1 $0x80;
	[tilespmem:v63+s0+$0x0] =	vst.idx.msk vm15, v9  }
0x3e: {  	[tilespmem:s17], [sflag:$0x1] =	stream.indirect.gather @!p1 [hbm4b:s5+s12], $0x80, s13, s12, $0xb8;
	[tilespmem:$0x18840] =	vst v63  }
0x3f: {  	[smem:$0x1] =	sst s15;
	s13 =	simm.s32 @!p1 $0x1  }
0x40: {  	_ =	swait.ge @!p1 [sflag:s13], $0x4000  }
0x41: {  	[sflag:s13] =	ssyncset.done @!p1 $0x0  }
0x42: {  	[sflag:s13] =	ssyncadd.s32 @!p1 $0xFFFFC000;
	s13 =	simm.s32 @!p1 $0x3C00  }
0x43: {  	[spmem:s3] =	stream.indirect.scatter.add.f32 @!p1 [tilespmem:s17], [sflag:$0x5], $0x80, s13, s12, $0xb8;
	[tilespmem:$0x18840] =	vst v63  }
0x44: {  	s12 =	simm.s32 @!p1 $0x5  }
0x45: {  	_ =	swait.ge @!p1 [sflag:s12], $0x4000  }
0x46: {  	[sflag:s12] =	ssyncset.done @!p1 $0x0  }
0x47: {  	s21 =	rddreg [dreg:$0xc];
	[sflag:s12] =	ssyncadd.s32 @!p1 $0xFFFFC000  }
0x48: {  	s18 =	sadd.s32 $0x1, s18;
	s8 =	sadd.s32 s21, s8;
	[bflag:$0x0] =	sbarrier.arrive $0xFFFF  }
0x49: {  	p1 =	sne.s32 s18, $0x5;
	s8 =	sshll.u32 s8, $0x4;
	s23 =	rddreg [dreg:$0x5]  }
.Ltmp3:
0x4a: {  	s12 =	rddreg [dreg:$0xe];
	s8 =	sadd.s32 s23, s8;
	(pc) =	sbr.rel @!p1 .LBB2_19-.Ltmp3, $4  }
0x4b: {  	[hbm:s8], [sflag:s14] =	dma.local [spmem:s12], $0x2000  }
0x4c: {  	_ =	swait.ge [sflag:s22], $0x2000  }
0x4d: {  	[sflag:s22] =	ssyncset.done $0x0  }
0x4e: {  	[sflag:s22] =	ssyncadd.s32 $0xFFFFE000  }
.LBB2_2:
0x4f: {  	s8 =	rddreg [dreg:$0xa]  }
0x50: {  	[spmem:s12], [sflag:s14] =	dma.local [hbm:s8], $0x2000  }
0x51: {  	_ =	swait.ge [sflag:s22], $0x2000  }
0x52: {  	[sflag:s22] =	ssyncset.done $0x0;
	s8 =	rddreg [dreg:$0xb]  }
0x53: {  	s12 =	rddreg [dreg:$0xf];
	[sflag:s22] =	ssyncadd.s32 $0xFFFFE000  }
0x54: {  	[spmem:s12], [sflag:s14] =	dma.local @!p0 [hbm:s8], $0x80  }
0x55: {  	s12 =	simm.s32 @!p0 $0x5  }
0x56: {  	_ =	swait.ge @!p0 [sflag:s12], $0x80  }
.Ltmp4:
0x57: {  	s23 =	rddreg [dreg:$0x9];
	(pc) =	sbr.rel .LBB2_3-.Ltmp4, $4  }
0x58: {  	[sflag:s12] =	ssyncset.done @!p0 $0x0;
	s8 =	sadd.s32 s23, s18  }
0x59: {  	[sflag:s12] =	ssyncadd.s32 @!p0 $0xFFFFFF80;
	s8 =	sshll.u32 s8, $0xA  }
0x5a: {  	p1 =	sne.s32 s18, $0x4;
	[bflag:$0x0] =	sbarrier.arrive $0xFFFF;
	s13 =	sadd.s32 $0x400, s8  }
0x5b: {  	s15 =	simm.s32 $0x0;
	s12 =	simm.s32 $0x0;
	v10 =	vmov s8;
	v11 =	vmov s13;
	s13 =	simm.s32 $0x0  }
.LBB2_16:
0x5c: {  	[sflag:s22] =	ssyncadd.s32 $0xFFFFC000  }
.LBB2_17:
0x5d: {  	s17 =	sand.u32 $0xFFFFFF80, s15  }
0x5e: {  	v12 =	vor.u32 s17, v0  }
0x5f: {  	vm0 =	vlt.s32 v12, s15;
	_ =	sdelay $0x4  }
0x60: {  	s21 =	sor.u32 $0x10, s17  }
0x61: {  	v14 =	vor.u32 s21, v0;
	v13 =	vld.idx.msk [tilespmem:v12+s31+$0x0], vm0  }
0x62: {  	vm1 =	vlt.s32 v14, s15;
	v12 =	vld.idx.msk [tilespmem:v12+s0+$0x0], vm0;
	_ =	sdelay $0x3  }
0x63: {  	[tilespmem:v0+s31+$0x0] =	vst.idx.msk vm0, v13  }
0x64: {  	s23 =	sor.u32 $0x20, s17;
	[tilespmem:v0+s0+$0x0] =	vst.idx.msk vm0, v12  }
0x65: {  	v58 =	vor.u32 s23, v0;
	v12 =	vld.idx.msk [tilespmem:v14+s31+$0x0], vm1  }
0x66: {  	vm10 =	vlt.s32 v58, s15;
	v14 =	vld.idx.msk [tilespmem:v14+s0+$0x0], vm1;
	_ =	sdelay $0x3  }
0x67: {  	[tilespmem:v2+s31+$0x0] =	vst.idx.msk vm1, v12  }
0x68: {  	s23 =	sor.u32 $0x30, s17;
	[tilespmem:v2+s0+$0x0] =	vst.idx.msk vm1, v14  }
0x69: {  	v59 =	vor.u32 s23, v0;
	v12 =	vld.idx.msk [tilespmem:v58+s31+$0x0], vm10  }
0x6a: {  	vm11 =	vlt.s32 v59, s15;
	v13 =	vld.idx.msk [tilespmem:v58+s0+$0x0], vm10;
	_ =	sdelay $0x3  }
0x6b: {  	[tilespmem:v3+s31+$0x0] =	vst.idx.msk vm10, v12  }
0x6c: {  	s23 =	sor.u32 $0x40, s17;
	[tilespmem:v3+s0+$0x0] =	vst.idx.msk vm10, v13  }
0x6d: {  	v60 =	vor.u32 s23, v0;
	v12 =	vld.idx.msk [tilespmem:v59+s31+$0x0], vm11  }
0x6e: {  	vm12 =	vlt.s32 v60, s15;
	v14 =	vld.idx.msk [tilespmem:v59+s0+$0x0], vm11;
	_ =	sdelay $0x3  }
0x6f: {  	[tilespmem:v4+s31+$0x0] =	vst.idx.msk vm11, v12  }
0x70: {  	s23 =	sor.u32 $0x50, s17;
	[tilespmem:v4+s0+$0x0] =	vst.idx.msk vm11, v14  }
0x71: {  	v61 =	vor.u32 s23, v0;
	v12 =	vld.idx.msk [tilespmem:v60+s31+$0x0], vm12  }
0x72: {  	vm13 =	vlt.s32 v61, s15;
	v13 =	vld.idx.msk [tilespmem:v60+s0+$0x0], vm12;
	_ =	sdelay $0x3  }
0x73: {  	[tilespmem:v5+s31+$0x0] =	vst.idx.msk vm12, v12  }
0x74: {  	s23 =	sor.u32 $0x60, s17;
	[tilespmem:v5+s0+$0x0] =	vst.idx.msk vm12, v13  }
0x75: {  	v62 =	vor.u32 s23, v0;
	v12 =	vld.idx.msk [tilespmem:v61+s31+$0x0], vm13  }
0x76: {  	vm14 =	vlt.s32 v62, s15;
	v14 =	vld.idx.msk [tilespmem:v61+s0+$0x0], vm13;
	_ =	sdelay $0x3  }
0x77: {  	[tilespmem:v6+s31+$0x0] =	vst.idx.msk vm13, v12  }
0x78: {  	s17 =	sor.u32 $0x70, s17;
	[tilespmem:v6+s0+$0x0] =	vst.idx.msk vm13, v14  }
0x79: {  	v63 =	vor.u32 s17, v0;
	v12 =	vld.idx.msk [tilespmem:v62+s31+$0x0], vm14  }
0x7a: {  	vm15 =	vlt.s32 v63, s15;
	v13 =	vld.idx.msk [tilespmem:v62+s0+$0x0], vm14;
	_ =	sdelay $0x3  }
0x7b: {  	[tilespmem:v7+s31+$0x0] =	vst.idx.msk vm14, v12  }
0x7c: {  	[tilespmem:v7+s0+$0x0] =	vst.idx.msk vm14, v13  }
0x7d: {  	s13 =	sadd.s32 $0x1, s13;
	v12 =	vld.idx.msk [tilespmem:v63+s31+$0x0], vm15  }
0x7e: {  	p2 =	sne.s32 s13, $0x5;
	v13 =	vld.idx.msk [tilespmem:v63+s0+$0x0], vm15  }
.Ltmp5:
0x7f: {  	_ = 	snop;
	(pc) =	sbr.rel @!p2 .LBB2_18-.Ltmp5, $3  }
0x80: {  	_ =	sdelay $0x1  }
0x81: {  	[tilespmem:v8+s31+$0x0] =	vst.idx.msk vm15, v12  }
0x82: {  	s15 =	sand.u32 $0x7F, s15;
	[tilespmem:v8+s0+$0x0] =	vst.idx.msk vm15, v13  }
.LBB2_3:
0x83: {  	_ =	swait.ge [sflag:s24], $0x7D0  }
0x84: {  	[sflag:s24] =	ssyncset.done $0x0  }
0x85: {  	[sflag:s24] =	ssyncadd.s32 $0xFFFFF830  }
0x86: {  	_ =	swait.ge [sflag:s25], $0x7D0  }
0x87: {  	s17 =	smul.u32 $0xFA0, s13;
	[sflag:s25] =	ssyncset.done $0x0  }
0x88: {  	[sflag:s25] =	ssyncadd.s32 $0xFFFFF830  }
0x89: {  	s17 =	sadd.s32 s17, s16;
	_ =	swait.ge [sflag:s26], $0x7D0  }
0x8a: {  	s17 =	sshrl.u32 s17, $0x3;
	[sflag:s26] =	ssyncset.done $0x0  }
0x8b: {  	s21 =	sadd.s32 s7, s17;
	[sflag:s26] =	ssyncadd.s32 $0xFFFFF830  }
0x8c: {  	[tilespmem:s28], [sflag:$0x2] =	stream.linear.gather [hbm4b:s21+s12], $0x7D0, $0x38;
	[tilespmem:$0x18840] =	vst v63  }
0x8d: {  	s23 =	sadd.s32 s1, s17  }
0x8e: {  	[tilespmem:s29], [sflag:$0x3] =	stream.linear.gather [hbm4b:s23+s12], $0x7D0, $0x38;
	[tilespmem:$0x18840] =	vst v63  }
0x8f: {  	s17 =	sadd.s32 s2, s17;
	s23 =	simm.s32 $0x0  }
0x90: {  	[tilespmem:s30], [sflag:$0x4] =	stream.linear.gather [hbm4b:s17+s12], $0x7D0, $0x38;
	[tilespmem:$0x18840] =	vst v63  }
0x91: {  	v12 =	vld [tilespmem:s23+$0x800];
	_ =	sdelay $0x4  }
0x92: {  	vm0 =	vge.s32 v12, v10;
	vm1 =	vlt.s32 v12, v11  }
0x93: {  	vm0 =	vmand vm0, vm1  }
0x94: {  	v13 =	vsel vm0, $0x1, v1  }
0x95: {  	(xrf0) =	vadd.scan.msk.s32 $0xffff, v13;
	_ =	sdelay $0x2  }
0x96: {  	v13 =	vmov s15  }
0x97: {  	v13 =	vadd.s32 $0xFFFFFFFF, v13  }
0x98: {  	v13 =	vbroadcast v13, $0x0  }
0x99: {  	v14 =	vld [tilespmem:s23+$0x1000];
	v15, _, _ =	vpop (xrf0)  }
0x9a: {  	v13 =	vadd.s32 v15, v13;
	(v2sf) =	vpush v15, $0xF  }
0x9b: {  	v15 =	vld [tilespmem:s23+$0x0];
	v13 =	vnsel vm0, $0x0, v13;
	_ =	sdelay $0x2  }
0x9c: {  	v14 =	vshll.u32 v14, $0xA;
	v12 =	vsub.s32 v12, v10  }
0x9d: {  	v12 =	vadd.s32 v14, v12  }
0x9e: {  	v12 =	vnsel vm0, $0x2000, v12;
	[tilespmem:v13+s31+$0x0] =	vst.idx.msk vm0, v15  }
0x9f: {  	s17 =	simm.s32 $0x10;
	[tilespmem:v13+s0+$0x0] =	vst.idx.msk vm0, v12  }
0xa0: {  	v12 =	vld [tilespmem:s17+$0x800];
	_ =	sdelay $0x4  }
0xa1: {  	vm0 =	vge.s32 v12, v10;
	vm1 =	vlt.s32 v12, v11  }
0xa2: {  	vm0 =	vmand vm0, vm1  }
0xa3: {  	s23 =	simm.s32 $0x80;
	v13 =	vsel vm0, $0x1, v1;
	s21 =	spop (v2sf)  }
.LBB2_4:
0xa4: {  	p2 =	sne.s32 s23, $0x1F00  }
0xa5: {  	(xrf0) =	vadd.scan.msk.s32 $0xffff, v13;
	s15 =	sadd.s32 s15, s21;
	s21 =	smov.u32 s23;
	s23 =	sadd.s32 $0x40, s23  }
0xa6: {  	v13 =	vmov s15  }
0xa7: {  	v13 =	vadd.s32 $0xFFFFFFFF, v13;
	_ =	sdelay $0x2  }
0xa8: {  	v13 =	vbroadcast v13, $0x0  }
0xa9: {  	v14 =	vld [tilespmem:s17+$0x1000];
	v15, _, _ =	vpop (xrf0)  }
0xaa: {  	v13 =	vadd.s32 v15, v13;
	(v2sf) =	vpush v15, $0xF  }
0xab: {  	v15 =	vld [tilespmem:s17+$0x0];
	v13 =	vnsel vm0, $0x0, v13;
	_ =	sdelay $0x2  }
0xac: {  	v12 =	vsub.s32 v12, v10;
	v14 =	vshll.u32 v14, $0xA  }
0xad: {  	v12 =	vadd.s32 v14, v12  }
0xae: {  	v12 =	vnsel vm0, $0x2000, v12;
	[tilespmem:v13+s31+$0x0] =	vst.idx.msk vm0, v15  }
0xaf: {  	s17 =	sshra.s32 s21, $0x2;
	[tilespmem:v13+s0+$0x0] =	vst.idx.msk vm0, v12  }
0xb0: {  	v12 =	vld [tilespmem:s17+$0x800];
	_ =	sdelay $0x2  }
.Ltmp6:
0xb1: {  	(pc) =	sbr.rel @p2 .LBB2_4-.Ltmp6, $4  }
0xb2: {  	_ = 	snop  }
0xb3: {  	vm0 =	vge.s32 v12, v10;
	vm1 =	vlt.s32 v12, v11  }
0xb4: {  	vm0 =	vmand vm0, vm1  }
0xb5: {  	v13 =	vsel vm0, $0x1, v1;
	s21 =	spop (v2sf)  }
0xb6: {  	(xrf0) =	vadd.scan.msk.s32 $0xffff, v13;
	_ =	sdelay $0x5  }
0xb7: {  	v13, _, _ =	vpop (xrf0)  }
0xb8: {  	(v2sf) =	vpush v13, $0xF;
	_ =	sdelay $0xa  }
0xb9: {  	s15 =	sadd.s32 s15, s21  }
0xba: {  	v14 =	vmov s15  }
0xbb: {  	v14 =	vadd.s32 $0xFFFFFFFF, v14  }
0xbc: {  	v14 =	vbroadcast v14, $0x0  }
0xbd: {  	v15 =	vld [tilespmem:s17+$0x1000];
	s23 =	spop (v2sf)  }
0xbe: {  	v13 =	vadd.s32 v13, v14;
	s15 =	sadd.s32 s15, s23  }
0xbf: {  	v63 =	vld [tilespmem:s17+$0x0];
	v13 =	vnsel vm0, $0x0, v13;
	s21 =	sshra.s32 s15, $0x7  }
0xc0: {  	p2 =	slt.s32 s21, $0x1  }
.Ltmp7:
0xc1: {  	_ = 	snop;
	(pc) =	sbr.rel @p2 .LBB2_9-.Ltmp7, $4  }
0xc2: {  	v12 =	vsub.s32 v12, v10;
	v15 =	vshll.u32 v15, $0xA  }
0xc3: {  	v12 =	vadd.s32 v15, v12  }
0xc4: {  	v12 =	vnsel vm0, $0x2000, v12;
	[tilespmem:v13+s31+$0x0] =	vst.idx.msk vm0, v63  }
0xc5: {  	[tilespmem:v13+s0+$0x0] =	vst.idx.msk vm0, v12;
	[smem:$0x0] =	sst s21  }
0xc6: {  	s17 =	simm.s32 $0x3000  }
0xc7: {  	[tilespmem:s10], [sflag:$0x1] =	stream.indirect.gather [hbm4b:s5+s9], $0x80, s17, s9, $0xb8;
	[tilespmem:$0x18840] =	vst v63  }
0xc8: {  	p2 =	sne.s32 s21, $0x1;
	_ =	swait.ge [sflag:s11], $0x4000  }
.Ltmp8:
0xc9: {  	[sflag:s11] =	ssyncset.done $0x0;
	(pc) =	sbr.rel @!p2 .LBB2_8-.Ltmp8, $4  }
0xca: {  	s23 =	simm.s32 $0x3C00;
	[sflag:s11] =	ssyncadd.s32 $0xFFFFC000  }
0xcb: {  	[spmem:s3] =	stream.indirect.scatter.add.f32 [tilespmem:s10], [sflag:$0x5], $0x80, s23, s9, $0xb8;
	[tilespmem:$0x18840] =	vst v63  }
0xcc: {  	_ =	swait.ge [sflag:s22], $0x4000  }
0xcd: {  	s21 =	sadd.s32 $0xFFFFFFFF, s21;
	[sflag:s22] =	ssyncset.done $0x0  }
.LBB2_7:
0xce: {  	[sflag:s22] =	ssyncadd.s32 $0xFFFFC000;
	s17 =	sadd.s32 $0x80, s17;
	s23 =	sadd.s32 $0x80, s23  }
0xcf: {  	[tilespmem:s10], [sflag:$0x1] =	stream.indirect.gather [hbm4b:s5+s9], $0x80, s17, s9, $0xb8;
	[tilespmem:$0x18840] =	vst v63  }
0xd0: {  	p2 =	sne.s32 s21, $0x1;
	s21 =	sadd.s32 $0xFFFFFFFF, s21;
	_ =	swait.ge [sflag:s11], $0x4000  }
.Ltmp9:
0xd1: {  	[sflag:s11] =	ssyncset.done $0x0;
	(pc) =	sbr.rel @p2 .LBB2_7-.Ltmp9, $4  }
0xd2: {  	[sflag:s11] =	ssyncadd.s32 $0xFFFFC000  }
0xd3: {  	[spmem:s3] =	stream.indirect.scatter.add.f32 [tilespmem:s10], [sflag:$0x5], $0x80, s23, s9, $0xb8;
	[tilespmem:$0x18840] =	vst v63  }
0xd4: {  	_ =	swait.ge [sflag:s22], $0x4000  }
0xd5: {  	[sflag:s22] =	ssyncset.done $0x0  }
.LBB2_8:
0xd6: {  	[sflag:s22] =	ssyncadd.s32 $0xFFFFC000  }
.LBB2_9:
0xd7: {  	s17 =	sand.u32 $0xFFFFFF80, s15  }
0xd8: {  	v12 =	vor.u32 s17, v0  }
0xd9: {  	vm0 =	vlt.s32 v12, s15;
	_ =	sdelay $0x4  }
0xda: {  	s21 =	sor.u32 $0x10, s17  }
0xdb: {  	v14 =	vor.u32 s21, v0;
	v13 =	vld.idx.msk [tilespmem:v12+s31+$0x0], vm0  }
0xdc: {  	vm1 =	vlt.s32 v14, s15;
	v12 =	vld.idx.msk [tilespmem:v12+s0+$0x0], vm0;
	_ =	sdelay $0x3  }
0xdd: {  	[tilespmem:v0+s31+$0x0] =	vst.idx.msk vm0, v13  }
0xde: {  	s23 =	sor.u32 $0x20, s17;
	[tilespmem:v0+s0+$0x0] =	vst.idx.msk vm0, v12  }
0xdf: {  	v58 =	vor.u32 s23, v0;
	v12 =	vld.idx.msk [tilespmem:v14+s31+$0x0], vm1  }
0xe0: {  	vm10 =	vlt.s32 v58, s15;
	v14 =	vld.idx.msk [tilespmem:v14+s0+$0x0], vm1;
	_ =	sdelay $0x3  }
0xe1: {  	[tilespmem:v2+s31+$0x0] =	vst.idx.msk vm1, v12  }
0xe2: {  	s23 =	sor.u32 $0x30, s17;
	[tilespmem:v2+s0+$0x0] =	vst.idx.msk vm1, v14  }
0xe3: {  	v59 =	vor.u32 s23, v0;
	v12 =	vld.idx.msk [tilespmem:v58+s31+$0x0], vm10  }
0xe4: {  	vm11 =	vlt.s32 v59, s15;
	v13 =	vld.idx.msk [tilespmem:v58+s0+$0x0], vm10;
	_ =	sdelay $0x3  }
0xe5: {  	[tilespmem:v3+s31+$0x0] =	vst.idx.msk vm10, v12  }
0xe6: {  	s23 =	sor.u32 $0x40, s17;
	[tilespmem:v3+s0+$0x0] =	vst.idx.msk vm10, v13  }
0xe7: {  	v60 =	vor.u32 s23, v0;
	v12 =	vld.idx.msk [tilespmem:v59+s31+$0x0], vm11  }
0xe8: {  	vm12 =	vlt.s32 v60, s15;
	v14 =	vld.idx.msk [tilespmem:v59+s0+$0x0], vm11;
	_ =	sdelay $0x3  }
0xe9: {  	[tilespmem:v4+s31+$0x0] =	vst.idx.msk vm11, v12  }
0xea: {  	s23 =	sor.u32 $0x50, s17;
	[tilespmem:v4+s0+$0x0] =	vst.idx.msk vm11, v14  }
0xeb: {  	v61 =	vor.u32 s23, v0;
	v12 =	vld.idx.msk [tilespmem:v60+s31+$0x0], vm12  }
0xec: {  	vm13 =	vlt.s32 v61, s15;
	v13 =	vld.idx.msk [tilespmem:v60+s0+$0x0], vm12;
	_ =	sdelay $0x3  }
0xed: {  	[tilespmem:v5+s31+$0x0] =	vst.idx.msk vm12, v12  }
0xee: {  	s23 =	sor.u32 $0x60, s17;
	[tilespmem:v5+s0+$0x0] =	vst.idx.msk vm12, v13  }
0xef: {  	v62 =	vor.u32 s23, v0;
	v12 =	vld.idx.msk [tilespmem:v61+s31+$0x0], vm13  }
0xf0: {  	vm14 =	vlt.s32 v62, s15;
	v14 =	vld.idx.msk [tilespmem:v61+s0+$0x0], vm13;
	_ =	sdelay $0x3  }
0xf1: {  	[tilespmem:v6+s31+$0x0] =	vst.idx.msk vm13, v12  }
0xf2: {  	s17 =	sor.u32 $0x70, s17;
	[tilespmem:v6+s0+$0x0] =	vst.idx.msk vm13, v14  }
0xf3: {  	v63 =	vor.u32 s17, v0;
	v12 =	vld.idx.msk [tilespmem:v62+s31+$0x0], vm14  }
0xf4: {  	vm15 =	vlt.s32 v63, s15;
	v13 =	vld.idx.msk [tilespmem:v62+s0+$0x0], vm14;
	_ =	sdelay $0x3  }
0xf5: {  	[tilespmem:v7+s31+$0x0] =	vst.idx.msk vm14, v12  }
0xf6: {  	[tilespmem:v7+s0+$0x0] =	vst.idx.msk vm14, v13  }
0xf7: {  	v12 =	vld.idx.msk [tilespmem:v63+s31+$0x0], vm15  }
0xf8: {  	v13 =	vld.idx.msk [tilespmem:v63+s0+$0x0], vm15;
	_ =	sdelay $0x3  }
0xf9: {  	[tilespmem:v8+s31+$0x0] =	vst.idx.msk vm15, v12  }
0xfa: {  	[tilespmem:v8+s0+$0x0] =	vst.idx.msk vm15, v13  }
0xfb: {  	_ =	swait.ge [sflag:s24], $0x7D0  }
0xfc: {  	[sflag:s24] =	ssyncset.done $0x0  }
0xfd: {  	p2 =	seq.s32 @!p1 s13, $0x4;
	[sflag:s24] =	ssyncadd.s32 $0xFFFFF830  }
0xfe: {  	p2 =	por p1, !p2;
	_ =	swait.ge [sflag:s25], $0x7D0  }
.Ltmp10:
0xff: {  	[sflag:s25] =	ssyncset.done $0x0;
	(pc) =	sbr.rel @!p2 .LBB2_11-.Ltmp10, $4  }
0x100: {  	[sflag:s25] =	ssyncadd.s32 $0xFFFFF830  }
0x101: {  	_ =	swait.ge [sflag:s26], $0x7D0  }
0x102: {  	[sflag:s26] =	ssyncset.done $0x0  }
0x103: {  	[sflag:s26] =	ssyncadd.s32 $0xFFFFF830  }
0x104: {  	s17 =	sshll.u32 s13, $0x1  }
0x105: {  	s17 =	sadd.s32 $0x2, s17  }
0x106: {  	s21 =	smul.u32 $0x7D0, s17  }
0x107: {  	p2 =	seq.s32 s17, $0xA  }
0x108: {  	s21 =	simm.s32 @p2 $0x0  }
0x109: {  	s21 =	sadd.s32 s6, s21  }
0x10a: {  	s17 =	sshrl.u32 s21, $0x3  }
0x10b: {  	s23 =	sadd.s32 s7, s17  }
0x10c: {  	[tilespmem:s4], [sflag:$0x2] =	stream.linear.gather [hbm4b:s23+s4], $0x7D0, $0x38;
	[tilespmem:$0x18840] =	vst v63  }
0x10d: {  	s23 =	sadd.s32 s1, s17  }
0x10e: {  	[tilespmem:s19], [sflag:$0x3] =	stream.linear.gather [hbm4b:s23+s4], $0x7D0, $0x38;
	[tilespmem:$0x18840] =	vst v63  }
0x10f: {  	s17 =	sadd.s32 s2, s17  }
0x110: {  	[tilespmem:s20], [sflag:$0x4] =	stream.linear.gather [hbm4b:s17+s4], $0x7D0, $0x38;
	[tilespmem:$0x18840] =	vst v63  }
.LBB2_11:
0x111: {  	s17 =	simm.s32 $0x0  }
0x112: {  	v12 =	vld [tilespmem:s17+$0x2000];
	_ =	sdelay $0x4  }
0x113: {  	vm0 =	vge.s32 v12, v10;
	vm1 =	vlt.s32 v12, v11  }
0x114: {  	vm0 =	vmand vm0, vm1  }
0x115: {  	v13 =	vsel vm0, $0x1, v1  }
0x116: {  	(xrf0) =	vadd.scan.msk.s32 $0xffff, v13;
	_ =	sdelay $0x1  }
0x117: {  	s15 =	sand.u32 $0x7F, s15  }
0x118: {  	v13 =	vmov s15  }
0x119: {  	v13 =	vadd.s32 $0xFFFFFFFF, v13  }
0x11a: {  	v13 =	vbroadcast v13, $0x0  }
0x11b: {  	v14 =	vld [tilespmem:s17+$0x2800];
	v15, _, _ =	vpop (xrf0)  }
0x11c: {  	v13 =	vadd.s32 v15, v13;
	(v2sf) =	vpush v15, $0xF  }
0x11d: {  	v15 =	vld [tilespmem:s17+$0x1800];
	v13 =	vnsel vm0, $0x0, v13;
	_ =	sdelay $0x2  }
0x11e: {  	v14 =	vshll.u32 v14, $0xA;
	v12 =	vsub.s32 v12, v10  }
0x11f: {  	v12 =	vadd.s32 v14, v12  }
0x120: {  	v12 =	vnsel vm0, $0x2000, v12;
	[tilespmem:v13+s31+$0x0] =	vst.idx.msk vm0, v15  }
0x121: {  	s17 =	simm.s32 $0x10;
	[tilespmem:v13+s0+$0x0] =	vst.idx.msk vm0, v12  }
0x122: {  	v12 =	vld [tilespmem:s17+$0x2000];
	_ =	sdelay $0x4  }
0x123: {  	vm0 =	vge.s32 v12, v10;
	vm1 =	vlt.s32 v12, v11  }
0x124: {  	vm0 =	vmand vm0, vm1  }
0x125: {  	s23 =	simm.s32 $0x80;
	v13 =	vsel vm0, $0x1, v1;
	s21 =	spop (v2sf)  }
.LBB2_12:
0x126: {  	p2 =	sne.s32 s23, $0x1F00  }
0x127: {  	(xrf0) =	vadd.scan.msk.s32 $0xffff, v13;
	s15 =	sadd.s32 s15, s21;
	s21 =	smov.u32 s23;
	s23 =	sadd.s32 $0x40, s23  }
0x128: {  	v13 =	vmov s15  }
0x129: {  	v13 =	vadd.s32 $0xFFFFFFFF, v13;
	_ =	sdelay $0x2  }
0x12a: {  	v13 =	vbroadcast v13, $0x0  }
0x12b: {  	v14 =	vld [tilespmem:s17+$0x2800];
	v15, _, _ =	vpop (xrf0)  }
0x12c: {  	v13 =	vadd.s32 v15, v13;
	(v2sf) =	vpush v15, $0xF  }
0x12d: {  	v15 =	vld [tilespmem:s17+$0x1800];
	v13 =	vnsel vm0, $0x0, v13;
	_ =	sdelay $0x2  }
0x12e: {  	v12 =	vsub.s32 v12, v10;
	v14 =	vshll.u32 v14, $0xA  }
0x12f: {  	v12 =	vadd.s32 v14, v12  }
0x130: {  	v12 =	vnsel vm0, $0x2000, v12;
	[tilespmem:v13+s31+$0x0] =	vst.idx.msk vm0, v15  }
0x131: {  	s17 =	sshra.s32 s21, $0x2;
	[tilespmem:v13+s0+$0x0] =	vst.idx.msk vm0, v12  }
0x132: {  	v12 =	vld [tilespmem:s17+$0x2000];
	_ =	sdelay $0x2  }
.Ltmp11:
0x133: {  	(pc) =	sbr.rel @p2 .LBB2_12-.Ltmp11, $4  }
0x134: {  	_ = 	snop  }
0x135: {  	vm0 =	vge.s32 v12, v10;
	vm1 =	vlt.s32 v12, v11  }
0x136: {  	vm0 =	vmand vm0, vm1  }
0x137: {  	v13 =	vsel vm0, $0x1, v1;
	s21 =	spop (v2sf)  }
0x138: {  	(xrf0) =	vadd.scan.msk.s32 $0xffff, v13;
	_ =	sdelay $0x5  }
0x139: {  	v13, _, _ =	vpop (xrf0)  }
0x13a: {  	(v2sf) =	vpush v13, $0xF;
	_ =	sdelay $0xa  }
0x13b: {  	s15 =	sadd.s32 s15, s21  }
0x13c: {  	v14 =	vmov s15  }
0x13d: {  	v14 =	vadd.s32 $0xFFFFFFFF, v14  }
0x13e: {  	v14 =	vbroadcast v14, $0x0  }
0x13f: {  	v15 =	vld [tilespmem:s17+$0x2800];
	s23 =	spop (v2sf)  }
0x140: {  	v13 =	vadd.s32 v13, v14;
	s15 =	sadd.s32 s15, s23  }
0x141: {  	v63 =	vld [tilespmem:s17+$0x1800];
	v13 =	vnsel vm0, $0x0, v13;
	s21 =	sshra.s32 s15, $0x7  }
0x142: {  	p2 =	slt.s32 s21, $0x1  }
.Ltmp12:
0x143: {  	_ = 	snop;
	(pc) =	sbr.rel @p2 .LBB2_17-.Ltmp12, $4  }
0x144: {  	v12 =	vsub.s32 v12, v10;
	v15 =	vshll.u32 v15, $0xA  }
0x145: {  	v12 =	vadd.s32 v15, v12  }
0x146: {  	v12 =	vnsel vm0, $0x2000, v12;
	[tilespmem:v13+s31+$0x0] =	vst.idx.msk vm0, v63  }
0x147: {  	[tilespmem:v13+s0+$0x0] =	vst.idx.msk vm0, v12;
	[smem:$0x0] =	sst s21  }
0x148: {  	s17 =	simm.s32 $0x3000  }
0x149: {  	[tilespmem:s10], [sflag:$0x1] =	stream.indirect.gather [hbm4b:s5+s9], $0x80, s17, s9, $0xb8;
	[tilespmem:$0x18840] =	vst v63  }
0x14a: {  	p2 =	sne.s32 s21, $0x1;
	_ =	swait.ge [sflag:s11], $0x4000  }
.Ltmp13:
0x14b: {  	[sflag:s11] =	ssyncset.done $0x0;
	(pc) =	sbr.rel @!p2 .LBB2_16-.Ltmp13, $4  }
0x14c: {  	s23 =	simm.s32 $0x3C00;
	[sflag:s11] =	ssyncadd.s32 $0xFFFFC000  }
0x14d: {  	[spmem:s3] =	stream.indirect.scatter.add.f32 [tilespmem:s10], [sflag:$0x5], $0x80, s23, s9, $0xb8;
	[tilespmem:$0x18840] =	vst v63  }
0x14e: {  	_ =	swait.ge [sflag:s22], $0x4000  }
0x14f: {  	s21 =	sadd.s32 $0xFFFFFFFF, s21;
	[sflag:s22] =	ssyncset.done $0x0  }
.LBB2_15:
0x150: {  	[sflag:s22] =	ssyncadd.s32 $0xFFFFC000;
	s17 =	sadd.s32 $0x80, s17;
	s23 =	sadd.s32 $0x80, s23  }
0x151: {  	[tilespmem:s10], [sflag:$0x1] =	stream.indirect.gather [hbm4b:s5+s9], $0x80, s17, s9, $0xb8;
	[tilespmem:$0x18840] =	vst v63  }
0x152: {  	p2 =	sne.s32 s21, $0x1;
	s21 =	sadd.s32 $0xFFFFFFFF, s21;
	_ =	swait.ge [sflag:s11], $0x4000  }
.Ltmp14:
0x153: {  	[sflag:s11] =	ssyncset.done $0x0;
	(pc) =	sbr.rel @p2 .LBB2_15-.Ltmp14, $4  }
0x154: {  	[sflag:s11] =	ssyncadd.s32 $0xFFFFC000  }
0x155: {  	[spmem:s3] =	stream.indirect.scatter.add.f32 [tilespmem:s10], [sflag:$0x5], $0x80, s23, s9, $0xb8;
	[tilespmem:$0x18840] =	vst v63  }
0x156: {  	_ =	swait.ge [sflag:s22], $0x4000  }
0x157: {  	[sflag:s22] =	ssyncset.done $0x0  }
.Ltmp15:
0x158: {  	_ = 	snop;
	(pc) =	sbr.rel .LBB2_16-.Ltmp15, $1  }
0x159: {  	_ =	sdelay $0x3  }
.LBB2_20:
0x15a: {  	_ =	sfence.sel $0x180000  }
0x15b: {  	[bflag:$0x0] =	sbarrier.arrive $0xFFFF  }
0x15c: {  	_ =	strace $0x9000004A  }
0x15d: {  	[bflag:$0x2] =	sbarrier.arrive $0xFFFF  }
0x15e: {  	s0 =	rddreg [dreg:$0x4]  }
0x15f: {  	s0 =	sadd.s32 @!p0 $0x100000, s0  }
0x160: {  	[sflag:s0] =	ssyncadd.tile.s32 @!p0 $0x1;
	_ =	shalt  }
.Lfunc_end2:
_tile_overlayer_lowered:
.L_overlay_start_2:
0x161: {  	(tag) =	ssettag $0x2  }
0x162: {  	s0 =	rddreg [dreg:$0x0];
	s2 =	stileid.u32  }
0x163: {  	s1 =	rddreg [dreg:$0x1];
	p0 =	sne.s32 s2, $0x0  }
0x164: {  	s3 =	rddreg [dreg:$0x2];
	[bflag:$0x3] =	sbarrier.arrive $0xFFFF;
	s2 =	simm.s32 @!p0 $0x1C05  }
0x165: {  	[timem:s3], [sflag:s2] =	dma.local @!p0 [hbm:s0], s1  }
0x166: {  	s0 =	simm.s32 @!p0 $0x5  }
0x167: {  	_ =	swait.ge @!p0 [sflag:s0], s1  }
0x168: {  	s1 =	ssub.s32 @!p0 $0x0, s1;
	[sflag:s0] =	ssyncset.done @!p0 $0x0  }
0x169: {  	[sflag:s0] =	ssyncadd.s32 @!p0 s1  }
0x16a: {  	[bflag:$0x3] =	sbarrier.arrive $0xFFFF  }
0x16b: {  	_ =	shalt  }

// kernel: kernel.8.cloned.1.call-start
scs
__scs_entry_jumppad:
0x0: {  	(pc) =	sbr.rel $0x88, $3  }
0x1: {  	(tag) =	ssettag $0x0;
	lr =	simm.s32 $0x1  }
0x2: {  	[smem:$0x3F96] =	sst lr;
	_ =	strace $0xD0000000  }
0x3: {  	_ = 	snop  }
0x4: {  	_ = 	snop  }
0x5: {  	_ = 	snop  }
0x6: {  	_ = 	snop  }
0x7: {  	_ = 	snop  }
__scs_overlays_trampoline_lowered:
0x8: {  	[smem:$0x3FA5] =	sst s0  }
0x9: {  	[smem:$0x3FA6] =	sst s1  }
0xa: {  	[smem:$0x3FA7] =	sst s2  }
0xb: {  	[smem:$0x3FA8] =	sst s3  }
0xc: {  	[smem:$0x3FA9] =	sst s4  }
0xd: {  	[smem:$0x3FAA] =	sst s5  }
0xe: {  	[smem:$0x3FAB] =	sst s6  }
0xf: {  	[smem:$0x3FAC] =	sst s7  }
0x10: {  	[smem:$0x3FAD] =	sst s8  }
0x11: {  	[smem:$0x3FAE] =	sst s9;
	s0 =	simm.s32 @!p0 $0x0  }
0x12: {  	s1 =	sld [smem:$0x3F94];
	s0 =	simm.s32 @p0 $0x1  }
0x13: {  	[smem:$0x3FAF] =	sst s0;
	s0 =	simm.s32 @!p1 $0x0  }
0x14: {  	s2 =	sld [smem:$0x3F93];
	s0 =	simm.s32 @p1 $0x1  }
0x15: {  	[smem:$0x3FB0] =	sst s0;
	s0 =	simm.s32 @!p2 $0x0  }
0x16: {  	s3 =	sld [smem:$0x3FDB];
	s0 =	simm.s32 @p2 $0x1  }
0x17: {  	s4 =	simm.s32 $0x1BF5;
	[smem:$0x3FB2] =	sst s0  }
0x18: {  	s0 =	sld [smem:$0x3F95];
	_ =	swait.ge [sflag:s4], $0x0  }
0x19: {  	s7 =	sld [smem:$0x3F96]  }
0x1a: {  	s8 =	sadd.s32 $0xFFFFE003, lr  }
0x1b: {  	s9 =	sadd.s32 $0xFFFFFEF7, lr;
	s5 =	simm.s32 $0xFFFFFFFF;
	p2 =	slt.u32 s8, $0xFFFFF086  }
0x1c: {  	p1 =	slt.u32 s9, $0xF7A;
	s5 =	simm.s32 @!p2 $0x0  }
0x1d: {  	s5 =	simm.s32 @p1 $0x1;
	p0 =	seq.s32 s7, s2  }
0x1e: {  	s7 =	smul.u32 @!p0 $0xF7A, s2;
	p2 =	seq.s32 @!p0 s5, $0x0  }
0x1f: {  	s9 =	smul.u32 $0xF7A, s1;
	s8 =	simm.s32 @!p0 $0x1BF5;
	p2 =	por !p2, p0  }
0x20: {  	[sflag:s8] =	ssyncset.s32 @!p0 $0xFFFFF086;
	s6 =	sadd.s32 @!p0 s3, s7;
	s7 =	simm.s32 @!p0 $0x108  }
0x21: {  	s3 =	sadd.s32 s3, s9;
	s6 =	sadd.s32 @!p0 $0x88, s6;
	s7 =	simm.s32 @p2 $0x1082  }
0x22: {  	[simem:s7], [sflag:s8] =	dma.local @!p0 [hbm:s6], $0xF7A  }
0x23: {  	s9 =	sor.u32 $0xD0000000, s2;
	s6 =	simm.s32 $0x108;
	_ =	swait.ge @!p0 [sflag:s8], $0x0  }
0x24: {  	s3 =	sadd.s32 $0x88, s3;
	s6 =	simm.s32 @!p1 $0x1082;
	[sflag:s4] =	ssyncset.s32 $0xFFFFF086  }
0x25: {  	[simem:s6], [sflag:s4] =	dma.local [hbm:s3], $0xF7A  }
0x26: {  	[smem:$0x3F96] =	sst s1;
	(tag) =	ssettag s2;
	_ =	strace s9  }
0x27: {  	s1 =	sld [smem:$0x3FA6]  }
0x28: {  	s2 =	sld [smem:$0x3FA7]  }
0x29: {  	s4 =	sld [smem:$0x3FA9]  }
0x2a: {  	p0 =	seq.s32 s5, $0x0;
	s5 =	sld [smem:$0x3FAA]  }
0x2b: {  	s6 =	sld [smem:$0x3FAB]  }
0x2c: {  	s7 =	sld [smem:$0x3FAC]  }
0x2d: {  	s3 =	simm.s32 $0x108;
	s8 =	sld [smem:$0x3FAD]  }
0x2e: {  	s3 =	simm.s32 @!p0 $0x1082;
	s9 =	sld [smem:$0x3FAE]  }
0x2f: {  	lr =	sadd.s32 s0, s3;
	s0 =	sld [smem:$0x3FA5]  }
0x30: {  	s3 =	sld [smem:$0x3FA8]  }
0x31: {  	[smem:$0x3FB1] =	sst s10  }
0x32: {  	s10 =	sld [smem:$0x3FAF];
	_ =	sdelay $0x3  }
0x33: {  	p0 =	seq.s32 s10, $0x1;
	s10 =	sld [smem:$0x3FB1];
	_ =	sdelay $0x3  }
0x34: {  	[smem:$0x3FB1] =	sst s10  }
0x35: {  	s10 =	sld [smem:$0x3FB0];
	_ =	sdelay $0x3  }
0x36: {  	p1 =	seq.s32 s10, $0x1;
	s10 =	sld [smem:$0x3FB1];
	_ =	sdelay $0x3  }
0x37: {  	[smem:$0x3FB1] =	sst s10  }
0x38: {  	s10 =	sld [smem:$0x3FB2]  }
0x39: {  	_ = 	snop;
	(pc) =	sbr.ind lr, $3  }
0x3a: {  	_ = 	snop  }
0x3b: {  	_ = 	snop  }
0x3c: {  	p2 =	seq.s32 s10, $0x1;
	s10 =	sld [smem:$0x3FB1]  }
0x3d: {  	_ =	shalt  }
0x3e: {  	_ =	shalt  }
0x3f: {  	_ =	shalt  }
0x40: {  	_ =	shalt  }
0x41: {  	_ =	shalt  }
0x42: {  	_ =	shalt  }
0x43: {  	_ =	shalt  }
0x44: {  	_ =	shalt  }
0x45: {  	_ =	shalt  }
0x46: {  	_ =	shalt  }
0x47: {  	_ =	shalt  }
0x48: {  	_ =	shalt  }
0x49: {  	_ =	shalt  }
0x4a: {  	_ =	shalt  }
0x4b: {  	_ =	shalt  }
0x4c: {  	_ =	shalt  }
0x4d: {  	_ =	shalt  }
0x4e: {  	_ =	shalt  }
0x4f: {  	_ =	shalt  }
0x50: {  	_ =	shalt  }
0x51: {  	_ =	shalt  }
0x52: {  	_ =	shalt  }
0x53: {  	_ =	shalt  }
0x54: {  	_ =	shalt  }
0x55: {  	_ =	shalt  }
0x56: {  	_ =	shalt  }
0x57: {  	_ =	shalt  }
0x58: {  	_ =	shalt  }
0x59: {  	_ =	shalt  }
0x5a: {  	_ =	shalt  }
0x5b: {  	_ =	shalt  }
0x5c: {  	_ =	shalt  }
0x5d: {  	_ =	shalt  }
0x5e: {  	_ =	shalt  }
0x5f: {  	_ =	shalt  }
0x60: {  	_ =	shalt  }
0x61: {  	_ =	shalt  }
0x62: {  	_ =	shalt  }
0x63: {  	_ =	shalt  }
0x64: {  	_ =	shalt  }
0x65: {  	_ =	shalt  }
0x66: {  	_ =	shalt  }
0x67: {  	_ =	shalt  }
0x68: {  	_ =	shalt  }
0x69: {  	_ =	shalt  }
0x6a: {  	_ =	shalt  }
0x6b: {  	_ =	shalt  }
0x6c: {  	_ =	shalt  }
0x6d: {  	_ =	shalt  }
0x6e: {  	_ =	shalt  }
0x6f: {  	_ =	shalt  }
0x70: {  	_ =	shalt  }
0x71: {  	_ =	shalt  }
0x72: {  	_ =	shalt  }
0x73: {  	_ =	shalt  }
0x74: {  	_ =	shalt  }
0x75: {  	_ =	shalt  }
0x76: {  	_ =	shalt  }
0x77: {  	_ =	shalt  }
0x78: {  	_ =	shalt  }
0x79: {  	_ =	shalt  }
0x7a: {  	_ =	shalt  }
0x7b: {  	_ =	shalt  }
0x7c: {  	_ =	shalt  }
0x7d: {  	_ =	shalt  }
0x7e: {  	_ =	shalt  }
0x7f: {  	_ =	shalt  }
0x80: {  	_ =	shalt  }
0x81: {  	_ =	shalt  }
0x82: {  	_ =	shalt  }
0x83: {  	_ =	shalt  }
0x84: {  	_ =	shalt  }
0x85: {  	_ =	shalt  }
0x86: {  	_ =	shalt  }
0x87: {  	_ =	shalt  }
.Lfunc_end0:
.L_simem_size_0:
called_computation_lowered:
.L_overlay_start_0:
0x88: {  	s2 =	sld [smem:$0x3FD9]  }
0x89: {  	s3 =	sld [smem:$0x3FFE];
	_ =	sdelay $0x1  }
0x8a: {  	s1 =	srdreg.scid  }
0x8b: {  	s0 =	sand.u32 $0x1, s1  }
0x8c: {  	s17 =	sshll.u32 s0, $0xA;
	s2 =	sadd.s32 s3, s2  }
0x8d: {  	s2 =	sadd.s32 s2, s17  }
0x8e: {  	[smem:$0x3FBD] =	sst s2  }
0x8f: {  	_ = 	snop  }
0x90: {  	s2 =	sld [smem:$0x3FC9]  }
0x91: {  	s18 =	sld [smem:$0x3FC7]  }
0x92: {  	s4 =	sld [smem:$0x3FD0];
	(tm) =	ssettm $0x1  }
0x93: {  	s5 =	sld [smem:$0x3FFB];
	_ =	sdelay $0x3  }
0x94: {  	_ =	strace s5  }
0x95: {  	s5 =	sld [smem:$0x3FFC];
	_ =	sdelay $0x3  }
0x96: {  	_ =	strace s5  }
0x97: {  	s5 =	sld [smem:$0x3FFD];
	_ =	sdelay $0x3  }
0x98: {  	_ =	strace s5  }
0x99: {  	_ =	strace $0x8FFFFFFF  }
0x9a: {  	s19 =	sld [smem:$0x3FDB];
	_ =	sdelay $0x1  }
0x9b: {  	s6 =	simm.s32 $_scs_section_size  }
0x9c: {  	s7 =	simm.s32 $_size__tile_overlayer_lowered;
	s8 =	simm.s32 $_tile_overlayer_lowered  }
0x9d: {  	s22 =	simm.s32 $0x1BFF;
	s21 =	sshll.u32 s8, $0x1;
	s5 =	sadd.s32 s6, s19  }
0x9e: {  	s9 =	simm.s32 $0x0;
	s20 =	sshll.u32 s7, $0x1;
	s7 =	sadd.s32 s21, s5  }
0x9f: {  	[timem:s9], [sflag:s22] =	dma.local [hbm:s7], s20  }
0xa0: {  	_ =	swait.ge [sflag:s22], s20  }
0xa1: {  	s6 =	ssub.s32 $0x0, s20;
	[sflag:s22] =	ssyncset.done $0x0  }
0xa2: {  	[sflag:s22] =	ssyncadd.s32 s6;
	_ =	sdelay $0x1  }
0xa3: {  	s23 =	simm.s32 $0x1B8B  }
0xa4: {  	_ =	swait.ge [sflag:s23], $0x1  }
0xa5: {  	[sflag:s23] =	ssyncset.done $0x0  }
0xa6: {  	s25 =	simm.s32 $0x1B8E;
	s24 =	sld [smem:$0x3FFE];
	[sflag:s23] =	ssyncadd.s32 $0xFFFFFFFF  }
0xa7: {  	s26 =	simm.s32 $execute0_lowered;
	[smem:$0x3FD2] =	sst s25  }
0xa8: {  	s7 =	sshll.u32 s26, $0x1;
	_ =	strace $0x80000046;
	[dreg:$0x1] =	wrdreg $0xFFFFFFFF  }
0xa9: {  	s28 =	simm.s32 $_size_execute0_lowered;
	s5 =	sadd.s32 s5, s7;
	[dreg:$0x0] =	wrdreg $0x0  }
0xaa: {  	s7 =	sshll.u32 s28, $0x1;
	[dreg:$0x2] =	wrdreg s5  }
0xab: {  	[dreg:$0x3] =	wrdreg s7  }
0xac: {  	[dreg:$0x4] =	wrdreg $0xC0  }
0xad: {  	_ =	task [dreg:s9], $0x5FFFF  }
0xae: {  	[dreg:$0x1] =	wrdreg $0xFFFFFFFF  }
0xaf: {  	[dreg:$0x0] =	wrdreg $0x60  }
0xb0: {  	[dreg:$0x2] =	wrdreg s2  }
0xb1: {  	[dreg:$0x3] =	wrdreg s24  }
0xb2: {  	[dreg:$0x4] =	wrdreg s4  }
0xb3: {  	[dreg:$0x5] =	wrdreg s18  }
0xb4: {  	[dreg:$0x6] =	wrdreg $0xAC000  }
0xb5: {  	[dreg:$0x7] =	wrdreg $0x9  }
0xb6: {  	_ =	task.clear_ibuf [dreg:s9], $0x8FFFF;
	_ =	strace $0x90000046  }
0xb7: {  	s29 =	simm.s32 $0x9;
	_ =	strace $0x80000048  }
0xb8: {  	_ =	swait.ge [sflag:s29], $0x1  }
0xb9: {  	[sflag:s29] =	ssyncadd.s32 $0xFFFFFFFF  }
0xba: {  	_ =	strace $0x90000048  }
0xbb: {  	_ =	sfence  }
0xbc: {  	s30 =	sld [smem:$0x0];
	_ =	sdelay $0x2  }
0xbd: {  	s31 =	sshll.u32 s1, $0xD;
	s1 =	sshrl.u32 s1, $0x2  }
0xbe: {  	s3 =	sand.u32 $0x4000, s31;
	s1 =	sadd.s32 s1, s30  }
0xbf: {  	s0 =	sor.u32 s3, s0;
	s1 =	sshll.u32 s1, $0x11  }
0xc0: {  	s0 =	sor.u32 s1, s0  }
0xc1: {  	s0 =	sadd.s32 $0x8F2B, s0  }
0xc2: {  	[sflag:s0] =	ssyncadd.remote.s32 $0x1  }
0xc3: {  	_ =	sfence.sel $0xFFFF  }
0xc4: {  	[dreg:$0x0] =	wrdreg $0xFFFFFFFF;
	(pc) =	sbr.abs _section_cstart, $3  }
0xc5: {  	[dreg:$0x1] =	wrdreg $0xFFFFFFFF  }
0xc6: {  	_ =	task.clear_ibuf [dreg:s9], $0x2FFFF;
	_ =	strace $0x9FFFFFFF  }
0xc7: {  	(tm) =	ssettm $0x7FFFFFFF  }
tec
execute0_lowered:
.L_overlay_start_1:
0x0: {  	(tag) =	ssettag $0x1  }
0x1: {  	s1 =	rddreg [dreg:$0x0]  }
0x2: {  	s0 =	rddreg [dreg:$0x1]  }
0x3: {  	s2 =	rddreg [dreg:$0x2]  }
0x4: {  	s3 =	rddreg [dreg:$0x3]  }
0x5: {  	s4 =	rddreg [dreg:$0x4]  }
0x6: {  	s5 =	simm.s32 $0x0;
	s6 =	srdreg.scid;
	s8 =	stileid.u32  }
0x7: {  	s31 =	simm.s32 $0x800;
	s29 =	simm.s32 $0x0;
	[smem:$0x7FF] =	sst s5  }
0x8: {  	s10 =	sand.u32 $0x1, s6;
	s6 =	smul.u32 $0x4E20, s8;
	s7 =	sadd.s32 $0x2400, s0  }
0x9: {  	s14 =	sadd.s32 $0xC200, s0;
	s9 =	sadd.s32 $0x2C400, s0;
	s28 =	sshll.u32 s8, $0x10  }
0xa: {  	s0 =	sadd.s32 $0x2C200, s0;
	_ =	strace $0x80000047;
	[dreg:$0x6] =	wrdreg s14  }
0xb: {  	s17 =	smul.u32 $0x280, s8;
	s30 =	sadd.s32 s28, s4;
	[dreg:$0xf] =	wrdreg s0  }
0xc: {  	s11 =	ssub.s32 $0x2, s10;
	s10 =	smul.u32 $0x5, s10;
	[dreg:$0xb] =	wrdreg s30  }
0xd: {  	s16 =	sshll.u32 s8, $0x9;
	p0 =	sne.s32 s8, $0x0;
	[dreg:$0xe] =	wrdreg s17  }
0xe: {  	s12 =	sshrl.u32 s11, $0x1;
	s20 =	sor.u32 $0x14050, s17;
	[dreg:$0xa] =	wrdreg s10  }
0xf: {  	s13 =	sshrl.u32 s6, $0x3;
	s21 =	sadd.s32 $0x140A0, s17;
	[dreg:$0x11] =	wrdreg s20  }
0x10: {  	s19 =	sadd.s32 $0x7D0, s6;
	s22 =	sadd.s32 $0x140F0, s17;
	[dreg:$0x12] =	wrdreg s21  }
0x11: {  	s28 =	sadd.s32 $0x141E0, s17;
	s30 =	sadd.s32 $0x14230, s17;
	[dreg:$0x13] =	wrdreg s22  }
0x12: {  	s11 =	ssub.s32 s11, s12;
	s24 =	sadd.s32 s7, s13;
	[dreg:$0x18] =	wrdreg s28  }
0x13: {  	s25 =	sadd.s32 s2, s13;
	s26 =	sadd.s32 s3, s13;
	[dreg:$0x19] =	wrdreg s30  }
0x14: {  	s12 =	sshll.u32 s8, $0xD;
	s13 =	sshll.u32 s8, $0x6;
	[dreg:$0x7] =	wrdreg s24  }
0x15: {  	s20 =	simm.s32 $0x3C00;
	s21 =	simm.s32 $0x80;
	[dreg:$0x8] =	wrdreg s25  }
0x16: {  	s22 =	simm.s32 $0x1;
	[dreg:$0x9] =	wrdreg s26;
	s10 =	sadd.s32 s14, s12  }
0x17: {  	s14 =	sshrl.u32 s8, $0x1;
	s26 =	sor.u32 $0x1C05, s13;
	s13 =	sadd.s32 $0x100000, s4  }
0x18: {  	s12 =	sand.u32 $0x200, s16;
	s23 =	smax.u32 s11, $0x1;
	s24 =	sadd.s32 $0x14140, s17  }
0x19: {  	s25 =	sadd.s32 $0x14190, s17;
	s11 =	simm.s32 $0x8800;
	[dreg:$0xc] =	wrdreg s10  }
0x1a: {  	s8 =	simm.s32 $0x4;
	s17 =	simm.s32 $0x4800;
	[dreg:$0x14] =	wrdreg s23  }
0x1b: {  	s15 =	smul.u32 $0x2800, s14;
	s0 =	sshrl.u32 @!p0 s13, $0x3;
	[dreg:$0x16] =	wrdreg s24  }
.Ltmp0:
0x1c: {  	[dreg:$0x17] =	wrdreg s25;
	s10 =	simm.s32 $0x5;
	(pc) =	sbr.rel .LBB2_1-.Ltmp0, $4  }
0x1d: {  	v0 =	vimm.f32 $1.000000000e+00;
	v1 =	vlaneseq.u32;
	s24 =	simm.s32 $0x3;
	s13 =	simm.s32 $0x1800;
	[dreg:$0xd] =	wrdreg s26  }
0x1e: {  	v2 =	vimm.s32 $0x0;
	v10 =	vimm.s32 $0x2000;
	v3 =	vor.u32 $0x10, v1;
	s14 =	simm.s32 $0x2000;
	s23 =	simm.s32 $0x0;
	[dreg:$0x15] =	wrdreg s0  }
0x1f: {  	v4 =	vor.u32 $0x20, v1;
	v5 =	vor.u32 $0x30, v1;
	v6 =	vor.u32 $0x40, v1;
	s0 =	simm.s32 $0x1000;
	s18 =	sor.u32 s12, s15;
	s12 =	simm.s32 $0x2  }
0x20: {  	v7 =	vor.u32 $0x50, v1;
	v8 =	vor.u32 $0x60, v1;
	v9 =	vor.u32 $0x70, v1;
	s15 =	simm.s32 $0x2800;
	[dreg:$0x10] =	wrdreg s18;
	s18 =	simm.s32 $0x3000  }
.LBB2_19:
0x21: {  	s23 =	rddreg [dreg:$0x1a]  }
0x22: {  	s16 =	rddreg [dreg:$0x14];
	s23 =	sadd.s32 $0x1, s23  }
0x23: {  	p1 =	sne.s32 s23, s16  }
.Ltmp1:
0x24: {  	_ = 	snop;
	(pc) =	sbr.rel @!p1 .LBB2_20-.Ltmp1, $1  }
0x25: {  	_ =	sdelay $0x3  }
.LBB2_1:
0x26: {  	s16 =	rddreg [dreg:$0x7]  }
0x27: {  	[tilespmem:s5], [sflag:$0x2] =	stream.linear.gather [hbm4b:s16+s5], $0x7D0, $0x38;
	[tilespmem:$0x1AC40] =	vst v63  }
.Ltmp2:
0x28: {  	[dreg:$0x1a] =	wrdreg s23;
	(pc) =	sbr.rel .LBB2_2-.Ltmp2, $4  }
0x29: {  	s28 =	rddreg [dreg:$0x8]  }
0x2a: {  	[tilespmem:s31], [sflag:$0x3] =	stream.linear.gather [hbm4b:s28+s5], $0x7D0, $0x38;
	[tilespmem:$0x1AC40] =	vst v63  }
0x2b: {  	s30 =	rddreg [dreg:$0x9];
	s23 =	simm.s32 $0x0  }
0x2c: {  	[tilespmem:s0], [sflag:$0x4] =	stream.linear.gather [hbm4b:s30+s5], $0x7D0, $0x38;
	[tilespmem:$0x1AC40] =	vst v63  }
.LBB2_18:
0x2d: {  	s25 =	sadd.s32 $0x7F, s16  }
0x2e: {  	v11 =	vadd.s32 s16, v1;
	s25 =	sand.u32 $0x80, s25  }
0x2f: {  	s26 =	sadd.s32 $0x10, s16;
	vm0 =	vlt.u32 v11, s25  }
0x30: {  	v12 =	vadd.s32 s26, v1  }
0x31: {  	s28 =	sadd.s32 $0x20, s16;
	vm1 =	vlt.u32 v12, s25  }
0x32: {  	v13 =	vadd.s32 s28, v1  }
0x33: {  	s30 =	sadd.s32 $0x30, s16;
	vm2 =	vlt.u32 v13, s25  }
0x34: {  	v14 =	vadd.s32 s30, v1  }
0x35: {  	s28 =	sadd.s32 $0x40, s16;
	vm3 =	vlt.u32 v14, s25;
	[tilespmem:v11+s18+$0x0] =	vst.idx.msk vm0, v2  }
0x36: {  	[tilespmem:v11+s20+$0x0] =	vst.idx.msk vm0, v10;
	v11 =	vadd.s32 s28, v1  }
0x37: {  	s30 =	sadd.s32 $0x50, s16;
	[tilespmem:v12+s18+$0x0] =	vst.idx.msk vm1, v2;
	vm12 =	vlt.u32 v11, s25  }
0x38: {  	v61 =	vadd.s32 s30, v1;
	[tilespmem:v12+s20+$0x0] =	vst.idx.msk vm1, v10  }
0x39: {  	vm13 =	vlt.u32 v61, s25;
	s28 =	sadd.s32 $0x60, s16;
	[tilespmem:v13+s18+$0x0] =	vst.idx.msk vm2, v2  }
0x3a: {  	v62 =	vadd.s32 s28, v1;
	[tilespmem:v13+s20+$0x0] =	vst.idx.msk vm2, v10  }
0x3b: {  	s30 =	sadd.s32 $0x70, s16;
	vm14 =	vlt.u32 v62, s25;
	[tilespmem:v14+s18+$0x0] =	vst.idx.msk vm3, v2  }
0x3c: {  	v63 =	vadd.s32 s30, v1;
	[tilespmem:v14+s20+$0x0] =	vst.idx.msk vm3, v10  }
0x3d: {  	vm15 =	vlt.u32 v63, s25;
	[tilespmem:v11+s18+$0x0] =	vst.idx.msk vm12, v2  }
0x3e: {  	[tilespmem:v11+s20+$0x0] =	vst.idx.msk vm12, v10  }
0x3f: {  	[tilespmem:v61+s18+$0x0] =	vst.idx.msk vm13, v2  }
0x40: {  	[tilespmem:v61+s20+$0x0] =	vst.idx.msk vm13, v10  }
0x41: {  	[tilespmem:v62+s18+$0x0] =	vst.idx.msk vm14, v2  }
0x42: {  	p1 =	seq.s32 s16, $0x0;
	[tilespmem:v62+s20+$0x0] =	vst.idx.msk vm14, v10  }
0x43: {  	[smem:$0x1] =	sst s16;
	s26 =	simm.s32 @!p1 $0x3000;
	[tilespmem:v63+s18+$0x0] =	vst.idx.msk vm15, v2  }
0x44: {  	s16 =	simm.s32 @!p1 $0x1;
	s28 =	simm.s32 @!p1 $0x4800;
	s25 =	simm.s32 @!p1 $0x80;
	[tilespmem:v63+s20+$0x0] =	vst.idx.msk vm15, v10  }
0x45: {  	[tilespmem:s28], [sflag:$0x1] =	stream.indirect.gather @!p1 [hbm4b:s1+s25], $0x80, s26, s25, $0xb8;
	[tilespmem:$0x1AC40] =	vst v63  }
0x46: {  	_ =	swait.ge @!p1 [sflag:s16], $0x4000  }
0x47: {  	[sflag:s16] =	ssyncset.done @!p1 $0x0  }
0x48: {  	[sflag:s16] =	ssyncadd.s32 @!p1 $0xFFFFC000;
	s16 =	simm.s32 @!p1 $0x3C00  }
0x49: {  	[spmem:s4] =	stream.indirect.scatter.add.f32 @!p1 [tilespmem:s28], [sflag:$0x5], $0x80, s16, s25, $0xb8;
	[tilespmem:$0x1AC40] =	vst v63  }
0x4a: {  	s16 =	simm.s32 @!p1 $0x5  }
0x4b: {  	_ =	swait.ge @!p1 [sflag:s16], $0x4000  }
0x4c: {  	[sflag:s16] =	ssyncset.done @!p1 $0x0;
	s28 =	rddreg [dreg:$0x10]  }
0x4d: {  	s30 =	rddreg [dreg:$0x1d];
	[sflag:s16] =	ssyncadd.s32 @!p1 $0xFFFFC000  }
0x4e: {  	s25 =	sadd.s32 s28, s30;
	[bflag:$0x0] =	sbarrier.arrive $0xFFFF  }
0x4f: {  	s28 =	sshll.u32 s25, $0x4;
	s26 =	rddreg [dreg:$0xd]  }
0x50: {  	s16 =	sadd.s32 s9, s28;
	s30 =	rddreg [dreg:$0x1b]  }
0x51: {  	[hbm:s16], [sflag:s26] =	dma.local [spmem:s30], $0x2000  }
0x52: {  	s16 =	rddreg [dreg:$0x1c]  }
0x53: {  	s25 =	rddreg [dreg:$0xe];
	s16 =	sshll.u32 s16, $0x3  }
0x54: {  	s25 =	sadd.s32 s25, s16  }
0x55: {  	_ =	swait.ge [sflag:s10], $0x2000;
	s25 =	sshll.u32 s25, $0x4  }
0x56: {  	[sflag:s10] =	ssyncset.done $0x0;
	s25 =	sor.u32 $0x140000, s25  }
0x57: {  	[sflag:s10] =	ssyncadd.s32 $0xFFFFE000;
	s25 =	sadd.s32 s9, s25  }
0x58: {  	[hbm4b:s25+s5] =	stream.linear.scatter [tilespmem:s11], [sflag:$0x5], $0x400, $0x38;
	[tilespmem:$0x1AC40] =	vst v63  }
0x59: {  	_ =	swait.ge [sflag:s10], $0x400  }
0x5a: {  	s28 =	rddreg [dreg:$0x11]  }
0x5b: {  	s25 =	sadd.s32 s28, s16  }
0x5c: {  	[sflag:s10] =	ssyncset.done $0x0;
	s25 =	sshll.u32 s25, $0x4  }
0x5d: {  	s30 =	simm.s32 $0x8C00;
	[sflag:s10] =	ssyncadd.s32 $0xFFFFFC00;
	s25 =	sadd.s32 s9, s25  }
0x5e: {  	[hbm4b:s25+s5] =	stream.linear.scatter [tilespmem:s30], [sflag:$0x5], $0x400, $0x38;
	[tilespmem:$0x1AC40] =	vst v63  }
0x5f: {  	_ =	swait.ge [sflag:s10], $0x400  }
0x60: {  	s28 =	rddreg [dreg:$0x12]  }
0x61: {  	s25 =	sadd.s32 s28, s16  }
0x62: {  	[sflag:s10] =	ssyncset.done $0x0;
	s25 =	sshll.u32 s25, $0x4  }
0x63: {  	s30 =	simm.s32 $0x9000;
	[sflag:s10] =	ssyncadd.s32 $0xFFFFFC00;
	s25 =	sadd.s32 s9, s25  }
0x64: {  	[hbm4b:s25+s5] =	stream.linear.scatter [tilespmem:s30], [sflag:$0x5], $0x400, $0x38;
	[tilespmem:$0x1AC40] =	vst v63  }
0x65: {  	_ =	swait.ge [sflag:s10], $0x400  }
0x66: {  	s28 =	rddreg [dreg:$0x13]  }
0x67: {  	s25 =	sadd.s32 s28, s16  }
0x68: {  	[sflag:s10] =	ssyncset.done $0x0;
	s25 =	sshll.u32 s25, $0x4  }
0x69: {  	s30 =	simm.s32 $0x9400;
	[sflag:s10] =	ssyncadd.s32 $0xFFFFFC00;
	s25 =	sadd.s32 s9, s25  }
0x6a: {  	[hbm4b:s25+s5] =	stream.linear.scatter [tilespmem:s30], [sflag:$0x5], $0x400, $0x38;
	[tilespmem:$0x1AC40] =	vst v63  }
0x6b: {  	_ =	swait.ge [sflag:s10], $0x400  }
0x6c: {  	s28 =	rddreg [dreg:$0x16]  }
0x6d: {  	s25 =	sadd.s32 s28, s16  }
0x6e: {  	[sflag:s10] =	ssyncset.done $0x0;
	s25 =	sshll.u32 s25, $0x4  }
0x6f: {  	s30 =	simm.s32 $0x9800;
	[sflag:s10] =	ssyncadd.s32 $0xFFFFFC00;
	s25 =	sadd.s32 s9, s25  }
0x70: {  	[hbm4b:s25+s5] =	stream.linear.scatter [tilespmem:s30], [sflag:$0x5], $0x400, $0x38;
	[tilespmem:$0x1AC40] =	vst v63  }
0x71: {  	_ =	swait.ge [sflag:s10], $0x400  }
0x72: {  	s28 =	rddreg [dreg:$0x17]  }
0x73: {  	s25 =	sadd.s32 s28, s16  }
0x74: {  	[sflag:s10] =	ssyncset.done $0x0;
	s25 =	sshll.u32 s25, $0x4  }
0x75: {  	s30 =	simm.s32 $0x9C00;
	[sflag:s10] =	ssyncadd.s32 $0xFFFFFC00;
	s25 =	sadd.s32 s9, s25  }
0x76: {  	[hbm4b:s25+s5] =	stream.linear.scatter [tilespmem:s30], [sflag:$0x5], $0x400, $0x38;
	[tilespmem:$0x1AC40] =	vst v63  }
0x77: {  	_ =	swait.ge [sflag:s10], $0x400  }
0x78: {  	s28 =	rddreg [dreg:$0x18]  }
0x79: {  	s25 =	sadd.s32 s28, s16  }
0x7a: {  	[sflag:s10] =	ssyncset.done $0x0;
	s25 =	sshll.u32 s25, $0x4  }
0x7b: {  	s30 =	simm.s32 $0xA000;
	[sflag:s10] =	ssyncadd.s32 $0xFFFFFC00;
	s25 =	sadd.s32 s9, s25  }
0x7c: {  	[hbm4b:s25+s5] =	stream.linear.scatter [tilespmem:s30], [sflag:$0x5], $0x400, $0x38;
	[tilespmem:$0x1AC40] =	vst v63  }
0x7d: {  	_ =	swait.ge [sflag:s10], $0x400  }
0x7e: {  	s23 =	sadd.s32 $0x1, s23;
	s28 =	rddreg [dreg:$0x19]  }
0x7f: {  	p1 =	sne.s32 s23, $0x5;
	s16 =	sadd.s32 s28, s16  }
0x80: {  	s30 =	simm.s32 $0xA400;
	[sflag:s10] =	ssyncset.done $0x0;
	s16 =	sshll.u32 s16, $0x4  }
.Ltmp3:
0x81: {  	[sflag:s10] =	ssyncadd.s32 $0xFFFFFC00;
	s16 =	sadd.s32 s9, s16;
	(pc) =	sbr.rel @!p1 .LBB2_19-.Ltmp3, $4  }
0x82: {  	[hbm4b:s16+s5] =	stream.linear.scatter [tilespmem:s30], [sflag:$0x5], $0x400, $0x38;
	[tilespmem:$0x1AC40] =	vst v63  }
0x83: {  	_ =	swait.ge [sflag:s10], $0x400  }
0x84: {  	[sflag:s10] =	ssyncset.done $0x0  }
0x85: {  	[sflag:s10] =	ssyncadd.s32 $0xFFFFFC00  }
.LBB2_2:
0x86: {  	s16 =	rddreg [dreg:$0xb]  }
0x87: {  	s28 =	rddreg [dreg:$0xc];
	s25 =	sshrl.u32 s16, $0x3  }
0x88: {  	[dreg:$0x1b] =	wrdreg s25  }
0x89: {  	[spmem:s25], [sflag:s26] =	dma.local [hbm:s28], $0x2000  }
0x8a: {  	_ =	swait.ge [sflag:s10], $0x2000  }
0x8b: {  	[sflag:s10] =	ssyncset.done $0x0;
	s16 =	rddreg [dreg:$0xf]  }
0x8c: {  	s25 =	rddreg [dreg:$0x15];
	[sflag:s10] =	ssyncadd.s32 $0xFFFFE000  }
0x8d: {  	[spmem:s25], [sflag:s26] =	dma.local @!p0 [hbm:s16], $0x80  }
0x8e: {  	s16 =	simm.s32 @!p0 $0x5  }
0x8f: {  	_ =	swait.ge @!p0 [sflag:s16], $0x80  }
0x90: {  	[sflag:s16] =	ssyncset.done @!p0 $0x0  }
0x91: {  	s25 =	rddreg [dreg:$0x6];
	[sflag:s16] =	ssyncadd.s32 @!p0 $0xFFFFFF80  }
0x92: {  	[tilespmem:s11], [sflag:$0x5] =	stream.linear.gather [hbm4b:s25+s29], $0x2400, $0x38;
	[tilespmem:$0x1AC40] =	vst v63  }
0x93: {  	_ =	swait.ge [sflag:s10], $0x2400  }
.Ltmp4:
0x94: {  	s26 =	rddreg [dreg:$0xa];
	(pc) =	sbr.rel .LBB2_3-.Ltmp4, $4  }
0x95: {  	[sflag:s10] =	ssyncset.done $0x0;
	s16 =	sadd.s32 s26, s23  }
0x96: {  	[sflag:s10] =	ssyncadd.s32 $0xFFFFDC00;
	[dreg:$0x1c] =	wrdreg s16;
	s28 =	sshll.u32 s16, $0xA  }
0x97: {  	p1 =	sne.s32 s23, $0x4;
	[bflag:$0x0] =	sbarrier.arrive $0xFFFF;
	s16 =	sadd.s32 $0x400, s28  }
0x98: {  	s30 =	simm.s32 $0x0;
	v11 =	vmov s28;
	[dreg:$0x1d] =	wrdreg s28;
	v12 =	vmov s16;
	s16 =	simm.s32 $0x0  }
.LBB2_16:
0x99: {  	[sflag:s10] =	ssyncadd.s32 $0xFFFFC000  }
.LBB2_17:
0x9a: {  	s25 =	sand.u32 $0xFFFFFF80, s16  }
0x9b: {  	v13 =	vor.u32 s25, v1  }
0x9c: {  	vm0 =	vlt.s32 v13, s16;
	_ =	sdelay $0x4  }
0x9d: {  	s26 =	sor.u32 $0x10, s25  }
0x9e: {  	v15 =	vor.u32 s26, v1;
	v14 =	vld.idx.msk [tilespmem:v13+s18+$0x0], vm0  }
0x9f: {  	vm1 =	vlt.s32 v15, s16;
	v13 =	vld.idx.msk [tilespmem:v13+s20+$0x0], vm0;
	_ =	sdelay $0x3  }
0xa0: {  	[tilespmem:v1+s18+$0x0] =	vst.idx.msk vm0, v14  }
0xa1: {  	s28 =	sor.u32 $0x20, s25;
	[tilespmem:v1+s20+$0x0] =	vst.idx.msk vm0, v13  }
0xa2: {  	v14 =	vor.u32 s28, v1;
	v13 =	vld.idx.msk [tilespmem:v15+s18+$0x0], vm1  }
0xa3: {  	vm10 =	vlt.s32 v14, s16;
	v15 =	vld.idx.msk [tilespmem:v15+s20+$0x0], vm1;
	_ =	sdelay $0x3  }
0xa4: {  	[tilespmem:v3+s18+$0x0] =	vst.idx.msk vm1, v13  }
0xa5: {  	s28 =	sor.u32 $0x30, s25;
	[tilespmem:v3+s20+$0x0] =	vst.idx.msk vm1, v15  }
0xa6: {  	v15 =	vor.u32 s28, v1;
	v13 =	vld.idx.msk [tilespmem:v14+s18+$0x0], vm10  }
0xa7: {  	v14 =	vld.idx.msk [tilespmem:v14+s20+$0x0], vm10;
	vm11 =	vlt.s32 v15, s16;
	_ =	sdelay $0x3  }
0xa8: {  	[tilespmem:v4+s18+$0x0] =	vst.idx.msk vm10, v13  }
0xa9: {  	s28 =	sor.u32 $0x40, s25;
	[tilespmem:v4+s20+$0x0] =	vst.idx.msk vm10, v14  }
0xaa: {  	v14 =	vor.u32 s28, v1;
	v13 =	vld.idx.msk [tilespmem:v15+s18+$0x0], vm11  }
0xab: {  	v15 =	vld.idx.msk [tilespmem:v15+s20+$0x0], vm11;
	vm12 =	vlt.s32 v14, s16;
	_ =	sdelay $0x3  }
0xac: {  	[tilespmem:v5+s18+$0x0] =	vst.idx.msk vm11, v13  }
0xad: {  	s28 =	sor.u32 $0x50, s25;
	[tilespmem:v5+s20+$0x0] =	vst.idx.msk vm11, v15  }
0xae: {  	v15 =	vor.u32 s28, v1;
	v13 =	vld.idx.msk [tilespmem:v14+s18+$0x0], vm12  }
0xaf: {  	v14 =	vld.idx.msk [tilespmem:v14+s20+$0x0], vm12;
	vm13 =	vlt.s32 v15, s16;
	_ =	sdelay $0x3  }
0xb0: {  	[tilespmem:v6+s18+$0x0] =	vst.idx.msk vm12, v13  }
0xb1: {  	s28 =	sor.u32 $0x60, s25;
	[tilespmem:v6+s20+$0x0] =	vst.idx.msk vm12, v14  }
0xb2: {  	v14 =	vor.u32 s28, v1;
	v13 =	vld.idx.msk [tilespmem:v15+s18+$0x0], vm13  }
0xb3: {  	v15 =	vld.idx.msk [tilespmem:v15+s20+$0x0], vm13;
	vm14 =	vlt.s32 v14, s16;
	_ =	sdelay $0x3  }
0xb4: {  	[tilespmem:v7+s18+$0x0] =	vst.idx.msk vm13, v13  }
0xb5: {  	s25 =	sor.u32 $0x70, s25;
	[tilespmem:v7+s20+$0x0] =	vst.idx.msk vm13, v15  }
0xb6: {  	v15 =	vor.u32 s25, v1;
	v13 =	vld.idx.msk [tilespmem:v14+s18+$0x0], vm14  }
0xb7: {  	v14 =	vld.idx.msk [tilespmem:v14+s20+$0x0], vm14;
	vm15 =	vlt.s32 v15, s16;
	_ =	sdelay $0x3  }
0xb8: {  	[tilespmem:v8+s18+$0x0] =	vst.idx.msk vm14, v13  }
0xb9: {  	[tilespmem:v8+s20+$0x0] =	vst.idx.msk vm14, v14  }
0xba: {  	s30 =	sadd.s32 $0x1, s30;
	v13 =	vld.idx.msk [tilespmem:v15+s18+$0x0], vm15  }
0xbb: {  	p2 =	sne.s32 s30, $0x5;
	v14 =	vld.idx.msk [tilespmem:v15+s20+$0x0], vm15  }
.Ltmp5:
0xbc: {  	_ = 	snop;
	(pc) =	sbr.rel @!p2 .LBB2_18-.Ltmp5, $3  }
0xbd: {  	_ =	sdelay $0x1  }
0xbe: {  	[tilespmem:v9+s18+$0x0] =	vst.idx.msk vm15, v13  }
0xbf: {  	s16 =	sand.u32 $0x7F, s16;
	[tilespmem:v9+s20+$0x0] =	vst.idx.msk vm15, v14  }
.LBB2_3:
0xc0: {  	_ =	swait.ge [sflag:s12], $0x7D0  }
0xc1: {  	[sflag:s12] =	ssyncset.done $0x0  }
0xc2: {  	[sflag:s12] =	ssyncadd.s32 $0xFFFFF830  }
0xc3: {  	_ =	swait.ge [sflag:s24], $0x7D0  }
0xc4: {  	s25 =	smul.u32 $0xFA0, s30;
	[sflag:s24] =	ssyncset.done $0x0  }
0xc5: {  	[sflag:s24] =	ssyncadd.s32 $0xFFFFF830  }
0xc6: {  	s25 =	sadd.s32 s25, s19;
	_ =	swait.ge [sflag:s8], $0x7D0  }
0xc7: {  	s25 =	sshrl.u32 s25, $0x3;
	[sflag:s8] =	ssyncset.done $0x0  }
0xc8: {  	s26 =	sadd.s32 s7, s25;
	[sflag:s8] =	ssyncadd.s32 $0xFFFFF830  }
0xc9: {  	[tilespmem:s13], [sflag:$0x2] =	stream.linear.gather [hbm4b:s26+s29], $0x7D0, $0x38;
	[tilespmem:$0x1AC40] =	vst v63  }
0xca: {  	s26 =	sadd.s32 s2, s25  }
0xcb: {  	[tilespmem:s14], [sflag:$0x3] =	stream.linear.gather [hbm4b:s26+s29], $0x7D0, $0x38;
	[tilespmem:$0x1AC40] =	vst v63  }
0xcc: {  	s25 =	sadd.s32 s3, s25;
	s26 =	simm.s32 $0x0  }
0xcd: {  	[tilespmem:s15], [sflag:$0x4] =	stream.linear.gather [hbm4b:s25+s29], $0x7D0, $0x38;
	[tilespmem:$0x1AC40] =	vst v63  }
0xce: {  	v13 =	vld [tilespmem:s26+$0x800];
	_ =	sdelay $0x4  }
0xcf: {  	vm0 =	vge.s32 v13, v11;
	vm1 =	vlt.s32 v13, v12  }
0xd0: {  	v15 =	vld [tilespmem:s26+$0x1000];
	vm0 =	vmand vm0, vm1  }
0xd1: {  	v14 =	vsel vm0, $0x1, v2  }
0xd2: {  	(xrf0) =	vadd.scan.msk.s32 $0xffff, v14;
	_ =	sdelay $0x2  }
0xd3: {  	v15 =	vshll.u32 v15, $0xA;
	v14 =	vmov s16  }
0xd4: {  	v14 =	vadd.s32 $0xFFFFFFFF, v14  }
0xd5: {  	v13 =	vsub.s32 v13, v11;
	v14 =	vbroadcast v14, $0x0  }
0xd6: {  	v13 =	vadd.s32 v15, v13;
	v15, _, _ =	vpop (xrf0)  }
0xd7: {  	v13 =	vnsel vm0, $0x2000, v13;
	v14 =	vadd.s32 v15, v14;
	(v2sf) =	vpush v15, $0xF  }
0xd8: {  	v15 =	vld [tilespmem:s26+$0x0];
	v14 =	vnsel vm0, $0x0, v14;
	_ =	sdelay $0x3  }
0xd9: {  	[tilespmem:v13+s11+$0x0] =	vst.idx.add.f32.msk vm0, v0  }
0xda: {  	[tilespmem:v14+s18+$0x0] =	vst.idx.msk vm0, v15  }
0xdb: {  	s25 =	simm.s32 $0x10;
	[tilespmem:v14+s20+$0x0] =	vst.idx.msk vm0, v13  }
0xdc: {  	v13 =	vld [tilespmem:s25+$0x800]  }
0xdd: {  	v14 =	vld [tilespmem:s25+$0x1000];
	_ =	sdelay $0x3  }
0xde: {  	vm0 =	vge.s32 v13, v11;
	vm1 =	vlt.s32 v13, v12  }
0xdf: {  	v13 =	vsub.s32 v13, v11;
	v14 =	vshll.u32 v14, $0xA;
	vm0 =	vmand vm0, vm1  }
0xe0: {  	s26 =	simm.s32 $0x80;
	v13 =	vadd.s32 v14, v13;
	v14 =	vsel vm0, $0x1, v2;
	s28 =	spop (v2sf)  }
.LBB2_4:
0xe1: {  	p2 =	sne.s32 s26, $0x1F00  }
0xe2: {  	(xrf0) =	vadd.scan.msk.s32 $0xffff, v14;
	s16 =	sadd.s32 s16, s28;
	s28 =	smov.u32 s26;
	s26 =	sadd.s32 $0x40, s26  }
0xe3: {  	v14 =	vmov s16  }
0xe4: {  	v14 =	vadd.s32 $0xFFFFFFFF, v14;
	_ =	sdelay $0x2  }
0xe5: {  	v14 =	vbroadcast v14, $0x0  }
0xe6: {  	v15, _, _ =	vpop (xrf0)  }
0xe7: {  	v13 =	vnsel vm0, $0x2000, v13;
	v14 =	vadd.s32 v15, v14;
	(v2sf) =	vpush v15, $0xF  }
0xe8: {  	v15 =	vld [tilespmem:s25+$0x0];
	v14 =	vnsel vm0, $0x0, v14;
	_ =	sdelay $0x3  }
0xe9: {  	[tilespmem:v13+s11+$0x0] =	vst.idx.add.f32.msk vm0, v0  }
0xea: {  	[tilespmem:v14+s18+$0x0] =	vst.idx.msk vm0, v15  }
0xeb: {  	s25 =	sshra.s32 s28, $0x2;
	[tilespmem:v14+s20+$0x0] =	vst.idx.msk vm0, v13  }
0xec: {  	v13 =	vld [tilespmem:s25+$0x800]  }
0xed: {  	v14 =	vld [tilespmem:s25+$0x1000];
	_ =	sdelay $0x1  }
.Ltmp6:
0xee: {  	(pc) =	sbr.rel @p2 .LBB2_4-.Ltmp6, $4  }
0xef: {  	_ = 	snop  }
0xf0: {  	vm0 =	vge.s32 v13, v11;
	vm1 =	vlt.s32 v13, v12;
	v13 =	vsub.s32 v13, v11  }
0xf1: {  	vm0 =	vmand vm0, vm1;
	v14 =	vshll.u32 v14, $0xA  }
0xf2: {  	v13 =	vadd.s32 v14, v13;
	v14 =	vsel vm0, $0x1, v2;
	s28 =	spop (v2sf)  }
0xf3: {  	(xrf0) =	vadd.scan.msk.s32 $0xffff, v14;
	_ =	sdelay $0x5  }
0xf4: {  	v14, _, _ =	vpop (xrf0)  }
0xf5: {  	(v2sf) =	vpush v14, $0xF;
	_ =	sdelay $0xa  }
0xf6: {  	s16 =	sadd.s32 s16, s28  }
0xf7: {  	v15 =	vmov s16  }
0xf8: {  	v15 =	vadd.s32 $0xFFFFFFFF, v15  }
0xf9: {  	v15 =	vbroadcast v15, $0x0  }
0xfa: {  	s26 =	spop (v2sf)  }
0xfb: {  	v13 =	vnsel vm0, $0x2000, v13;
	v14 =	vadd.s32 v14, v15;
	s16 =	sadd.s32 s16, s26  }
0xfc: {  	v15 =	vld [tilespmem:s25+$0x0];
	v14 =	vnsel vm0, $0x0, v14;
	s28 =	sshra.s32 s16, $0x7  }
0xfd: {  	p2 =	slt.s32 s28, $0x1  }
.Ltmp7:
0xfe: {  	_ = 	snop;
	(pc) =	sbr.rel @p2 .LBB2_9-.Ltmp7, $4  }
0xff: {  	_ = 	snop  }
0x100: {  	[tilespmem:v13+s11+$0x0] =	vst.idx.add.f32.msk vm0, v0  }
0x101: {  	[tilespmem:v14+s18+$0x0] =	vst.idx.msk vm0, v15  }
0x102: {  	[tilespmem:v14+s20+$0x0] =	vst.idx.msk vm0, v13;
	[smem:$0x0] =	sst s28  }
0x103: {  	s25 =	simm.s32 $0x3000  }
0x104: {  	[tilespmem:s17], [sflag:$0x1] =	stream.indirect.gather [hbm4b:s1+s21], $0x80, s25, s21, $0xb8;
	[tilespmem:$0x1AC40] =	vst v63  }
0x105: {  	p2 =	sne.s32 s28, $0x1;
	_ =	swait.ge [sflag:s22], $0x4000  }
.Ltmp8:
0x106: {  	[sflag:s22] =	ssyncset.done $0x0;
	(pc) =	sbr.rel @!p2 .LBB2_8-.Ltmp8, $4  }
0x107: {  	s26 =	simm.s32 $0x3C00;
	[sflag:s22] =	ssyncadd.s32 $0xFFFFC000  }
0x108: {  	[spmem:s4] =	stream.indirect.scatter.add.f32 [tilespmem:s17], [sflag:$0x5], $0x80, s26, s21, $0xb8;
	[tilespmem:$0x1AC40] =	vst v63  }
0x109: {  	_ =	swait.ge [sflag:s10], $0x4000  }
0x10a: {  	s28 =	sadd.s32 $0xFFFFFFFF, s28;
	[sflag:s10] =	ssyncset.done $0x0  }
.LBB2_7:
0x10b: {  	[sflag:s10] =	ssyncadd.s32 $0xFFFFC000;
	s25 =	sadd.s32 $0x80, s25;
	s26 =	sadd.s32 $0x80, s26  }
0x10c: {  	[tilespmem:s17], [sflag:$0x1] =	stream.indirect.gather [hbm4b:s1+s21], $0x80, s25, s21, $0xb8;
	[tilespmem:$0x1AC40] =	vst v63  }
0x10d: {  	p2 =	sne.s32 s28, $0x1;
	s28 =	sadd.s32 $0xFFFFFFFF, s28;
	_ =	swait.ge [sflag:s22], $0x4000  }
.Ltmp9:
0x10e: {  	[sflag:s22] =	ssyncset.done $0x0;
	(pc) =	sbr.rel @p2 .LBB2_7-.Ltmp9, $4  }
0x10f: {  	[sflag:s22] =	ssyncadd.s32 $0xFFFFC000  }
0x110: {  	[spmem:s4] =	stream.indirect.scatter.add.f32 [tilespmem:s17], [sflag:$0x5], $0x80, s26, s21, $0xb8;
	[tilespmem:$0x1AC40] =	vst v63  }
0x111: {  	_ =	swait.ge [sflag:s10], $0x4000  }
0x112: {  	[sflag:s10] =	ssyncset.done $0x0  }
.LBB2_8:
0x113: {  	[sflag:s10] =	ssyncadd.s32 $0xFFFFC000  }
.LBB2_9:
0x114: {  	s25 =	sand.u32 $0xFFFFFF80, s16  }
0x115: {  	v13 =	vor.u32 s25, v1  }
0x116: {  	vm0 =	vlt.s32 v13, s16;
	_ =	sdelay $0x4  }
0x117: {  	s26 =	sor.u32 $0x10, s25  }
0x118: {  	v15 =	vor.u32 s26, v1;
	v14 =	vld.idx.msk [tilespmem:v13+s18+$0x0], vm0  }
0x119: {  	vm1 =	vlt.s32 v15, s16;
	v13 =	vld.idx.msk [tilespmem:v13+s20+$0x0], vm0;
	_ =	sdelay $0x3  }
0x11a: {  	[tilespmem:v1+s18+$0x0] =	vst.idx.msk vm0, v14  }
0x11b: {  	s28 =	sor.u32 $0x20, s25;
	[tilespmem:v1+s20+$0x0] =	vst.idx.msk vm0, v13  }
0x11c: {  	v14 =	vor.u32 s28, v1;
	v13 =	vld.idx.msk [tilespmem:v15+s18+$0x0], vm1  }
0x11d: {  	vm10 =	vlt.s32 v14, s16;
	v15 =	vld.idx.msk [tilespmem:v15+s20+$0x0], vm1;
	_ =	sdelay $0x3  }
0x11e: {  	[tilespmem:v3+s18+$0x0] =	vst.idx.msk vm1, v13  }
0x11f: {  	s28 =	sor.u32 $0x30, s25;
	[tilespmem:v3+s20+$0x0] =	vst.idx.msk vm1, v15  }
0x120: {  	v15 =	vor.u32 s28, v1;
	v13 =	vld.idx.msk [tilespmem:v14+s18+$0x0], vm10  }
0x121: {  	v14 =	vld.idx.msk [tilespmem:v14+s20+$0x0], vm10;
	vm11 =	vlt.s32 v15, s16;
	_ =	sdelay $0x3  }
0x122: {  	[tilespmem:v4+s18+$0x0] =	vst.idx.msk vm10, v13  }
0x123: {  	s28 =	sor.u32 $0x40, s25;
	[tilespmem:v4+s20+$0x0] =	vst.idx.msk vm10, v14  }
0x124: {  	v14 =	vor.u32 s28, v1;
	v13 =	vld.idx.msk [tilespmem:v15+s18+$0x0], vm11  }
0x125: {  	v15 =	vld.idx.msk [tilespmem:v15+s20+$0x0], vm11;
	vm12 =	vlt.s32 v14, s16;
	_ =	sdelay $0x3  }
0x126: {  	[tilespmem:v5+s18+$0x0] =	vst.idx.msk vm11, v13  }
0x127: {  	s28 =	sor.u32 $0x50, s25;
	[tilespmem:v5+s20+$0x0] =	vst.idx.msk vm11, v15  }
0x128: {  	v15 =	vor.u32 s28, v1;
	v13 =	vld.idx.msk [tilespmem:v14+s18+$0x0], vm12  }
0x129: {  	v14 =	vld.idx.msk [tilespmem:v14+s20+$0x0], vm12;
	vm13 =	vlt.s32 v15, s16;
	_ =	sdelay $0x3  }
0x12a: {  	[tilespmem:v6+s18+$0x0] =	vst.idx.msk vm12, v13  }
0x12b: {  	s28 =	sor.u32 $0x60, s25;
	[tilespmem:v6+s20+$0x0] =	vst.idx.msk vm12, v14  }
0x12c: {  	v14 =	vor.u32 s28, v1;
	v13 =	vld.idx.msk [tilespmem:v15+s18+$0x0], vm13  }
0x12d: {  	v15 =	vld.idx.msk [tilespmem:v15+s20+$0x0], vm13;
	vm14 =	vlt.s32 v14, s16;
	_ =	sdelay $0x3  }
0x12e: {  	[tilespmem:v7+s18+$0x0] =	vst.idx.msk vm13, v13  }
0x12f: {  	s25 =	sor.u32 $0x70, s25;
	[tilespmem:v7+s20+$0x0] =	vst.idx.msk vm13, v15  }
0x130: {  	v15 =	vor.u32 s25, v1;
	v13 =	vld.idx.msk [tilespmem:v14+s18+$0x0], vm14  }
0x131: {  	v14 =	vld.idx.msk [tilespmem:v14+s20+$0x0], vm14;
	vm15 =	vlt.s32 v15, s16;
	_ =	sdelay $0x3  }
0x132: {  	[tilespmem:v8+s18+$0x0] =	vst.idx.msk vm14, v13  }
0x133: {  	[tilespmem:v8+s20+$0x0] =	vst.idx.msk vm14, v14  }
0x134: {  	v13 =	vld.idx.msk [tilespmem:v15+s18+$0x0], vm15  }
0x135: {  	v14 =	vld.idx.msk [tilespmem:v15+s20+$0x0], vm15;
	_ =	sdelay $0x3  }
0x136: {  	[tilespmem:v9+s18+$0x0] =	vst.idx.msk vm15, v13  }
0x137: {  	[tilespmem:v9+s20+$0x0] =	vst.idx.msk vm15, v14  }
0x138: {  	_ =	swait.ge [sflag:s12], $0x7D0  }
0x139: {  	[sflag:s12] =	ssyncset.done $0x0  }
0x13a: {  	p2 =	seq.s32 @!p1 s30, $0x4;
	[sflag:s12] =	ssyncadd.s32 $0xFFFFF830  }
0x13b: {  	p2 =	por p1, !p2;
	_ =	swait.ge [sflag:s24], $0x7D0  }
.Ltmp10:
0x13c: {  	[sflag:s24] =	ssyncset.done $0x0;
	(pc) =	sbr.rel @!p2 .LBB2_11-.Ltmp10, $4  }
0x13d: {  	[sflag:s24] =	ssyncadd.s32 $0xFFFFF830  }
0x13e: {  	_ =	swait.ge [sflag:s8], $0x7D0  }
0x13f: {  	[sflag:s8] =	ssyncset.done $0x0  }
0x140: {  	[sflag:s8] =	ssyncadd.s32 $0xFFFFF830  }
0x141: {  	s25 =	sshll.u32 s30, $0x1  }
0x142: {  	s25 =	sadd.s32 $0x2, s25  }
0x143: {  	s26 =	smul.u32 $0x7D0, s25  }
0x144: {  	p2 =	seq.s32 s25, $0xA  }
0x145: {  	s26 =	simm.s32 @p2 $0x0  }
0x146: {  	s26 =	sadd.s32 s6, s26  }
0x147: {  	s25 =	sshrl.u32 s26, $0x3  }
0x148: {  	s28 =	sadd.s32 s7, s25  }
0x149: {  	[tilespmem:s5], [sflag:$0x2] =	stream.linear.gather [hbm4b:s28+s5], $0x7D0, $0x38;
	[tilespmem:$0x1AC40] =	vst v63  }
0x14a: {  	s28 =	sadd.s32 s2, s25  }
0x14b: {  	[tilespmem:s31], [sflag:$0x3] =	stream.linear.gather [hbm4b:s28+s5], $0x7D0, $0x38;
	[tilespmem:$0x1AC40] =	vst v63  }
0x14c: {  	s25 =	sadd.s32 s3, s25  }
0x14d: {  	[tilespmem:s0], [sflag:$0x4] =	stream.linear.gather [hbm4b:s25+s5], $0x7D0, $0x38;
	[tilespmem:$0x1AC40] =	vst v63  }
.LBB2_11:
0x14e: {  	s25 =	simm.s32 $0x0  }
0x14f: {  	v13 =	vld [tilespmem:s25+$0x2000];
	_ =	sdelay $0x4  }
0x150: {  	vm0 =	vge.s32 v13, v11;
	vm1 =	vlt.s32 v13, v12  }
0x151: {  	v15 =	vld [tilespmem:s25+$0x2800];
	vm0 =	vmand vm0, vm1  }
0x152: {  	v14 =	vsel vm0, $0x1, v2  }
0x153: {  	(xrf0) =	vadd.scan.msk.s32 $0xffff, v14;
	_ =	sdelay $0x1  }
0x154: {  	s16 =	sand.u32 $0x7F, s16  }
0x155: {  	v15 =	vshll.u32 v15, $0xA;
	v14 =	vmov s16  }
0x156: {  	v14 =	vadd.s32 $0xFFFFFFFF, v14  }
0x157: {  	v13 =	vsub.s32 v13, v11;
	v14 =	vbroadcast v14, $0x0  }
0x158: {  	v13 =	vadd.s32 v15, v13;
	v15, _, _ =	vpop (xrf0)  }
0x159: {  	v13 =	vnsel vm0, $0x2000, v13;
	v14 =	vadd.s32 v15, v14;
	(v2sf) =	vpush v15, $0xF  }
0x15a: {  	v15 =	vld [tilespmem:s25+$0x1800];
	v14 =	vnsel vm0, $0x0, v14;
	_ =	sdelay $0x3  }
0x15b: {  	[tilespmem:v13+s11+$0x0] =	vst.idx.add.f32.msk vm0, v0  }
0x15c: {  	[tilespmem:v14+s18+$0x0] =	vst.idx.msk vm0, v15  }
0x15d: {  	s25 =	simm.s32 $0x10;
	[tilespmem:v14+s20+$0x0] =	vst.idx.msk vm0, v13  }
0x15e: {  	v13 =	vld [tilespmem:s25+$0x2000]  }
0x15f: {  	v14 =	vld [tilespmem:s25+$0x2800];
	_ =	sdelay $0x3  }
0x160: {  	vm0 =	vge.s32 v13, v11;
	vm1 =	vlt.s32 v13, v12  }
0x161: {  	v13 =	vsub.s32 v13, v11;
	v14 =	vshll.u32 v14, $0xA;
	vm0 =	vmand vm0, vm1  }
0x162: {  	s26 =	simm.s32 $0x80;
	v13 =	vadd.s32 v14, v13;
	v14 =	vsel vm0, $0x1, v2;
	s28 =	spop (v2sf)  }
.LBB2_12:
0x163: {  	p2 =	sne.s32 s26, $0x1F00  }
0x164: {  	(xrf0) =	vadd.scan.msk.s32 $0xffff, v14;
	s16 =	sadd.s32 s16, s28;
	s28 =	smov.u32 s26;
	s26 =	sadd.s32 $0x40, s26  }
0x165: {  	v14 =	vmov s16  }
0x166: {  	v14 =	vadd.s32 $0xFFFFFFFF, v14;
	_ =	sdelay $0x2  }
0x167: {  	v14 =	vbroadcast v14, $0x0  }
0x168: {  	v15, _, _ =	vpop (xrf0)  }
0x169: {  	v13 =	vnsel vm0, $0x2000, v13;
	v14 =	vadd.s32 v15, v14;
	(v2sf) =	vpush v15, $0xF  }
0x16a: {  	v15 =	vld [tilespmem:s25+$0x1800];
	v14 =	vnsel vm0, $0x0, v14;
	_ =	sdelay $0x3  }
0x16b: {  	[tilespmem:v13+s11+$0x0] =	vst.idx.add.f32.msk vm0, v0  }
0x16c: {  	[tilespmem:v14+s18+$0x0] =	vst.idx.msk vm0, v15  }
0x16d: {  	s25 =	sshra.s32 s28, $0x2;
	[tilespmem:v14+s20+$0x0] =	vst.idx.msk vm0, v13  }
0x16e: {  	v13 =	vld [tilespmem:s25+$0x2000]  }
0x16f: {  	v14 =	vld [tilespmem:s25+$0x2800];
	_ =	sdelay $0x1  }
.Ltmp11:
0x170: {  	(pc) =	sbr.rel @p2 .LBB2_12-.Ltmp11, $4  }
0x171: {  	_ = 	snop  }
0x172: {  	vm0 =	vge.s32 v13, v11;
	vm1 =	vlt.s32 v13, v12;
	v13 =	vsub.s32 v13, v11  }
0x173: {  	vm0 =	vmand vm0, vm1;
	v14 =	vshll.u32 v14, $0xA  }
0x174: {  	v13 =	vadd.s32 v14, v13;
	v14 =	vsel vm0, $0x1, v2;
	s28 =	spop (v2sf)  }
0x175: {  	(xrf0) =	vadd.scan.msk.s32 $0xffff, v14;
	_ =	sdelay $0x5  }
0x176: {  	v14, _, _ =	vpop (xrf0)  }
0x177: {  	(v2sf) =	vpush v14, $0xF;
	_ =	sdelay $0xa  }
0x178: {  	s16 =	sadd.s32 s16, s28  }
0x179: {  	v15 =	vmov s16  }
0x17a: {  	v15 =	vadd.s32 $0xFFFFFFFF, v15  }
0x17b: {  	v15 =	vbroadcast v15, $0x0  }
0x17c: {  	s26 =	spop (v2sf)  }
0x17d: {  	v13 =	vnsel vm0, $0x2000, v13;
	v14 =	vadd.s32 v14, v15;
	s16 =	sadd.s32 s16, s26  }
0x17e: {  	v15 =	vld [tilespmem:s25+$0x1800];
	v14 =	vnsel vm0, $0x0, v14;
	s28 =	sshra.s32 s16, $0x7  }
0x17f: {  	p2 =	slt.s32 s28, $0x1  }
.Ltmp12:
0x180: {  	_ = 	snop;
	(pc) =	sbr.rel @p2 .LBB2_17-.Ltmp12, $4  }
0x181: {  	_ = 	snop  }
0x182: {  	[tilespmem:v13+s11+$0x0] =	vst.idx.add.f32.msk vm0, v0  }
0x183: {  	[tilespmem:v14+s18+$0x0] =	vst.idx.msk vm0, v15  }
0x184: {  	[tilespmem:v14+s20+$0x0] =	vst.idx.msk vm0, v13;
	[smem:$0x0] =	sst s28  }
0x185: {  	s25 =	simm.s32 $0x3000  }
0x186: {  	[tilespmem:s17], [sflag:$0x1] =	stream.indirect.gather [hbm4b:s1+s21], $0x80, s25, s21, $0xb8;
	[tilespmem:$0x1AC40] =	vst v63  }
0x187: {  	p2 =	sne.s32 s28, $0x1;
	_ =	swait.ge [sflag:s22], $0x4000  }
.Ltmp13:
0x188: {  	[sflag:s22] =	ssyncset.done $0x0;
	(pc) =	sbr.rel @!p2 .LBB2_16-.Ltmp13, $4  }
0x189: {  	s26 =	simm.s32 $0x3C00;
	[sflag:s22] =	ssyncadd.s32 $0xFFFFC000  }
0x18a: {  	[spmem:s4] =	stream.indirect.scatter.add.f32 [tilespmem:s17], [sflag:$0x5], $0x80, s26, s21, $0xb8;
	[tilespmem:$0x1AC40] =	vst v63  }
0x18b: {  	_ =	swait.ge [sflag:s10], $0x4000  }
0x18c: {  	s28 =	sadd.s32 $0xFFFFFFFF, s28;
	[sflag:s10] =	ssyncset.done $0x0  }
.LBB2_15:
0x18d: {  	[sflag:s10] =	ssyncadd.s32 $0xFFFFC000;
	s25 =	sadd.s32 $0x80, s25;
	s26 =	sadd.s32 $0x80, s26  }
0x18e: {  	[tilespmem:s17], [sflag:$0x1] =	stream.indirect.gather [hbm4b:s1+s21], $0x80, s25, s21, $0xb8;
	[tilespmem:$0x1AC40] =	vst v63  }
0x18f: {  	p2 =	sne.s32 s28, $0x1;
	s28 =	sadd.s32 $0xFFFFFFFF, s28;
	_ =	swait.ge [sflag:s22], $0x4000  }
.Ltmp14:
0x190: {  	[sflag:s22] =	ssyncset.done $0x0;
	(pc) =	sbr.rel @p2 .LBB2_15-.Ltmp14, $4  }
0x191: {  	[sflag:s22] =	ssyncadd.s32 $0xFFFFC000  }
0x192: {  	[spmem:s4] =	stream.indirect.scatter.add.f32 [tilespmem:s17], [sflag:$0x5], $0x80, s26, s21, $0xb8;
	[tilespmem:$0x1AC40] =	vst v63  }
0x193: {  	_ =	swait.ge [sflag:s10], $0x4000  }
0x194: {  	[sflag:s10] =	ssyncset.done $0x0  }
.Ltmp15:
0x195: {  	_ = 	snop;
	(pc) =	sbr.rel .LBB2_16-.Ltmp15, $1  }
0x196: {  	_ =	sdelay $0x3  }
.LBB2_20:
0x197: {  	_ =	sfence.sel $0x180000  }
0x198: {  	[bflag:$0x0] =	sbarrier.arrive $0xFFFF  }
0x199: {  	_ =	strace $0x90000047  }
0x19a: {  	[bflag:$0x2] =	sbarrier.arrive $0xFFFF  }
0x19b: {  	s0 =	rddreg [dreg:$0x5]  }
0x19c: {  	s0 =	sadd.s32 @!p0 $0x100000, s0  }
0x19d: {  	[sflag:s0] =	ssyncadd.tile.s32 @!p0 $0x1;
	_ =	shalt  }
.Lfunc_end2:
_tile_overlayer_lowered:
.L_overlay_start_2:
0x19e: {  	(tag) =	ssettag $0x2  }
0x19f: {  	s0 =	rddreg [dreg:$0x0];
	s2 =	stileid.u32  }
0x1a0: {  	s1 =	rddreg [dreg:$0x1];
	p0 =	sne.s32 s2, $0x0  }
0x1a1: {  	s3 =	rddreg [dreg:$0x2];
	[bflag:$0x3] =	sbarrier.arrive $0xFFFF;
	s2 =	simm.s32 @!p0 $0x1C05  }
0x1a2: {  	[timem:s3], [sflag:s2] =	dma.local @!p0 [hbm:s0], s1  }
0x1a3: {  	s0 =	simm.s32 @!p0 $0x5  }
0x1a4: {  	_ =	swait.ge @!p0 [sflag:s0], s1  }
0x1a5: {  	s1 =	ssub.s32 @!p0 $0x0, s1;
	[sflag:s0] =	ssyncset.done @!p0 $0x0  }
0x1a6: {  	[sflag:s0] =	ssyncadd.s32 @!p0 s1  }
0x1a7: {  	[bflag:$0x3] =	sbarrier.arrive $0xFFFF  }
0x1a8: {  	_ =	shalt  }

</sc_bundles>
